<compile_context>
chip_gen: v7x
topology: tpu7x:2x2x1
jax: 0.10.2.dev20260603
libtpu: 0.0.44.dev20260713+nightly
codegen_flags: <defaults>
</compile_context>

<pallas_src>
import functools

import jax
import jax.numpy as jnp
from jax import lax
from jax.experimental import pallas as pl
from jax.experimental.pallas import tpu as pltpu
from jax.experimental.pallas import tpu_sc as plsc

B, N, S, D = 4, 32, 64, 128
T = 6 + (N - 6) * 36
NC, NS = 2, 16
NW = NC * NS
NI = N - 6
WPB = NW // B
MAXPEND = 16


def _body(x_hbm, out_hbm, hot, cold, sem):
    cid = lax.axis_index("c")
    sid = lax.axis_index("s")
    wid = sid * NC + cid
    bi = wid // WPB
    r = wid % WPB
    ra = r
    rb = (r + 4) % WPB

    stage = []

    stage.append(pltpu.async_copy(
        x_hbm.at[pl.ds(bi * N + 26, 6)], hot, sem))

    for base, slot0 in ((ra, 0), (rb, 4)):
        for k in range(3):
            stage.append(pltpu.async_copy(
                x_hbm.at[pl.ds(bi * N + base + 8 * k, 1)],
                cold.at[pl.ds(slot0 + k, 1)], sem))

        @pl.when(base < NI - 3 * WPB)
        def _(base=base, slot0=slot0):
            pltpu.sync_copy(
                x_hbm.at[pl.ds(bi * N + base + 24, 1)],
                cold.at[pl.ds(slot0 + 3, 1)])
    for d in stage:
        d.wait()

    pending = []

    def fire(src, dst):
        while len(pending) >= MAXPEND:
            pending.pop(0).wait()
        pending.append(pltpu.async_copy(src, dst, sem))

    @pl.when(r == bi % 2)
    def _():
        pltpu.sync_copy(hot, out_hbm.at[pl.ds(bi * T, 6)])

    for g in range(6):
        j0 = ra if g % 2 == 0 else rb
        slot0 = 0 if g % 2 == 0 else 4

        def do_item(i, k, copy):
            dst0 = bi * T + 6 + 36 * i + 6 * g
            if g > 0:
                copy(hot.at[pl.ds(0, g)],
                     out_hbm.at[pl.ds(dst0, g)])
            copy(cold.at[pl.ds(slot0 + k, 1)],
                 out_hbm.at[pl.ds(dst0 + g, 1)])
            if g < 5:
                copy(hot.at[pl.ds(g + 1, 5 - g)],
                     out_hbm.at[pl.ds(dst0 + g + 1, 5 - g)])

        for k in range(3):
            do_item(j0 + WPB * k, k, fire)

        @pl.when(j0 < NI - 3 * WPB)
        def _():
            i = j0 + WPB * 3
            pltpu.sync_copy(cold.at[pl.ds(slot0 + 3, 1)],
                            out_hbm.at[pl.ds(bi * T + 6 + 36 * i + 6 * g + g,
                                             1)])

        for e in range(NI - 3 * WPB):
            rt = (2, 3, 6, 7)[(2 * g + e) % 4]

            @pl.when(r == rt)
            def _(e=e):
                i = e + WPB * 3
                dst0 = bi * T + 6 + 36 * i + 6 * g
                local = []
                if g > 0:
                    local.append(pltpu.async_copy(
                        hot.at[pl.ds(0, g)],
                        out_hbm.at[pl.ds(dst0, g)], sem))
                if g < 5:
                    local.append(pltpu.async_copy(
                        hot.at[pl.ds(g + 1, 5 - g)],
                        out_hbm.at[pl.ds(dst0 + g + 1, 5 - g)], sem))
                for d_ in local:
                    d_.wait()

    for d in pending:
        d.wait()


@functools.partial(
    pl.kernel,
    out_type=jax.ShapeDtypeStruct((B * T, S, D), jnp.float32),
    mesh=plsc.VectorSubcoreMesh(core_axis_name="c", subcore_axis_name="s"),
    scratch_types=[
        pltpu.VMEM((6, S, D), jnp.float32),
        pltpu.VMEM((8, S, D), jnp.float32),
        pltpu.SemaphoreType.DMA,
    ],
)
def _gather_rows(x_hbm, out_hbm, hot, cold, sem):
    _body(x_hbm, out_hbm, hot, cold, sem)


def kernel(x):
    b, n, s, d = x.shape
    out = _gather_rows(x.reshape(b * n, s, d))
    return out.reshape(b, 6, T // 6, s, d)

# --- scband reference (transcript-rebuilt; emitter-appended) ---
"""Pipeline reference for scband-get-choise-23837068493371 (READ-ONLY COPY).

The authoritative reference and input builder live on the scoring server;
editing this copy changes nothing except your own understanding.
"""

import jax, jax.numpy as jnp
import numpy as np


def _build_index(n):
    index = [-6, -5, -4, -3, -2, -1]
    for i in range(n - 6):
        index += [i, -5, -4, -3, -2, -1]
        index += [-6, i, -4, -3, -2, -1]
        index += [-6, -5, i, -3, -2, -1]
        index += [-6, -5, -4, i, -2, -1]
        index += [-6, -5, -4, -3, i, -1]
        index += [-6, -5, -4, -3, -2, i]
    # convert negative (python-style) indices to non-negative for jnp.take
    return np.asarray(index, dtype=np.int64) % n


def setup_inputs(seed: int = 0) -> dict:
    key = jax.random.key(seed)
    x = jax.random.normal(key, (4, 32, 64, 128), dtype=jnp.float32)
    return {"x": x}


def reference(x):
    b, n, s, d = x.shape
    idx = jnp.asarray(_build_index(n))
    out = jnp.take(x, idx, axis=1)
    return out.reshape(b, 6, -1, s, d)

if __name__ == "__main__":
    import jax
    _d = setup_inputs()
    print(jax.jit(kernel)(*tuple(_d.values())))

</pallas_src>

<mosaic_0001>
#map = affine_map<(d0, d1) -> (0, 0, 0)>
module attributes {stable_mosaic.version = 14 : i64} {
  func.func @_gather_rows(%arg0: i32, %arg1: i32, %arg2: memref<128x64x128xf32, #tpu.memory_space<hbm>>, %arg3: memref<3768x64x128xf32, #tpu.memory_space<hbm>>, %arg4: memref<6x64x128xf32, #tpu.memory_space<vmem>>, %arg5: memref<8x64x128xf32, #tpu.memory_space<vmem>>, %arg6: memref<!tpu.dma_semaphore, #tpu.memory_space<semaphore_mem>>) attributes {dimension_semantics = [#tpu.dimension_semantics<core_parallel>, #tpu.dimension_semantics<subcore_parallel>], iteration_bounds = array<i64: 2, 16>, scalar_prefetch = 0 : i64, scratch_operands = 3 : i64, tpu.core_type = #tpu.core_type<sc_vector_subcore>, window_params = [{transform_indices = #map}, {transform_indices = #map}]} {
    %mul3A = arith.constant 2 : i32
    %mul3A_0 = arith.muli %arg1, %mul3A : i32
    %add3A = arith.addi %mul3A_0, %arg0 : i32
    %jit3A = arith.constant 8 : i32
    %div3A = arith.divsi %add3A, %jit3A : i32
    %sign3A = arith.constant 0 : i32
    %sign3A_1 = arith.cmpi sgt, %add3A, %sign3A : i32
    %sign3A_2 = arith.extui %sign3A_1 : i1 to i32
    %sign3A_3 = arith.constant 0 : i32
    %sign3A_4 = arith.cmpi slt, %add3A, %sign3A_3 : i32
    %sign3A_5 = arith.extui %sign3A_4 : i1 to i32
    %sign3A_6 = arith.subi %sign3A_2, %sign3A_5 : i32
    %sign3A_7 = arith.constant 0 : i32
    %sign3A_8 = arith.cmpi sgt, %jit3A, %sign3A_7 : i32
    %sign3A_9 = arith.extui %sign3A_8 : i1 to i32
    %sign3A_10 = arith.constant 0 : i32
    %sign3A_11 = arith.cmpi slt, %jit3A, %sign3A_10 : i32
    %sign3A_12 = arith.extui %sign3A_11 : i1 to i32
    %sign3A_13 = arith.subi %sign3A_9, %sign3A_12 : i32
    %ne3A = arith.cmpi ne, %sign3A_6, %sign3A_13 : i32
    %rem3A = arith.remsi %add3A, %jit3A : i32
    %ne3A_14 = arith.constant 0 : i32
    %ne3A_15 = arith.cmpi ne, %rem3A, %ne3A_14 : i32
    %and3A = arith.andi %ne3A, %ne3A_15 : i1
    %sub3A = arith.constant 1 : i32
    %sub3A_16 = arith.subi %div3A, %sub3A : i32
    %select_n3A = arith.select %and3A, %sub3A_16, %div3A : i32
    %jit3A_17 = arith.constant 8 : i32
    %eq3A = arith.constant 0 : i32
    %eq3A_18 = arith.cmpi eq, %jit3A_17, %eq3A : i32
    %jit3A_19 = arith.constant 1 : i32
    %select_n3A_20 = arith.select %eq3A_18, %jit3A_19, %jit3A_17 : i32
    %rem3A_21 = arith.remsi %add3A, %select_n3A_20 : i32
    %ne3A_22 = arith.constant 0 : i32
    %ne3A_23 = arith.cmpi ne, %rem3A_21, %ne3A_22 : i32
    %lt3A = arith.constant 0 : i32
    %lt3A_24 = arith.cmpi slt, %rem3A_21, %lt3A : i32
    %lt3A_25 = arith.constant 0 : i32
    %lt3A_26 = arith.cmpi slt, %select_n3A_20, %lt3A_25 : i32
    %ne3A_27 = arith.xori %lt3A_24, %lt3A_26 : i1
    %and3A_28 = arith.andi %ne3A_27, %ne3A_23 : i1
    %add3A_29 = arith.addi %rem3A_21, %select_n3A_20 : i32
    %select_n3A_30 = arith.select %and3A_28, %add3A_29, %rem3A_21 : i32
    %add3A_31 = arith.constant 4 : i32
    %add3A_32 = arith.addi %select_n3A_30, %add3A_31 : i32
    %jit3A_33 = arith.constant 8 : i32
    %eq3A_34 = arith.constant 0 : i32
    %eq3A_35 = arith.cmpi eq, %jit3A_33, %eq3A_34 : i32
    %jit3A_36 = arith.constant 1 : i32
    %select_n3A_37 = arith.select %eq3A_35, %jit3A_36, %jit3A_33 : i32
    %rem3A_38 = arith.remsi %add3A_32, %select_n3A_37 : i32
    %ne3A_39 = arith.constant 0 : i32
    %ne3A_40 = arith.cmpi ne, %rem3A_38, %ne3A_39 : i32
    %lt3A_41 = arith.constant 0 : i32
    %lt3A_42 = arith.cmpi slt, %rem3A_38, %lt3A_41 : i32
    %lt3A_43 = arith.constant 0 : i32
    %lt3A_44 = arith.cmpi slt, %select_n3A_37, %lt3A_43 : i32
    %ne3A_45 = arith.xori %lt3A_42, %lt3A_44 : i1
    %and3A_46 = arith.andi %ne3A_45, %ne3A_40 : i1
    %add3A_47 = arith.addi %rem3A_38, %select_n3A_37 : i32
    %select_n3A_48 = arith.select %and3A_46, %add3A_47, %rem3A_38 : i32
    %mul3A_49 = arith.constant 32 : i32
    %mul3A_50 = arith.muli %select_n3A, %mul3A_49 : i32
    %add3A_51 = arith.constant 26 : i32
    %add3A_52 = arith.addi %mul3A_50, %add3A_51 : i32
    %dma_start3A = arith.constant 0 : i32
    %dma_start3A_53 = arith.constant 0 : i32
    %dma_start3A_54 = tpu.memref_slice %arg2[%add3A_52, %dma_start3A, %dma_start3A_53] : memref<128x64x128xf32, #tpu.memory_space<hbm>> -> memref<6x64x128xf32, #tpu.memory_space<hbm>>
    %dma_start3A_55 = arith.constant 0 : i32
    %dma_start3A_56 = arith.constant 0 : i32
    %dma_start3A_57 = tpu.memref_slice %arg2[%add3A_52, %dma_start3A_55, %dma_start3A_56] : memref<128x64x128xf32, #tpu.memory_space<hbm>> -> memref<6x64x128xf32, #tpu.memory_space<hbm>>
    tpu.enqueue_dma source(%dma_start3A_57 : memref<6x64x128xf32, #tpu.memory_space<hbm>>) target(%arg4 : memref<6x64x128xf32, #tpu.memory_space<vmem>>) target_semaphore(%arg6 : memref<!tpu.dma_semaphore, #tpu.memory_space<semaphore_mem>>)
    %mul3A_58 = arith.constant 32 : i32
    %mul3A_59 = arith.muli %select_n3A, %mul3A_58 : i32
    %add3A_60 = arith.addi %mul3A_59, %select_n3A_30 : i32
    %add3A_61 = arith.constant 0 : i32
    %add3A_62 = arith.addi %add3A_60, %add3A_61 : i32
    %dma_start3A_63 = arith.constant 0 : i32
    %dma_start3A_64 = arith.constant 0 : i32
    %dma_start3A_65 = arith.constant 0 : i32
    %dma_start3A_66 = tpu.memref_slice %arg5[%dma_start3A_63, %dma_start3A_64, %dma_start3A_65] : memref<8x64x128xf32, #tpu.memory_space<vmem>> -> memref<1x64x128xf32, #tpu.memory_space<vmem>>
    %dma_start3A_67 = arith.constant 0 : i32
    %dma_start3A_68 = arith.constant 0 : i32
    %dma_start3A_69 = tpu.memref_slice %arg2[%add3A_62, %dma_start3A_67, %dma_start3A_68] : memref<128x64x128xf32, #tpu.memory_space<hbm>> -> memref<1x64x128xf32, #tpu.memory_space<hbm>>
    %dma_start3A_70 = arith.constant 0 : i32
    %dma_start3A_71 = arith.constant 0 : i32
    %dma_start3A_72 = arith.constant 0 : i32
    %dma_start3A_73 = tpu.memref_slice %arg5[%dma_start3A_70, %dma_start3A_71, %dma_start3A_72] : memref<8x64x128xf32, #tpu.memory_space<vmem>> -> memref<1x64x128xf32, #tpu.memory_space<vmem>>
    %dma_start3A_74 = arith.constant 0 : i32
    %dma_start3A_75 = arith.constant 0 : i32
    %dma_start3A_76 = tpu.memref_slice %arg2[%add3A_62, %dma_start3A_74, %dma_start3A_75] : memref<128x64x128xf32, #tpu.memory_space<hbm>> -> memref<1x64x128xf32, #tpu.memory_space<hbm>>
    tpu.enqueue_dma source(%dma_start3A_76 : memref<1x64x128xf32, #tpu.memory_space<hbm>>) target(%dma_start3A_73 : memref<1x64x128xf32, #tpu.memory_space<vmem>>) target_semaphore(%arg6 : memref<!tpu.dma_semaphore, #tpu.memory_space<semaphore_mem>>)
    %mul3A_77 = arith.constant 32 : i32
    %mul3A_78 = arith.muli %select_n3A, %mul3A_77 : i32
    %add3A_79 = arith.addi %mul3A_78, %select_n3A_30 : i32
    %add3A_80 = arith.constant 8 : i32
    %add3A_81 = arith.addi %add3A_79, %add3A_80 : i32
    %dma_start3A_82 = arith.constant 1 : i32
    %dma_start3A_83 = arith.constant 0 : i32
    %dma_start3A_84 = arith.constant 0 : i32
    %dma_start3A_85 = tpu.memref_slice %arg5[%dma_start3A_82, %dma_start3A_83, %dma_start3A_84] : memref<8x64x128xf32, #tpu.memory_space<vmem>> -> memref<1x64x128xf32, #tpu.memory_space<vmem>>
    %dma_start3A_86 = arith.constant 0 : i32
    %dma_start3A_87 = arith.constant 0 : i32
    %dma_start3A_88 = tpu.memref_slice %arg2[%add3A_81, %dma_start3A_86, %dma_start3A_87] : memref<128x64x128xf32, #tpu.memory_space<hbm>> -> memref<1x64x128xf32, #tpu.memory_space<hbm>>
    %dma_start3A_89 = arith.constant 1 : i32
    %dma_start3A_90 = arith.constant 0 : i32
    %dma_start3A_91 = arith.constant 0 : i32
    %dma_start3A_92 = tpu.memref_slice %arg5[%dma_start3A_89, %dma_start3A_90, %dma_start3A_91] : memref<8x64x128xf32, #tpu.memory_space<vmem>> -> memref<1x64x128xf32, #tpu.memory_space<vmem>>
    %dma_start3A_93 = arith.constant 0 : i32
    %dma_start3A_94 = arith.constant 0 : i32
    %dma_start3A_95 = tpu.memref_slice %arg2[%add3A_81, %dma_start3A_93, %dma_start3A_94] : memref<128x64x128xf32, #tpu.memory_space<hbm>> -> memref<1x64x128xf32, #tpu.memory_space<hbm>>
    tpu.enqueue_dma source(%dma_start3A_95 : memref<1x64x128xf32, #tpu.memory_space<hbm>>) target(%dma_start3A_92 : memref<1x64x128xf32, #tpu.memory_space<vmem>>) target_semaphore(%arg6 : memref<!tpu.dma_semaphore, #tpu.memory_space<semaphore_mem>>)
    %mul3A_96 = arith.constant 32 : i32
    %mul3A_97 = arith.muli %select_n3A, %mul3A_96 : i32
    %add3A_98 = arith.addi %mul3A_97, %select_n3A_30 : i32
    %add3A_99 = arith.constant 16 : i32
    %add3A_100 = arith.addi %add3A_98, %add3A_99 : i32
    %dma_start3A_101 = arith.constant 2 : i32
    %dma_start3A_102 = arith.constant 0 : i32
    %dma_start3A_103 = arith.constant 0 : i32
    %dma_start3A_104 = tpu.memref_slice %arg5[%dma_start3A_101, %dma_start3A_102, %dma_start3A_103] : memref<8x64x128xf32, #tpu.memory_space<vmem>> -> memref<1x64x128xf32, #tpu.memory_space<vmem>>
    %dma_start3A_105 = arith.constant 0 : i32
    %dma_start3A_106 = arith.constant 0 : i32
    %dma_start3A_107 = tpu.memref_slice %arg2[%add3A_100, %dma_start3A_105, %dma_start3A_106] : memref<128x64x128xf32, #tpu.memory_space<hbm>> -> memref<1x64x128xf32, #tpu.memory_space<hbm>>
    %dma_start3A_108 = arith.constant 2 : i32
    %dma_start3A_109 = arith.constant 0 : i32
    %dma_start3A_110 = arith.constant 0 : i32
    %dma_start3A_111 = tpu.memref_slice %arg5[%dma_start3A_108, %dma_start3A_109, %dma_start3A_110] : memref<8x64x128xf32, #tpu.memory_space<vmem>> -> memref<1x64x128xf32, #tpu.memory_space<vmem>>
    %dma_start3A_112 = arith.constant 0 : i32
    %dma_start3A_113 = arith.constant 0 : i32
    %dma_start3A_114 = tpu.memref_slice %arg2[%add3A_100, %dma_start3A_112, %dma_start3A_113] : memref<128x64x128xf32, #tpu.memory_space<hbm>> -> memref<1x64x128xf32, #tpu.memory_space<hbm>>
    tpu.enqueue_dma source(%dma_start3A_114 : memref<1x64x128xf32, #tpu.memory_space<hbm>>) target(%dma_start3A_111 : memref<1x64x128xf32, #tpu.memory_space<vmem>>) target_semaphore(%arg6 : memref<!tpu.dma_semaphore, #tpu.memory_space<semaphore_mem>>)
    %lt3A_115 = arith.constant 2 : i32
    %lt3A_116 = arith.cmpi slt, %select_n3A_30, %lt3A_115 : i32
    %convert_element_type3A = arith.extui %lt3A_116 : i1 to i32
    %cond3A = arith.constant 0 : i32
    %cond3A_117 = arith.cmpi ne, %convert_element_type3A, %cond3A : i32
    scf.if %cond3A_117 {
      %mul3A_2017 = arith.constant 32 : i32
      %mul3A_2018 = arith.muli %select_n3A, %mul3A_2017 : i32
      %add3A_2019 = arith.addi %mul3A_2018, %select_n3A_30 : i32
      %add3A_2020 = arith.constant 24 : i32
      %add3A_2021 = arith.addi %add3A_2019, %add3A_2020 : i32
      "tpu.region"() ({
        %run_scoped3A = tpu.sem_alloc : memref<!tpu.dma_semaphore, #tpu.memory_space<semaphore_mem>>
        %dma_start3A_2022 = arith.constant 3 : i32
        %dma_start3A_2023 = arith.constant 0 : i32
        %dma_start3A_2024 = arith.constant 0 : i32
        %dma_start3A_2025 = tpu.memref_slice %arg5[%dma_start3A_2022, %dma_start3A_2023, %dma_start3A_2024] : memref<8x64x128xf32, #tpu.memory_space<vmem>> -> memref<1x64x128xf32, #tpu.memory_space<vmem>>
        %dma_start3A_2026 = arith.constant 0 : i32
        %dma_start3A_2027 = arith.constant 0 : i32
        %dma_start3A_2028 = tpu.memref_slice %arg2[%add3A_2021, %dma_start3A_2026, %dma_start3A_2027] : memref<128x64x128xf32, #tpu.memory_space<hbm>> -> memref<1x64x128xf32, #tpu.memory_space<hbm>>
        %dma_start3A_2029 = arith.constant 3 : i32
        %dma_start3A_2030 = arith.constant 0 : i32
        %dma_start3A_2031 = arith.constant 0 : i32
        %dma_start3A_2032 = tpu.memref_slice %arg5[%dma_start3A_2029, %dma_start3A_2030, %dma_start3A_2031] : memref<8x64x128xf32, #tpu.memory_space<vmem>> -> memref<1x64x128xf32, #tpu.memory_space<vmem>>
        %dma_start3A_2033 = arith.constant 0 : i32
        %dma_start3A_2034 = arith.constant 0 : i32
        %dma_start3A_2035 = tpu.memref_slice %arg2[%add3A_2021, %dma_start3A_2033, %dma_start3A_2034] : memref<128x64x128xf32, #tpu.memory_space<hbm>> -> memref<1x64x128xf32, #tpu.memory_space<hbm>>
        tpu.enqueue_dma source(%dma_start3A_2035 : memref<1x64x128xf32, #tpu.memory_space<hbm>>) target(%dma_start3A_2032 : memref<1x64x128xf32, #tpu.memory_space<vmem>>) target_semaphore(%run_scoped3A : memref<!tpu.dma_semaphore, #tpu.memory_space<semaphore_mem>>)
        %dma_wait3A_2036 = arith.constant 3 : i32
        %dma_wait3A_2037 = arith.constant 0 : i32
        %dma_wait3A_2038 = arith.constant 0 : i32
        %dma_wait3A_2039 = tpu.memref_slice %arg5[%dma_wait3A_2036, %dma_wait3A_2037, %dma_wait3A_2038] : memref<8x64x128xf32, #tpu.memory_space<vmem>> -> memref<1x64x128xf32, #tpu.memory_space<vmem>>
        %dma_wait3A_2040 = arith.constant 0 : i32
        %dma_wait3A_2041 = arith.constant 0 : i32
        %dma_wait3A_2042 = tpu.memref_slice %arg2[%add3A_2021, %dma_wait3A_2040, %dma_wait3A_2041] : memref<128x64x128xf32, #tpu.memory_space<hbm>> -> memref<1x64x128xf32, #tpu.memory_space<hbm>>
        %dma_wait3A_2043 = arith.constant 3 : i32
        %dma_wait3A_2044 = arith.constant 0 : i32
        %dma_wait3A_2045 = arith.constant 0 : i32
        %dma_wait3A_2046 = tpu.memref_slice %arg5[%dma_wait3A_2043, %dma_wait3A_2044, %dma_wait3A_2045] : memref<8x64x128xf32, #tpu.memory_space<vmem>> -> memref<1x64x128xf32, #tpu.memory_space<vmem>>
        %dma_wait3A_2047 = arith.constant 0 : i32
        %dma_wait3A_2048 = arith.constant 0 : i32
        %dma_wait3A_2049 = tpu.memref_slice %arg2[%add3A_2021, %dma_wait3A_2047, %dma_wait3A_2048] : memref<128x64x128xf32, #tpu.memory_space<hbm>> -> memref<1x64x128xf32, #tpu.memory_space<hbm>>
        tpu.wait_dma2 semaphore(%run_scoped3A : memref<!tpu.dma_semaphore, #tpu.memory_space<semaphore_mem>>) src(%dma_wait3A_2049 : memref<1x64x128xf32, #tpu.memory_space<hbm>>) dst(%dma_wait3A_2046 : memref<1x64x128xf32, #tpu.memory_space<vmem>>)
        tpu.yield
      }) : () -> ()
    } else {
    }
    %mul3A_118 = arith.constant 32 : i32
    %mul3A_119 = arith.muli %select_n3A, %mul3A_118 : i32
    %add3A_120 = arith.addi %mul3A_119, %select_n3A_48 : i32
    %add3A_121 = arith.constant 0 : i32
    %add3A_122 = arith.addi %add3A_120, %add3A_121 : i32
    %dma_start3A_123 = arith.constant 4 : i32
    %dma_start3A_124 = arith.constant 0 : i32
    %dma_start3A_125 = arith.constant 0 : i32
    %dma_start3A_126 = tpu.memref_slice %arg5[%dma_start3A_123, %dma_start3A_124, %dma_start3A_125] : memref<8x64x128xf32, #tpu.memory_space<vmem>> -> memref<1x64x128xf32, #tpu.memory_space<vmem>>
    %dma_start3A_127 = arith.constant 0 : i32
    %dma_start3A_128 = arith.constant 0 : i32
    %dma_start3A_129 = tpu.memref_slice %arg2[%add3A_122, %dma_start3A_127, %dma_start3A_128] : memref<128x64x128xf32, #tpu.memory_space<hbm>> -> memref<1x64x128xf32, #tpu.memory_space<hbm>>
    %dma_start3A_130 = arith.constant 4 : i32
    %dma_start3A_131 = arith.constant 0 : i32
    %dma_start3A_132 = arith.constant 0 : i32
    %dma_start3A_133 = tpu.memref_slice %arg5[%dma_start3A_130, %dma_start3A_131, %dma_start3A_132] : memref<8x64x128xf32, #tpu.memory_space<vmem>> -> memref<1x64x128xf32, #tpu.memory_space<vmem>>
    %dma_start3A_134 = arith.constant 0 : i32
    %dma_start3A_135 = arith.constant 0 : i32
    %dma_start3A_136 = tpu.memref_slice %arg2[%add3A_122, %dma_start3A_134, %dma_start3A_135] : memref<128x64x128xf32, #tpu.memory_space<hbm>> -> memref<1x64x128xf32, #tpu.memory_space<hbm>>
    tpu.enqueue_dma source(%dma_start3A_136 : memref<1x64x128xf32, #tpu.memory_space<hbm>>) target(%dma_start3A_133 : memref<1x64x128xf32, #tpu.memory_space<vmem>>) target_semaphore(%arg6 : memref<!tpu.dma_semaphore, #tpu.memory_space<semaphore_mem>>)
    %mul3A_137 = arith.constant 32 : i32
    %mul3A_138 = arith.muli %select_n3A, %mul3A_137 : i32
    %add3A_139 = arith.addi %mul3A_138, %select_n3A_48 : i32
    %add3A_140 = arith.constant 8 : i32
    %add3A_141 = arith.addi %add3A_139, %add3A_140 : i32
    %dma_start3A_142 = arith.constant 5 : i32
    %dma_start3A_143 = arith.constant 0 : i32
    %dma_start3A_144 = arith.constant 0 : i32
    %dma_start3A_145 = tpu.memref_slice %arg5[%dma_start3A_142, %dma_start3A_143, %dma_start3A_144] : memref<8x64x128xf32, #tpu.memory_space<vmem>> -> memref<1x64x128xf32, #tpu.memory_space<vmem>>
    %dma_start3A_146 = arith.constant 0 : i32
    %dma_start3A_147 = arith.constant 0 : i32
    %dma_start3A_148 = tpu.memref_slice %arg2[%add3A_141, %dma_start3A_146, %dma_start3A_147] : memref<128x64x128xf32, #tpu.memory_space<hbm>> -> memref<1x64x128xf32, #tpu.memory_space<hbm>>
    %dma_start3A_149 = arith.constant 5 : i32
    %dma_start3A_150 = arith.constant 0 : i32
    %dma_start3A_151 = arith.constant 0 : i32
    %dma_start3A_152 = tpu.memref_slice %arg5[%dma_start3A_149, %dma_start3A_150, %dma_start3A_151] : memref<8x64x128xf32, #tpu.memory_space<vmem>> -> memref<1x64x128xf32, #tpu.memory_space<vmem>>
    %dma_start3A_153 = arith.constant 0 : i32
    %dma_start3A_154 = arith.constant 0 : i32
    %dma_start3A_155 = tpu.memref_slice %arg2[%add3A_141, %dma_start3A_153, %dma_start3A_154] : memref<128x64x128xf32, #tpu.memory_space<hbm>> -> memref<1x64x128xf32, #tpu.memory_space<hbm>>
    tpu.enqueue_dma source(%dma_start3A_155 : memref<1x64x128xf32, #tpu.memory_space<hbm>>) target(%dma_start3A_152 : memref<1x64x128xf32, #tpu.memory_space<vmem>>) target_semaphore(%arg6 : memref<!tpu.dma_semaphore, #tpu.memory_space<semaphore_mem>>)
    %mul3A_156 = arith.constant 32 : i32
    %mul3A_157 = arith.muli %select_n3A, %mul3A_156 : i32
    %add3A_158 = arith.addi %mul3A_157, %select_n3A_48 : i32
    %add3A_159 = arith.constant 16 : i32
    %add3A_160 = arith.addi %add3A_158, %add3A_159 : i32
    %dma_start3A_161 = arith.constant 6 : i32
    %dma_start3A_162 = arith.constant 0 : i32
    %dma_start3A_163 = arith.constant 0 : i32
    %dma_start3A_164 = tpu.memref_slice %arg5[%dma_start3A_161, %dma_start3A_162, %dma_start3A_163] : memref<8x64x128xf32, #tpu.memory_space<vmem>> -> memref<1x64x128xf32, #tpu.memory_space<vmem>>
    %dma_start3A_165 = arith.constant 0 : i32
    %dma_start3A_166 = arith.constant 0 : i32
    %dma_start3A_167 = tpu.memref_slice %arg2[%add3A_160, %dma_start3A_165, %dma_start3A_166] : memref<128x64x128xf32, #tpu.memory_space<hbm>> -> memref<1x64x128xf32, #tpu.memory_space<hbm>>
    %dma_start3A_168 = arith.constant 6 : i32
    %dma_start3A_169 = arith.constant 0 : i32
    %dma_start3A_170 = arith.constant 0 : i32
    %dma_start3A_171 = tpu.memref_slice %arg5[%dma_start3A_168, %dma_start3A_169, %dma_start3A_170] : memref<8x64x128xf32, #tpu.memory_space<vmem>> -> memref<1x64x128xf32, #tpu.memory_space<vmem>>
    %dma_start3A_172 = arith.constant 0 : i32
    %dma_start3A_173 = arith.constant 0 : i32
    %dma_start3A_174 = tpu.memref_slice %arg2[%add3A_160, %dma_start3A_172, %dma_start3A_173] : memref<128x64x128xf32, #tpu.memory_space<hbm>> -> memref<1x64x128xf32, #tpu.memory_space<hbm>>
    tpu.enqueue_dma source(%dma_start3A_174 : memref<1x64x128xf32, #tpu.memory_space<hbm>>) target(%dma_start3A_171 : memref<1x64x128xf32, #tpu.memory_space<vmem>>) target_semaphore(%arg6 : memref<!tpu.dma_semaphore, #tpu.memory_space<semaphore_mem>>)
    %lt3A_175 = arith.constant 2 : i32
    %lt3A_176 = arith.cmpi slt, %select_n3A_48, %lt3A_175 : i32
    %convert_element_type3A_177 = arith.extui %lt3A_176 : i1 to i32
    %cond3A_178 = arith.constant 0 : i32
    %cond3A_179 = arith.cmpi ne, %convert_element_type3A_177, %cond3A_178 : i32
    scf.if %cond3A_179 {
      %mul3A_2017 = arith.constant 32 : i32
      %mul3A_2018 = arith.muli %select_n3A, %mul3A_2017 : i32
      %add3A_2019 = arith.addi %mul3A_2018, %select_n3A_48 : i32
      %add3A_2020 = arith.constant 24 : i32
      %add3A_2021 = arith.addi %add3A_2019, %add3A_2020 : i32
      "tpu.region"() ({
        %run_scoped3A = tpu.sem_alloc : memref<!tpu.dma_semaphore, #tpu.memory_space<semaphore_mem>>
        %dma_start3A_2022 = arith.constant 7 : i32
        %dma_start3A_2023 = arith.constant 0 : i32
        %dma_start3A_2024 = arith.constant 0 : i32
        %dma_start3A_2025 = tpu.memref_slice %arg5[%dma_start3A_2022, %dma_start3A_2023, %dma_start3A_2024] : memref<8x64x128xf32, #tpu.memory_space<vmem>> -> memref<1x64x128xf32, #tpu.memory_space<vmem>>
        %dma_start3A_2026 = arith.constant 0 : i32
        %dma_start3A_2027 = arith.constant 0 : i32
        %dma_start3A_2028 = tpu.memref_slice %arg2[%add3A_2021, %dma_start3A_2026, %dma_start3A_2027] : memref<128x64x128xf32, #tpu.memory_space<hbm>> -> memref<1x64x128xf32, #tpu.memory_space<hbm>>
        %dma_start3A_2029 = arith.constant 7 : i32
        %dma_start3A_2030 = arith.constant 0 : i32
        %dma_start3A_2031 = arith.constant 0 : i32
        %dma_start3A_2032 = tpu.memref_slice %arg5[%dma_start3A_2029, %dma_start3A_2030, %dma_start3A_2031] : memref<8x64x128xf32, #tpu.memory_space<vmem>> -> memref<1x64x128xf32, #tpu.memory_space<vmem>>
        %dma_start3A_2033 = arith.constant 0 : i32
        %dma_start3A_2034 = arith.constant 0 : i32
        %dma_start3A_2035 = tpu.memref_slice %arg2[%add3A_2021, %dma_start3A_2033, %dma_start3A_2034] : memref<128x64x128xf32, #tpu.memory_space<hbm>> -> memref<1x64x128xf32, #tpu.memory_space<hbm>>
        tpu.enqueue_dma source(%dma_start3A_2035 : memref<1x64x128xf32, #tpu.memory_space<hbm>>) target(%dma_start3A_2032 : memref<1x64x128xf32, #tpu.memory_space<vmem>>) target_semaphore(%run_scoped3A : memref<!tpu.dma_semaphore, #tpu.memory_space<semaphore_mem>>)
        %dma_wait3A_2036 = arith.constant 7 : i32
        %dma_wait3A_2037 = arith.constant 0 : i32
        %dma_wait3A_2038 = arith.constant 0 : i32
        %dma_wait3A_2039 = tpu.memref_slice %arg5[%dma_wait3A_2036, %dma_wait3A_2037, %dma_wait3A_2038] : memref<8x64x128xf32, #tpu.memory_space<vmem>> -> memref<1x64x128xf32, #tpu.memory_space<vmem>>
        %dma_wait3A_2040 = arith.constant 0 : i32
        %dma_wait3A_2041 = arith.constant 0 : i32
        %dma_wait3A_2042 = tpu.memref_slice %arg2[%add3A_2021, %dma_wait3A_2040, %dma_wait3A_2041] : memref<128x64x128xf32, #tpu.memory_space<hbm>> -> memref<1x64x128xf32, #tpu.memory_space<hbm>>
        %dma_wait3A_2043 = arith.constant 7 : i32
        %dma_wait3A_2044 = arith.constant 0 : i32
        %dma_wait3A_2045 = arith.constant 0 : i32
        %dma_wait3A_2046 = tpu.memref_slice %arg5[%dma_wait3A_2043, %dma_wait3A_2044, %dma_wait3A_2045] : memref<8x64x128xf32, #tpu.memory_space<vmem>> -> memref<1x64x128xf32, #tpu.memory_space<vmem>>
        %dma_wait3A_2047 = arith.constant 0 : i32
        %dma_wait3A_2048 = arith.constant 0 : i32
        %dma_wait3A_2049 = tpu.memref_slice %arg2[%add3A_2021, %dma_wait3A_2047, %dma_wait3A_2048] : memref<128x64x128xf32, #tpu.memory_space<hbm>> -> memref<1x64x128xf32, #tpu.memory_space<hbm>>
        tpu.wait_dma2 semaphore(%run_scoped3A : memref<!tpu.dma_semaphore, #tpu.memory_space<semaphore_mem>>) src(%dma_wait3A_2049 : memref<1x64x128xf32, #tpu.memory_space<hbm>>) dst(%dma_wait3A_2046 : memref<1x64x128xf32, #tpu.memory_space<vmem>>)
        tpu.yield
      }) : () -> ()
    } else {
    }
    %dma_wait3A = arith.constant 0 : i32
    %dma_wait3A_180 = arith.constant 0 : i32
    %dma_wait3A_181 = tpu.memref_slice %arg2[%add3A_52, %dma_wait3A, %dma_wait3A_180] : memref<128x64x128xf32, #tpu.memory_space<hbm>> -> memref<6x64x128xf32, #tpu.memory_space<hbm>>
    %dma_wait3A_182 = arith.constant 0 : i32
    %dma_wait3A_183 = arith.constant 0 : i32
    %dma_wait3A_184 = tpu.memref_slice %arg2[%add3A_52, %dma_wait3A_182, %dma_wait3A_183] : memref<128x64x128xf32, #tpu.memory_space<hbm>> -> memref<6x64x128xf32, #tpu.memory_space<hbm>>
    tpu.wait_dma2 semaphore(%arg6 : memref<!tpu.dma_semaphore, #tpu.memory_space<semaphore_mem>>) src(%dma_wait3A_184 : memref<6x64x128xf32, #tpu.memory_space<hbm>>) dst(%arg4 : memref<6x64x128xf32, #tpu.memory_space<vmem>>)
    %dma_wait3A_185 = arith.constant 0 : i32
    %dma_wait3A_186 = arith.constant 0 : i32
    %dma_wait3A_187 = arith.constant 0 : i32
    %dma_wait3A_188 = tpu.memref_slice %arg5[%dma_wait3A_185, %dma_wait3A_186, %dma_wait3A_187] : memref<8x64x128xf32, #tpu.memory_space<vmem>> -> memref<1x64x128xf32, #tpu.memory_space<vmem>>
    %dma_wait3A_189 = arith.constant 0 : i32
    %dma_wait3A_190 = arith.constant 0 : i32
    %dma_wait3A_191 = tpu.memref_slice %arg2[%add3A_62, %dma_wait3A_189, %dma_wait3A_190] : memref<128x64x128xf32, #tpu.memory_space<hbm>> -> memref<1x64x128xf32, #tpu.memory_space<hbm>>
    %dma_wait3A_192 = arith.constant 0 : i32
    %dma_wait3A_193 = arith.constant 0 : i32
    %dma_wait3A_194 = arith.constant 0 : i32
    %dma_wait3A_195 = tpu.memref_slice %arg5[%dma_wait3A_192, %dma_wait3A_193, %dma_wait3A_194] : memref<8x64x128xf32, #tpu.memory_space<vmem>> -> memref<1x64x128xf32, #tpu.memory_space<vmem>>
    %dma_wait3A_196 = arith.constant 0 : i32
    %dma_wait3A_197 = arith.constant 0 : i32
    %dma_wait3A_198 = tpu.memref_slice %arg2[%add3A_62, %dma_wait3A_196, %dma_wait3A_197] : memref<128x64x128xf32, #tpu.memory_space<hbm>> -> memref<1x64x128xf32, #tpu.memory_space<hbm>>
    tpu.wait_dma2 semaphore(%arg6 : memref<!tpu.dma_semaphore, #tpu.memory_space<semaphore_mem>>) src(%dma_wait3A_198 : memref<1x64x128xf32, #tpu.memory_space<hbm>>) dst(%dma_wait3A_195 : memref<1x64x128xf32, #tpu.memory_space<vmem>>)
    %dma_wait3A_199 = arith.constant 1 : i32
    %dma_wait3A_200 = arith.constant 0 : i32
    %dma_wait3A_201 = arith.constant 0 : i32
    %dma_wait3A_202 = tpu.memref_slice %arg5[%dma_wait3A_199, %dma_wait3A_200, %dma_wait3A_201] : memref<8x64x128xf32, #tpu.memory_space<vmem>> -> memref<1x64x128xf32, #tpu.memory_space<vmem>>
    %dma_wait3A_203 = arith.constant 0 : i32
    %dma_wait3A_204 = arith.constant 0 : i32
    %dma_wait3A_205 = tpu.memref_slice %arg2[%add3A_81, %dma_wait3A_203, %dma_wait3A_204] : memref<128x64x128xf32, #tpu.memory_space<hbm>> -> memref<1x64x128xf32, #tpu.memory_space<hbm>>
    %dma_wait3A_206 = arith.constant 1 : i32
    %dma_wait3A_207 = arith.constant 0 : i32
    %dma_wait3A_208 = arith.constant 0 : i32
    %dma_wait3A_209 = tpu.memref_slice %arg5[%dma_wait3A_206, %dma_wait3A_207, %dma_wait3A_208] : memref<8x64x128xf32, #tpu.memory_space<vmem>> -> memref<1x64x128xf32, #tpu.memory_space<vmem>>
    %dma_wait3A_210 = arith.constant 0 : i32
    %dma_wait3A_211 = arith.constant 0 : i32
    %dma_wait3A_212 = tpu.memref_slice %arg2[%add3A_81, %dma_wait3A_210, %dma_wait3A_211] : memref<128x64x128xf32, #tpu.memory_space<hbm>> -> memref<1x64x128xf32, #tpu.memory_space<hbm>>
    tpu.wait_dma2 semaphore(%arg6 : memref<!tpu.dma_semaphore, #tpu.memory_space<semaphore_mem>>) src(%dma_wait3A_212 : memref<1x64x128xf32, #tpu.memory_space<hbm>>) dst(%dma_wait3A_209 : memref<1x64x128xf32, #tpu.memory_space<vmem>>)
    %dma_wait3A_213 = arith.constant 2 : i32
    %dma_wait3A_214 = arith.constant 0 : i32
    %dma_wait3A_215 = arith.constant 0 : i32
    %dma_wait3A_216 = tpu.memref_slice %arg5[%dma_wait3A_213, %dma_wait3A_214, %dma_wait3A_215] : memref<8x64x128xf32, #tpu.memory_space<vmem>> -> memref<1x64x128xf32, #tpu.memory_space<vmem>>
    %dma_wait3A_217 = arith.constant 0 : i32
    %dma_wait3A_218 = arith.constant 0 : i32
    %dma_wait3A_219 = tpu.memref_slice %arg2[%add3A_100, %dma_wait3A_217, %dma_wait3A_218] : memref<128x64x128xf32, #tpu.memory_space<hbm>> -> memref<1x64x128xf32, #tpu.memory_space<hbm>>
    %dma_wait3A_220 = arith.constant 2 : i32
    %dma_wait3A_221 = arith.constant 0 : i32
    %dma_wait3A_222 = arith.constant 0 : i32
    %dma_wait3A_223 = tpu.memref_slice %arg5[%dma_wait3A_220, %dma_wait3A_221, %dma_wait3A_222] : memref<8x64x128xf32, #tpu.memory_space<vmem>> -> memref<1x64x128xf32, #tpu.memory_space<vmem>>
    %dma_wait3A_224 = arith.constant 0 : i32
    %dma_wait3A_225 = arith.constant 0 : i32
    %dma_wait3A_226 = tpu.memref_slice %arg2[%add3A_100, %dma_wait3A_224, %dma_wait3A_225] : memref<128x64x128xf32, #tpu.memory_space<hbm>> -> memref<1x64x128xf32, #tpu.memory_space<hbm>>
    tpu.wait_dma2 semaphore(%arg6 : memref<!tpu.dma_semaphore, #tpu.memory_space<semaphore_mem>>) src(%dma_wait3A_226 : memref<1x64x128xf32, #tpu.memory_space<hbm>>) dst(%dma_wait3A_223 : memref<1x64x128xf32, #tpu.memory_space<vmem>>)
    %dma_wait3A_227 = arith.constant 4 : i32
    %dma_wait3A_228 = arith.constant 0 : i32
    %dma_wait3A_229 = arith.constant 0 : i32
    %dma_wait3A_230 = tpu.memref_slice %arg5[%dma_wait3A_227, %dma_wait3A_228, %dma_wait3A_229] : memref<8x64x128xf32, #tpu.memory_space<vmem>> -> memref<1x64x128xf32, #tpu.memory_space<vmem>>
    %dma_wait3A_231 = arith.constant 0 : i32
    %dma_wait3A_232 = arith.constant 0 : i32
    %dma_wait3A_233 = tpu.memref_slice %arg2[%add3A_122, %dma_wait3A_231, %dma_wait3A_232] : memref<128x64x128xf32, #tpu.memory_space<hbm>> -> memref<1x64x128xf32, #tpu.memory_space<hbm>>
    %dma_wait3A_234 = arith.constant 4 : i32
    %dma_wait3A_235 = arith.constant 0 : i32
    %dma_wait3A_236 = arith.constant 0 : i32
    %dma_wait3A_237 = tpu.memref_slice %arg5[%dma_wait3A_234, %dma_wait3A_235, %dma_wait3A_236] : memref<8x64x128xf32, #tpu.memory_space<vmem>> -> memref<1x64x128xf32, #tpu.memory_space<vmem>>
    %dma_wait3A_238 = arith.constant 0 : i32
    %dma_wait3A_239 = arith.constant 0 : i32
    %dma_wait3A_240 = tpu.memref_slice %arg2[%add3A_122, %dma_wait3A_238, %dma_wait3A_239] : memref<128x64x128xf32, #tpu.memory_space<hbm>> -> memref<1x64x128xf32, #tpu.memory_space<hbm>>
    tpu.wait_dma2 semaphore(%arg6 : memref<!tpu.dma_semaphore, #tpu.memory_space<semaphore_mem>>) src(%dma_wait3A_240 : memref<1x64x128xf32, #tpu.memory_space<hbm>>) dst(%dma_wait3A_237 : memref<1x64x128xf32, #tpu.memory_space<vmem>>)
    %dma_wait3A_241 = arith.constant 5 : i32
    %dma_wait3A_242 = arith.constant 0 : i32
    %dma_wait3A_243 = arith.constant 0 : i32
    %dma_wait3A_244 = tpu.memref_slice %arg5[%dma_wait3A_241, %dma_wait3A_242, %dma_wait3A_243] : memref<8x64x128xf32, #tpu.memory_space<vmem>> -> memref<1x64x128xf32, #tpu.memory_space<vmem>>
    %dma_wait3A_245 = arith.constant 0 : i32
    %dma_wait3A_246 = arith.constant 0 : i32
    %dma_wait3A_247 = tpu.memref_slice %arg2[%add3A_141, %dma_wait3A_245, %dma_wait3A_246] : memref<128x64x128xf32, #tpu.memory_space<hbm>> -> memref<1x64x128xf32, #tpu.memory_space<hbm>>
    %dma_wait3A_248 = arith.constant 5 : i32
    %dma_wait3A_249 = arith.constant 0 : i32
    %dma_wait3A_250 = arith.constant 0 : i32
    %dma_wait3A_251 = tpu.memref_slice %arg5[%dma_wait3A_248, %dma_wait3A_249, %dma_wait3A_250] : memref<8x64x128xf32, #tpu.memory_space<vmem>> -> memref<1x64x128xf32, #tpu.memory_space<vmem>>
    %dma_wait3A_252 = arith.constant 0 : i32
    %dma_wait3A_253 = arith.constant 0 : i32
    %dma_wait3A_254 = tpu.memref_slice %arg2[%add3A_141, %dma_wait3A_252, %dma_wait3A_253] : memref<128x64x128xf32, #tpu.memory_space<hbm>> -> memref<1x64x128xf32, #tpu.memory_space<hbm>>
    tpu.wait_dma2 semaphore(%arg6 : memref<!tpu.dma_semaphore, #tpu.memory_space<semaphore_mem>>) src(%dma_wait3A_254 : memref<1x64x128xf32, #tpu.memory_space<hbm>>) dst(%dma_wait3A_251 : memref<1x64x128xf32, #tpu.memory_space<vmem>>)
    %dma_wait3A_255 = arith.constant 6 : i32
    %dma_wait3A_256 = arith.constant 0 : i32
    %dma_wait3A_257 = arith.constant 0 : i32
    %dma_wait3A_258 = tpu.memref_slice %arg5[%dma_wait3A_255, %dma_wait3A_256, %dma_wait3A_257] : memref<8x64x128xf32, #tpu.memory_space<vmem>> -> memref<1x64x128xf32, #tpu.memory_space<vmem>>
    %dma_wait3A_259 = arith.constant 0 : i32
    %dma_wait3A_260 = arith.constant 0 : i32
    %dma_wait3A_261 = tpu.memref_slice %arg2[%add3A_160, %dma_wait3A_259, %dma_wait3A_260] : memref<128x64x128xf32, #tpu.memory_space<hbm>> -> memref<1x64x128xf32, #tpu.memory_space<hbm>>
    %dma_wait3A_262 = arith.constant 6 : i32
    %dma_wait3A_263 = arith.constant 0 : i32
    %dma_wait3A_264 = arith.constant 0 : i32
    %dma_wait3A_265 = tpu.memref_slice %arg5[%dma_wait3A_262, %dma_wait3A_263, %dma_wait3A_264] : memref<8x64x128xf32, #tpu.memory_space<vmem>> -> memref<1x64x128xf32, #tpu.memory_space<vmem>>
    %dma_wait3A_266 = arith.constant 0 : i32
    %dma_wait3A_267 = arith.constant 0 : i32
    %dma_wait3A_268 = tpu.memref_slice %arg2[%add3A_160, %dma_wait3A_266, %dma_wait3A_267] : memref<128x64x128xf32, #tpu.memory_space<hbm>> -> memref<1x64x128xf32, #tpu.memory_space<hbm>>
    tpu.wait_dma2 semaphore(%arg6 : memref<!tpu.dma_semaphore, #tpu.memory_space<semaphore_mem>>) src(%dma_wait3A_268 : memref<1x64x128xf32, #tpu.memory_space<hbm>>) dst(%dma_wait3A_265 : memref<1x64x128xf32, #tpu.memory_space<vmem>>)
    %jit3A_269 = arith.constant 2 : i32
    %eq3A_270 = arith.constant 0 : i32
    %eq3A_271 = arith.cmpi eq, %jit3A_269, %eq3A_270 : i32
    %jit3A_272 = arith.constant 1 : i32
    %select_n3A_273 = arith.select %eq3A_271, %jit3A_272, %jit3A_269 : i32
    %rem3A_274 = arith.remsi %select_n3A, %select_n3A_273 : i32
    %ne3A_275 = arith.constant 0 : i32
    %ne3A_276 = arith.cmpi ne, %rem3A_274, %ne3A_275 : i32
    %lt3A_277 = arith.constant 0 : i32
    %lt3A_278 = arith.cmpi slt, %rem3A_274, %lt3A_277 : i32
    %lt3A_279 = arith.constant 0 : i32
    %lt3A_280 = arith.cmpi slt, %select_n3A_273, %lt3A_279 : i32
    %ne3A_281 = arith.xori %lt3A_278, %lt3A_280 : i1
    %and3A_282 = arith.andi %ne3A_281, %ne3A_276 : i1
    %add3A_283 = arith.addi %rem3A_274, %select_n3A_273 : i32
    %select_n3A_284 = arith.select %and3A_282, %add3A_283, %rem3A_274 : i32
    %eq3A_285 = arith.cmpi eq, %select_n3A_30, %select_n3A_284 : i32
    %convert_element_type3A_286 = arith.extui %eq3A_285 : i1 to i32
    %cond3A_287 = arith.constant 0 : i32
    %cond3A_288 = arith.cmpi ne, %convert_element_type3A_286, %cond3A_287 : i32
    scf.if %cond3A_288 {
      %mul3A_2017 = arith.constant 942 : i32
      %mul3A_2018 = arith.muli %select_n3A, %mul3A_2017 : i32
      "tpu.region"() ({
        %run_scoped3A = tpu.sem_alloc : memref<!tpu.dma_semaphore, #tpu.memory_space<semaphore_mem>>
        %dma_start3A_2019 = arith.constant 0 : i32
        %dma_start3A_2020 = arith.constant 0 : i32
        %dma_start3A_2021 = tpu.memref_slice %arg3[%mul3A_2018, %dma_start3A_2019, %dma_start3A_2020] : memref<3768x64x128xf32, #tpu.memory_space<hbm>> -> memref<6x64x128xf32, #tpu.memory_space<hbm>>
        %dma_start3A_2022 = arith.constant 0 : i32
        %dma_start3A_2023 = arith.constant 0 : i32
        %dma_start3A_2024 = tpu.memref_slice %arg3[%mul3A_2018, %dma_start3A_2022, %dma_start3A_2023] : memref<3768x64x128xf32, #tpu.memory_space<hbm>> -> memref<6x64x128xf32, #tpu.memory_space<hbm>>
        tpu.enqueue_dma source(%arg4 : memref<6x64x128xf32, #tpu.memory_space<vmem>>) target(%dma_start3A_2024 : memref<6x64x128xf32, #tpu.memory_space<hbm>>) target_semaphore(%run_scoped3A : memref<!tpu.dma_semaphore, #tpu.memory_space<semaphore_mem>>)
        %dma_wait3A_2025 = arith.constant 0 : i32
        %dma_wait3A_2026 = arith.constant 0 : i32
        %dma_wait3A_2027 = tpu.memref_slice %arg3[%mul3A_2018, %dma_wait3A_2025, %dma_wait3A_2026] : memref<3768x64x128xf32, #tpu.memory_space<hbm>> -> memref<6x64x128xf32, #tpu.memory_space<hbm>>
        %dma_wait3A_2028 = arith.constant 0 : i32
        %dma_wait3A_2029 = arith.constant 0 : i32
        %dma_wait3A_2030 = tpu.memref_slice %arg3[%mul3A_2018, %dma_wait3A_2028, %dma_wait3A_2029] : memref<3768x64x128xf32, #tpu.memory_space<hbm>> -> memref<6x64x128xf32, #tpu.memory_space<hbm>>
        tpu.wait_dma2 semaphore(%run_scoped3A : memref<!tpu.dma_semaphore, #tpu.memory_space<semaphore_mem>>) src(%arg4 : memref<6x64x128xf32, #tpu.memory_space<vmem>>) dst(%dma_wait3A_2030 : memref<6x64x128xf32, #tpu.memory_space<hbm>>)
        tpu.yield
      }) : () -> ()
    } else {
    }
    %add3A_289 = arith.constant 0 : i32
    %add3A_290 = arith.addi %select_n3A_30, %add3A_289 : i32
    %mul3A_291 = arith.constant 942 : i32
    %mul3A_292 = arith.muli %select_n3A, %mul3A_291 : i32
    %add3A_293 = arith.constant 6 : i32
    %add3A_294 = arith.addi %mul3A_292, %add3A_293 : i32
    %mul3A_295 = arith.constant 36 : i32
    %mul3A_296 = arith.muli %mul3A_295, %add3A_290 : i32
    %add3A_297 = arith.addi %add3A_294, %mul3A_296 : i32
    %add3A_298 = arith.constant 0 : i32
    %add3A_299 = arith.addi %add3A_297, %add3A_298 : i32
    %add3A_300 = arith.constant 0 : i32
    %add3A_301 = arith.addi %add3A_299, %add3A_300 : i32
    %dma_start3A_302 = arith.constant 0 : i32
    %dma_start3A_303 = arith.constant 0 : i32
    %dma_start3A_304 = arith.constant 0 : i32
    %dma_start3A_305 = tpu.memref_slice %arg5[%dma_start3A_302, %dma_start3A_303, %dma_start3A_304] : memref<8x64x128xf32, #tpu.memory_space<vmem>> -> memref<1x64x128xf32, #tpu.memory_space<vmem>>
    %dma_start3A_306 = arith.constant 0 : i32
    %dma_start3A_307 = arith.constant 0 : i32
    %dma_start3A_308 = tpu.memref_slice %arg3[%add3A_301, %dma_start3A_306, %dma_start3A_307] : memref<3768x64x128xf32, #tpu.memory_space<hbm>> -> memref<1x64x128xf32, #tpu.memory_space<hbm>>
    %dma_start3A_309 = arith.constant 0 : i32
    %dma_start3A_310 = arith.constant 0 : i32
    %dma_start3A_311 = tpu.memref_slice %arg3[%add3A_301, %dma_start3A_309, %dma_start3A_310] : memref<3768x64x128xf32, #tpu.memory_space<hbm>> -> memref<1x64x128xf32, #tpu.memory_space<hbm>>
    %dma_start3A_312 = arith.constant 0 : i32
    %dma_start3A_313 = arith.constant 0 : i32
    %dma_start3A_314 = arith.constant 0 : i32
    %dma_start3A_315 = tpu.memref_slice %arg5[%dma_start3A_312, %dma_start3A_313, %dma_start3A_314] : memref<8x64x128xf32, #tpu.memory_space<vmem>> -> memref<1x64x128xf32, #tpu.memory_space<vmem>>
    tpu.enqueue_dma source(%dma_start3A_315 : memref<1x64x128xf32, #tpu.memory_space<vmem>>) target(%dma_start3A_311 : memref<1x64x128xf32, #tpu.memory_space<hbm>>) target_semaphore(%arg6 : memref<!tpu.dma_semaphore, #tpu.memory_space<semaphore_mem>>)
    %add3A_316 = arith.constant 0 : i32
    %add3A_317 = arith.addi %add3A_299, %add3A_316 : i32
    %add3A_318 = arith.constant 1 : i32
    %add3A_319 = arith.addi %add3A_317, %add3A_318 : i32
    %dma_start3A_320 = arith.constant 1 : i32
    %dma_start3A_321 = arith.constant 0 : i32
    %dma_start3A_322 = arith.constant 0 : i32
    %dma_start3A_323 = tpu.memref_slice %arg4[%dma_start3A_320, %dma_start3A_321, %dma_start3A_322] : memref<6x64x128xf32, #tpu.memory_space<vmem>> -> memref<5x64x128xf32, #tpu.memory_space<vmem>>
    %dma_start3A_324 = arith.constant 0 : i32
    %dma_start3A_325 = arith.constant 0 : i32
    %dma_start3A_326 = tpu.memref_slice %arg3[%add3A_319, %dma_start3A_324, %dma_start3A_325] : memref<3768x64x128xf32, #tpu.memory_space<hbm>> -> memref<5x64x128xf32, #tpu.memory_space<hbm>>
    %dma_start3A_327 = arith.constant 0 : i32
    %dma_start3A_328 = arith.constant 0 : i32
    %dma_start3A_329 = tpu.memref_slice %arg3[%add3A_319, %dma_start3A_327, %dma_start3A_328] : memref<3768x64x128xf32, #tpu.memory_space<hbm>> -> memref<5x64x128xf32, #tpu.memory_space<hbm>>
    %dma_start3A_330 = arith.constant 1 : i32
    %dma_start3A_331 = arith.constant 0 : i32
    %dma_start3A_332 = arith.constant 0 : i32
    %dma_start3A_333 = tpu.memref_slice %arg4[%dma_start3A_330, %dma_start3A_331, %dma_start3A_332] : memref<6x64x128xf32, #tpu.memory_space<vmem>> -> memref<5x64x128xf32, #tpu.memory_space<vmem>>
    tpu.enqueue_dma source(%dma_start3A_333 : memref<5x64x128xf32, #tpu.memory_space<vmem>>) target(%dma_start3A_329 : memref<5x64x128xf32, #tpu.memory_space<hbm>>) target_semaphore(%arg6 : memref<!tpu.dma_semaphore, #tpu.memory_space<semaphore_mem>>)
    %add3A_334 = arith.constant 8 : i32
    %add3A_335 = arith.addi %select_n3A_30, %add3A_334 : i32
    %mul3A_336 = arith.constant 942 : i32
    %mul3A_337 = arith.muli %select_n3A, %mul3A_336 : i32
    %add3A_338 = arith.constant 6 : i32
    %add3A_339 = arith.addi %mul3A_337, %add3A_338 : i32
    %mul3A_340 = arith.constant 36 : i32
    %mul3A_341 = arith.muli %mul3A_340, %add3A_335 : i32
    %add3A_342 = arith.addi %add3A_339, %mul3A_341 : i32
    %add3A_343 = arith.constant 0 : i32
    %add3A_344 = arith.addi %add3A_342, %add3A_343 : i32
    %add3A_345 = arith.constant 0 : i32
    %add3A_346 = arith.addi %add3A_344, %add3A_345 : i32
    %dma_start3A_347 = arith.constant 1 : i32
    %dma_start3A_348 = arith.constant 0 : i32
    %dma_start3A_349 = arith.constant 0 : i32
    %dma_start3A_350 = tpu.memref_slice %arg5[%dma_start3A_347, %dma_start3A_348, %dma_start3A_349] : memref<8x64x128xf32, #tpu.memory_space<vmem>> -> memref<1x64x128xf32, #tpu.memory_space<vmem>>
    %dma_start3A_351 = arith.constant 0 : i32
    %dma_start3A_352 = arith.constant 0 : i32
    %dma_start3A_353 = tpu.memref_slice %arg3[%add3A_346, %dma_start3A_351, %dma_start3A_352] : memref<3768x64x128xf32, #tpu.memory_space<hbm>> -> memref<1x64x128xf32, #tpu.memory_space<hbm>>
    %dma_start3A_354 = arith.constant 0 : i32
    %dma_start3A_355 = arith.constant 0 : i32
    %dma_start3A_356 = tpu.memref_slice %arg3[%add3A_346, %dma_start3A_354, %dma_start3A_355] : memref<3768x64x128xf32, #tpu.memory_space<hbm>> -> memref<1x64x128xf32, #tpu.memory_space<hbm>>
    %dma_start3A_357 = arith.constant 1 : i32
    %dma_start3A_358 = arith.constant 0 : i32
    %dma_start3A_359 = arith.constant 0 : i32
    %dma_start3A_360 = tpu.memref_slice %arg5[%dma_start3A_357, %dma_start3A_358, %dma_start3A_359] : memref<8x64x128xf32, #tpu.memory_space<vmem>> -> memref<1x64x128xf32, #tpu.memory_space<vmem>>
    tpu.enqueue_dma source(%dma_start3A_360 : memref<1x64x128xf32, #tpu.memory_space<vmem>>) target(%dma_start3A_356 : memref<1x64x128xf32, #tpu.memory_space<hbm>>) target_semaphore(%arg6 : memref<!tpu.dma_semaphore, #tpu.memory_space<semaphore_mem>>)
    %add3A_361 = arith.constant 0 : i32
    %add3A_362 = arith.addi %add3A_344, %add3A_361 : i32
    %add3A_363 = arith.constant 1 : i32
    %add3A_364 = arith.addi %add3A_362, %add3A_363 : i32
    %dma_start3A_365 = arith.constant 1 : i32
    %dma_start3A_366 = arith.constant 0 : i32
    %dma_start3A_367 = arith.constant 0 : i32
    %dma_start3A_368 = tpu.memref_slice %arg4[%dma_start3A_365, %dma_start3A_366, %dma_start3A_367] : memref<6x64x128xf32, #tpu.memory_space<vmem>> -> memref<5x64x128xf32, #tpu.memory_space<vmem>>
    %dma_start3A_369 = arith.constant 0 : i32
    %dma_start3A_370 = arith.constant 0 : i32
    %dma_start3A_371 = tpu.memref_slice %arg3[%add3A_364, %dma_start3A_369, %dma_start3A_370] : memref<3768x64x128xf32, #tpu.memory_space<hbm>> -> memref<5x64x128xf32, #tpu.memory_space<hbm>>
    %dma_start3A_372 = arith.constant 0 : i32
    %dma_start3A_373 = arith.constant 0 : i32
    %dma_start3A_374 = tpu.memref_slice %arg3[%add3A_364, %dma_start3A_372, %dma_start3A_373] : memref<3768x64x128xf32, #tpu.memory_space<hbm>> -> memref<5x64x128xf32, #tpu.memory_space<hbm>>
    %dma_start3A_375 = arith.constant 1 : i32
    %dma_start3A_376 = arith.constant 0 : i32
    %dma_start3A_377 = arith.constant 0 : i32
    %dma_start3A_378 = tpu.memref_slice %arg4[%dma_start3A_375, %dma_start3A_376, %dma_start3A_377] : memref<6x64x128xf32, #tpu.memory_space<vmem>> -> memref<5x64x128xf32, #tpu.memory_space<vmem>>
    tpu.enqueue_dma source(%dma_start3A_378 : memref<5x64x128xf32, #tpu.memory_space<vmem>>) target(%dma_start3A_374 : memref<5x64x128xf32, #tpu.memory_space<hbm>>) target_semaphore(%arg6 : memref<!tpu.dma_semaphore, #tpu.memory_space<semaphore_mem>>)
    %add3A_379 = arith.constant 16 : i32
    %add3A_380 = arith.addi %select_n3A_30, %add3A_379 : i32
    %mul3A_381 = arith.constant 942 : i32
    %mul3A_382 = arith.muli %select_n3A, %mul3A_381 : i32
    %add3A_383 = arith.constant 6 : i32
    %add3A_384 = arith.addi %mul3A_382, %add3A_383 : i32
    %mul3A_385 = arith.constant 36 : i32
    %mul3A_386 = arith.muli %mul3A_385, %add3A_380 : i32
    %add3A_387 = arith.addi %add3A_384, %mul3A_386 : i32
    %add3A_388 = arith.constant 0 : i32
    %add3A_389 = arith.addi %add3A_387, %add3A_388 : i32
    %add3A_390 = arith.constant 0 : i32
    %add3A_391 = arith.addi %add3A_389, %add3A_390 : i32
    %dma_start3A_392 = arith.constant 2 : i32
    %dma_start3A_393 = arith.constant 0 : i32
    %dma_start3A_394 = arith.constant 0 : i32
    %dma_start3A_395 = tpu.memref_slice %arg5[%dma_start3A_392, %dma_start3A_393, %dma_start3A_394] : memref<8x64x128xf32, #tpu.memory_space<vmem>> -> memref<1x64x128xf32, #tpu.memory_space<vmem>>
    %dma_start3A_396 = arith.constant 0 : i32
    %dma_start3A_397 = arith.constant 0 : i32
    %dma_start3A_398 = tpu.memref_slice %arg3[%add3A_391, %dma_start3A_396, %dma_start3A_397] : memref<3768x64x128xf32, #tpu.memory_space<hbm>> -> memref<1x64x128xf32, #tpu.memory_space<hbm>>
    %dma_start3A_399 = arith.constant 0 : i32
    %dma_start3A_400 = arith.constant 0 : i32
    %dma_start3A_401 = tpu.memref_slice %arg3[%add3A_391, %dma_start3A_399, %dma_start3A_400] : memref<3768x64x128xf32, #tpu.memory_space<hbm>> -> memref<1x64x128xf32, #tpu.memory_space<hbm>>
    %dma_start3A_402 = arith.constant 2 : i32
    %dma_start3A_403 = arith.constant 0 : i32
    %dma_start3A_404 = arith.constant 0 : i32
    %dma_start3A_405 = tpu.memref_slice %arg5[%dma_start3A_402, %dma_start3A_403, %dma_start3A_404] : memref<8x64x128xf32, #tpu.memory_space<vmem>> -> memref<1x64x128xf32, #tpu.memory_space<vmem>>
    tpu.enqueue_dma source(%dma_start3A_405 : memref<1x64x128xf32, #tpu.memory_space<vmem>>) target(%dma_start3A_401 : memref<1x64x128xf32, #tpu.memory_space<hbm>>) target_semaphore(%arg6 : memref<!tpu.dma_semaphore, #tpu.memory_space<semaphore_mem>>)
    %add3A_406 = arith.constant 0 : i32
    %add3A_407 = arith.addi %add3A_389, %add3A_406 : i32
    %add3A_408 = arith.constant 1 : i32
    %add3A_409 = arith.addi %add3A_407, %add3A_408 : i32
    %dma_start3A_410 = arith.constant 1 : i32
    %dma_start3A_411 = arith.constant 0 : i32
    %dma_start3A_412 = arith.constant 0 : i32
    %dma_start3A_413 = tpu.memref_slice %arg4[%dma_start3A_410, %dma_start3A_411, %dma_start3A_412] : memref<6x64x128xf32, #tpu.memory_space<vmem>> -> memref<5x64x128xf32, #tpu.memory_space<vmem>>
    %dma_start3A_414 = arith.constant 0 : i32
    %dma_start3A_415 = arith.constant 0 : i32
    %dma_start3A_416 = tpu.memref_slice %arg3[%add3A_409, %dma_start3A_414, %dma_start3A_415] : memref<3768x64x128xf32, #tpu.memory_space<hbm>> -> memref<5x64x128xf32, #tpu.memory_space<hbm>>
    %dma_start3A_417 = arith.constant 0 : i32
    %dma_start3A_418 = arith.constant 0 : i32
    %dma_start3A_419 = tpu.memref_slice %arg3[%add3A_409, %dma_start3A_417, %dma_start3A_418] : memref<3768x64x128xf32, #tpu.memory_space<hbm>> -> memref<5x64x128xf32, #tpu.memory_space<hbm>>
    %dma_start3A_420 = arith.constant 1 : i32
    %dma_start3A_421 = arith.constant 0 : i32
    %dma_start3A_422 = arith.constant 0 : i32
    %dma_start3A_423 = tpu.memref_slice %arg4[%dma_start3A_420, %dma_start3A_421, %dma_start3A_422] : memref<6x64x128xf32, #tpu.memory_space<vmem>> -> memref<5x64x128xf32, #tpu.memory_space<vmem>>
    tpu.enqueue_dma source(%dma_start3A_423 : memref<5x64x128xf32, #tpu.memory_space<vmem>>) target(%dma_start3A_419 : memref<5x64x128xf32, #tpu.memory_space<hbm>>) target_semaphore(%arg6 : memref<!tpu.dma_semaphore, #tpu.memory_space<semaphore_mem>>)
    %lt3A_424 = arith.constant 2 : i32
    %lt3A_425 = arith.cmpi slt, %select_n3A_30, %lt3A_424 : i32
    %convert_element_type3A_426 = arith.extui %lt3A_425 : i1 to i32
    %cond3A_427 = arith.constant 0 : i32
    %cond3A_428 = arith.cmpi ne, %convert_element_type3A_426, %cond3A_427 : i32
    scf.if %cond3A_428 {
      %add3A_2017 = arith.constant 24 : i32
      %add3A_2018 = arith.addi %select_n3A_30, %add3A_2017 : i32
      %mul3A_2019 = arith.constant 942 : i32
      %mul3A_2020 = arith.muli %select_n3A, %mul3A_2019 : i32
      %add3A_2021 = arith.constant 6 : i32
      %add3A_2022 = arith.addi %mul3A_2020, %add3A_2021 : i32
      %mul3A_2023 = arith.constant 36 : i32
      %mul3A_2024 = arith.muli %mul3A_2023, %add3A_2018 : i32
      %add3A_2025 = arith.addi %add3A_2022, %mul3A_2024 : i32
      %add3A_2026 = arith.constant 0 : i32
      %add3A_2027 = arith.addi %add3A_2025, %add3A_2026 : i32
      %add3A_2028 = arith.constant 0 : i32
      %add3A_2029 = arith.addi %add3A_2027, %add3A_2028 : i32
      "tpu.region"() ({
        %run_scoped3A = tpu.sem_alloc : memref<!tpu.dma_semaphore, #tpu.memory_space<semaphore_mem>>
        %dma_start3A_2030 = arith.constant 3 : i32
        %dma_start3A_2031 = arith.constant 0 : i32
        %dma_start3A_2032 = arith.constant 0 : i32
        %dma_start3A_2033 = tpu.memref_slice %arg5[%dma_start3A_2030, %dma_start3A_2031, %dma_start3A_2032] : memref<8x64x128xf32, #tpu.memory_space<vmem>> -> memref<1x64x128xf32, #tpu.memory_space<vmem>>
        %dma_start3A_2034 = arith.constant 0 : i32
        %dma_start3A_2035 = arith.constant 0 : i32
        %dma_start3A_2036 = tpu.memref_slice %arg3[%add3A_2029, %dma_start3A_2034, %dma_start3A_2035] : memref<3768x64x128xf32, #tpu.memory_space<hbm>> -> memref<1x64x128xf32, #tpu.memory_space<hbm>>
        %dma_start3A_2037 = arith.constant 0 : i32
        %dma_start3A_2038 = arith.constant 0 : i32
        %dma_start3A_2039 = tpu.memref_slice %arg3[%add3A_2029, %dma_start3A_2037, %dma_start3A_2038] : memref<3768x64x128xf32, #tpu.memory_space<hbm>> -> memref<1x64x128xf32, #tpu.memory_space<hbm>>
        %dma_start3A_2040 = arith.constant 3 : i32
        %dma_start3A_2041 = arith.constant 0 : i32
        %dma_start3A_2042 = arith.constant 0 : i32
        %dma_start3A_2043 = tpu.memref_slice %arg5[%dma_start3A_2040, %dma_start3A_2041, %dma_start3A_2042] : memref<8x64x128xf32, #tpu.memory_space<vmem>> -> memref<1x64x128xf32, #tpu.memory_space<vmem>>
        tpu.enqueue_dma source(%dma_start3A_2043 : memref<1x64x128xf32, #tpu.memory_space<vmem>>) target(%dma_start3A_2039 : memref<1x64x128xf32, #tpu.memory_space<hbm>>) target_semaphore(%run_scoped3A : memref<!tpu.dma_semaphore, #tpu.memory_space<semaphore_mem>>)
        %dma_wait3A_2044 = arith.constant 3 : i32
        %dma_wait3A_2045 = arith.constant 0 : i32
        %dma_wait3A_2046 = arith.constant 0 : i32
        %dma_wait3A_2047 = tpu.memref_slice %arg5[%dma_wait3A_2044, %dma_wait3A_2045, %dma_wait3A_2046] : memref<8x64x128xf32, #tpu.memory_space<vmem>> -> memref<1x64x128xf32, #tpu.memory_space<vmem>>
        %dma_wait3A_2048 = arith.constant 0 : i32
        %dma_wait3A_2049 = arith.constant 0 : i32
        %dma_wait3A_2050 = tpu.memref_slice %arg3[%add3A_2029, %dma_wait3A_2048, %dma_wait3A_2049] : memref<3768x64x128xf32, #tpu.memory_space<hbm>> -> memref<1x64x128xf32, #tpu.memory_space<hbm>>
        %dma_wait3A_2051 = arith.constant 0 : i32
        %dma_wait3A_2052 = arith.constant 0 : i32
        %dma_wait3A_2053 = tpu.memref_slice %arg3[%add3A_2029, %dma_wait3A_2051, %dma_wait3A_2052] : memref<3768x64x128xf32, #tpu.memory_space<hbm>> -> memref<1x64x128xf32, #tpu.memory_space<hbm>>
        %dma_wait3A_2054 = arith.constant 3 : i32
        %dma_wait3A_2055 = arith.constant 0 : i32
        %dma_wait3A_2056 = arith.constant 0 : i32
        %dma_wait3A_2057 = tpu.memref_slice %arg5[%dma_wait3A_2054, %dma_wait3A_2055, %dma_wait3A_2056] : memref<8x64x128xf32, #tpu.memory_space<vmem>> -> memref<1x64x128xf32, #tpu.memory_space<vmem>>
        tpu.wait_dma2 semaphore(%run_scoped3A : memref<!tpu.dma_semaphore, #tpu.memory_space<semaphore_mem>>) src(%dma_wait3A_2057 : memref<1x64x128xf32, #tpu.memory_space<vmem>>) dst(%dma_wait3A_2053 : memref<1x64x128xf32, #tpu.memory_space<hbm>>)
        tpu.yield
      }) : () -> ()
    } else {
    }
    %eq3A_429 = arith.constant 2 : i32
    %eq3A_430 = arith.cmpi eq, %select_n3A_30, %eq3A_429 : i32
    %convert_element_type3A_431 = arith.extui %eq3A_430 : i1 to i32
    %cond3A_432 = arith.constant 0 : i32
    %cond3A_433 = arith.cmpi ne, %convert_element_type3A_431, %cond3A_432 : i32
    scf.if %cond3A_433 {
      %mul3A_2017 = arith.constant 942 : i32
      %mul3A_2018 = arith.muli %select_n3A, %mul3A_2017 : i32
      %add3A_2019 = arith.constant 6 : i32
      %add3A_2020 = arith.addi %mul3A_2018, %add3A_2019 : i32
      %add3A_2021 = arith.constant 864 : i32
      %add3A_2022 = arith.addi %add3A_2020, %add3A_2021 : i32
      %add3A_2023 = arith.constant 0 : i32
      %add3A_2024 = arith.addi %add3A_2022, %add3A_2023 : i32
      %add3A_2025 = arith.constant 0 : i32
      %add3A_2026 = arith.addi %add3A_2024, %add3A_2025 : i32
      %add3A_2027 = arith.constant 1 : i32
      %add3A_2028 = arith.addi %add3A_2026, %add3A_2027 : i32
      %dma_start3A_2029 = arith.constant 1 : i32
      %dma_start3A_2030 = arith.constant 0 : i32
      %dma_start3A_2031 = arith.constant 0 : i32
      %dma_start3A_2032 = tpu.memref_slice %arg4[%dma_start3A_2029, %dma_start3A_2030, %dma_start3A_2031] : memref<6x64x128xf32, #tpu.memory_space<vmem>> -> memref<5x64x128xf32, #tpu.memory_space<vmem>>
      %dma_start3A_2033 = arith.constant 0 : i32
      %dma_start3A_2034 = arith.constant 0 : i32
      %dma_start3A_2035 = tpu.memref_slice %arg3[%add3A_2028, %dma_start3A_2033, %dma_start3A_2034] : memref<3768x64x128xf32, #tpu.memory_space<hbm>> -> memref<5x64x128xf32, #tpu.memory_space<hbm>>
      %dma_start3A_2036 = arith.constant 0 : i32
      %dma_start3A_2037 = arith.constant 0 : i32
      %dma_start3A_2038 = tpu.memref_slice %arg3[%add3A_2028, %dma_start3A_2036, %dma_start3A_2037] : memref<3768x64x128xf32, #tpu.memory_space<hbm>> -> memref<5x64x128xf32, #tpu.memory_space<hbm>>
      %dma_start3A_2039 = arith.constant 1 : i32
      %dma_start3A_2040 = arith.constant 0 : i32
      %dma_start3A_2041 = arith.constant 0 : i32
      %dma_start3A_2042 = tpu.memref_slice %arg4[%dma_start3A_2039, %dma_start3A_2040, %dma_start3A_2041] : memref<6x64x128xf32, #tpu.memory_space<vmem>> -> memref<5x64x128xf32, #tpu.memory_space<vmem>>
      tpu.enqueue_dma source(%dma_start3A_2042 : memref<5x64x128xf32, #tpu.memory_space<vmem>>) target(%dma_start3A_2038 : memref<5x64x128xf32, #tpu.memory_space<hbm>>) target_semaphore(%arg6 : memref<!tpu.dma_semaphore, #tpu.memory_space<semaphore_mem>>)
      %dma_wait3A_2043 = arith.constant 1 : i32
      %dma_wait3A_2044 = arith.constant 0 : i32
      %dma_wait3A_2045 = arith.constant 0 : i32
      %dma_wait3A_2046 = tpu.memref_slice %arg4[%dma_wait3A_2043, %dma_wait3A_2044, %dma_wait3A_2045] : memref<6x64x128xf32, #tpu.memory_space<vmem>> -> memref<5x64x128xf32, #tpu.memory_space<vmem>>
      %dma_wait3A_2047 = arith.constant 0 : i32
      %dma_wait3A_2048 = arith.constant 0 : i32
      %dma_wait3A_2049 = tpu.memref_slice %arg3[%add3A_2028, %dma_wait3A_2047, %dma_wait3A_2048] : memref<3768x64x128xf32, #tpu.memory_space<hbm>> -> memref<5x64x128xf32, #tpu.memory_space<hbm>>
      %dma_wait3A_2050 = arith.constant 0 : i32
      %dma_wait3A_2051 = arith.constant 0 : i32
      %dma_wait3A_2052 = tpu.memref_slice %arg3[%add3A_2028, %dma_wait3A_2050, %dma_wait3A_2051] : memref<3768x64x128xf32, #tpu.memory_space<hbm>> -> memref<5x64x128xf32, #tpu.memory_space<hbm>>
      %dma_wait3A_2053 = arith.constant 1 : i32
      %dma_wait3A_2054 = arith.constant 0 : i32
      %dma_wait3A_2055 = arith.constant 0 : i32
      %dma_wait3A_2056 = tpu.memref_slice %arg4[%dma_wait3A_2053, %dma_wait3A_2054, %dma_wait3A_2055] : memref<6x64x128xf32, #tpu.memory_space<vmem>> -> memref<5x64x128xf32, #tpu.memory_space<vmem>>
      tpu.wait_dma2 semaphore(%arg6 : memref<!tpu.dma_semaphore, #tpu.memory_space<semaphore_mem>>) src(%dma_wait3A_2056 : memref<5x64x128xf32, #tpu.memory_space<vmem>>) dst(%dma_wait3A_2052 : memref<5x64x128xf32, #tpu.memory_space<hbm>>)
    } else {
    }
    %eq3A_434 = arith.constant 3 : i32
    %eq3A_435 = arith.cmpi eq, %select_n3A_30, %eq3A_434 : i32
    %convert_element_type3A_436 = arith.extui %eq3A_435 : i1 to i32
    %cond3A_437 = arith.constant 0 : i32
    %cond3A_438 = arith.cmpi ne, %convert_element_type3A_436, %cond3A_437 : i32
    scf.if %cond3A_438 {
      %mul3A_2017 = arith.constant 942 : i32
      %mul3A_2018 = arith.muli %select_n3A, %mul3A_2017 : i32
      %add3A_2019 = arith.constant 6 : i32
      %add3A_2020 = arith.addi %mul3A_2018, %add3A_2019 : i32
      %add3A_2021 = arith.constant 900 : i32
      %add3A_2022 = arith.addi %add3A_2020, %add3A_2021 : i32
      %add3A_2023 = arith.constant 0 : i32
      %add3A_2024 = arith.addi %add3A_2022, %add3A_2023 : i32
      %add3A_2025 = arith.constant 0 : i32
      %add3A_2026 = arith.addi %add3A_2024, %add3A_2025 : i32
      %add3A_2027 = arith.constant 1 : i32
      %add3A_2028 = arith.addi %add3A_2026, %add3A_2027 : i32
      %dma_start3A_2029 = arith.constant 1 : i32
      %dma_start3A_2030 = arith.constant 0 : i32
      %dma_start3A_2031 = arith.constant 0 : i32
      %dma_start3A_2032 = tpu.memref_slice %arg4[%dma_start3A_2029, %dma_start3A_2030, %dma_start3A_2031] : memref<6x64x128xf32, #tpu.memory_space<vmem>> -> memref<5x64x128xf32, #tpu.memory_space<vmem>>
      %dma_start3A_2033 = arith.constant 0 : i32
      %dma_start3A_2034 = arith.constant 0 : i32
      %dma_start3A_2035 = tpu.memref_slice %arg3[%add3A_2028, %dma_start3A_2033, %dma_start3A_2034] : memref<3768x64x128xf32, #tpu.memory_space<hbm>> -> memref<5x64x128xf32, #tpu.memory_space<hbm>>
      %dma_start3A_2036 = arith.constant 0 : i32
      %dma_start3A_2037 = arith.constant 0 : i32
      %dma_start3A_2038 = tpu.memref_slice %arg3[%add3A_2028, %dma_start3A_2036, %dma_start3A_2037] : memref<3768x64x128xf32, #tpu.memory_space<hbm>> -> memref<5x64x128xf32, #tpu.memory_space<hbm>>
      %dma_start3A_2039 = arith.constant 1 : i32
      %dma_start3A_2040 = arith.constant 0 : i32
      %dma_start3A_2041 = arith.constant 0 : i32
      %dma_start3A_2042 = tpu.memref_slice %arg4[%dma_start3A_2039, %dma_start3A_2040, %dma_start3A_2041] : memref<6x64x128xf32, #tpu.memory_space<vmem>> -> memref<5x64x128xf32, #tpu.memory_space<vmem>>
      tpu.enqueue_dma source(%dma_start3A_2042 : memref<5x64x128xf32, #tpu.memory_space<vmem>>) target(%dma_start3A_2038 : memref<5x64x128xf32, #tpu.memory_space<hbm>>) target_semaphore(%arg6 : memref<!tpu.dma_semaphore, #tpu.memory_space<semaphore_mem>>)
      %dma_wait3A_2043 = arith.constant 1 : i32
      %dma_wait3A_2044 = arith.constant 0 : i32
      %dma_wait3A_2045 = arith.constant 0 : i32
      %dma_wait3A_2046 = tpu.memref_slice %arg4[%dma_wait3A_2043, %dma_wait3A_2044, %dma_wait3A_2045] : memref<6x64x128xf32, #tpu.memory_space<vmem>> -> memref<5x64x128xf32, #tpu.memory_space<vmem>>
      %dma_wait3A_2047 = arith.constant 0 : i32
      %dma_wait3A_2048 = arith.constant 0 : i32
      %dma_wait3A_2049 = tpu.memref_slice %arg3[%add3A_2028, %dma_wait3A_2047, %dma_wait3A_2048] : memref<3768x64x128xf32, #tpu.memory_space<hbm>> -> memref<5x64x128xf32, #tpu.memory_space<hbm>>
      %dma_wait3A_2050 = arith.constant 0 : i32
      %dma_wait3A_2051 = arith.constant 0 : i32
      %dma_wait3A_2052 = tpu.memref_slice %arg3[%add3A_2028, %dma_wait3A_2050, %dma_wait3A_2051] : memref<3768x64x128xf32, #tpu.memory_space<hbm>> -> memref<5x64x128xf32, #tpu.memory_space<hbm>>
      %dma_wait3A_2053 = arith.constant 1 : i32
      %dma_wait3A_2054 = arith.constant 0 : i32
      %dma_wait3A_2055 = arith.constant 0 : i32
      %dma_wait3A_2056 = tpu.memref_slice %arg4[%dma_wait3A_2053, %dma_wait3A_2054, %dma_wait3A_2055] : memref<6x64x128xf32, #tpu.memory_space<vmem>> -> memref<5x64x128xf32, #tpu.memory_space<vmem>>
      tpu.wait_dma2 semaphore(%arg6 : memref<!tpu.dma_semaphore, #tpu.memory_space<semaphore_mem>>) src(%dma_wait3A_2056 : memref<5x64x128xf32, #tpu.memory_space<vmem>>) dst(%dma_wait3A_2052 : memref<5x64x128xf32, #tpu.memory_space<hbm>>)
    } else {
    }
    %add3A_439 = arith.constant 0 : i32
    %add3A_440 = arith.addi %select_n3A_48, %add3A_439 : i32
    %mul3A_441 = arith.constant 942 : i32
    %mul3A_442 = arith.muli %select_n3A, %mul3A_441 : i32
    %add3A_443 = arith.constant 6 : i32
    %add3A_444 = arith.addi %mul3A_442, %add3A_443 : i32
    %mul3A_445 = arith.constant 36 : i32
    %mul3A_446 = arith.muli %mul3A_445, %add3A_440 : i32
    %add3A_447 = arith.addi %add3A_444, %mul3A_446 : i32
    %add3A_448 = arith.constant 6 : i32
    %add3A_449 = arith.addi %add3A_447, %add3A_448 : i32
    %dma_start3A_450 = arith.constant 0 : i32
    %dma_start3A_451 = arith.constant 0 : i32
    %dma_start3A_452 = arith.constant 0 : i32
    %dma_start3A_453 = tpu.memref_slice %arg4[%dma_start3A_450, %dma_start3A_451, %dma_start3A_452] : memref<6x64x128xf32, #tpu.memory_space<vmem>> -> memref<1x64x128xf32, #tpu.memory_space<vmem>>
    %dma_start3A_454 = arith.constant 0 : i32
    %dma_start3A_455 = arith.constant 0 : i32
    %dma_start3A_456 = tpu.memref_slice %arg3[%add3A_449, %dma_start3A_454, %dma_start3A_455] : memref<3768x64x128xf32, #tpu.memory_space<hbm>> -> memref<1x64x128xf32, #tpu.memory_space<hbm>>
    %dma_start3A_457 = arith.constant 0 : i32
    %dma_start3A_458 = arith.constant 0 : i32
    %dma_start3A_459 = tpu.memref_slice %arg3[%add3A_449, %dma_start3A_457, %dma_start3A_458] : memref<3768x64x128xf32, #tpu.memory_space<hbm>> -> memref<1x64x128xf32, #tpu.memory_space<hbm>>
    %dma_start3A_460 = arith.constant 0 : i32
    %dma_start3A_461 = arith.constant 0 : i32
    %dma_start3A_462 = arith.constant 0 : i32
    %dma_start3A_463 = tpu.memref_slice %arg4[%dma_start3A_460, %dma_start3A_461, %dma_start3A_462] : memref<6x64x128xf32, #tpu.memory_space<vmem>> -> memref<1x64x128xf32, #tpu.memory_space<vmem>>
    tpu.enqueue_dma source(%dma_start3A_463 : memref<1x64x128xf32, #tpu.memory_space<vmem>>) target(%dma_start3A_459 : memref<1x64x128xf32, #tpu.memory_space<hbm>>) target_semaphore(%arg6 : memref<!tpu.dma_semaphore, #tpu.memory_space<semaphore_mem>>)
    %add3A_464 = arith.constant 1 : i32
    %add3A_465 = arith.addi %add3A_449, %add3A_464 : i32
    %dma_start3A_466 = arith.constant 4 : i32
    %dma_start3A_467 = arith.constant 0 : i32
    %dma_start3A_468 = arith.constant 0 : i32
    %dma_start3A_469 = tpu.memref_slice %arg5[%dma_start3A_466, %dma_start3A_467, %dma_start3A_468] : memref<8x64x128xf32, #tpu.memory_space<vmem>> -> memref<1x64x128xf32, #tpu.memory_space<vmem>>
    %dma_start3A_470 = arith.constant 0 : i32
    %dma_start3A_471 = arith.constant 0 : i32
    %dma_start3A_472 = tpu.memref_slice %arg3[%add3A_465, %dma_start3A_470, %dma_start3A_471] : memref<3768x64x128xf32, #tpu.memory_space<hbm>> -> memref<1x64x128xf32, #tpu.memory_space<hbm>>
    %dma_start3A_473 = arith.constant 0 : i32
    %dma_start3A_474 = arith.constant 0 : i32
    %dma_start3A_475 = tpu.memref_slice %arg3[%add3A_465, %dma_start3A_473, %dma_start3A_474] : memref<3768x64x128xf32, #tpu.memory_space<hbm>> -> memref<1x64x128xf32, #tpu.memory_space<hbm>>
    %dma_start3A_476 = arith.constant 4 : i32
    %dma_start3A_477 = arith.constant 0 : i32
    %dma_start3A_478 = arith.constant 0 : i32
    %dma_start3A_479 = tpu.memref_slice %arg5[%dma_start3A_476, %dma_start3A_477, %dma_start3A_478] : memref<8x64x128xf32, #tpu.memory_space<vmem>> -> memref<1x64x128xf32, #tpu.memory_space<vmem>>
    tpu.enqueue_dma source(%dma_start3A_479 : memref<1x64x128xf32, #tpu.memory_space<vmem>>) target(%dma_start3A_475 : memref<1x64x128xf32, #tpu.memory_space<hbm>>) target_semaphore(%arg6 : memref<!tpu.dma_semaphore, #tpu.memory_space<semaphore_mem>>)
    %add3A_480 = arith.constant 1 : i32
    %add3A_481 = arith.addi %add3A_449, %add3A_480 : i32
    %add3A_482 = arith.constant 1 : i32
    %add3A_483 = arith.addi %add3A_481, %add3A_482 : i32
    %dma_start3A_484 = arith.constant 2 : i32
    %dma_start3A_485 = arith.constant 0 : i32
    %dma_start3A_486 = arith.constant 0 : i32
    %dma_start3A_487 = tpu.memref_slice %arg4[%dma_start3A_484, %dma_start3A_485, %dma_start3A_486] : memref<6x64x128xf32, #tpu.memory_space<vmem>> -> memref<4x64x128xf32, #tpu.memory_space<vmem>>
    %dma_start3A_488 = arith.constant 0 : i32
    %dma_start3A_489 = arith.constant 0 : i32
    %dma_start3A_490 = tpu.memref_slice %arg3[%add3A_483, %dma_start3A_488, %dma_start3A_489] : memref<3768x64x128xf32, #tpu.memory_space<hbm>> -> memref<4x64x128xf32, #tpu.memory_space<hbm>>
    %dma_start3A_491 = arith.constant 0 : i32
    %dma_start3A_492 = arith.constant 0 : i32
    %dma_start3A_493 = tpu.memref_slice %arg3[%add3A_483, %dma_start3A_491, %dma_start3A_492] : memref<3768x64x128xf32, #tpu.memory_space<hbm>> -> memref<4x64x128xf32, #tpu.memory_space<hbm>>
    %dma_start3A_494 = arith.constant 2 : i32
    %dma_start3A_495 = arith.constant 0 : i32
    %dma_start3A_496 = arith.constant 0 : i32
    %dma_start3A_497 = tpu.memref_slice %arg4[%dma_start3A_494, %dma_start3A_495, %dma_start3A_496] : memref<6x64x128xf32, #tpu.memory_space<vmem>> -> memref<4x64x128xf32, #tpu.memory_space<vmem>>
    tpu.enqueue_dma source(%dma_start3A_497 : memref<4x64x128xf32, #tpu.memory_space<vmem>>) target(%dma_start3A_493 : memref<4x64x128xf32, #tpu.memory_space<hbm>>) target_semaphore(%arg6 : memref<!tpu.dma_semaphore, #tpu.memory_space<semaphore_mem>>)
    %add3A_498 = arith.constant 8 : i32
    %add3A_499 = arith.addi %select_n3A_48, %add3A_498 : i32
    %mul3A_500 = arith.constant 942 : i32
    %mul3A_501 = arith.muli %select_n3A, %mul3A_500 : i32
    %add3A_502 = arith.constant 6 : i32
    %add3A_503 = arith.addi %mul3A_501, %add3A_502 : i32
    %mul3A_504 = arith.constant 36 : i32
    %mul3A_505 = arith.muli %mul3A_504, %add3A_499 : i32
    %add3A_506 = arith.addi %add3A_503, %mul3A_505 : i32
    %add3A_507 = arith.constant 6 : i32
    %add3A_508 = arith.addi %add3A_506, %add3A_507 : i32
    %dma_start3A_509 = arith.constant 0 : i32
    %dma_start3A_510 = arith.constant 0 : i32
    %dma_start3A_511 = arith.constant 0 : i32
    %dma_start3A_512 = tpu.memref_slice %arg4[%dma_start3A_509, %dma_start3A_510, %dma_start3A_511] : memref<6x64x128xf32, #tpu.memory_space<vmem>> -> memref<1x64x128xf32, #tpu.memory_space<vmem>>
    %dma_start3A_513 = arith.constant 0 : i32
    %dma_start3A_514 = arith.constant 0 : i32
    %dma_start3A_515 = tpu.memref_slice %arg3[%add3A_508, %dma_start3A_513, %dma_start3A_514] : memref<3768x64x128xf32, #tpu.memory_space<hbm>> -> memref<1x64x128xf32, #tpu.memory_space<hbm>>
    %dma_start3A_516 = arith.constant 0 : i32
    %dma_start3A_517 = arith.constant 0 : i32
    %dma_start3A_518 = tpu.memref_slice %arg3[%add3A_508, %dma_start3A_516, %dma_start3A_517] : memref<3768x64x128xf32, #tpu.memory_space<hbm>> -> memref<1x64x128xf32, #tpu.memory_space<hbm>>
    %dma_start3A_519 = arith.constant 0 : i32
    %dma_start3A_520 = arith.constant 0 : i32
    %dma_start3A_521 = arith.constant 0 : i32
    %dma_start3A_522 = tpu.memref_slice %arg4[%dma_start3A_519, %dma_start3A_520, %dma_start3A_521] : memref<6x64x128xf32, #tpu.memory_space<vmem>> -> memref<1x64x128xf32, #tpu.memory_space<vmem>>
    tpu.enqueue_dma source(%dma_start3A_522 : memref<1x64x128xf32, #tpu.memory_space<vmem>>) target(%dma_start3A_518 : memref<1x64x128xf32, #tpu.memory_space<hbm>>) target_semaphore(%arg6 : memref<!tpu.dma_semaphore, #tpu.memory_space<semaphore_mem>>)
    %add3A_523 = arith.constant 1 : i32
    %add3A_524 = arith.addi %add3A_508, %add3A_523 : i32
    %dma_start3A_525 = arith.constant 5 : i32
    %dma_start3A_526 = arith.constant 0 : i32
    %dma_start3A_527 = arith.constant 0 : i32
    %dma_start3A_528 = tpu.memref_slice %arg5[%dma_start3A_525, %dma_start3A_526, %dma_start3A_527] : memref<8x64x128xf32, #tpu.memory_space<vmem>> -> memref<1x64x128xf32, #tpu.memory_space<vmem>>
    %dma_start3A_529 = arith.constant 0 : i32
    %dma_start3A_530 = arith.constant 0 : i32
    %dma_start3A_531 = tpu.memref_slice %arg3[%add3A_524, %dma_start3A_529, %dma_start3A_530] : memref<3768x64x128xf32, #tpu.memory_space<hbm>> -> memref<1x64x128xf32, #tpu.memory_space<hbm>>
    %dma_start3A_532 = arith.constant 0 : i32
    %dma_start3A_533 = arith.constant 0 : i32
    %dma_start3A_534 = tpu.memref_slice %arg3[%add3A_524, %dma_start3A_532, %dma_start3A_533] : memref<3768x64x128xf32, #tpu.memory_space<hbm>> -> memref<1x64x128xf32, #tpu.memory_space<hbm>>
    %dma_start3A_535 = arith.constant 5 : i32
    %dma_start3A_536 = arith.constant 0 : i32
    %dma_start3A_537 = arith.constant 0 : i32
    %dma_start3A_538 = tpu.memref_slice %arg5[%dma_start3A_535, %dma_start3A_536, %dma_start3A_537] : memref<8x64x128xf32, #tpu.memory_space<vmem>> -> memref<1x64x128xf32, #tpu.memory_space<vmem>>
    tpu.enqueue_dma source(%dma_start3A_538 : memref<1x64x128xf32, #tpu.memory_space<vmem>>) target(%dma_start3A_534 : memref<1x64x128xf32, #tpu.memory_space<hbm>>) target_semaphore(%arg6 : memref<!tpu.dma_semaphore, #tpu.memory_space<semaphore_mem>>)
    %add3A_539 = arith.constant 1 : i32
    %add3A_540 = arith.addi %add3A_508, %add3A_539 : i32
    %add3A_541 = arith.constant 1 : i32
    %add3A_542 = arith.addi %add3A_540, %add3A_541 : i32
    %dma_start3A_543 = arith.constant 2 : i32
    %dma_start3A_544 = arith.constant 0 : i32
    %dma_start3A_545 = arith.constant 0 : i32
    %dma_start3A_546 = tpu.memref_slice %arg4[%dma_start3A_543, %dma_start3A_544, %dma_start3A_545] : memref<6x64x128xf32, #tpu.memory_space<vmem>> -> memref<4x64x128xf32, #tpu.memory_space<vmem>>
    %dma_start3A_547 = arith.constant 0 : i32
    %dma_start3A_548 = arith.constant 0 : i32
    %dma_start3A_549 = tpu.memref_slice %arg3[%add3A_542, %dma_start3A_547, %dma_start3A_548] : memref<3768x64x128xf32, #tpu.memory_space<hbm>> -> memref<4x64x128xf32, #tpu.memory_space<hbm>>
    %dma_start3A_550 = arith.constant 0 : i32
    %dma_start3A_551 = arith.constant 0 : i32
    %dma_start3A_552 = tpu.memref_slice %arg3[%add3A_542, %dma_start3A_550, %dma_start3A_551] : memref<3768x64x128xf32, #tpu.memory_space<hbm>> -> memref<4x64x128xf32, #tpu.memory_space<hbm>>
    %dma_start3A_553 = arith.constant 2 : i32
    %dma_start3A_554 = arith.constant 0 : i32
    %dma_start3A_555 = arith.constant 0 : i32
    %dma_start3A_556 = tpu.memref_slice %arg4[%dma_start3A_553, %dma_start3A_554, %dma_start3A_555] : memref<6x64x128xf32, #tpu.memory_space<vmem>> -> memref<4x64x128xf32, #tpu.memory_space<vmem>>
    tpu.enqueue_dma source(%dma_start3A_556 : memref<4x64x128xf32, #tpu.memory_space<vmem>>) target(%dma_start3A_552 : memref<4x64x128xf32, #tpu.memory_space<hbm>>) target_semaphore(%arg6 : memref<!tpu.dma_semaphore, #tpu.memory_space<semaphore_mem>>)
    %add3A_557 = arith.constant 16 : i32
    %add3A_558 = arith.addi %select_n3A_48, %add3A_557 : i32
    %mul3A_559 = arith.constant 942 : i32
    %mul3A_560 = arith.muli %select_n3A, %mul3A_559 : i32
    %add3A_561 = arith.constant 6 : i32
    %add3A_562 = arith.addi %mul3A_560, %add3A_561 : i32
    %mul3A_563 = arith.constant 36 : i32
    %mul3A_564 = arith.muli %mul3A_563, %add3A_558 : i32
    %add3A_565 = arith.addi %add3A_562, %mul3A_564 : i32
    %add3A_566 = arith.constant 6 : i32
    %add3A_567 = arith.addi %add3A_565, %add3A_566 : i32
    %dma_start3A_568 = arith.constant 0 : i32
    %dma_start3A_569 = arith.constant 0 : i32
    %dma_start3A_570 = arith.constant 0 : i32
    %dma_start3A_571 = tpu.memref_slice %arg4[%dma_start3A_568, %dma_start3A_569, %dma_start3A_570] : memref<6x64x128xf32, #tpu.memory_space<vmem>> -> memref<1x64x128xf32, #tpu.memory_space<vmem>>
    %dma_start3A_572 = arith.constant 0 : i32
    %dma_start3A_573 = arith.constant 0 : i32
    %dma_start3A_574 = tpu.memref_slice %arg3[%add3A_567, %dma_start3A_572, %dma_start3A_573] : memref<3768x64x128xf32, #tpu.memory_space<hbm>> -> memref<1x64x128xf32, #tpu.memory_space<hbm>>
    %dma_start3A_575 = arith.constant 0 : i32
    %dma_start3A_576 = arith.constant 0 : i32
    %dma_start3A_577 = tpu.memref_slice %arg3[%add3A_567, %dma_start3A_575, %dma_start3A_576] : memref<3768x64x128xf32, #tpu.memory_space<hbm>> -> memref<1x64x128xf32, #tpu.memory_space<hbm>>
    %dma_start3A_578 = arith.constant 0 : i32
    %dma_start3A_579 = arith.constant 0 : i32
    %dma_start3A_580 = arith.constant 0 : i32
    %dma_start3A_581 = tpu.memref_slice %arg4[%dma_start3A_578, %dma_start3A_579, %dma_start3A_580] : memref<6x64x128xf32, #tpu.memory_space<vmem>> -> memref<1x64x128xf32, #tpu.memory_space<vmem>>
    tpu.enqueue_dma source(%dma_start3A_581 : memref<1x64x128xf32, #tpu.memory_space<vmem>>) target(%dma_start3A_577 : memref<1x64x128xf32, #tpu.memory_space<hbm>>) target_semaphore(%arg6 : memref<!tpu.dma_semaphore, #tpu.memory_space<semaphore_mem>>)
    %add3A_582 = arith.constant 1 : i32
    %add3A_583 = arith.addi %add3A_567, %add3A_582 : i32
    %dma_start3A_584 = arith.constant 6 : i32
    %dma_start3A_585 = arith.constant 0 : i32
    %dma_start3A_586 = arith.constant 0 : i32
    %dma_start3A_587 = tpu.memref_slice %arg5[%dma_start3A_584, %dma_start3A_585, %dma_start3A_586] : memref<8x64x128xf32, #tpu.memory_space<vmem>> -> memref<1x64x128xf32, #tpu.memory_space<vmem>>
    %dma_start3A_588 = arith.constant 0 : i32
    %dma_start3A_589 = arith.constant 0 : i32
    %dma_start3A_590 = tpu.memref_slice %arg3[%add3A_583, %dma_start3A_588, %dma_start3A_589] : memref<3768x64x128xf32, #tpu.memory_space<hbm>> -> memref<1x64x128xf32, #tpu.memory_space<hbm>>
    %dma_start3A_591 = arith.constant 0 : i32
    %dma_start3A_592 = arith.constant 0 : i32
    %dma_start3A_593 = tpu.memref_slice %arg3[%add3A_583, %dma_start3A_591, %dma_start3A_592] : memref<3768x64x128xf32, #tpu.memory_space<hbm>> -> memref<1x64x128xf32, #tpu.memory_space<hbm>>
    %dma_start3A_594 = arith.constant 6 : i32
    %dma_start3A_595 = arith.constant 0 : i32
    %dma_start3A_596 = arith.constant 0 : i32
    %dma_start3A_597 = tpu.memref_slice %arg5[%dma_start3A_594, %dma_start3A_595, %dma_start3A_596] : memref<8x64x128xf32, #tpu.memory_space<vmem>> -> memref<1x64x128xf32, #tpu.memory_space<vmem>>
    tpu.enqueue_dma source(%dma_start3A_597 : memref<1x64x128xf32, #tpu.memory_space<vmem>>) target(%dma_start3A_593 : memref<1x64x128xf32, #tpu.memory_space<hbm>>) target_semaphore(%arg6 : memref<!tpu.dma_semaphore, #tpu.memory_space<semaphore_mem>>)
    %add3A_598 = arith.constant 1 : i32
    %add3A_599 = arith.addi %add3A_567, %add3A_598 : i32
    %add3A_600 = arith.constant 1 : i32
    %add3A_601 = arith.addi %add3A_599, %add3A_600 : i32
    %dma_start3A_602 = arith.constant 2 : i32
    %dma_start3A_603 = arith.constant 0 : i32
    %dma_start3A_604 = arith.constant 0 : i32
    %dma_start3A_605 = tpu.memref_slice %arg4[%dma_start3A_602, %dma_start3A_603, %dma_start3A_604] : memref<6x64x128xf32, #tpu.memory_space<vmem>> -> memref<4x64x128xf32, #tpu.memory_space<vmem>>
    %dma_start3A_606 = arith.constant 0 : i32
    %dma_start3A_607 = arith.constant 0 : i32
    %dma_start3A_608 = tpu.memref_slice %arg3[%add3A_601, %dma_start3A_606, %dma_start3A_607] : memref<3768x64x128xf32, #tpu.memory_space<hbm>> -> memref<4x64x128xf32, #tpu.memory_space<hbm>>
    %dma_start3A_609 = arith.constant 0 : i32
    %dma_start3A_610 = arith.constant 0 : i32
    %dma_start3A_611 = tpu.memref_slice %arg3[%add3A_601, %dma_start3A_609, %dma_start3A_610] : memref<3768x64x128xf32, #tpu.memory_space<hbm>> -> memref<4x64x128xf32, #tpu.memory_space<hbm>>
    %dma_start3A_612 = arith.constant 2 : i32
    %dma_start3A_613 = arith.constant 0 : i32
    %dma_start3A_614 = arith.constant 0 : i32
    %dma_start3A_615 = tpu.memref_slice %arg4[%dma_start3A_612, %dma_start3A_613, %dma_start3A_614] : memref<6x64x128xf32, #tpu.memory_space<vmem>> -> memref<4x64x128xf32, #tpu.memory_space<vmem>>
    tpu.enqueue_dma source(%dma_start3A_615 : memref<4x64x128xf32, #tpu.memory_space<vmem>>) target(%dma_start3A_611 : memref<4x64x128xf32, #tpu.memory_space<hbm>>) target_semaphore(%arg6 : memref<!tpu.dma_semaphore, #tpu.memory_space<semaphore_mem>>)
    %lt3A_616 = arith.constant 2 : i32
    %lt3A_617 = arith.cmpi slt, %select_n3A_48, %lt3A_616 : i32
    %convert_element_type3A_618 = arith.extui %lt3A_617 : i1 to i32
    %cond3A_619 = arith.constant 0 : i32
    %cond3A_620 = arith.cmpi ne, %convert_element_type3A_618, %cond3A_619 : i32
    scf.if %cond3A_620 {
      %add3A_2017 = arith.constant 24 : i32
      %add3A_2018 = arith.addi %select_n3A_48, %add3A_2017 : i32
      %mul3A_2019 = arith.constant 942 : i32
      %mul3A_2020 = arith.muli %select_n3A, %mul3A_2019 : i32
      %add3A_2021 = arith.constant 6 : i32
      %add3A_2022 = arith.addi %mul3A_2020, %add3A_2021 : i32
      %mul3A_2023 = arith.constant 36 : i32
      %mul3A_2024 = arith.muli %mul3A_2023, %add3A_2018 : i32
      %add3A_2025 = arith.addi %add3A_2022, %mul3A_2024 : i32
      %add3A_2026 = arith.constant 6 : i32
      %add3A_2027 = arith.addi %add3A_2025, %add3A_2026 : i32
      %add3A_2028 = arith.constant 1 : i32
      %add3A_2029 = arith.addi %add3A_2027, %add3A_2028 : i32
      "tpu.region"() ({
        %run_scoped3A = tpu.sem_alloc : memref<!tpu.dma_semaphore, #tpu.memory_space<semaphore_mem>>
        %dma_start3A_2030 = arith.constant 7 : i32
        %dma_start3A_2031 = arith.constant 0 : i32
        %dma_start3A_2032 = arith.constant 0 : i32
        %dma_start3A_2033 = tpu.memref_slice %arg5[%dma_start3A_2030, %dma_start3A_2031, %dma_start3A_2032] : memref<8x64x128xf32, #tpu.memory_space<vmem>> -> memref<1x64x128xf32, #tpu.memory_space<vmem>>
        %dma_start3A_2034 = arith.constant 0 : i32
        %dma_start3A_2035 = arith.constant 0 : i32
        %dma_start3A_2036 = tpu.memref_slice %arg3[%add3A_2029, %dma_start3A_2034, %dma_start3A_2035] : memref<3768x64x128xf32, #tpu.memory_space<hbm>> -> memref<1x64x128xf32, #tpu.memory_space<hbm>>
        %dma_start3A_2037 = arith.constant 0 : i32
        %dma_start3A_2038 = arith.constant 0 : i32
        %dma_start3A_2039 = tpu.memref_slice %arg3[%add3A_2029, %dma_start3A_2037, %dma_start3A_2038] : memref<3768x64x128xf32, #tpu.memory_space<hbm>> -> memref<1x64x128xf32, #tpu.memory_space<hbm>>
        %dma_start3A_2040 = arith.constant 7 : i32
        %dma_start3A_2041 = arith.constant 0 : i32
        %dma_start3A_2042 = arith.constant 0 : i32
        %dma_start3A_2043 = tpu.memref_slice %arg5[%dma_start3A_2040, %dma_start3A_2041, %dma_start3A_2042] : memref<8x64x128xf32, #tpu.memory_space<vmem>> -> memref<1x64x128xf32, #tpu.memory_space<vmem>>
        tpu.enqueue_dma source(%dma_start3A_2043 : memref<1x64x128xf32, #tpu.memory_space<vmem>>) target(%dma_start3A_2039 : memref<1x64x128xf32, #tpu.memory_space<hbm>>) target_semaphore(%run_scoped3A : memref<!tpu.dma_semaphore, #tpu.memory_space<semaphore_mem>>)
        %dma_wait3A_2044 = arith.constant 7 : i32
        %dma_wait3A_2045 = arith.constant 0 : i32
        %dma_wait3A_2046 = arith.constant 0 : i32
        %dma_wait3A_2047 = tpu.memref_slice %arg5[%dma_wait3A_2044, %dma_wait3A_2045, %dma_wait3A_2046] : memref<8x64x128xf32, #tpu.memory_space<vmem>> -> memref<1x64x128xf32, #tpu.memory_space<vmem>>
        %dma_wait3A_2048 = arith.constant 0 : i32
        %dma_wait3A_2049 = arith.constant 0 : i32
        %dma_wait3A_2050 = tpu.memref_slice %arg3[%add3A_2029, %dma_wait3A_2048, %dma_wait3A_2049] : memref<3768x64x128xf32, #tpu.memory_space<hbm>> -> memref<1x64x128xf32, #tpu.memory_space<hbm>>
        %dma_wait3A_2051 = arith.constant 0 : i32
        %dma_wait3A_2052 = arith.constant 0 : i32
        %dma_wait3A_2053 = tpu.memref_slice %arg3[%add3A_2029, %dma_wait3A_2051, %dma_wait3A_2052] : memref<3768x64x128xf32, #tpu.memory_space<hbm>> -> memref<1x64x128xf32, #tpu.memory_space<hbm>>
        %dma_wait3A_2054 = arith.constant 7 : i32
        %dma_wait3A_2055 = arith.constant 0 : i32
        %dma_wait3A_2056 = arith.constant 0 : i32
        %dma_wait3A_2057 = tpu.memref_slice %arg5[%dma_wait3A_2054, %dma_wait3A_2055, %dma_wait3A_2056] : memref<8x64x128xf32, #tpu.memory_space<vmem>> -> memref<1x64x128xf32, #tpu.memory_space<vmem>>
        tpu.wait_dma2 semaphore(%run_scoped3A : memref<!tpu.dma_semaphore, #tpu.memory_space<semaphore_mem>>) src(%dma_wait3A_2057 : memref<1x64x128xf32, #tpu.memory_space<vmem>>) dst(%dma_wait3A_2053 : memref<1x64x128xf32, #tpu.memory_space<hbm>>)
        tpu.yield
      }) : () -> ()
    } else {
    }
    %eq3A_621 = arith.constant 6 : i32
    %eq3A_622 = arith.cmpi eq, %select_n3A_30, %eq3A_621 : i32
    %convert_element_type3A_623 = arith.extui %eq3A_622 : i1 to i32
    %cond3A_624 = arith.constant 0 : i32
    %cond3A_625 = arith.cmpi ne, %convert_element_type3A_623, %cond3A_624 : i32
    scf.if %cond3A_625 {
      %mul3A_2017 = arith.constant 942 : i32
      %mul3A_2018 = arith.muli %select_n3A, %mul3A_2017 : i32
      %add3A_2019 = arith.constant 6 : i32
      %add3A_2020 = arith.addi %mul3A_2018, %add3A_2019 : i32
      %add3A_2021 = arith.constant 864 : i32
      %add3A_2022 = arith.addi %add3A_2020, %add3A_2021 : i32
      %add3A_2023 = arith.constant 6 : i32
      %add3A_2024 = arith.addi %add3A_2022, %add3A_2023 : i32
      %dma_start3A_2025 = arith.constant 0 : i32
      %dma_start3A_2026 = arith.constant 0 : i32
      %dma_start3A_2027 = arith.constant 0 : i32
      %dma_start3A_2028 = tpu.memref_slice %arg4[%dma_start3A_2025, %dma_start3A_2026, %dma_start3A_2027] : memref<6x64x128xf32, #tpu.memory_space<vmem>> -> memref<1x64x128xf32, #tpu.memory_space<vmem>>
      %dma_start3A_2029 = arith.constant 0 : i32
      %dma_start3A_2030 = arith.constant 0 : i32
      %dma_start3A_2031 = tpu.memref_slice %arg3[%add3A_2024, %dma_start3A_2029, %dma_start3A_2030] : memref<3768x64x128xf32, #tpu.memory_space<hbm>> -> memref<1x64x128xf32, #tpu.memory_space<hbm>>
      %dma_start3A_2032 = arith.constant 0 : i32
      %dma_start3A_2033 = arith.constant 0 : i32
      %dma_start3A_2034 = tpu.memref_slice %arg3[%add3A_2024, %dma_start3A_2032, %dma_start3A_2033] : memref<3768x64x128xf32, #tpu.memory_space<hbm>> -> memref<1x64x128xf32, #tpu.memory_space<hbm>>
      %dma_start3A_2035 = arith.constant 0 : i32
      %dma_start3A_2036 = arith.constant 0 : i32
      %dma_start3A_2037 = arith.constant 0 : i32
      %dma_start3A_2038 = tpu.memref_slice %arg4[%dma_start3A_2035, %dma_start3A_2036, %dma_start3A_2037] : memref<6x64x128xf32, #tpu.memory_space<vmem>> -> memref<1x64x128xf32, #tpu.memory_space<vmem>>
      tpu.enqueue_dma source(%dma_start3A_2038 : memref<1x64x128xf32, #tpu.memory_space<vmem>>) target(%dma_start3A_2034 : memref<1x64x128xf32, #tpu.memory_space<hbm>>) target_semaphore(%arg6 : memref<!tpu.dma_semaphore, #tpu.memory_space<semaphore_mem>>)
      %add3A_2039 = arith.constant 1 : i32
      %add3A_2040 = arith.addi %add3A_2024, %add3A_2039 : i32
      %add3A_2041 = arith.constant 1 : i32
      %add3A_2042 = arith.addi %add3A_2040, %add3A_2041 : i32
      %dma_start3A_2043 = arith.constant 2 : i32
      %dma_start3A_2044 = arith.constant 0 : i32
      %dma_start3A_2045 = arith.constant 0 : i32
      %dma_start3A_2046 = tpu.memref_slice %arg4[%dma_start3A_2043, %dma_start3A_2044, %dma_start3A_2045] : memref<6x64x128xf32, #tpu.memory_space<vmem>> -> memref<4x64x128xf32, #tpu.memory_space<vmem>>
      %dma_start3A_2047 = arith.constant 0 : i32
      %dma_start3A_2048 = arith.constant 0 : i32
      %dma_start3A_2049 = tpu.memref_slice %arg3[%add3A_2042, %dma_start3A_2047, %dma_start3A_2048] : memref<3768x64x128xf32, #tpu.memory_space<hbm>> -> memref<4x64x128xf32, #tpu.memory_space<hbm>>
      %dma_start3A_2050 = arith.constant 0 : i32
      %dma_start3A_2051 = arith.constant 0 : i32
      %dma_start3A_2052 = tpu.memref_slice %arg3[%add3A_2042, %dma_start3A_2050, %dma_start3A_2051] : memref<3768x64x128xf32, #tpu.memory_space<hbm>> -> memref<4x64x128xf32, #tpu.memory_space<hbm>>
      %dma_start3A_2053 = arith.constant 2 : i32
      %dma_start3A_2054 = arith.constant 0 : i32
      %dma_start3A_2055 = arith.constant 0 : i32
      %dma_start3A_2056 = tpu.memref_slice %arg4[%dma_start3A_2053, %dma_start3A_2054, %dma_start3A_2055] : memref<6x64x128xf32, #tpu.memory_space<vmem>> -> memref<4x64x128xf32, #tpu.memory_space<vmem>>
      tpu.enqueue_dma source(%dma_start3A_2056 : memref<4x64x128xf32, #tpu.memory_space<vmem>>) target(%dma_start3A_2052 : memref<4x64x128xf32, #tpu.memory_space<hbm>>) target_semaphore(%arg6 : memref<!tpu.dma_semaphore, #tpu.memory_space<semaphore_mem>>)
      %dma_wait3A_2057 = arith.constant 0 : i32
      %dma_wait3A_2058 = arith.constant 0 : i32
      %dma_wait3A_2059 = arith.constant 0 : i32
      %dma_wait3A_2060 = tpu.memref_slice %arg4[%dma_wait3A_2057, %dma_wait3A_2058, %dma_wait3A_2059] : memref<6x64x128xf32, #tpu.memory_space<vmem>> -> memref<1x64x128xf32, #tpu.memory_space<vmem>>
      %dma_wait3A_2061 = arith.constant 0 : i32
      %dma_wait3A_2062 = arith.constant 0 : i32
      %dma_wait3A_2063 = tpu.memref_slice %arg3[%add3A_2024, %dma_wait3A_2061, %dma_wait3A_2062] : memref<3768x64x128xf32, #tpu.memory_space<hbm>> -> memref<1x64x128xf32, #tpu.memory_space<hbm>>
      %dma_wait3A_2064 = arith.constant 0 : i32
      %dma_wait3A_2065 = arith.constant 0 : i32
      %dma_wait3A_2066 = tpu.memref_slice %arg3[%add3A_2024, %dma_wait3A_2064, %dma_wait3A_2065] : memref<3768x64x128xf32, #tpu.memory_space<hbm>> -> memref<1x64x128xf32, #tpu.memory_space<hbm>>
      %dma_wait3A_2067 = arith.constant 0 : i32
      %dma_wait3A_2068 = arith.constant 0 : i32
      %dma_wait3A_2069 = arith.constant 0 : i32
      %dma_wait3A_2070 = tpu.memref_slice %arg4[%dma_wait3A_2067, %dma_wait3A_2068, %dma_wait3A_2069] : memref<6x64x128xf32, #tpu.memory_space<vmem>> -> memref<1x64x128xf32, #tpu.memory_space<vmem>>
      tpu.wait_dma2 semaphore(%arg6 : memref<!tpu.dma_semaphore, #tpu.memory_space<semaphore_mem>>) src(%dma_wait3A_2070 : memref<1x64x128xf32, #tpu.memory_space<vmem>>) dst(%dma_wait3A_2066 : memref<1x64x128xf32, #tpu.memory_space<hbm>>)
      %dma_wait3A_2071 = arith.constant 2 : i32
      %dma_wait3A_2072 = arith.constant 0 : i32
      %dma_wait3A_2073 = arith.constant 0 : i32
      %dma_wait3A_2074 = tpu.memref_slice %arg4[%dma_wait3A_2071, %dma_wait3A_2072, %dma_wait3A_2073] : memref<6x64x128xf32, #tpu.memory_space<vmem>> -> memref<4x64x128xf32, #tpu.memory_space<vmem>>
      %dma_wait3A_2075 = arith.constant 0 : i32
      %dma_wait3A_2076 = arith.constant 0 : i32
      %dma_wait3A_2077 = tpu.memref_slice %arg3[%add3A_2042, %dma_wait3A_2075, %dma_wait3A_2076] : memref<3768x64x128xf32, #tpu.memory_space<hbm>> -> memref<4x64x128xf32, #tpu.memory_space<hbm>>
      %dma_wait3A_2078 = arith.constant 0 : i32
      %dma_wait3A_2079 = arith.constant 0 : i32
      %dma_wait3A_2080 = tpu.memref_slice %arg3[%add3A_2042, %dma_wait3A_2078, %dma_wait3A_2079] : memref<3768x64x128xf32, #tpu.memory_space<hbm>> -> memref<4x64x128xf32, #tpu.memory_space<hbm>>
      %dma_wait3A_2081 = arith.constant 2 : i32
      %dma_wait3A_2082 = arith.constant 0 : i32
      %dma_wait3A_2083 = arith.constant 0 : i32
      %dma_wait3A_2084 = tpu.memref_slice %arg4[%dma_wait3A_2081, %dma_wait3A_2082, %dma_wait3A_2083] : memref<6x64x128xf32, #tpu.memory_space<vmem>> -> memref<4x64x128xf32, #tpu.memory_space<vmem>>
      tpu.wait_dma2 semaphore(%arg6 : memref<!tpu.dma_semaphore, #tpu.memory_space<semaphore_mem>>) src(%dma_wait3A_2084 : memref<4x64x128xf32, #tpu.memory_space<vmem>>) dst(%dma_wait3A_2080 : memref<4x64x128xf32, #tpu.memory_space<hbm>>)
    } else {
    }
    %eq3A_626 = arith.constant 7 : i32
    %eq3A_627 = arith.cmpi eq, %select_n3A_30, %eq3A_626 : i32
    %convert_element_type3A_628 = arith.extui %eq3A_627 : i1 to i32
    %cond3A_629 = arith.constant 0 : i32
    %cond3A_630 = arith.cmpi ne, %convert_element_type3A_628, %cond3A_629 : i32
    scf.if %cond3A_630 {
      %mul3A_2017 = arith.constant 942 : i32
      %mul3A_2018 = arith.muli %select_n3A, %mul3A_2017 : i32
      %add3A_2019 = arith.constant 6 : i32
      %add3A_2020 = arith.addi %mul3A_2018, %add3A_2019 : i32
      %add3A_2021 = arith.constant 900 : i32
      %add3A_2022 = arith.addi %add3A_2020, %add3A_2021 : i32
      %add3A_2023 = arith.constant 6 : i32
      %add3A_2024 = arith.addi %add3A_2022, %add3A_2023 : i32
      %dma_start3A_2025 = arith.constant 0 : i32
      %dma_start3A_2026 = arith.constant 0 : i32
      %dma_start3A_2027 = arith.constant 0 : i32
      %dma_start3A_2028 = tpu.memref_slice %arg4[%dma_start3A_2025, %dma_start3A_2026, %dma_start3A_2027] : memref<6x64x128xf32, #tpu.memory_space<vmem>> -> memref<1x64x128xf32, #tpu.memory_space<vmem>>
      %dma_start3A_2029 = arith.constant 0 : i32
      %dma_start3A_2030 = arith.constant 0 : i32
      %dma_start3A_2031 = tpu.memref_slice %arg3[%add3A_2024, %dma_start3A_2029, %dma_start3A_2030] : memref<3768x64x128xf32, #tpu.memory_space<hbm>> -> memref<1x64x128xf32, #tpu.memory_space<hbm>>
      %dma_start3A_2032 = arith.constant 0 : i32
      %dma_start3A_2033 = arith.constant 0 : i32
      %dma_start3A_2034 = tpu.memref_slice %arg3[%add3A_2024, %dma_start3A_2032, %dma_start3A_2033] : memref<3768x64x128xf32, #tpu.memory_space<hbm>> -> memref<1x64x128xf32, #tpu.memory_space<hbm>>
      %dma_start3A_2035 = arith.constant 0 : i32
      %dma_start3A_2036 = arith.constant 0 : i32
      %dma_start3A_2037 = arith.constant 0 : i32
      %dma_start3A_2038 = tpu.memref_slice %arg4[%dma_start3A_2035, %dma_start3A_2036, %dma_start3A_2037] : memref<6x64x128xf32, #tpu.memory_space<vmem>> -> memref<1x64x128xf32, #tpu.memory_space<vmem>>
      tpu.enqueue_dma source(%dma_start3A_2038 : memref<1x64x128xf32, #tpu.memory_space<vmem>>) target(%dma_start3A_2034 : memref<1x64x128xf32, #tpu.memory_space<hbm>>) target_semaphore(%arg6 : memref<!tpu.dma_semaphore, #tpu.memory_space<semaphore_mem>>)
      %add3A_2039 = arith.constant 1 : i32
      %add3A_2040 = arith.addi %add3A_2024, %add3A_2039 : i32
      %add3A_2041 = arith.constant 1 : i32
      %add3A_2042 = arith.addi %add3A_2040, %add3A_2041 : i32
      %dma_start3A_2043 = arith.constant 2 : i32
      %dma_start3A_2044 = arith.constant 0 : i32
      %dma_start3A_2045 = arith.constant 0 : i32
      %dma_start3A_2046 = tpu.memref_slice %arg4[%dma_start3A_2043, %dma_start3A_2044, %dma_start3A_2045] : memref<6x64x128xf32, #tpu.memory_space<vmem>> -> memref<4x64x128xf32, #tpu.memory_space<vmem>>
      %dma_start3A_2047 = arith.constant 0 : i32
      %dma_start3A_2048 = arith.constant 0 : i32
      %dma_start3A_2049 = tpu.memref_slice %arg3[%add3A_2042, %dma_start3A_2047, %dma_start3A_2048] : memref<3768x64x128xf32, #tpu.memory_space<hbm>> -> memref<4x64x128xf32, #tpu.memory_space<hbm>>
      %dma_start3A_2050 = arith.constant 0 : i32
      %dma_start3A_2051 = arith.constant 0 : i32
      %dma_start3A_2052 = tpu.memref_slice %arg3[%add3A_2042, %dma_start3A_2050, %dma_start3A_2051] : memref<3768x64x128xf32, #tpu.memory_space<hbm>> -> memref<4x64x128xf32, #tpu.memory_space<hbm>>
      %dma_start3A_2053 = arith.constant 2 : i32
      %dma_start3A_2054 = arith.constant 0 : i32
      %dma_start3A_2055 = arith.constant 0 : i32
      %dma_start3A_2056 = tpu.memref_slice %arg4[%dma_start3A_2053, %dma_start3A_2054, %dma_start3A_2055] : memref<6x64x128xf32, #tpu.memory_space<vmem>> -> memref<4x64x128xf32, #tpu.memory_space<vmem>>
      tpu.enqueue_dma source(%dma_start3A_2056 : memref<4x64x128xf32, #tpu.memory_space<vmem>>) target(%dma_start3A_2052 : memref<4x64x128xf32, #tpu.memory_space<hbm>>) target_semaphore(%arg6 : memref<!tpu.dma_semaphore, #tpu.memory_space<semaphore_mem>>)
      %dma_wait3A_2057 = arith.constant 0 : i32
      %dma_wait3A_2058 = arith.constant 0 : i32
      %dma_wait3A_2059 = arith.constant 0 : i32
      %dma_wait3A_2060 = tpu.memref_slice %arg4[%dma_wait3A_2057, %dma_wait3A_2058, %dma_wait3A_2059] : memref<6x64x128xf32, #tpu.memory_space<vmem>> -> memref<1x64x128xf32, #tpu.memory_space<vmem>>
      %dma_wait3A_2061 = arith.constant 0 : i32
      %dma_wait3A_2062 = arith.constant 0 : i32
      %dma_wait3A_2063 = tpu.memref_slice %arg3[%add3A_2024, %dma_wait3A_2061, %dma_wait3A_2062] : memref<3768x64x128xf32, #tpu.memory_space<hbm>> -> memref<1x64x128xf32, #tpu.memory_space<hbm>>
      %dma_wait3A_2064 = arith.constant 0 : i32
      %dma_wait3A_2065 = arith.constant 0 : i32
      %dma_wait3A_2066 = tpu.memref_slice %arg3[%add3A_2024, %dma_wait3A_2064, %dma_wait3A_2065] : memref<3768x64x128xf32, #tpu.memory_space<hbm>> -> memref<1x64x128xf32, #tpu.memory_space<hbm>>
      %dma_wait3A_2067 = arith.constant 0 : i32
      %dma_wait3A_2068 = arith.constant 0 : i32
      %dma_wait3A_2069 = arith.constant 0 : i32
      %dma_wait3A_2070 = tpu.memref_slice %arg4[%dma_wait3A_2067, %dma_wait3A_2068, %dma_wait3A_2069] : memref<6x64x128xf32, #tpu.memory_space<vmem>> -> memref<1x64x128xf32, #tpu.memory_space<vmem>>
      tpu.wait_dma2 semaphore(%arg6 : memref<!tpu.dma_semaphore, #tpu.memory_space<semaphore_mem>>) src(%dma_wait3A_2070 : memref<1x64x128xf32, #tpu.memory_space<vmem>>) dst(%dma_wait3A_2066 : memref<1x64x128xf32, #tpu.memory_space<hbm>>)
      %dma_wait3A_2071 = arith.constant 2 : i32
      %dma_wait3A_2072 = arith.constant 0 : i32
      %dma_wait3A_2073 = arith.constant 0 : i32
      %dma_wait3A_2074 = tpu.memref_slice %arg4[%dma_wait3A_2071, %dma_wait3A_2072, %dma_wait3A_2073] : memref<6x64x128xf32, #tpu.memory_space<vmem>> -> memref<4x64x128xf32, #tpu.memory_space<vmem>>
      %dma_wait3A_2075 = arith.constant 0 : i32
      %dma_wait3A_2076 = arith.constant 0 : i32
      %dma_wait3A_2077 = tpu.memref_slice %arg3[%add3A_2042, %dma_wait3A_2075, %dma_wait3A_2076] : memref<3768x64x128xf32, #tpu.memory_space<hbm>> -> memref<4x64x128xf32, #tpu.memory_space<hbm>>
      %dma_wait3A_2078 = arith.constant 0 : i32
      %dma_wait3A_2079 = arith.constant 0 : i32
      %dma_wait3A_2080 = tpu.memref_slice %arg3[%add3A_2042, %dma_wait3A_2078, %dma_wait3A_2079] : memref<3768x64x128xf32, #tpu.memory_space<hbm>> -> memref<4x64x128xf32, #tpu.memory_space<hbm>>
      %dma_wait3A_2081 = arith.constant 2 : i32
      %dma_wait3A_2082 = arith.constant 0 : i32
      %dma_wait3A_2083 = arith.constant 0 : i32
      %dma_wait3A_2084 = tpu.memref_slice %arg4[%dma_wait3A_2081, %dma_wait3A_2082, %dma_wait3A_2083] : memref<6x64x128xf32, #tpu.memory_space<vmem>> -> memref<4x64x128xf32, #tpu.memory_space<vmem>>
      tpu.wait_dma2 semaphore(%arg6 : memref<!tpu.dma_semaphore, #tpu.memory_space<semaphore_mem>>) src(%dma_wait3A_2084 : memref<4x64x128xf32, #tpu.memory_space<vmem>>) dst(%dma_wait3A_2080 : memref<4x64x128xf32, #tpu.memory_space<hbm>>)
    } else {
    }
    %add3A_631 = arith.constant 0 : i32
    %add3A_632 = arith.addi %select_n3A_30, %add3A_631 : i32
    %mul3A_633 = arith.constant 942 : i32
    %mul3A_634 = arith.muli %select_n3A, %mul3A_633 : i32
    %add3A_635 = arith.constant 6 : i32
    %add3A_636 = arith.addi %mul3A_634, %add3A_635 : i32
    %mul3A_637 = arith.constant 36 : i32
    %mul3A_638 = arith.muli %mul3A_637, %add3A_632 : i32
    %add3A_639 = arith.addi %add3A_636, %mul3A_638 : i32
    %add3A_640 = arith.constant 12 : i32
    %add3A_641 = arith.addi %add3A_639, %add3A_640 : i32
    %dma_start3A_642 = arith.constant 0 : i32
    %dma_start3A_643 = arith.constant 0 : i32
    %dma_start3A_644 = arith.constant 0 : i32
    %dma_start3A_645 = tpu.memref_slice %arg4[%dma_start3A_642, %dma_start3A_643, %dma_start3A_644] : memref<6x64x128xf32, #tpu.memory_space<vmem>> -> memref<2x64x128xf32, #tpu.memory_space<vmem>>
    %dma_start3A_646 = arith.constant 0 : i32
    %dma_start3A_647 = arith.constant 0 : i32
    %dma_start3A_648 = tpu.memref_slice %arg3[%add3A_641, %dma_start3A_646, %dma_start3A_647] : memref<3768x64x128xf32, #tpu.memory_space<hbm>> -> memref<2x64x128xf32, #tpu.memory_space<hbm>>
    %dma_start3A_649 = arith.constant 0 : i32
    %dma_start3A_650 = arith.constant 0 : i32
    %dma_start3A_651 = tpu.memref_slice %arg3[%add3A_641, %dma_start3A_649, %dma_start3A_650] : memref<3768x64x128xf32, #tpu.memory_space<hbm>> -> memref<2x64x128xf32, #tpu.memory_space<hbm>>
    %dma_start3A_652 = arith.constant 0 : i32
    %dma_start3A_653 = arith.constant 0 : i32
    %dma_start3A_654 = arith.constant 0 : i32
    %dma_start3A_655 = tpu.memref_slice %arg4[%dma_start3A_652, %dma_start3A_653, %dma_start3A_654] : memref<6x64x128xf32, #tpu.memory_space<vmem>> -> memref<2x64x128xf32, #tpu.memory_space<vmem>>
    tpu.enqueue_dma source(%dma_start3A_655 : memref<2x64x128xf32, #tpu.memory_space<vmem>>) target(%dma_start3A_651 : memref<2x64x128xf32, #tpu.memory_space<hbm>>) target_semaphore(%arg6 : memref<!tpu.dma_semaphore, #tpu.memory_space<semaphore_mem>>)
    %add3A_656 = arith.constant 2 : i32
    %add3A_657 = arith.addi %add3A_641, %add3A_656 : i32
    %dma_wait3A_658 = arith.constant 0 : i32
    %dma_wait3A_659 = arith.constant 0 : i32
    %dma_wait3A_660 = arith.constant 0 : i32
    %dma_wait3A_661 = tpu.memref_slice %arg5[%dma_wait3A_658, %dma_wait3A_659, %dma_wait3A_660] : memref<8x64x128xf32, #tpu.memory_space<vmem>> -> memref<1x64x128xf32, #tpu.memory_space<vmem>>
    %dma_wait3A_662 = arith.constant 0 : i32
    %dma_wait3A_663 = arith.constant 0 : i32
    %dma_wait3A_664 = tpu.memref_slice %arg3[%add3A_301, %dma_wait3A_662, %dma_wait3A_663] : memref<3768x64x128xf32, #tpu.memory_space<hbm>> -> memref<1x64x128xf32, #tpu.memory_space<hbm>>
    %dma_wait3A_665 = arith.constant 0 : i32
    %dma_wait3A_666 = arith.constant 0 : i32
    %dma_wait3A_667 = tpu.memref_slice %arg3[%add3A_301, %dma_wait3A_665, %dma_wait3A_666] : memref<3768x64x128xf32, #tpu.memory_space<hbm>> -> memref<1x64x128xf32, #tpu.memory_space<hbm>>
    %dma_wait3A_668 = arith.constant 0 : i32
    %dma_wait3A_669 = arith.constant 0 : i32
    %dma_wait3A_670 = arith.constant 0 : i32
    %dma_wait3A_671 = tpu.memref_slice %arg5[%dma_wait3A_668, %dma_wait3A_669, %dma_wait3A_670] : memref<8x64x128xf32, #tpu.memory_space<vmem>> -> memref<1x64x128xf32, #tpu.memory_space<vmem>>
    tpu.wait_dma2 semaphore(%arg6 : memref<!tpu.dma_semaphore, #tpu.memory_space<semaphore_mem>>) src(%dma_wait3A_671 : memref<1x64x128xf32, #tpu.memory_space<vmem>>) dst(%dma_wait3A_667 : memref<1x64x128xf32, #tpu.memory_space<hbm>>)
    %dma_start3A_672 = arith.constant 0 : i32
    %dma_start3A_673 = arith.constant 0 : i32
    %dma_start3A_674 = arith.constant 0 : i32
    %dma_start3A_675 = tpu.memref_slice %arg5[%dma_start3A_672, %dma_start3A_673, %dma_start3A_674] : memref<8x64x128xf32, #tpu.memory_space<vmem>> -> memref<1x64x128xf32, #tpu.memory_space<vmem>>
    %dma_start3A_676 = arith.constant 0 : i32
    %dma_start3A_677 = arith.constant 0 : i32
    %dma_start3A_678 = tpu.memref_slice %arg3[%add3A_657, %dma_start3A_676, %dma_start3A_677] : memref<3768x64x128xf32, #tpu.memory_space<hbm>> -> memref<1x64x128xf32, #tpu.memory_space<hbm>>
    %dma_start3A_679 = arith.constant 0 : i32
    %dma_start3A_680 = arith.constant 0 : i32
    %dma_start3A_681 = tpu.memref_slice %arg3[%add3A_657, %dma_start3A_679, %dma_start3A_680] : memref<3768x64x128xf32, #tpu.memory_space<hbm>> -> memref<1x64x128xf32, #tpu.memory_space<hbm>>
    %dma_start3A_682 = arith.constant 0 : i32
    %dma_start3A_683 = arith.constant 0 : i32
    %dma_start3A_684 = arith.constant 0 : i32
    %dma_start3A_685 = tpu.memref_slice %arg5[%dma_start3A_682, %dma_start3A_683, %dma_start3A_684] : memref<8x64x128xf32, #tpu.memory_space<vmem>> -> memref<1x64x128xf32, #tpu.memory_space<vmem>>
    tpu.enqueue_dma source(%dma_start3A_685 : memref<1x64x128xf32, #tpu.memory_space<vmem>>) target(%dma_start3A_681 : memref<1x64x128xf32, #tpu.memory_space<hbm>>) target_semaphore(%arg6 : memref<!tpu.dma_semaphore, #tpu.memory_space<semaphore_mem>>)
    %add3A_686 = arith.constant 2 : i32
    %add3A_687 = arith.addi %add3A_641, %add3A_686 : i32
    %add3A_688 = arith.constant 1 : i32
    %add3A_689 = arith.addi %add3A_687, %add3A_688 : i32
    %dma_wait3A_690 = arith.constant 1 : i32
    %dma_wait3A_691 = arith.constant 0 : i32
    %dma_wait3A_692 = arith.constant 0 : i32
    %dma_wait3A_693 = tpu.memref_slice %arg4[%dma_wait3A_690, %dma_wait3A_691, %dma_wait3A_692] : memref<6x64x128xf32, #tpu.memory_space<vmem>> -> memref<5x64x128xf32, #tpu.memory_space<vmem>>
    %dma_wait3A_694 = arith.constant 0 : i32
    %dma_wait3A_695 = arith.constant 0 : i32
    %dma_wait3A_696 = tpu.memref_slice %arg3[%add3A_319, %dma_wait3A_694, %dma_wait3A_695] : memref<3768x64x128xf32, #tpu.memory_space<hbm>> -> memref<5x64x128xf32, #tpu.memory_space<hbm>>
    %dma_wait3A_697 = arith.constant 0 : i32
    %dma_wait3A_698 = arith.constant 0 : i32
    %dma_wait3A_699 = tpu.memref_slice %arg3[%add3A_319, %dma_wait3A_697, %dma_wait3A_698] : memref<3768x64x128xf32, #tpu.memory_space<hbm>> -> memref<5x64x128xf32, #tpu.memory_space<hbm>>
    %dma_wait3A_700 = arith.constant 1 : i32
    %dma_wait3A_701 = arith.constant 0 : i32
    %dma_wait3A_702 = arith.constant 0 : i32
    %dma_wait3A_703 = tpu.memref_slice %arg4[%dma_wait3A_700, %dma_wait3A_701, %dma_wait3A_702] : memref<6x64x128xf32, #tpu.memory_space<vmem>> -> memref<5x64x128xf32, #tpu.memory_space<vmem>>
    tpu.wait_dma2 semaphore(%arg6 : memref<!tpu.dma_semaphore, #tpu.memory_space<semaphore_mem>>) src(%dma_wait3A_703 : memref<5x64x128xf32, #tpu.memory_space<vmem>>) dst(%dma_wait3A_699 : memref<5x64x128xf32, #tpu.memory_space<hbm>>)
    %dma_start3A_704 = arith.constant 3 : i32
    %dma_start3A_705 = arith.constant 0 : i32
    %dma_start3A_706 = arith.constant 0 : i32
    %dma_start3A_707 = tpu.memref_slice %arg4[%dma_start3A_704, %dma_start3A_705, %dma_start3A_706] : memref<6x64x128xf32, #tpu.memory_space<vmem>> -> memref<3x64x128xf32, #tpu.memory_space<vmem>>
    %dma_start3A_708 = arith.constant 0 : i32
    %dma_start3A_709 = arith.constant 0 : i32
    %dma_start3A_710 = tpu.memref_slice %arg3[%add3A_689, %dma_start3A_708, %dma_start3A_709] : memref<3768x64x128xf32, #tpu.memory_space<hbm>> -> memref<3x64x128xf32, #tpu.memory_space<hbm>>
    %dma_start3A_711 = arith.constant 0 : i32
    %dma_start3A_712 = arith.constant 0 : i32
    %dma_start3A_713 = tpu.memref_slice %arg3[%add3A_689, %dma_start3A_711, %dma_start3A_712] : memref<3768x64x128xf32, #tpu.memory_space<hbm>> -> memref<3x64x128xf32, #tpu.memory_space<hbm>>
    %dma_start3A_714 = arith.constant 3 : i32
    %dma_start3A_715 = arith.constant 0 : i32
    %dma_start3A_716 = arith.constant 0 : i32
    %dma_start3A_717 = tpu.memref_slice %arg4[%dma_start3A_714, %dma_start3A_715, %dma_start3A_716] : memref<6x64x128xf32, #tpu.memory_space<vmem>> -> memref<3x64x128xf32, #tpu.memory_space<vmem>>
    tpu.enqueue_dma source(%dma_start3A_717 : memref<3x64x128xf32, #tpu.memory_space<vmem>>) target(%dma_start3A_713 : memref<3x64x128xf32, #tpu.memory_space<hbm>>) target_semaphore(%arg6 : memref<!tpu.dma_semaphore, #tpu.memory_space<semaphore_mem>>)
    %add3A_718 = arith.constant 8 : i32
    %add3A_719 = arith.addi %select_n3A_30, %add3A_718 : i32
    %mul3A_720 = arith.constant 942 : i32
    %mul3A_721 = arith.muli %select_n3A, %mul3A_720 : i32
    %add3A_722 = arith.constant 6 : i32
    %add3A_723 = arith.addi %mul3A_721, %add3A_722 : i32
    %mul3A_724 = arith.constant 36 : i32
    %mul3A_725 = arith.muli %mul3A_724, %add3A_719 : i32
    %add3A_726 = arith.addi %add3A_723, %mul3A_725 : i32
    %add3A_727 = arith.constant 12 : i32
    %add3A_728 = arith.addi %add3A_726, %add3A_727 : i32
    %dma_wait3A_729 = arith.constant 1 : i32
    %dma_wait3A_730 = arith.constant 0 : i32
    %dma_wait3A_731 = arith.constant 0 : i32
    %dma_wait3A_732 = tpu.memref_slice %arg5[%dma_wait3A_729, %dma_wait3A_730, %dma_wait3A_731] : memref<8x64x128xf32, #tpu.memory_space<vmem>> -> memref<1x64x128xf32, #tpu.memory_space<vmem>>
    %dma_wait3A_733 = arith.constant 0 : i32
    %dma_wait3A_734 = arith.constant 0 : i32
    %dma_wait3A_735 = tpu.memref_slice %arg3[%add3A_346, %dma_wait3A_733, %dma_wait3A_734] : memref<3768x64x128xf32, #tpu.memory_space<hbm>> -> memref<1x64x128xf32, #tpu.memory_space<hbm>>
    %dma_wait3A_736 = arith.constant 0 : i32
    %dma_wait3A_737 = arith.constant 0 : i32
    %dma_wait3A_738 = tpu.memref_slice %arg3[%add3A_346, %dma_wait3A_736, %dma_wait3A_737] : memref<3768x64x128xf32, #tpu.memory_space<hbm>> -> memref<1x64x128xf32, #tpu.memory_space<hbm>>
    %dma_wait3A_739 = arith.constant 1 : i32
    %dma_wait3A_740 = arith.constant 0 : i32
    %dma_wait3A_741 = arith.constant 0 : i32
    %dma_wait3A_742 = tpu.memref_slice %arg5[%dma_wait3A_739, %dma_wait3A_740, %dma_wait3A_741] : memref<8x64x128xf32, #tpu.memory_space<vmem>> -> memref<1x64x128xf32, #tpu.memory_space<vmem>>
    tpu.wait_dma2 semaphore(%arg6 : memref<!tpu.dma_semaphore, #tpu.memory_space<semaphore_mem>>) src(%dma_wait3A_742 : memref<1x64x128xf32, #tpu.memory_space<vmem>>) dst(%dma_wait3A_738 : memref<1x64x128xf32, #tpu.memory_space<hbm>>)
    %dma_start3A_743 = arith.constant 0 : i32
    %dma_start3A_744 = arith.constant 0 : i32
    %dma_start3A_745 = arith.constant 0 : i32
    %dma_start3A_746 = tpu.memref_slice %arg4[%dma_start3A_743, %dma_start3A_744, %dma_start3A_745] : memref<6x64x128xf32, #tpu.memory_space<vmem>> -> memref<2x64x128xf32, #tpu.memory_space<vmem>>
    %dma_start3A_747 = arith.constant 0 : i32
    %dma_start3A_748 = arith.constant 0 : i32
    %dma_start3A_749 = tpu.memref_slice %arg3[%add3A_728, %dma_start3A_747, %dma_start3A_748] : memref<3768x64x128xf32, #tpu.memory_space<hbm>> -> memref<2x64x128xf32, #tpu.memory_space<hbm>>
    %dma_start3A_750 = arith.constant 0 : i32
    %dma_start3A_751 = arith.constant 0 : i32
    %dma_start3A_752 = tpu.memref_slice %arg3[%add3A_728, %dma_start3A_750, %dma_start3A_751] : memref<3768x64x128xf32, #tpu.memory_space<hbm>> -> memref<2x64x128xf32, #tpu.memory_space<hbm>>
    %dma_start3A_753 = arith.constant 0 : i32
    %dma_start3A_754 = arith.constant 0 : i32
    %dma_start3A_755 = arith.constant 0 : i32
    %dma_start3A_756 = tpu.memref_slice %arg4[%dma_start3A_753, %dma_start3A_754, %dma_start3A_755] : memref<6x64x128xf32, #tpu.memory_space<vmem>> -> memref<2x64x128xf32, #tpu.memory_space<vmem>>
    tpu.enqueue_dma source(%dma_start3A_756 : memref<2x64x128xf32, #tpu.memory_space<vmem>>) target(%dma_start3A_752 : memref<2x64x128xf32, #tpu.memory_space<hbm>>) target_semaphore(%arg6 : memref<!tpu.dma_semaphore, #tpu.memory_space<semaphore_mem>>)
    %add3A_757 = arith.constant 2 : i32
    %add3A_758 = arith.addi %add3A_728, %add3A_757 : i32
    %dma_wait3A_759 = arith.constant 1 : i32
    %dma_wait3A_760 = arith.constant 0 : i32
    %dma_wait3A_761 = arith.constant 0 : i32
    %dma_wait3A_762 = tpu.memref_slice %arg4[%dma_wait3A_759, %dma_wait3A_760, %dma_wait3A_761] : memref<6x64x128xf32, #tpu.memory_space<vmem>> -> memref<5x64x128xf32, #tpu.memory_space<vmem>>
    %dma_wait3A_763 = arith.constant 0 : i32
    %dma_wait3A_764 = arith.constant 0 : i32
    %dma_wait3A_765 = tpu.memref_slice %arg3[%add3A_364, %dma_wait3A_763, %dma_wait3A_764] : memref<3768x64x128xf32, #tpu.memory_space<hbm>> -> memref<5x64x128xf32, #tpu.memory_space<hbm>>
    %dma_wait3A_766 = arith.constant 0 : i32
    %dma_wait3A_767 = arith.constant 0 : i32
    %dma_wait3A_768 = tpu.memref_slice %arg3[%add3A_364, %dma_wait3A_766, %dma_wait3A_767] : memref<3768x64x128xf32, #tpu.memory_space<hbm>> -> memref<5x64x128xf32, #tpu.memory_space<hbm>>
    %dma_wait3A_769 = arith.constant 1 : i32
    %dma_wait3A_770 = arith.constant 0 : i32
    %dma_wait3A_771 = arith.constant 0 : i32
    %dma_wait3A_772 = tpu.memref_slice %arg4[%dma_wait3A_769, %dma_wait3A_770, %dma_wait3A_771] : memref<6x64x128xf32, #tpu.memory_space<vmem>> -> memref<5x64x128xf32, #tpu.memory_space<vmem>>
    tpu.wait_dma2 semaphore(%arg6 : memref<!tpu.dma_semaphore, #tpu.memory_space<semaphore_mem>>) src(%dma_wait3A_772 : memref<5x64x128xf32, #tpu.memory_space<vmem>>) dst(%dma_wait3A_768 : memref<5x64x128xf32, #tpu.memory_space<hbm>>)
    %dma_start3A_773 = arith.constant 1 : i32
    %dma_start3A_774 = arith.constant 0 : i32
    %dma_start3A_775 = arith.constant 0 : i32
    %dma_start3A_776 = tpu.memref_slice %arg5[%dma_start3A_773, %dma_start3A_774, %dma_start3A_775] : memref<8x64x128xf32, #tpu.memory_space<vmem>> -> memref<1x64x128xf32, #tpu.memory_space<vmem>>
    %dma_start3A_777 = arith.constant 0 : i32
    %dma_start3A_778 = arith.constant 0 : i32
    %dma_start3A_779 = tpu.memref_slice %arg3[%add3A_758, %dma_start3A_777, %dma_start3A_778] : memref<3768x64x128xf32, #tpu.memory_space<hbm>> -> memref<1x64x128xf32, #tpu.memory_space<hbm>>
    %dma_start3A_780 = arith.constant 0 : i32
    %dma_start3A_781 = arith.constant 0 : i32
    %dma_start3A_782 = tpu.memref_slice %arg3[%add3A_758, %dma_start3A_780, %dma_start3A_781] : memref<3768x64x128xf32, #tpu.memory_space<hbm>> -> memref<1x64x128xf32, #tpu.memory_space<hbm>>
    %dma_start3A_783 = arith.constant 1 : i32
    %dma_start3A_784 = arith.constant 0 : i32
    %dma_start3A_785 = arith.constant 0 : i32
    %dma_start3A_786 = tpu.memref_slice %arg5[%dma_start3A_783, %dma_start3A_784, %dma_start3A_785] : memref<8x64x128xf32, #tpu.memory_space<vmem>> -> memref<1x64x128xf32, #tpu.memory_space<vmem>>
    tpu.enqueue_dma source(%dma_start3A_786 : memref<1x64x128xf32, #tpu.memory_space<vmem>>) target(%dma_start3A_782 : memref<1x64x128xf32, #tpu.memory_space<hbm>>) target_semaphore(%arg6 : memref<!tpu.dma_semaphore, #tpu.memory_space<semaphore_mem>>)
    %add3A_787 = arith.constant 2 : i32
    %add3A_788 = arith.addi %add3A_728, %add3A_787 : i32
    %add3A_789 = arith.constant 1 : i32
    %add3A_790 = arith.addi %add3A_788, %add3A_789 : i32
    %dma_wait3A_791 = arith.constant 2 : i32
    %dma_wait3A_792 = arith.constant 0 : i32
    %dma_wait3A_793 = arith.constant 0 : i32
    %dma_wait3A_794 = tpu.memref_slice %arg5[%dma_wait3A_791, %dma_wait3A_792, %dma_wait3A_793] : memref<8x64x128xf32, #tpu.memory_space<vmem>> -> memref<1x64x128xf32, #tpu.memory_space<vmem>>
    %dma_wait3A_795 = arith.constant 0 : i32
    %dma_wait3A_796 = arith.constant 0 : i32
    %dma_wait3A_797 = tpu.memref_slice %arg3[%add3A_391, %dma_wait3A_795, %dma_wait3A_796] : memref<3768x64x128xf32, #tpu.memory_space<hbm>> -> memref<1x64x128xf32, #tpu.memory_space<hbm>>
    %dma_wait3A_798 = arith.constant 0 : i32
    %dma_wait3A_799 = arith.constant 0 : i32
    %dma_wait3A_800 = tpu.memref_slice %arg3[%add3A_391, %dma_wait3A_798, %dma_wait3A_799] : memref<3768x64x128xf32, #tpu.memory_space<hbm>> -> memref<1x64x128xf32, #tpu.memory_space<hbm>>
    %dma_wait3A_801 = arith.constant 2 : i32
    %dma_wait3A_802 = arith.constant 0 : i32
    %dma_wait3A_803 = arith.constant 0 : i32
    %dma_wait3A_804 = tpu.memref_slice %arg5[%dma_wait3A_801, %dma_wait3A_802, %dma_wait3A_803] : memref<8x64x128xf32, #tpu.memory_space<vmem>> -> memref<1x64x128xf32, #tpu.memory_space<vmem>>
    tpu.wait_dma2 semaphore(%arg6 : memref<!tpu.dma_semaphore, #tpu.memory_space<semaphore_mem>>) src(%dma_wait3A_804 : memref<1x64x128xf32, #tpu.memory_space<vmem>>) dst(%dma_wait3A_800 : memref<1x64x128xf32, #tpu.memory_space<hbm>>)
    %dma_start3A_805 = arith.constant 3 : i32
    %dma_start3A_806 = arith.constant 0 : i32
    %dma_start3A_807 = arith.constant 0 : i32
    %dma_start3A_808 = tpu.memref_slice %arg4[%dma_start3A_805, %dma_start3A_806, %dma_start3A_807] : memref<6x64x128xf32, #tpu.memory_space<vmem>> -> memref<3x64x128xf32, #tpu.memory_space<vmem>>
    %dma_start3A_809 = arith.constant 0 : i32
    %dma_start3A_810 = arith.constant 0 : i32
    %dma_start3A_811 = tpu.memref_slice %arg3[%add3A_790, %dma_start3A_809, %dma_start3A_810] : memref<3768x64x128xf32, #tpu.memory_space<hbm>> -> memref<3x64x128xf32, #tpu.memory_space<hbm>>
    %dma_start3A_812 = arith.constant 0 : i32
    %dma_start3A_813 = arith.constant 0 : i32
    %dma_start3A_814 = tpu.memref_slice %arg3[%add3A_790, %dma_start3A_812, %dma_start3A_813] : memref<3768x64x128xf32, #tpu.memory_space<hbm>> -> memref<3x64x128xf32, #tpu.memory_space<hbm>>
    %dma_start3A_815 = arith.constant 3 : i32
    %dma_start3A_816 = arith.constant 0 : i32
    %dma_start3A_817 = arith.constant 0 : i32
    %dma_start3A_818 = tpu.memref_slice %arg4[%dma_start3A_815, %dma_start3A_816, %dma_start3A_817] : memref<6x64x128xf32, #tpu.memory_space<vmem>> -> memref<3x64x128xf32, #tpu.memory_space<vmem>>
    tpu.enqueue_dma source(%dma_start3A_818 : memref<3x64x128xf32, #tpu.memory_space<vmem>>) target(%dma_start3A_814 : memref<3x64x128xf32, #tpu.memory_space<hbm>>) target_semaphore(%arg6 : memref<!tpu.dma_semaphore, #tpu.memory_space<semaphore_mem>>)
    %add3A_819 = arith.constant 16 : i32
    %add3A_820 = arith.addi %select_n3A_30, %add3A_819 : i32
    %mul3A_821 = arith.constant 942 : i32
    %mul3A_822 = arith.muli %select_n3A, %mul3A_821 : i32
    %add3A_823 = arith.constant 6 : i32
    %add3A_824 = arith.addi %mul3A_822, %add3A_823 : i32
    %mul3A_825 = arith.constant 36 : i32
    %mul3A_826 = arith.muli %mul3A_825, %add3A_820 : i32
    %add3A_827 = arith.addi %add3A_824, %mul3A_826 : i32
    %add3A_828 = arith.constant 12 : i32
    %add3A_829 = arith.addi %add3A_827, %add3A_828 : i32
    %dma_wait3A_830 = arith.constant 1 : i32
    %dma_wait3A_831 = arith.constant 0 : i32
    %dma_wait3A_832 = arith.constant 0 : i32
    %dma_wait3A_833 = tpu.memref_slice %arg4[%dma_wait3A_830, %dma_wait3A_831, %dma_wait3A_832] : memref<6x64x128xf32, #tpu.memory_space<vmem>> -> memref<5x64x128xf32, #tpu.memory_space<vmem>>
    %dma_wait3A_834 = arith.constant 0 : i32
    %dma_wait3A_835 = arith.constant 0 : i32
    %dma_wait3A_836 = tpu.memref_slice %arg3[%add3A_409, %dma_wait3A_834, %dma_wait3A_835] : memref<3768x64x128xf32, #tpu.memory_space<hbm>> -> memref<5x64x128xf32, #tpu.memory_space<hbm>>
    %dma_wait3A_837 = arith.constant 0 : i32
    %dma_wait3A_838 = arith.constant 0 : i32
    %dma_wait3A_839 = tpu.memref_slice %arg3[%add3A_409, %dma_wait3A_837, %dma_wait3A_838] : memref<3768x64x128xf32, #tpu.memory_space<hbm>> -> memref<5x64x128xf32, #tpu.memory_space<hbm>>
    %dma_wait3A_840 = arith.constant 1 : i32
    %dma_wait3A_841 = arith.constant 0 : i32
    %dma_wait3A_842 = arith.constant 0 : i32
    %dma_wait3A_843 = tpu.memref_slice %arg4[%dma_wait3A_840, %dma_wait3A_841, %dma_wait3A_842] : memref<6x64x128xf32, #tpu.memory_space<vmem>> -> memref<5x64x128xf32, #tpu.memory_space<vmem>>
    tpu.wait_dma2 semaphore(%arg6 : memref<!tpu.dma_semaphore, #tpu.memory_space<semaphore_mem>>) src(%dma_wait3A_843 : memref<5x64x128xf32, #tpu.memory_space<vmem>>) dst(%dma_wait3A_839 : memref<5x64x128xf32, #tpu.memory_space<hbm>>)
    %dma_start3A_844 = arith.constant 0 : i32
    %dma_start3A_845 = arith.constant 0 : i32
    %dma_start3A_846 = arith.constant 0 : i32
    %dma_start3A_847 = tpu.memref_slice %arg4[%dma_start3A_844, %dma_start3A_845, %dma_start3A_846] : memref<6x64x128xf32, #tpu.memory_space<vmem>> -> memref<2x64x128xf32, #tpu.memory_space<vmem>>
    %dma_start3A_848 = arith.constant 0 : i32
    %dma_start3A_849 = arith.constant 0 : i32
    %dma_start3A_850 = tpu.memref_slice %arg3[%add3A_829, %dma_start3A_848, %dma_start3A_849] : memref<3768x64x128xf32, #tpu.memory_space<hbm>> -> memref<2x64x128xf32, #tpu.memory_space<hbm>>
    %dma_start3A_851 = arith.constant 0 : i32
    %dma_start3A_852 = arith.constant 0 : i32
    %dma_start3A_853 = tpu.memref_slice %arg3[%add3A_829, %dma_start3A_851, %dma_start3A_852] : memref<3768x64x128xf32, #tpu.memory_space<hbm>> -> memref<2x64x128xf32, #tpu.memory_space<hbm>>
    %dma_start3A_854 = arith.constant 0 : i32
    %dma_start3A_855 = arith.constant 0 : i32
    %dma_start3A_856 = arith.constant 0 : i32
    %dma_start3A_857 = tpu.memref_slice %arg4[%dma_start3A_854, %dma_start3A_855, %dma_start3A_856] : memref<6x64x128xf32, #tpu.memory_space<vmem>> -> memref<2x64x128xf32, #tpu.memory_space<vmem>>
    tpu.enqueue_dma source(%dma_start3A_857 : memref<2x64x128xf32, #tpu.memory_space<vmem>>) target(%dma_start3A_853 : memref<2x64x128xf32, #tpu.memory_space<hbm>>) target_semaphore(%arg6 : memref<!tpu.dma_semaphore, #tpu.memory_space<semaphore_mem>>)
    %add3A_858 = arith.constant 2 : i32
    %add3A_859 = arith.addi %add3A_829, %add3A_858 : i32
    %dma_wait3A_860 = arith.constant 0 : i32
    %dma_wait3A_861 = arith.constant 0 : i32
    %dma_wait3A_862 = arith.constant 0 : i32
    %dma_wait3A_863 = tpu.memref_slice %arg4[%dma_wait3A_860, %dma_wait3A_861, %dma_wait3A_862] : memref<6x64x128xf32, #tpu.memory_space<vmem>> -> memref<1x64x128xf32, #tpu.memory_space<vmem>>
    %dma_wait3A_864 = arith.constant 0 : i32
    %dma_wait3A_865 = arith.constant 0 : i32
    %dma_wait3A_866 = tpu.memref_slice %arg3[%add3A_449, %dma_wait3A_864, %dma_wait3A_865] : memref<3768x64x128xf32, #tpu.memory_space<hbm>> -> memref<1x64x128xf32, #tpu.memory_space<hbm>>
    %dma_wait3A_867 = arith.constant 0 : i32
    %dma_wait3A_868 = arith.constant 0 : i32
    %dma_wait3A_869 = tpu.memref_slice %arg3[%add3A_449, %dma_wait3A_867, %dma_wait3A_868] : memref<3768x64x128xf32, #tpu.memory_space<hbm>> -> memref<1x64x128xf32, #tpu.memory_space<hbm>>
    %dma_wait3A_870 = arith.constant 0 : i32
    %dma_wait3A_871 = arith.constant 0 : i32
    %dma_wait3A_872 = arith.constant 0 : i32
    %dma_wait3A_873 = tpu.memref_slice %arg4[%dma_wait3A_870, %dma_wait3A_871, %dma_wait3A_872] : memref<6x64x128xf32, #tpu.memory_space<vmem>> -> memref<1x64x128xf32, #tpu.memory_space<vmem>>
    tpu.wait_dma2 semaphore(%arg6 : memref<!tpu.dma_semaphore, #tpu.memory_space<semaphore_mem>>) src(%dma_wait3A_873 : memref<1x64x128xf32, #tpu.memory_space<vmem>>) dst(%dma_wait3A_869 : memref<1x64x128xf32, #tpu.memory_space<hbm>>)
    %dma_start3A_874 = arith.constant 2 : i32
    %dma_start3A_875 = arith.constant 0 : i32
    %dma_start3A_876 = arith.constant 0 : i32
    %dma_start3A_877 = tpu.memref_slice %arg5[%dma_start3A_874, %dma_start3A_875, %dma_start3A_876] : memref<8x64x128xf32, #tpu.memory_space<vmem>> -> memref<1x64x128xf32, #tpu.memory_space<vmem>>
    %dma_start3A_878 = arith.constant 0 : i32
    %dma_start3A_879 = arith.constant 0 : i32
    %dma_start3A_880 = tpu.memref_slice %arg3[%add3A_859, %dma_start3A_878, %dma_start3A_879] : memref<3768x64x128xf32, #tpu.memory_space<hbm>> -> memref<1x64x128xf32, #tpu.memory_space<hbm>>
    %dma_start3A_881 = arith.constant 0 : i32
    %dma_start3A_882 = arith.constant 0 : i32
    %dma_start3A_883 = tpu.memref_slice %arg3[%add3A_859, %dma_start3A_881, %dma_start3A_882] : memref<3768x64x128xf32, #tpu.memory_space<hbm>> -> memref<1x64x128xf32, #tpu.memory_space<hbm>>
    %dma_start3A_884 = arith.constant 2 : i32
    %dma_start3A_885 = arith.constant 0 : i32
    %dma_start3A_886 = arith.constant 0 : i32
    %dma_start3A_887 = tpu.memref_slice %arg5[%dma_start3A_884, %dma_start3A_885, %dma_start3A_886] : memref<8x64x128xf32, #tpu.memory_space<vmem>> -> memref<1x64x128xf32, #tpu.memory_space<vmem>>
    tpu.enqueue_dma source(%dma_start3A_887 : memref<1x64x128xf32, #tpu.memory_space<vmem>>) target(%dma_start3A_883 : memref<1x64x128xf32, #tpu.memory_space<hbm>>) target_semaphore(%arg6 : memref<!tpu.dma_semaphore, #tpu.memory_space<semaphore_mem>>)
    %add3A_888 = arith.constant 2 : i32
    %add3A_889 = arith.addi %add3A_829, %add3A_888 : i32
    %add3A_890 = arith.constant 1 : i32
    %add3A_891 = arith.addi %add3A_889, %add3A_890 : i32
    %dma_wait3A_892 = arith.constant 4 : i32
    %dma_wait3A_893 = arith.constant 0 : i32
    %dma_wait3A_894 = arith.constant 0 : i32
    %dma_wait3A_895 = tpu.memref_slice %arg5[%dma_wait3A_892, %dma_wait3A_893, %dma_wait3A_894] : memref<8x64x128xf32, #tpu.memory_space<vmem>> -> memref<1x64x128xf32, #tpu.memory_space<vmem>>
    %dma_wait3A_896 = arith.constant 0 : i32
    %dma_wait3A_897 = arith.constant 0 : i32
    %dma_wait3A_898 = tpu.memref_slice %arg3[%add3A_465, %dma_wait3A_896, %dma_wait3A_897] : memref<3768x64x128xf32, #tpu.memory_space<hbm>> -> memref<1x64x128xf32, #tpu.memory_space<hbm>>
    %dma_wait3A_899 = arith.constant 0 : i32
    %dma_wait3A_900 = arith.constant 0 : i32
    %dma_wait3A_901 = tpu.memref_slice %arg3[%add3A_465, %dma_wait3A_899, %dma_wait3A_900] : memref<3768x64x128xf32, #tpu.memory_space<hbm>> -> memref<1x64x128xf32, #tpu.memory_space<hbm>>
    %dma_wait3A_902 = arith.constant 4 : i32
    %dma_wait3A_903 = arith.constant 0 : i32
    %dma_wait3A_904 = arith.constant 0 : i32
    %dma_wait3A_905 = tpu.memref_slice %arg5[%dma_wait3A_902, %dma_wait3A_903, %dma_wait3A_904] : memref<8x64x128xf32, #tpu.memory_space<vmem>> -> memref<1x64x128xf32, #tpu.memory_space<vmem>>
    tpu.wait_dma2 semaphore(%arg6 : memref<!tpu.dma_semaphore, #tpu.memory_space<semaphore_mem>>) src(%dma_wait3A_905 : memref<1x64x128xf32, #tpu.memory_space<vmem>>) dst(%dma_wait3A_901 : memref<1x64x128xf32, #tpu.memory_space<hbm>>)
    %dma_start3A_906 = arith.constant 3 : i32
    %dma_start3A_907 = arith.constant 0 : i32
    %dma_start3A_908 = arith.constant 0 : i32
    %dma_start3A_909 = tpu.memref_slice %arg4[%dma_start3A_906, %dma_start3A_907, %dma_start3A_908] : memref<6x64x128xf32, #tpu.memory_space<vmem>> -> memref<3x64x128xf32, #tpu.memory_space<vmem>>
    %dma_start3A_910 = arith.constant 0 : i32
    %dma_start3A_911 = arith.constant 0 : i32
    %dma_start3A_912 = tpu.memref_slice %arg3[%add3A_891, %dma_start3A_910, %dma_start3A_911] : memref<3768x64x128xf32, #tpu.memory_space<hbm>> -> memref<3x64x128xf32, #tpu.memory_space<hbm>>
    %dma_start3A_913 = arith.constant 0 : i32
    %dma_start3A_914 = arith.constant 0 : i32
    %dma_start3A_915 = tpu.memref_slice %arg3[%add3A_891, %dma_start3A_913, %dma_start3A_914] : memref<3768x64x128xf32, #tpu.memory_space<hbm>> -> memref<3x64x128xf32, #tpu.memory_space<hbm>>
    %dma_start3A_916 = arith.constant 3 : i32
    %dma_start3A_917 = arith.constant 0 : i32
    %dma_start3A_918 = arith.constant 0 : i32
    %dma_start3A_919 = tpu.memref_slice %arg4[%dma_start3A_916, %dma_start3A_917, %dma_start3A_918] : memref<6x64x128xf32, #tpu.memory_space<vmem>> -> memref<3x64x128xf32, #tpu.memory_space<vmem>>
    tpu.enqueue_dma source(%dma_start3A_919 : memref<3x64x128xf32, #tpu.memory_space<vmem>>) target(%dma_start3A_915 : memref<3x64x128xf32, #tpu.memory_space<hbm>>) target_semaphore(%arg6 : memref<!tpu.dma_semaphore, #tpu.memory_space<semaphore_mem>>)
    %lt3A_920 = arith.constant 2 : i32
    %lt3A_921 = arith.cmpi slt, %select_n3A_30, %lt3A_920 : i32
    %convert_element_type3A_922 = arith.extui %lt3A_921 : i1 to i32
    %cond3A_923 = arith.constant 0 : i32
    %cond3A_924 = arith.cmpi ne, %convert_element_type3A_922, %cond3A_923 : i32
    scf.if %cond3A_924 {
      %add3A_2017 = arith.constant 24 : i32
      %add3A_2018 = arith.addi %select_n3A_30, %add3A_2017 : i32
      %mul3A_2019 = arith.constant 942 : i32
      %mul3A_2020 = arith.muli %select_n3A, %mul3A_2019 : i32
      %add3A_2021 = arith.constant 6 : i32
      %add3A_2022 = arith.addi %mul3A_2020, %add3A_2021 : i32
      %mul3A_2023 = arith.constant 36 : i32
      %mul3A_2024 = arith.muli %mul3A_2023, %add3A_2018 : i32
      %add3A_2025 = arith.addi %add3A_2022, %mul3A_2024 : i32
      %add3A_2026 = arith.constant 12 : i32
      %add3A_2027 = arith.addi %add3A_2025, %add3A_2026 : i32
      %add3A_2028 = arith.constant 2 : i32
      %add3A_2029 = arith.addi %add3A_2027, %add3A_2028 : i32
      "tpu.region"() ({
        %run_scoped3A = tpu.sem_alloc : memref<!tpu.dma_semaphore, #tpu.memory_space<semaphore_mem>>
        %dma_start3A_2030 = arith.constant 3 : i32
        %dma_start3A_2031 = arith.constant 0 : i32
        %dma_start3A_2032 = arith.constant 0 : i32
        %dma_start3A_2033 = tpu.memref_slice %arg5[%dma_start3A_2030, %dma_start3A_2031, %dma_start3A_2032] : memref<8x64x128xf32, #tpu.memory_space<vmem>> -> memref<1x64x128xf32, #tpu.memory_space<vmem>>
        %dma_start3A_2034 = arith.constant 0 : i32
        %dma_start3A_2035 = arith.constant 0 : i32
        %dma_start3A_2036 = tpu.memref_slice %arg3[%add3A_2029, %dma_start3A_2034, %dma_start3A_2035] : memref<3768x64x128xf32, #tpu.memory_space<hbm>> -> memref<1x64x128xf32, #tpu.memory_space<hbm>>
        %dma_start3A_2037 = arith.constant 0 : i32
        %dma_start3A_2038 = arith.constant 0 : i32
        %dma_start3A_2039 = tpu.memref_slice %arg3[%add3A_2029, %dma_start3A_2037, %dma_start3A_2038] : memref<3768x64x128xf32, #tpu.memory_space<hbm>> -> memref<1x64x128xf32, #tpu.memory_space<hbm>>
        %dma_start3A_2040 = arith.constant 3 : i32
        %dma_start3A_2041 = arith.constant 0 : i32
        %dma_start3A_2042 = arith.constant 0 : i32
        %dma_start3A_2043 = tpu.memref_slice %arg5[%dma_start3A_2040, %dma_start3A_2041, %dma_start3A_2042] : memref<8x64x128xf32, #tpu.memory_space<vmem>> -> memref<1x64x128xf32, #tpu.memory_space<vmem>>
        tpu.enqueue_dma source(%dma_start3A_2043 : memref<1x64x128xf32, #tpu.memory_space<vmem>>) target(%dma_start3A_2039 : memref<1x64x128xf32, #tpu.memory_space<hbm>>) target_semaphore(%run_scoped3A : memref<!tpu.dma_semaphore, #tpu.memory_space<semaphore_mem>>)
        %dma_wait3A_2044 = arith.constant 3 : i32
        %dma_wait3A_2045 = arith.constant 0 : i32
        %dma_wait3A_2046 = arith.constant 0 : i32
        %dma_wait3A_2047 = tpu.memref_slice %arg5[%dma_wait3A_2044, %dma_wait3A_2045, %dma_wait3A_2046] : memref<8x64x128xf32, #tpu.memory_space<vmem>> -> memref<1x64x128xf32, #tpu.memory_space<vmem>>
        %dma_wait3A_2048 = arith.constant 0 : i32
        %dma_wait3A_2049 = arith.constant 0 : i32
        %dma_wait3A_2050 = tpu.memref_slice %arg3[%add3A_2029, %dma_wait3A_2048, %dma_wait3A_2049] : memref<3768x64x128xf32, #tpu.memory_space<hbm>> -> memref<1x64x128xf32, #tpu.memory_space<hbm>>
        %dma_wait3A_2051 = arith.constant 0 : i32
        %dma_wait3A_2052 = arith.constant 0 : i32
        %dma_wait3A_2053 = tpu.memref_slice %arg3[%add3A_2029, %dma_wait3A_2051, %dma_wait3A_2052] : memref<3768x64x128xf32, #tpu.memory_space<hbm>> -> memref<1x64x128xf32, #tpu.memory_space<hbm>>
        %dma_wait3A_2054 = arith.constant 3 : i32
        %dma_wait3A_2055 = arith.constant 0 : i32
        %dma_wait3A_2056 = arith.constant 0 : i32
        %dma_wait3A_2057 = tpu.memref_slice %arg5[%dma_wait3A_2054, %dma_wait3A_2055, %dma_wait3A_2056] : memref<8x64x128xf32, #tpu.memory_space<vmem>> -> memref<1x64x128xf32, #tpu.memory_space<vmem>>
        tpu.wait_dma2 semaphore(%run_scoped3A : memref<!tpu.dma_semaphore, #tpu.memory_space<semaphore_mem>>) src(%dma_wait3A_2057 : memref<1x64x128xf32, #tpu.memory_space<vmem>>) dst(%dma_wait3A_2053 : memref<1x64x128xf32, #tpu.memory_space<hbm>>)
        tpu.yield
      }) : () -> ()
    } else {
    }
    %eq3A_925 = arith.constant 2 : i32
    %eq3A_926 = arith.cmpi eq, %select_n3A_30, %eq3A_925 : i32
    %convert_element_type3A_927 = arith.extui %eq3A_926 : i1 to i32
    %cond3A_928 = arith.constant 0 : i32
    %cond3A_929 = arith.cmpi ne, %convert_element_type3A_927, %cond3A_928 : i32
    scf.if %cond3A_929 {
      %mul3A_2017 = arith.constant 942 : i32
      %mul3A_2018 = arith.muli %select_n3A, %mul3A_2017 : i32
      %add3A_2019 = arith.constant 6 : i32
      %add3A_2020 = arith.addi %mul3A_2018, %add3A_2019 : i32
      %add3A_2021 = arith.constant 864 : i32
      %add3A_2022 = arith.addi %add3A_2020, %add3A_2021 : i32
      %add3A_2023 = arith.constant 12 : i32
      %add3A_2024 = arith.addi %add3A_2022, %add3A_2023 : i32
      %dma_start3A_2025 = arith.constant 0 : i32
      %dma_start3A_2026 = arith.constant 0 : i32
      %dma_start3A_2027 = arith.constant 0 : i32
      %dma_start3A_2028 = tpu.memref_slice %arg4[%dma_start3A_2025, %dma_start3A_2026, %dma_start3A_2027] : memref<6x64x128xf32, #tpu.memory_space<vmem>> -> memref<2x64x128xf32, #tpu.memory_space<vmem>>
      %dma_start3A_2029 = arith.constant 0 : i32
      %dma_start3A_2030 = arith.constant 0 : i32
      %dma_start3A_2031 = tpu.memref_slice %arg3[%add3A_2024, %dma_start3A_2029, %dma_start3A_2030] : memref<3768x64x128xf32, #tpu.memory_space<hbm>> -> memref<2x64x128xf32, #tpu.memory_space<hbm>>
      %dma_start3A_2032 = arith.constant 0 : i32
      %dma_start3A_2033 = arith.constant 0 : i32
      %dma_start3A_2034 = tpu.memref_slice %arg3[%add3A_2024, %dma_start3A_2032, %dma_start3A_2033] : memref<3768x64x128xf32, #tpu.memory_space<hbm>> -> memref<2x64x128xf32, #tpu.memory_space<hbm>>
      %dma_start3A_2035 = arith.constant 0 : i32
      %dma_start3A_2036 = arith.constant 0 : i32
      %dma_start3A_2037 = arith.constant 0 : i32
      %dma_start3A_2038 = tpu.memref_slice %arg4[%dma_start3A_2035, %dma_start3A_2036, %dma_start3A_2037] : memref<6x64x128xf32, #tpu.memory_space<vmem>> -> memref<2x64x128xf32, #tpu.memory_space<vmem>>
      tpu.enqueue_dma source(%dma_start3A_2038 : memref<2x64x128xf32, #tpu.memory_space<vmem>>) target(%dma_start3A_2034 : memref<2x64x128xf32, #tpu.memory_space<hbm>>) target_semaphore(%arg6 : memref<!tpu.dma_semaphore, #tpu.memory_space<semaphore_mem>>)
      %add3A_2039 = arith.constant 2 : i32
      %add3A_2040 = arith.addi %add3A_2024, %add3A_2039 : i32
      %add3A_2041 = arith.constant 1 : i32
      %add3A_2042 = arith.addi %add3A_2040, %add3A_2041 : i32
      %dma_start3A_2043 = arith.constant 3 : i32
      %dma_start3A_2044 = arith.constant 0 : i32
      %dma_start3A_2045 = arith.constant 0 : i32
      %dma_start3A_2046 = tpu.memref_slice %arg4[%dma_start3A_2043, %dma_start3A_2044, %dma_start3A_2045] : memref<6x64x128xf32, #tpu.memory_space<vmem>> -> memref<3x64x128xf32, #tpu.memory_space<vmem>>
      %dma_start3A_2047 = arith.constant 0 : i32
      %dma_start3A_2048 = arith.constant 0 : i32
      %dma_start3A_2049 = tpu.memref_slice %arg3[%add3A_2042, %dma_start3A_2047, %dma_start3A_2048] : memref<3768x64x128xf32, #tpu.memory_space<hbm>> -> memref<3x64x128xf32, #tpu.memory_space<hbm>>
      %dma_start3A_2050 = arith.constant 0 : i32
      %dma_start3A_2051 = arith.constant 0 : i32
      %dma_start3A_2052 = tpu.memref_slice %arg3[%add3A_2042, %dma_start3A_2050, %dma_start3A_2051] : memref<3768x64x128xf32, #tpu.memory_space<hbm>> -> memref<3x64x128xf32, #tpu.memory_space<hbm>>
      %dma_start3A_2053 = arith.constant 3 : i32
      %dma_start3A_2054 = arith.constant 0 : i32
      %dma_start3A_2055 = arith.constant 0 : i32
      %dma_start3A_2056 = tpu.memref_slice %arg4[%dma_start3A_2053, %dma_start3A_2054, %dma_start3A_2055] : memref<6x64x128xf32, #tpu.memory_space<vmem>> -> memref<3x64x128xf32, #tpu.memory_space<vmem>>
      tpu.enqueue_dma source(%dma_start3A_2056 : memref<3x64x128xf32, #tpu.memory_space<vmem>>) target(%dma_start3A_2052 : memref<3x64x128xf32, #tpu.memory_space<hbm>>) target_semaphore(%arg6 : memref<!tpu.dma_semaphore, #tpu.memory_space<semaphore_mem>>)
      %dma_wait3A_2057 = arith.constant 0 : i32
      %dma_wait3A_2058 = arith.constant 0 : i32
      %dma_wait3A_2059 = arith.constant 0 : i32
      %dma_wait3A_2060 = tpu.memref_slice %arg4[%dma_wait3A_2057, %dma_wait3A_2058, %dma_wait3A_2059] : memref<6x64x128xf32, #tpu.memory_space<vmem>> -> memref<2x64x128xf32, #tpu.memory_space<vmem>>
      %dma_wait3A_2061 = arith.constant 0 : i32
      %dma_wait3A_2062 = arith.constant 0 : i32
      %dma_wait3A_2063 = tpu.memref_slice %arg3[%add3A_2024, %dma_wait3A_2061, %dma_wait3A_2062] : memref<3768x64x128xf32, #tpu.memory_space<hbm>> -> memref<2x64x128xf32, #tpu.memory_space<hbm>>
      %dma_wait3A_2064 = arith.constant 0 : i32
      %dma_wait3A_2065 = arith.constant 0 : i32
      %dma_wait3A_2066 = tpu.memref_slice %arg3[%add3A_2024, %dma_wait3A_2064, %dma_wait3A_2065] : memref<3768x64x128xf32, #tpu.memory_space<hbm>> -> memref<2x64x128xf32, #tpu.memory_space<hbm>>
      %dma_wait3A_2067 = arith.constant 0 : i32
      %dma_wait3A_2068 = arith.constant 0 : i32
      %dma_wait3A_2069 = arith.constant 0 : i32
      %dma_wait3A_2070 = tpu.memref_slice %arg4[%dma_wait3A_2067, %dma_wait3A_2068, %dma_wait3A_2069] : memref<6x64x128xf32, #tpu.memory_space<vmem>> -> memref<2x64x128xf32, #tpu.memory_space<vmem>>
      tpu.wait_dma2 semaphore(%arg6 : memref<!tpu.dma_semaphore, #tpu.memory_space<semaphore_mem>>) src(%dma_wait3A_2070 : memref<2x64x128xf32, #tpu.memory_space<vmem>>) dst(%dma_wait3A_2066 : memref<2x64x128xf32, #tpu.memory_space<hbm>>)
      %dma_wait3A_2071 = arith.constant 3 : i32
      %dma_wait3A_2072 = arith.constant 0 : i32
      %dma_wait3A_2073 = arith.constant 0 : i32
      %dma_wait3A_2074 = tpu.memref_slice %arg4[%dma_wait3A_2071, %dma_wait3A_2072, %dma_wait3A_2073] : memref<6x64x128xf32, #tpu.memory_space<vmem>> -> memref<3x64x128xf32, #tpu.memory_space<vmem>>
      %dma_wait3A_2075 = arith.constant 0 : i32
      %dma_wait3A_2076 = arith.constant 0 : i32
      %dma_wait3A_2077 = tpu.memref_slice %arg3[%add3A_2042, %dma_wait3A_2075, %dma_wait3A_2076] : memref<3768x64x128xf32, #tpu.memory_space<hbm>> -> memref<3x64x128xf32, #tpu.memory_space<hbm>>
      %dma_wait3A_2078 = arith.constant 0 : i32
      %dma_wait3A_2079 = arith.constant 0 : i32
      %dma_wait3A_2080 = tpu.memref_slice %arg3[%add3A_2042, %dma_wait3A_2078, %dma_wait3A_2079] : memref<3768x64x128xf32, #tpu.memory_space<hbm>> -> memref<3x64x128xf32, #tpu.memory_space<hbm>>
      %dma_wait3A_2081 = arith.constant 3 : i32
      %dma_wait3A_2082 = arith.constant 0 : i32
      %dma_wait3A_2083 = arith.constant 0 : i32
      %dma_wait3A_2084 = tpu.memref_slice %arg4[%dma_wait3A_2081, %dma_wait3A_2082, %dma_wait3A_2083] : memref<6x64x128xf32, #tpu.memory_space<vmem>> -> memref<3x64x128xf32, #tpu.memory_space<vmem>>
      tpu.wait_dma2 semaphore(%arg6 : memref<!tpu.dma_semaphore, #tpu.memory_space<semaphore_mem>>) src(%dma_wait3A_2084 : memref<3x64x128xf32, #tpu.memory_space<vmem>>) dst(%dma_wait3A_2080 : memref<3x64x128xf32, #tpu.memory_space<hbm>>)
    } else {
    }
    %eq3A_930 = arith.constant 3 : i32
    %eq3A_931 = arith.cmpi eq, %select_n3A_30, %eq3A_930 : i32
    %convert_element_type3A_932 = arith.extui %eq3A_931 : i1 to i32
    %cond3A_933 = arith.constant 0 : i32
    %cond3A_934 = arith.cmpi ne, %convert_element_type3A_932, %cond3A_933 : i32
    scf.if %cond3A_934 {
      %mul3A_2017 = arith.constant 942 : i32
      %mul3A_2018 = arith.muli %select_n3A, %mul3A_2017 : i32
      %add3A_2019 = arith.constant 6 : i32
      %add3A_2020 = arith.addi %mul3A_2018, %add3A_2019 : i32
      %add3A_2021 = arith.constant 900 : i32
      %add3A_2022 = arith.addi %add3A_2020, %add3A_2021 : i32
      %add3A_2023 = arith.constant 12 : i32
      %add3A_2024 = arith.addi %add3A_2022, %add3A_2023 : i32
      %dma_start3A_2025 = arith.constant 0 : i32
      %dma_start3A_2026 = arith.constant 0 : i32
      %dma_start3A_2027 = arith.constant 0 : i32
      %dma_start3A_2028 = tpu.memref_slice %arg4[%dma_start3A_2025, %dma_start3A_2026, %dma_start3A_2027] : memref<6x64x128xf32, #tpu.memory_space<vmem>> -> memref<2x64x128xf32, #tpu.memory_space<vmem>>
      %dma_start3A_2029 = arith.constant 0 : i32
      %dma_start3A_2030 = arith.constant 0 : i32
      %dma_start3A_2031 = tpu.memref_slice %arg3[%add3A_2024, %dma_start3A_2029, %dma_start3A_2030] : memref<3768x64x128xf32, #tpu.memory_space<hbm>> -> memref<2x64x128xf32, #tpu.memory_space<hbm>>
      %dma_start3A_2032 = arith.constant 0 : i32
      %dma_start3A_2033 = arith.constant 0 : i32
      %dma_start3A_2034 = tpu.memref_slice %arg3[%add3A_2024, %dma_start3A_2032, %dma_start3A_2033] : memref<3768x64x128xf32, #tpu.memory_space<hbm>> -> memref<2x64x128xf32, #tpu.memory_space<hbm>>
      %dma_start3A_2035 = arith.constant 0 : i32
      %dma_start3A_2036 = arith.constant 0 : i32
      %dma_start3A_2037 = arith.constant 0 : i32
      %dma_start3A_2038 = tpu.memref_slice %arg4[%dma_start3A_2035, %dma_start3A_2036, %dma_start3A_2037] : memref<6x64x128xf32, #tpu.memory_space<vmem>> -> memref<2x64x128xf32, #tpu.memory_space<vmem>>
      tpu.enqueue_dma source(%dma_start3A_2038 : memref<2x64x128xf32, #tpu.memory_space<vmem>>) target(%dma_start3A_2034 : memref<2x64x128xf32, #tpu.memory_space<hbm>>) target_semaphore(%arg6 : memref<!tpu.dma_semaphore, #tpu.memory_space<semaphore_mem>>)
      %add3A_2039 = arith.constant 2 : i32
      %add3A_2040 = arith.addi %add3A_2024, %add3A_2039 : i32
      %add3A_2041 = arith.constant 1 : i32
      %add3A_2042 = arith.addi %add3A_2040, %add3A_2041 : i32
      %dma_start3A_2043 = arith.constant 3 : i32
      %dma_start3A_2044 = arith.constant 0 : i32
      %dma_start3A_2045 = arith.constant 0 : i32
      %dma_start3A_2046 = tpu.memref_slice %arg4[%dma_start3A_2043, %dma_start3A_2044, %dma_start3A_2045] : memref<6x64x128xf32, #tpu.memory_space<vmem>> -> memref<3x64x128xf32, #tpu.memory_space<vmem>>
      %dma_start3A_2047 = arith.constant 0 : i32
      %dma_start3A_2048 = arith.constant 0 : i32
      %dma_start3A_2049 = tpu.memref_slice %arg3[%add3A_2042, %dma_start3A_2047, %dma_start3A_2048] : memref<3768x64x128xf32, #tpu.memory_space<hbm>> -> memref<3x64x128xf32, #tpu.memory_space<hbm>>
      %dma_start3A_2050 = arith.constant 0 : i32
      %dma_start3A_2051 = arith.constant 0 : i32
      %dma_start3A_2052 = tpu.memref_slice %arg3[%add3A_2042, %dma_start3A_2050, %dma_start3A_2051] : memref<3768x64x128xf32, #tpu.memory_space<hbm>> -> memref<3x64x128xf32, #tpu.memory_space<hbm>>
      %dma_start3A_2053 = arith.constant 3 : i32
      %dma_start3A_2054 = arith.constant 0 : i32
      %dma_start3A_2055 = arith.constant 0 : i32
      %dma_start3A_2056 = tpu.memref_slice %arg4[%dma_start3A_2053, %dma_start3A_2054, %dma_start3A_2055] : memref<6x64x128xf32, #tpu.memory_space<vmem>> -> memref<3x64x128xf32, #tpu.memory_space<vmem>>
      tpu.enqueue_dma source(%dma_start3A_2056 : memref<3x64x128xf32, #tpu.memory_space<vmem>>) target(%dma_start3A_2052 : memref<3x64x128xf32, #tpu.memory_space<hbm>>) target_semaphore(%arg6 : memref<!tpu.dma_semaphore, #tpu.memory_space<semaphore_mem>>)
      %dma_wait3A_2057 = arith.constant 0 : i32
      %dma_wait3A_2058 = arith.constant 0 : i32
      %dma_wait3A_2059 = arith.constant 0 : i32
      %dma_wait3A_2060 = tpu.memref_slice %arg4[%dma_wait3A_2057, %dma_wait3A_2058, %dma_wait3A_2059] : memref<6x64x128xf32, #tpu.memory_space<vmem>> -> memref<2x64x128xf32, #tpu.memory_space<vmem>>
      %dma_wait3A_2061 = arith.constant 0 : i32
      %dma_wait3A_2062 = arith.constant 0 : i32
      %dma_wait3A_2063 = tpu.memref_slice %arg3[%add3A_2024, %dma_wait3A_2061, %dma_wait3A_2062] : memref<3768x64x128xf32, #tpu.memory_space<hbm>> -> memref<2x64x128xf32, #tpu.memory_space<hbm>>
      %dma_wait3A_2064 = arith.constant 0 : i32
      %dma_wait3A_2065 = arith.constant 0 : i32
      %dma_wait3A_2066 = tpu.memref_slice %arg3[%add3A_2024, %dma_wait3A_2064, %dma_wait3A_2065] : memref<3768x64x128xf32, #tpu.memory_space<hbm>> -> memref<2x64x128xf32, #tpu.memory_space<hbm>>
      %dma_wait3A_2067 = arith.constant 0 : i32
      %dma_wait3A_2068 = arith.constant 0 : i32
      %dma_wait3A_2069 = arith.constant 0 : i32
      %dma_wait3A_2070 = tpu.memref_slice %arg4[%dma_wait3A_2067, %dma_wait3A_2068, %dma_wait3A_2069] : memref<6x64x128xf32, #tpu.memory_space<vmem>> -> memref<2x64x128xf32, #tpu.memory_space<vmem>>
      tpu.wait_dma2 semaphore(%arg6 : memref<!tpu.dma_semaphore, #tpu.memory_space<semaphore_mem>>) src(%dma_wait3A_2070 : memref<2x64x128xf32, #tpu.memory_space<vmem>>) dst(%dma_wait3A_2066 : memref<2x64x128xf32, #tpu.memory_space<hbm>>)
      %dma_wait3A_2071 = arith.constant 3 : i32
      %dma_wait3A_2072 = arith.constant 0 : i32
      %dma_wait3A_2073 = arith.constant 0 : i32
      %dma_wait3A_2074 = tpu.memref_slice %arg4[%dma_wait3A_2071, %dma_wait3A_2072, %dma_wait3A_2073] : memref<6x64x128xf32, #tpu.memory_space<vmem>> -> memref<3x64x128xf32, #tpu.memory_space<vmem>>
      %dma_wait3A_2075 = arith.constant 0 : i32
      %dma_wait3A_2076 = arith.constant 0 : i32
      %dma_wait3A_2077 = tpu.memref_slice %arg3[%add3A_2042, %dma_wait3A_2075, %dma_wait3A_2076] : memref<3768x64x128xf32, #tpu.memory_space<hbm>> -> memref<3x64x128xf32, #tpu.memory_space<hbm>>
      %dma_wait3A_2078 = arith.constant 0 : i32
      %dma_wait3A_2079 = arith.constant 0 : i32
      %dma_wait3A_2080 = tpu.memref_slice %arg3[%add3A_2042, %dma_wait3A_2078, %dma_wait3A_2079] : memref<3768x64x128xf32, #tpu.memory_space<hbm>> -> memref<3x64x128xf32, #tpu.memory_space<hbm>>
      %dma_wait3A_2081 = arith.constant 3 : i32
      %dma_wait3A_2082 = arith.constant 0 : i32
      %dma_wait3A_2083 = arith.constant 0 : i32
      %dma_wait3A_2084 = tpu.memref_slice %arg4[%dma_wait3A_2081, %dma_wait3A_2082, %dma_wait3A_2083] : memref<6x64x128xf32, #tpu.memory_space<vmem>> -> memref<3x64x128xf32, #tpu.memory_space<vmem>>
      tpu.wait_dma2 semaphore(%arg6 : memref<!tpu.dma_semaphore, #tpu.memory_space<semaphore_mem>>) src(%dma_wait3A_2084 : memref<3x64x128xf32, #tpu.memory_space<vmem>>) dst(%dma_wait3A_2080 : memref<3x64x128xf32, #tpu.memory_space<hbm>>)
    } else {
    }
    %add3A_935 = arith.constant 0 : i32
    %add3A_936 = arith.addi %select_n3A_48, %add3A_935 : i32
    %mul3A_937 = arith.constant 942 : i32
    %mul3A_938 = arith.muli %select_n3A, %mul3A_937 : i32
    %add3A_939 = arith.constant 6 : i32
    %add3A_940 = arith.addi %mul3A_938, %add3A_939 : i32
    %mul3A_941 = arith.constant 36 : i32
    %mul3A_942 = arith.muli %mul3A_941, %add3A_936 : i32
    %add3A_943 = arith.addi %add3A_940, %mul3A_942 : i32
    %add3A_944 = arith.constant 18 : i32
    %add3A_945 = arith.addi %add3A_943, %add3A_944 : i32
    %dma_wait3A_946 = arith.constant 2 : i32
    %dma_wait3A_947 = arith.constant 0 : i32
    %dma_wait3A_948 = arith.constant 0 : i32
    %dma_wait3A_949 = tpu.memref_slice %arg4[%dma_wait3A_946, %dma_wait3A_947, %dma_wait3A_948] : memref<6x64x128xf32, #tpu.memory_space<vmem>> -> memref<4x64x128xf32, #tpu.memory_space<vmem>>
    %dma_wait3A_950 = arith.constant 0 : i32
    %dma_wait3A_951 = arith.constant 0 : i32
    %dma_wait3A_952 = tpu.memref_slice %arg3[%add3A_483, %dma_wait3A_950, %dma_wait3A_951] : memref<3768x64x128xf32, #tpu.memory_space<hbm>> -> memref<4x64x128xf32, #tpu.memory_space<hbm>>
    %dma_wait3A_953 = arith.constant 0 : i32
    %dma_wait3A_954 = arith.constant 0 : i32
    %dma_wait3A_955 = tpu.memref_slice %arg3[%add3A_483, %dma_wait3A_953, %dma_wait3A_954] : memref<3768x64x128xf32, #tpu.memory_space<hbm>> -> memref<4x64x128xf32, #tpu.memory_space<hbm>>
    %dma_wait3A_956 = arith.constant 2 : i32
    %dma_wait3A_957 = arith.constant 0 : i32
    %dma_wait3A_958 = arith.constant 0 : i32
    %dma_wait3A_959 = tpu.memref_slice %arg4[%dma_wait3A_956, %dma_wait3A_957, %dma_wait3A_958] : memref<6x64x128xf32, #tpu.memory_space<vmem>> -> memref<4x64x128xf32, #tpu.memory_space<vmem>>
    tpu.wait_dma2 semaphore(%arg6 : memref<!tpu.dma_semaphore, #tpu.memory_space<semaphore_mem>>) src(%dma_wait3A_959 : memref<4x64x128xf32, #tpu.memory_space<vmem>>) dst(%dma_wait3A_955 : memref<4x64x128xf32, #tpu.memory_space<hbm>>)
    %dma_start3A_960 = arith.constant 0 : i32
    %dma_start3A_961 = arith.constant 0 : i32
    %dma_start3A_962 = arith.constant 0 : i32
    %dma_start3A_963 = tpu.memref_slice %arg4[%dma_start3A_960, %dma_start3A_961, %dma_start3A_962] : memref<6x64x128xf32, #tpu.memory_space<vmem>> -> memref<3x64x128xf32, #tpu.memory_space<vmem>>
    %dma_start3A_964 = arith.constant 0 : i32
    %dma_start3A_965 = arith.constant 0 : i32
    %dma_start3A_966 = tpu.memref_slice %arg3[%add3A_945, %dma_start3A_964, %dma_start3A_965] : memref<3768x64x128xf32, #tpu.memory_space<hbm>> -> memref<3x64x128xf32, #tpu.memory_space<hbm>>
    %dma_start3A_967 = arith.constant 0 : i32
    %dma_start3A_968 = arith.constant 0 : i32
    %dma_start3A_969 = tpu.memref_slice %arg3[%add3A_945, %dma_start3A_967, %dma_start3A_968] : memref<3768x64x128xf32, #tpu.memory_space<hbm>> -> memref<3x64x128xf32, #tpu.memory_space<hbm>>
    %dma_start3A_970 = arith.constant 0 : i32
    %dma_start3A_971 = arith.constant 0 : i32
    %dma_start3A_972 = arith.constant 0 : i32
    %dma_start3A_973 = tpu.memref_slice %arg4[%dma_start3A_970, %dma_start3A_971, %dma_start3A_972] : memref<6x64x128xf32, #tpu.memory_space<vmem>> -> memref<3x64x128xf32, #tpu.memory_space<vmem>>
    tpu.enqueue_dma source(%dma_start3A_973 : memref<3x64x128xf32, #tpu.memory_space<vmem>>) target(%dma_start3A_969 : memref<3x64x128xf32, #tpu.memory_space<hbm>>) target_semaphore(%arg6 : memref<!tpu.dma_semaphore, #tpu.memory_space<semaphore_mem>>)
    %add3A_974 = arith.constant 3 : i32
    %add3A_975 = arith.addi %add3A_945, %add3A_974 : i32
    %dma_wait3A_976 = arith.constant 0 : i32
    %dma_wait3A_977 = arith.constant 0 : i32
    %dma_wait3A_978 = arith.constant 0 : i32
    %dma_wait3A_979 = tpu.memref_slice %arg4[%dma_wait3A_976, %dma_wait3A_977, %dma_wait3A_978] : memref<6x64x128xf32, #tpu.memory_space<vmem>> -> memref<1x64x128xf32, #tpu.memory_space<vmem>>
    %dma_wait3A_980 = arith.constant 0 : i32
    %dma_wait3A_981 = arith.constant 0 : i32
    %dma_wait3A_982 = tpu.memref_slice %arg3[%add3A_508, %dma_wait3A_980, %dma_wait3A_981] : memref<3768x64x128xf32, #tpu.memory_space<hbm>> -> memref<1x64x128xf32, #tpu.memory_space<hbm>>
    %dma_wait3A_983 = arith.constant 0 : i32
    %dma_wait3A_984 = arith.constant 0 : i32
    %dma_wait3A_985 = tpu.memref_slice %arg3[%add3A_508, %dma_wait3A_983, %dma_wait3A_984] : memref<3768x64x128xf32, #tpu.memory_space<hbm>> -> memref<1x64x128xf32, #tpu.memory_space<hbm>>
    %dma_wait3A_986 = arith.constant 0 : i32
    %dma_wait3A_987 = arith.constant 0 : i32
    %dma_wait3A_988 = arith.constant 0 : i32
    %dma_wait3A_989 = tpu.memref_slice %arg4[%dma_wait3A_986, %dma_wait3A_987, %dma_wait3A_988] : memref<6x64x128xf32, #tpu.memory_space<vmem>> -> memref<1x64x128xf32, #tpu.memory_space<vmem>>
    tpu.wait_dma2 semaphore(%arg6 : memref<!tpu.dma_semaphore, #tpu.memory_space<semaphore_mem>>) src(%dma_wait3A_989 : memref<1x64x128xf32, #tpu.memory_space<vmem>>) dst(%dma_wait3A_985 : memref<1x64x128xf32, #tpu.memory_space<hbm>>)
    %dma_start3A_990 = arith.constant 4 : i32
    %dma_start3A_991 = arith.constant 0 : i32
    %dma_start3A_992 = arith.constant 0 : i32
    %dma_start3A_993 = tpu.memref_slice %arg5[%dma_start3A_990, %dma_start3A_991, %dma_start3A_992] : memref<8x64x128xf32, #tpu.memory_space<vmem>> -> memref<1x64x128xf32, #tpu.memory_space<vmem>>
    %dma_start3A_994 = arith.constant 0 : i32
    %dma_start3A_995 = arith.constant 0 : i32
    %dma_start3A_996 = tpu.memref_slice %arg3[%add3A_975, %dma_start3A_994, %dma_start3A_995] : memref<3768x64x128xf32, #tpu.memory_space<hbm>> -> memref<1x64x128xf32, #tpu.memory_space<hbm>>
    %dma_start3A_997 = arith.constant 0 : i32
    %dma_start3A_998 = arith.constant 0 : i32
    %dma_start3A_999 = tpu.memref_slice %arg3[%add3A_975, %dma_start3A_997, %dma_start3A_998] : memref<3768x64x128xf32, #tpu.memory_space<hbm>> -> memref<1x64x128xf32, #tpu.memory_space<hbm>>
    %dma_start3A_1000 = arith.constant 4 : i32
    %dma_start3A_1001 = arith.constant 0 : i32
    %dma_start3A_1002 = arith.constant 0 : i32
    %dma_start3A_1003 = tpu.memref_slice %arg5[%dma_start3A_1000, %dma_start3A_1001, %dma_start3A_1002] : memref<8x64x128xf32, #tpu.memory_space<vmem>> -> memref<1x64x128xf32, #tpu.memory_space<vmem>>
    tpu.enqueue_dma source(%dma_start3A_1003 : memref<1x64x128xf32, #tpu.memory_space<vmem>>) target(%dma_start3A_999 : memref<1x64x128xf32, #tpu.memory_space<hbm>>) target_semaphore(%arg6 : memref<!tpu.dma_semaphore, #tpu.memory_space<semaphore_mem>>)
    %add3A_1004 = arith.constant 3 : i32
    %add3A_1005 = arith.addi %add3A_945, %add3A_1004 : i32
    %add3A_1006 = arith.constant 1 : i32
    %add3A_1007 = arith.addi %add3A_1005, %add3A_1006 : i32
    %dma_wait3A_1008 = arith.constant 5 : i32
    %dma_wait3A_1009 = arith.constant 0 : i32
    %dma_wait3A_1010 = arith.constant 0 : i32
    %dma_wait3A_1011 = tpu.memref_slice %arg5[%dma_wait3A_1008, %dma_wait3A_1009, %dma_wait3A_1010] : memref<8x64x128xf32, #tpu.memory_space<vmem>> -> memref<1x64x128xf32, #tpu.memory_space<vmem>>
    %dma_wait3A_1012 = arith.constant 0 : i32
    %dma_wait3A_1013 = arith.constant 0 : i32
    %dma_wait3A_1014 = tpu.memref_slice %arg3[%add3A_524, %dma_wait3A_1012, %dma_wait3A_1013] : memref<3768x64x128xf32, #tpu.memory_space<hbm>> -> memref<1x64x128xf32, #tpu.memory_space<hbm>>
    %dma_wait3A_1015 = arith.constant 0 : i32
    %dma_wait3A_1016 = arith.constant 0 : i32
    %dma_wait3A_1017 = tpu.memref_slice %arg3[%add3A_524, %dma_wait3A_1015, %dma_wait3A_1016] : memref<3768x64x128xf32, #tpu.memory_space<hbm>> -> memref<1x64x128xf32, #tpu.memory_space<hbm>>
    %dma_wait3A_1018 = arith.constant 5 : i32
    %dma_wait3A_1019 = arith.constant 0 : i32
    %dma_wait3A_1020 = arith.constant 0 : i32
    %dma_wait3A_1021 = tpu.memref_slice %arg5[%dma_wait3A_1018, %dma_wait3A_1019, %dma_wait3A_1020] : memref<8x64x128xf32, #tpu.memory_space<vmem>> -> memref<1x64x128xf32, #tpu.memory_space<vmem>>
    tpu.wait_dma2 semaphore(%arg6 : memref<!tpu.dma_semaphore, #tpu.memory_space<semaphore_mem>>) src(%dma_wait3A_1021 : memref<1x64x128xf32, #tpu.memory_space<vmem>>) dst(%dma_wait3A_1017 : memref<1x64x128xf32, #tpu.memory_space<hbm>>)
    %dma_start3A_1022 = arith.constant 4 : i32
    %dma_start3A_1023 = arith.constant 0 : i32
    %dma_start3A_1024 = arith.constant 0 : i32
    %dma_start3A_1025 = tpu.memref_slice %arg4[%dma_start3A_1022, %dma_start3A_1023, %dma_start3A_1024] : memref<6x64x128xf32, #tpu.memory_space<vmem>> -> memref<2x64x128xf32, #tpu.memory_space<vmem>>
    %dma_start3A_1026 = arith.constant 0 : i32
    %dma_start3A_1027 = arith.constant 0 : i32
    %dma_start3A_1028 = tpu.memref_slice %arg3[%add3A_1007, %dma_start3A_1026, %dma_start3A_1027] : memref<3768x64x128xf32, #tpu.memory_space<hbm>> -> memref<2x64x128xf32, #tpu.memory_space<hbm>>
    %dma_start3A_1029 = arith.constant 0 : i32
    %dma_start3A_1030 = arith.constant 0 : i32
    %dma_start3A_1031 = tpu.memref_slice %arg3[%add3A_1007, %dma_start3A_1029, %dma_start3A_1030] : memref<3768x64x128xf32, #tpu.memory_space<hbm>> -> memref<2x64x128xf32, #tpu.memory_space<hbm>>
    %dma_start3A_1032 = arith.constant 4 : i32
    %dma_start3A_1033 = arith.constant 0 : i32
    %dma_start3A_1034 = arith.constant 0 : i32
    %dma_start3A_1035 = tpu.memref_slice %arg4[%dma_start3A_1032, %dma_start3A_1033, %dma_start3A_1034] : memref<6x64x128xf32, #tpu.memory_space<vmem>> -> memref<2x64x128xf32, #tpu.memory_space<vmem>>
    tpu.enqueue_dma source(%dma_start3A_1035 : memref<2x64x128xf32, #tpu.memory_space<vmem>>) target(%dma_start3A_1031 : memref<2x64x128xf32, #tpu.memory_space<hbm>>) target_semaphore(%arg6 : memref<!tpu.dma_semaphore, #tpu.memory_space<semaphore_mem>>)
    %add3A_1036 = arith.constant 8 : i32
    %add3A_1037 = arith.addi %select_n3A_48, %add3A_1036 : i32
    %mul3A_1038 = arith.constant 942 : i32
    %mul3A_1039 = arith.muli %select_n3A, %mul3A_1038 : i32
    %add3A_1040 = arith.constant 6 : i32
    %add3A_1041 = arith.addi %mul3A_1039, %add3A_1040 : i32
    %mul3A_1042 = arith.constant 36 : i32
    %mul3A_1043 = arith.muli %mul3A_1042, %add3A_1037 : i32
    %add3A_1044 = arith.addi %add3A_1041, %mul3A_1043 : i32
    %add3A_1045 = arith.constant 18 : i32
    %add3A_1046 = arith.addi %add3A_1044, %add3A_1045 : i32
    %dma_wait3A_1047 = arith.constant 2 : i32
    %dma_wait3A_1048 = arith.constant 0 : i32
    %dma_wait3A_1049 = arith.constant 0 : i32
    %dma_wait3A_1050 = tpu.memref_slice %arg4[%dma_wait3A_1047, %dma_wait3A_1048, %dma_wait3A_1049] : memref<6x64x128xf32, #tpu.memory_space<vmem>> -> memref<4x64x128xf32, #tpu.memory_space<vmem>>
    %dma_wait3A_1051 = arith.constant 0 : i32
    %dma_wait3A_1052 = arith.constant 0 : i32
    %dma_wait3A_1053 = tpu.memref_slice %arg3[%add3A_542, %dma_wait3A_1051, %dma_wait3A_1052] : memref<3768x64x128xf32, #tpu.memory_space<hbm>> -> memref<4x64x128xf32, #tpu.memory_space<hbm>>
    %dma_wait3A_1054 = arith.constant 0 : i32
    %dma_wait3A_1055 = arith.constant 0 : i32
    %dma_wait3A_1056 = tpu.memref_slice %arg3[%add3A_542, %dma_wait3A_1054, %dma_wait3A_1055] : memref<3768x64x128xf32, #tpu.memory_space<hbm>> -> memref<4x64x128xf32, #tpu.memory_space<hbm>>
    %dma_wait3A_1057 = arith.constant 2 : i32
    %dma_wait3A_1058 = arith.constant 0 : i32
    %dma_wait3A_1059 = arith.constant 0 : i32
    %dma_wait3A_1060 = tpu.memref_slice %arg4[%dma_wait3A_1057, %dma_wait3A_1058, %dma_wait3A_1059] : memref<6x64x128xf32, #tpu.memory_space<vmem>> -> memref<4x64x128xf32, #tpu.memory_space<vmem>>
    tpu.wait_dma2 semaphore(%arg6 : memref<!tpu.dma_semaphore, #tpu.memory_space<semaphore_mem>>) src(%dma_wait3A_1060 : memref<4x64x128xf32, #tpu.memory_space<vmem>>) dst(%dma_wait3A_1056 : memref<4x64x128xf32, #tpu.memory_space<hbm>>)
    %dma_start3A_1061 = arith.constant 0 : i32
    %dma_start3A_1062 = arith.constant 0 : i32
    %dma_start3A_1063 = arith.constant 0 : i32
    %dma_start3A_1064 = tpu.memref_slice %arg4[%dma_start3A_1061, %dma_start3A_1062, %dma_start3A_1063] : memref<6x64x128xf32, #tpu.memory_space<vmem>> -> memref<3x64x128xf32, #tpu.memory_space<vmem>>
    %dma_start3A_1065 = arith.constant 0 : i32
    %dma_start3A_1066 = arith.constant 0 : i32
    %dma_start3A_1067 = tpu.memref_slice %arg3[%add3A_1046, %dma_start3A_1065, %dma_start3A_1066] : memref<3768x64x128xf32, #tpu.memory_space<hbm>> -> memref<3x64x128xf32, #tpu.memory_space<hbm>>
    %dma_start3A_1068 = arith.constant 0 : i32
    %dma_start3A_1069 = arith.constant 0 : i32
    %dma_start3A_1070 = tpu.memref_slice %arg3[%add3A_1046, %dma_start3A_1068, %dma_start3A_1069] : memref<3768x64x128xf32, #tpu.memory_space<hbm>> -> memref<3x64x128xf32, #tpu.memory_space<hbm>>
    %dma_start3A_1071 = arith.constant 0 : i32
    %dma_start3A_1072 = arith.constant 0 : i32
    %dma_start3A_1073 = arith.constant 0 : i32
    %dma_start3A_1074 = tpu.memref_slice %arg4[%dma_start3A_1071, %dma_start3A_1072, %dma_start3A_1073] : memref<6x64x128xf32, #tpu.memory_space<vmem>> -> memref<3x64x128xf32, #tpu.memory_space<vmem>>
    tpu.enqueue_dma source(%dma_start3A_1074 : memref<3x64x128xf32, #tpu.memory_space<vmem>>) target(%dma_start3A_1070 : memref<3x64x128xf32, #tpu.memory_space<hbm>>) target_semaphore(%arg6 : memref<!tpu.dma_semaphore, #tpu.memory_space<semaphore_mem>>)
    %add3A_1075 = arith.constant 3 : i32
    %add3A_1076 = arith.addi %add3A_1046, %add3A_1075 : i32
    %dma_wait3A_1077 = arith.constant 0 : i32
    %dma_wait3A_1078 = arith.constant 0 : i32
    %dma_wait3A_1079 = arith.constant 0 : i32
    %dma_wait3A_1080 = tpu.memref_slice %arg4[%dma_wait3A_1077, %dma_wait3A_1078, %dma_wait3A_1079] : memref<6x64x128xf32, #tpu.memory_space<vmem>> -> memref<1x64x128xf32, #tpu.memory_space<vmem>>
    %dma_wait3A_1081 = arith.constant 0 : i32
    %dma_wait3A_1082 = arith.constant 0 : i32
    %dma_wait3A_1083 = tpu.memref_slice %arg3[%add3A_567, %dma_wait3A_1081, %dma_wait3A_1082] : memref<3768x64x128xf32, #tpu.memory_space<hbm>> -> memref<1x64x128xf32, #tpu.memory_space<hbm>>
    %dma_wait3A_1084 = arith.constant 0 : i32
    %dma_wait3A_1085 = arith.constant 0 : i32
    %dma_wait3A_1086 = tpu.memref_slice %arg3[%add3A_567, %dma_wait3A_1084, %dma_wait3A_1085] : memref<3768x64x128xf32, #tpu.memory_space<hbm>> -> memref<1x64x128xf32, #tpu.memory_space<hbm>>
    %dma_wait3A_1087 = arith.constant 0 : i32
    %dma_wait3A_1088 = arith.constant 0 : i32
    %dma_wait3A_1089 = arith.constant 0 : i32
    %dma_wait3A_1090 = tpu.memref_slice %arg4[%dma_wait3A_1087, %dma_wait3A_1088, %dma_wait3A_1089] : memref<6x64x128xf32, #tpu.memory_space<vmem>> -> memref<1x64x128xf32, #tpu.memory_space<vmem>>
    tpu.wait_dma2 semaphore(%arg6 : memref<!tpu.dma_semaphore, #tpu.memory_space<semaphore_mem>>) src(%dma_wait3A_1090 : memref<1x64x128xf32, #tpu.memory_space<vmem>>) dst(%dma_wait3A_1086 : memref<1x64x128xf32, #tpu.memory_space<hbm>>)
    %dma_start3A_1091 = arith.constant 5 : i32
    %dma_start3A_1092 = arith.constant 0 : i32
    %dma_start3A_1093 = arith.constant 0 : i32
    %dma_start3A_1094 = tpu.memref_slice %arg5[%dma_start3A_1091, %dma_start3A_1092, %dma_start3A_1093] : memref<8x64x128xf32, #tpu.memory_space<vmem>> -> memref<1x64x128xf32, #tpu.memory_space<vmem>>
    %dma_start3A_1095 = arith.constant 0 : i32
    %dma_start3A_1096 = arith.constant 0 : i32
    %dma_start3A_1097 = tpu.memref_slice %arg3[%add3A_1076, %dma_start3A_1095, %dma_start3A_1096] : memref<3768x64x128xf32, #tpu.memory_space<hbm>> -> memref<1x64x128xf32, #tpu.memory_space<hbm>>
    %dma_start3A_1098 = arith.constant 0 : i32
    %dma_start3A_1099 = arith.constant 0 : i32
    %dma_start3A_1100 = tpu.memref_slice %arg3[%add3A_1076, %dma_start3A_1098, %dma_start3A_1099] : memref<3768x64x128xf32, #tpu.memory_space<hbm>> -> memref<1x64x128xf32, #tpu.memory_space<hbm>>
    %dma_start3A_1101 = arith.constant 5 : i32
    %dma_start3A_1102 = arith.constant 0 : i32
    %dma_start3A_1103 = arith.constant 0 : i32
    %dma_start3A_1104 = tpu.memref_slice %arg5[%dma_start3A_1101, %dma_start3A_1102, %dma_start3A_1103] : memref<8x64x128xf32, #tpu.memory_space<vmem>> -> memref<1x64x128xf32, #tpu.memory_space<vmem>>
    tpu.enqueue_dma source(%dma_start3A_1104 : memref<1x64x128xf32, #tpu.memory_space<vmem>>) target(%dma_start3A_1100 : memref<1x64x128xf32, #tpu.memory_space<hbm>>) target_semaphore(%arg6 : memref<!tpu.dma_semaphore, #tpu.memory_space<semaphore_mem>>)
    %add3A_1105 = arith.constant 3 : i32
    %add3A_1106 = arith.addi %add3A_1046, %add3A_1105 : i32
    %add3A_1107 = arith.constant 1 : i32
    %add3A_1108 = arith.addi %add3A_1106, %add3A_1107 : i32
    %dma_wait3A_1109 = arith.constant 6 : i32
    %dma_wait3A_1110 = arith.constant 0 : i32
    %dma_wait3A_1111 = arith.constant 0 : i32
    %dma_wait3A_1112 = tpu.memref_slice %arg5[%dma_wait3A_1109, %dma_wait3A_1110, %dma_wait3A_1111] : memref<8x64x128xf32, #tpu.memory_space<vmem>> -> memref<1x64x128xf32, #tpu.memory_space<vmem>>
    %dma_wait3A_1113 = arith.constant 0 : i32
    %dma_wait3A_1114 = arith.constant 0 : i32
    %dma_wait3A_1115 = tpu.memref_slice %arg3[%add3A_583, %dma_wait3A_1113, %dma_wait3A_1114] : memref<3768x64x128xf32, #tpu.memory_space<hbm>> -> memref<1x64x128xf32, #tpu.memory_space<hbm>>
    %dma_wait3A_1116 = arith.constant 0 : i32
    %dma_wait3A_1117 = arith.constant 0 : i32
    %dma_wait3A_1118 = tpu.memref_slice %arg3[%add3A_583, %dma_wait3A_1116, %dma_wait3A_1117] : memref<3768x64x128xf32, #tpu.memory_space<hbm>> -> memref<1x64x128xf32, #tpu.memory_space<hbm>>
    %dma_wait3A_1119 = arith.constant 6 : i32
    %dma_wait3A_1120 = arith.constant 0 : i32
    %dma_wait3A_1121 = arith.constant 0 : i32
    %dma_wait3A_1122 = tpu.memref_slice %arg5[%dma_wait3A_1119, %dma_wait3A_1120, %dma_wait3A_1121] : memref<8x64x128xf32, #tpu.memory_space<vmem>> -> memref<1x64x128xf32, #tpu.memory_space<vmem>>
    tpu.wait_dma2 semaphore(%arg6 : memref<!tpu.dma_semaphore, #tpu.memory_space<semaphore_mem>>) src(%dma_wait3A_1122 : memref<1x64x128xf32, #tpu.memory_space<vmem>>) dst(%dma_wait3A_1118 : memref<1x64x128xf32, #tpu.memory_space<hbm>>)
    %dma_start3A_1123 = arith.constant 4 : i32
    %dma_start3A_1124 = arith.constant 0 : i32
    %dma_start3A_1125 = arith.constant 0 : i32
    %dma_start3A_1126 = tpu.memref_slice %arg4[%dma_start3A_1123, %dma_start3A_1124, %dma_start3A_1125] : memref<6x64x128xf32, #tpu.memory_space<vmem>> -> memref<2x64x128xf32, #tpu.memory_space<vmem>>
    %dma_start3A_1127 = arith.constant 0 : i32
    %dma_start3A_1128 = arith.constant 0 : i32
    %dma_start3A_1129 = tpu.memref_slice %arg3[%add3A_1108, %dma_start3A_1127, %dma_start3A_1128] : memref<3768x64x128xf32, #tpu.memory_space<hbm>> -> memref<2x64x128xf32, #tpu.memory_space<hbm>>
    %dma_start3A_1130 = arith.constant 0 : i32
    %dma_start3A_1131 = arith.constant 0 : i32
    %dma_start3A_1132 = tpu.memref_slice %arg3[%add3A_1108, %dma_start3A_1130, %dma_start3A_1131] : memref<3768x64x128xf32, #tpu.memory_space<hbm>> -> memref<2x64x128xf32, #tpu.memory_space<hbm>>
    %dma_start3A_1133 = arith.constant 4 : i32
    %dma_start3A_1134 = arith.constant 0 : i32
    %dma_start3A_1135 = arith.constant 0 : i32
    %dma_start3A_1136 = tpu.memref_slice %arg4[%dma_start3A_1133, %dma_start3A_1134, %dma_start3A_1135] : memref<6x64x128xf32, #tpu.memory_space<vmem>> -> memref<2x64x128xf32, #tpu.memory_space<vmem>>
    tpu.enqueue_dma source(%dma_start3A_1136 : memref<2x64x128xf32, #tpu.memory_space<vmem>>) target(%dma_start3A_1132 : memref<2x64x128xf32, #tpu.memory_space<hbm>>) target_semaphore(%arg6 : memref<!tpu.dma_semaphore, #tpu.memory_space<semaphore_mem>>)
    %add3A_1137 = arith.constant 16 : i32
    %add3A_1138 = arith.addi %select_n3A_48, %add3A_1137 : i32
    %mul3A_1139 = arith.constant 942 : i32
    %mul3A_1140 = arith.muli %select_n3A, %mul3A_1139 : i32
    %add3A_1141 = arith.constant 6 : i32
    %add3A_1142 = arith.addi %mul3A_1140, %add3A_1141 : i32
    %mul3A_1143 = arith.constant 36 : i32
    %mul3A_1144 = arith.muli %mul3A_1143, %add3A_1138 : i32
    %add3A_1145 = arith.addi %add3A_1142, %mul3A_1144 : i32
    %add3A_1146 = arith.constant 18 : i32
    %add3A_1147 = arith.addi %add3A_1145, %add3A_1146 : i32
    %dma_wait3A_1148 = arith.constant 2 : i32
    %dma_wait3A_1149 = arith.constant 0 : i32
    %dma_wait3A_1150 = arith.constant 0 : i32
    %dma_wait3A_1151 = tpu.memref_slice %arg4[%dma_wait3A_1148, %dma_wait3A_1149, %dma_wait3A_1150] : memref<6x64x128xf32, #tpu.memory_space<vmem>> -> memref<4x64x128xf32, #tpu.memory_space<vmem>>
    %dma_wait3A_1152 = arith.constant 0 : i32
    %dma_wait3A_1153 = arith.constant 0 : i32
    %dma_wait3A_1154 = tpu.memref_slice %arg3[%add3A_601, %dma_wait3A_1152, %dma_wait3A_1153] : memref<3768x64x128xf32, #tpu.memory_space<hbm>> -> memref<4x64x128xf32, #tpu.memory_space<hbm>>
    %dma_wait3A_1155 = arith.constant 0 : i32
    %dma_wait3A_1156 = arith.constant 0 : i32
    %dma_wait3A_1157 = tpu.memref_slice %arg3[%add3A_601, %dma_wait3A_1155, %dma_wait3A_1156] : memref<3768x64x128xf32, #tpu.memory_space<hbm>> -> memref<4x64x128xf32, #tpu.memory_space<hbm>>
    %dma_wait3A_1158 = arith.constant 2 : i32
    %dma_wait3A_1159 = arith.constant 0 : i32
    %dma_wait3A_1160 = arith.constant 0 : i32
    %dma_wait3A_1161 = tpu.memref_slice %arg4[%dma_wait3A_1158, %dma_wait3A_1159, %dma_wait3A_1160] : memref<6x64x128xf32, #tpu.memory_space<vmem>> -> memref<4x64x128xf32, #tpu.memory_space<vmem>>
    tpu.wait_dma2 semaphore(%arg6 : memref<!tpu.dma_semaphore, #tpu.memory_space<semaphore_mem>>) src(%dma_wait3A_1161 : memref<4x64x128xf32, #tpu.memory_space<vmem>>) dst(%dma_wait3A_1157 : memref<4x64x128xf32, #tpu.memory_space<hbm>>)
    %dma_start3A_1162 = arith.constant 0 : i32
    %dma_start3A_1163 = arith.constant 0 : i32
    %dma_start3A_1164 = arith.constant 0 : i32
    %dma_start3A_1165 = tpu.memref_slice %arg4[%dma_start3A_1162, %dma_start3A_1163, %dma_start3A_1164] : memref<6x64x128xf32, #tpu.memory_space<vmem>> -> memref<3x64x128xf32, #tpu.memory_space<vmem>>
    %dma_start3A_1166 = arith.constant 0 : i32
    %dma_start3A_1167 = arith.constant 0 : i32
    %dma_start3A_1168 = tpu.memref_slice %arg3[%add3A_1147, %dma_start3A_1166, %dma_start3A_1167] : memref<3768x64x128xf32, #tpu.memory_space<hbm>> -> memref<3x64x128xf32, #tpu.memory_space<hbm>>
    %dma_start3A_1169 = arith.constant 0 : i32
    %dma_start3A_1170 = arith.constant 0 : i32
    %dma_start3A_1171 = tpu.memref_slice %arg3[%add3A_1147, %dma_start3A_1169, %dma_start3A_1170] : memref<3768x64x128xf32, #tpu.memory_space<hbm>> -> memref<3x64x128xf32, #tpu.memory_space<hbm>>
    %dma_start3A_1172 = arith.constant 0 : i32
    %dma_start3A_1173 = arith.constant 0 : i32
    %dma_start3A_1174 = arith.constant 0 : i32
    %dma_start3A_1175 = tpu.memref_slice %arg4[%dma_start3A_1172, %dma_start3A_1173, %dma_start3A_1174] : memref<6x64x128xf32, #tpu.memory_space<vmem>> -> memref<3x64x128xf32, #tpu.memory_space<vmem>>
    tpu.enqueue_dma source(%dma_start3A_1175 : memref<3x64x128xf32, #tpu.memory_space<vmem>>) target(%dma_start3A_1171 : memref<3x64x128xf32, #tpu.memory_space<hbm>>) target_semaphore(%arg6 : memref<!tpu.dma_semaphore, #tpu.memory_space<semaphore_mem>>)
    %add3A_1176 = arith.constant 3 : i32
    %add3A_1177 = arith.addi %add3A_1147, %add3A_1176 : i32
    %dma_wait3A_1178 = arith.constant 0 : i32
    %dma_wait3A_1179 = arith.constant 0 : i32
    %dma_wait3A_1180 = arith.constant 0 : i32
    %dma_wait3A_1181 = tpu.memref_slice %arg4[%dma_wait3A_1178, %dma_wait3A_1179, %dma_wait3A_1180] : memref<6x64x128xf32, #tpu.memory_space<vmem>> -> memref<2x64x128xf32, #tpu.memory_space<vmem>>
    %dma_wait3A_1182 = arith.constant 0 : i32
    %dma_wait3A_1183 = arith.constant 0 : i32
    %dma_wait3A_1184 = tpu.memref_slice %arg3[%add3A_641, %dma_wait3A_1182, %dma_wait3A_1183] : memref<3768x64x128xf32, #tpu.memory_space<hbm>> -> memref<2x64x128xf32, #tpu.memory_space<hbm>>
    %dma_wait3A_1185 = arith.constant 0 : i32
    %dma_wait3A_1186 = arith.constant 0 : i32
    %dma_wait3A_1187 = tpu.memref_slice %arg3[%add3A_641, %dma_wait3A_1185, %dma_wait3A_1186] : memref<3768x64x128xf32, #tpu.memory_space<hbm>> -> memref<2x64x128xf32, #tpu.memory_space<hbm>>
    %dma_wait3A_1188 = arith.constant 0 : i32
    %dma_wait3A_1189 = arith.constant 0 : i32
    %dma_wait3A_1190 = arith.constant 0 : i32
    %dma_wait3A_1191 = tpu.memref_slice %arg4[%dma_wait3A_1188, %dma_wait3A_1189, %dma_wait3A_1190] : memref<6x64x128xf32, #tpu.memory_space<vmem>> -> memref<2x64x128xf32, #tpu.memory_space<vmem>>
    tpu.wait_dma2 semaphore(%arg6 : memref<!tpu.dma_semaphore, #tpu.memory_space<semaphore_mem>>) src(%dma_wait3A_1191 : memref<2x64x128xf32, #tpu.memory_space<vmem>>) dst(%dma_wait3A_1187 : memref<2x64x128xf32, #tpu.memory_space<hbm>>)
    %dma_start3A_1192 = arith.constant 6 : i32
    %dma_start3A_1193 = arith.constant 0 : i32
    %dma_start3A_1194 = arith.constant 0 : i32
    %dma_start3A_1195 = tpu.memref_slice %arg5[%dma_start3A_1192, %dma_start3A_1193, %dma_start3A_1194] : memref<8x64x128xf32, #tpu.memory_space<vmem>> -> memref<1x64x128xf32, #tpu.memory_space<vmem>>
    %dma_start3A_1196 = arith.constant 0 : i32
    %dma_start3A_1197 = arith.constant 0 : i32
    %dma_start3A_1198 = tpu.memref_slice %arg3[%add3A_1177, %dma_start3A_1196, %dma_start3A_1197] : memref<3768x64x128xf32, #tpu.memory_space<hbm>> -> memref<1x64x128xf32, #tpu.memory_space<hbm>>
    %dma_start3A_1199 = arith.constant 0 : i32
    %dma_start3A_1200 = arith.constant 0 : i32
    %dma_start3A_1201 = tpu.memref_slice %arg3[%add3A_1177, %dma_start3A_1199, %dma_start3A_1200] : memref<3768x64x128xf32, #tpu.memory_space<hbm>> -> memref<1x64x128xf32, #tpu.memory_space<hbm>>
    %dma_start3A_1202 = arith.constant 6 : i32
    %dma_start3A_1203 = arith.constant 0 : i32
    %dma_start3A_1204 = arith.constant 0 : i32
    %dma_start3A_1205 = tpu.memref_slice %arg5[%dma_start3A_1202, %dma_start3A_1203, %dma_start3A_1204] : memref<8x64x128xf32, #tpu.memory_space<vmem>> -> memref<1x64x128xf32, #tpu.memory_space<vmem>>
    tpu.enqueue_dma source(%dma_start3A_1205 : memref<1x64x128xf32, #tpu.memory_space<vmem>>) target(%dma_start3A_1201 : memref<1x64x128xf32, #tpu.memory_space<hbm>>) target_semaphore(%arg6 : memref<!tpu.dma_semaphore, #tpu.memory_space<semaphore_mem>>)
    %add3A_1206 = arith.constant 3 : i32
    %add3A_1207 = arith.addi %add3A_1147, %add3A_1206 : i32
    %add3A_1208 = arith.constant 1 : i32
    %add3A_1209 = arith.addi %add3A_1207, %add3A_1208 : i32
    %dma_wait3A_1210 = arith.constant 0 : i32
    %dma_wait3A_1211 = arith.constant 0 : i32
    %dma_wait3A_1212 = arith.constant 0 : i32
    %dma_wait3A_1213 = tpu.memref_slice %arg5[%dma_wait3A_1210, %dma_wait3A_1211, %dma_wait3A_1212] : memref<8x64x128xf32, #tpu.memory_space<vmem>> -> memref<1x64x128xf32, #tpu.memory_space<vmem>>
    %dma_wait3A_1214 = arith.constant 0 : i32
    %dma_wait3A_1215 = arith.constant 0 : i32
    %dma_wait3A_1216 = tpu.memref_slice %arg3[%add3A_657, %dma_wait3A_1214, %dma_wait3A_1215] : memref<3768x64x128xf32, #tpu.memory_space<hbm>> -> memref<1x64x128xf32, #tpu.memory_space<hbm>>
    %dma_wait3A_1217 = arith.constant 0 : i32
    %dma_wait3A_1218 = arith.constant 0 : i32
    %dma_wait3A_1219 = tpu.memref_slice %arg3[%add3A_657, %dma_wait3A_1217, %dma_wait3A_1218] : memref<3768x64x128xf32, #tpu.memory_space<hbm>> -> memref<1x64x128xf32, #tpu.memory_space<hbm>>
    %dma_wait3A_1220 = arith.constant 0 : i32
    %dma_wait3A_1221 = arith.constant 0 : i32
    %dma_wait3A_1222 = arith.constant 0 : i32
    %dma_wait3A_1223 = tpu.memref_slice %arg5[%dma_wait3A_1220, %dma_wait3A_1221, %dma_wait3A_1222] : memref<8x64x128xf32, #tpu.memory_space<vmem>> -> memref<1x64x128xf32, #tpu.memory_space<vmem>>
    tpu.wait_dma2 semaphore(%arg6 : memref<!tpu.dma_semaphore, #tpu.memory_space<semaphore_mem>>) src(%dma_wait3A_1223 : memref<1x64x128xf32, #tpu.memory_space<vmem>>) dst(%dma_wait3A_1219 : memref<1x64x128xf32, #tpu.memory_space<hbm>>)
    %dma_start3A_1224 = arith.constant 4 : i32
    %dma_start3A_1225 = arith.constant 0 : i32
    %dma_start3A_1226 = arith.constant 0 : i32
    %dma_start3A_1227 = tpu.memref_slice %arg4[%dma_start3A_1224, %dma_start3A_1225, %dma_start3A_1226] : memref<6x64x128xf32, #tpu.memory_space<vmem>> -> memref<2x64x128xf32, #tpu.memory_space<vmem>>
    %dma_start3A_1228 = arith.constant 0 : i32
    %dma_start3A_1229 = arith.constant 0 : i32
    %dma_start3A_1230 = tpu.memref_slice %arg3[%add3A_1209, %dma_start3A_1228, %dma_start3A_1229] : memref<3768x64x128xf32, #tpu.memory_space<hbm>> -> memref<2x64x128xf32, #tpu.memory_space<hbm>>
    %dma_start3A_1231 = arith.constant 0 : i32
    %dma_start3A_1232 = arith.constant 0 : i32
    %dma_start3A_1233 = tpu.memref_slice %arg3[%add3A_1209, %dma_start3A_1231, %dma_start3A_1232] : memref<3768x64x128xf32, #tpu.memory_space<hbm>> -> memref<2x64x128xf32, #tpu.memory_space<hbm>>
    %dma_start3A_1234 = arith.constant 4 : i32
    %dma_start3A_1235 = arith.constant 0 : i32
    %dma_start3A_1236 = arith.constant 0 : i32
    %dma_start3A_1237 = tpu.memref_slice %arg4[%dma_start3A_1234, %dma_start3A_1235, %dma_start3A_1236] : memref<6x64x128xf32, #tpu.memory_space<vmem>> -> memref<2x64x128xf32, #tpu.memory_space<vmem>>
    tpu.enqueue_dma source(%dma_start3A_1237 : memref<2x64x128xf32, #tpu.memory_space<vmem>>) target(%dma_start3A_1233 : memref<2x64x128xf32, #tpu.memory_space<hbm>>) target_semaphore(%arg6 : memref<!tpu.dma_semaphore, #tpu.memory_space<semaphore_mem>>)
    %lt3A_1238 = arith.constant 2 : i32
    %lt3A_1239 = arith.cmpi slt, %select_n3A_48, %lt3A_1238 : i32
    %convert_element_type3A_1240 = arith.extui %lt3A_1239 : i1 to i32
    %cond3A_1241 = arith.constant 0 : i32
    %cond3A_1242 = arith.cmpi ne, %convert_element_type3A_1240, %cond3A_1241 : i32
    scf.if %cond3A_1242 {
      %add3A_2017 = arith.constant 24 : i32
      %add3A_2018 = arith.addi %select_n3A_48, %add3A_2017 : i32
      %mul3A_2019 = arith.constant 942 : i32
      %mul3A_2020 = arith.muli %select_n3A, %mul3A_2019 : i32
      %add3A_2021 = arith.constant 6 : i32
      %add3A_2022 = arith.addi %mul3A_2020, %add3A_2021 : i32
      %mul3A_2023 = arith.constant 36 : i32
      %mul3A_2024 = arith.muli %mul3A_2023, %add3A_2018 : i32
      %add3A_2025 = arith.addi %add3A_2022, %mul3A_2024 : i32
      %add3A_2026 = arith.constant 18 : i32
      %add3A_2027 = arith.addi %add3A_2025, %add3A_2026 : i32
      %add3A_2028 = arith.constant 3 : i32
      %add3A_2029 = arith.addi %add3A_2027, %add3A_2028 : i32
      "tpu.region"() ({
        %run_scoped3A = tpu.sem_alloc : memref<!tpu.dma_semaphore, #tpu.memory_space<semaphore_mem>>
        %dma_start3A_2030 = arith.constant 7 : i32
        %dma_start3A_2031 = arith.constant 0 : i32
        %dma_start3A_2032 = arith.constant 0 : i32
        %dma_start3A_2033 = tpu.memref_slice %arg5[%dma_start3A_2030, %dma_start3A_2031, %dma_start3A_2032] : memref<8x64x128xf32, #tpu.memory_space<vmem>> -> memref<1x64x128xf32, #tpu.memory_space<vmem>>
        %dma_start3A_2034 = arith.constant 0 : i32
        %dma_start3A_2035 = arith.constant 0 : i32
        %dma_start3A_2036 = tpu.memref_slice %arg3[%add3A_2029, %dma_start3A_2034, %dma_start3A_2035] : memref<3768x64x128xf32, #tpu.memory_space<hbm>> -> memref<1x64x128xf32, #tpu.memory_space<hbm>>
        %dma_start3A_2037 = arith.constant 0 : i32
        %dma_start3A_2038 = arith.constant 0 : i32
        %dma_start3A_2039 = tpu.memref_slice %arg3[%add3A_2029, %dma_start3A_2037, %dma_start3A_2038] : memref<3768x64x128xf32, #tpu.memory_space<hbm>> -> memref<1x64x128xf32, #tpu.memory_space<hbm>>
        %dma_start3A_2040 = arith.constant 7 : i32
        %dma_start3A_2041 = arith.constant 0 : i32
        %dma_start3A_2042 = arith.constant 0 : i32
        %dma_start3A_2043 = tpu.memref_slice %arg5[%dma_start3A_2040, %dma_start3A_2041, %dma_start3A_2042] : memref<8x64x128xf32, #tpu.memory_space<vmem>> -> memref<1x64x128xf32, #tpu.memory_space<vmem>>
        tpu.enqueue_dma source(%dma_start3A_2043 : memref<1x64x128xf32, #tpu.memory_space<vmem>>) target(%dma_start3A_2039 : memref<1x64x128xf32, #tpu.memory_space<hbm>>) target_semaphore(%run_scoped3A : memref<!tpu.dma_semaphore, #tpu.memory_space<semaphore_mem>>)
        %dma_wait3A_2044 = arith.constant 7 : i32
        %dma_wait3A_2045 = arith.constant 0 : i32
        %dma_wait3A_2046 = arith.constant 0 : i32
        %dma_wait3A_2047 = tpu.memref_slice %arg5[%dma_wait3A_2044, %dma_wait3A_2045, %dma_wait3A_2046] : memref<8x64x128xf32, #tpu.memory_space<vmem>> -> memref<1x64x128xf32, #tpu.memory_space<vmem>>
        %dma_wait3A_2048 = arith.constant 0 : i32
        %dma_wait3A_2049 = arith.constant 0 : i32
        %dma_wait3A_2050 = tpu.memref_slice %arg3[%add3A_2029, %dma_wait3A_2048, %dma_wait3A_2049] : memref<3768x64x128xf32, #tpu.memory_space<hbm>> -> memref<1x64x128xf32, #tpu.memory_space<hbm>>
        %dma_wait3A_2051 = arith.constant 0 : i32
        %dma_wait3A_2052 = arith.constant 0 : i32
        %dma_wait3A_2053 = tpu.memref_slice %arg3[%add3A_2029, %dma_wait3A_2051, %dma_wait3A_2052] : memref<3768x64x128xf32, #tpu.memory_space<hbm>> -> memref<1x64x128xf32, #tpu.memory_space<hbm>>
        %dma_wait3A_2054 = arith.constant 7 : i32
        %dma_wait3A_2055 = arith.constant 0 : i32
        %dma_wait3A_2056 = arith.constant 0 : i32
        %dma_wait3A_2057 = tpu.memref_slice %arg5[%dma_wait3A_2054, %dma_wait3A_2055, %dma_wait3A_2056] : memref<8x64x128xf32, #tpu.memory_space<vmem>> -> memref<1x64x128xf32, #tpu.memory_space<vmem>>
        tpu.wait_dma2 semaphore(%run_scoped3A : memref<!tpu.dma_semaphore, #tpu.memory_space<semaphore_mem>>) src(%dma_wait3A_2057 : memref<1x64x128xf32, #tpu.memory_space<vmem>>) dst(%dma_wait3A_2053 : memref<1x64x128xf32, #tpu.memory_space<hbm>>)
        tpu.yield
      }) : () -> ()
    } else {
    }
    %eq3A_1243 = arith.constant 6 : i32
    %eq3A_1244 = arith.cmpi eq, %select_n3A_30, %eq3A_1243 : i32
    %convert_element_type3A_1245 = arith.extui %eq3A_1244 : i1 to i32
    %cond3A_1246 = arith.constant 0 : i32
    %cond3A_1247 = arith.cmpi ne, %convert_element_type3A_1245, %cond3A_1246 : i32
    scf.if %cond3A_1247 {
      %mul3A_2017 = arith.constant 942 : i32
      %mul3A_2018 = arith.muli %select_n3A, %mul3A_2017 : i32
      %add3A_2019 = arith.constant 6 : i32
      %add3A_2020 = arith.addi %mul3A_2018, %add3A_2019 : i32
      %add3A_2021 = arith.constant 864 : i32
      %add3A_2022 = arith.addi %add3A_2020, %add3A_2021 : i32
      %add3A_2023 = arith.constant 18 : i32
      %add3A_2024 = arith.addi %add3A_2022, %add3A_2023 : i32
      %dma_start3A_2025 = arith.constant 0 : i32
      %dma_start3A_2026 = arith.constant 0 : i32
      %dma_start3A_2027 = arith.constant 0 : i32
      %dma_start3A_2028 = tpu.memref_slice %arg4[%dma_start3A_2025, %dma_start3A_2026, %dma_start3A_2027] : memref<6x64x128xf32, #tpu.memory_space<vmem>> -> memref<3x64x128xf32, #tpu.memory_space<vmem>>
      %dma_start3A_2029 = arith.constant 0 : i32
      %dma_start3A_2030 = arith.constant 0 : i32
      %dma_start3A_2031 = tpu.memref_slice %arg3[%add3A_2024, %dma_start3A_2029, %dma_start3A_2030] : memref<3768x64x128xf32, #tpu.memory_space<hbm>> -> memref<3x64x128xf32, #tpu.memory_space<hbm>>
      %dma_start3A_2032 = arith.constant 0 : i32
      %dma_start3A_2033 = arith.constant 0 : i32
      %dma_start3A_2034 = tpu.memref_slice %arg3[%add3A_2024, %dma_start3A_2032, %dma_start3A_2033] : memref<3768x64x128xf32, #tpu.memory_space<hbm>> -> memref<3x64x128xf32, #tpu.memory_space<hbm>>
      %dma_start3A_2035 = arith.constant 0 : i32
      %dma_start3A_2036 = arith.constant 0 : i32
      %dma_start3A_2037 = arith.constant 0 : i32
      %dma_start3A_2038 = tpu.memref_slice %arg4[%dma_start3A_2035, %dma_start3A_2036, %dma_start3A_2037] : memref<6x64x128xf32, #tpu.memory_space<vmem>> -> memref<3x64x128xf32, #tpu.memory_space<vmem>>
      tpu.enqueue_dma source(%dma_start3A_2038 : memref<3x64x128xf32, #tpu.memory_space<vmem>>) target(%dma_start3A_2034 : memref<3x64x128xf32, #tpu.memory_space<hbm>>) target_semaphore(%arg6 : memref<!tpu.dma_semaphore, #tpu.memory_space<semaphore_mem>>)
      %add3A_2039 = arith.constant 3 : i32
      %add3A_2040 = arith.addi %add3A_2024, %add3A_2039 : i32
      %add3A_2041 = arith.constant 1 : i32
      %add3A_2042 = arith.addi %add3A_2040, %add3A_2041 : i32
      %dma_start3A_2043 = arith.constant 4 : i32
      %dma_start3A_2044 = arith.constant 0 : i32
      %dma_start3A_2045 = arith.constant 0 : i32
      %dma_start3A_2046 = tpu.memref_slice %arg4[%dma_start3A_2043, %dma_start3A_2044, %dma_start3A_2045] : memref<6x64x128xf32, #tpu.memory_space<vmem>> -> memref<2x64x128xf32, #tpu.memory_space<vmem>>
      %dma_start3A_2047 = arith.constant 0 : i32
      %dma_start3A_2048 = arith.constant 0 : i32
      %dma_start3A_2049 = tpu.memref_slice %arg3[%add3A_2042, %dma_start3A_2047, %dma_start3A_2048] : memref<3768x64x128xf32, #tpu.memory_space<hbm>> -> memref<2x64x128xf32, #tpu.memory_space<hbm>>
      %dma_start3A_2050 = arith.constant 0 : i32
      %dma_start3A_2051 = arith.constant 0 : i32
      %dma_start3A_2052 = tpu.memref_slice %arg3[%add3A_2042, %dma_start3A_2050, %dma_start3A_2051] : memref<3768x64x128xf32, #tpu.memory_space<hbm>> -> memref<2x64x128xf32, #tpu.memory_space<hbm>>
      %dma_start3A_2053 = arith.constant 4 : i32
      %dma_start3A_2054 = arith.constant 0 : i32
      %dma_start3A_2055 = arith.constant 0 : i32
      %dma_start3A_2056 = tpu.memref_slice %arg4[%dma_start3A_2053, %dma_start3A_2054, %dma_start3A_2055] : memref<6x64x128xf32, #tpu.memory_space<vmem>> -> memref<2x64x128xf32, #tpu.memory_space<vmem>>
      tpu.enqueue_dma source(%dma_start3A_2056 : memref<2x64x128xf32, #tpu.memory_space<vmem>>) target(%dma_start3A_2052 : memref<2x64x128xf32, #tpu.memory_space<hbm>>) target_semaphore(%arg6 : memref<!tpu.dma_semaphore, #tpu.memory_space<semaphore_mem>>)
      %dma_wait3A_2057 = arith.constant 0 : i32
      %dma_wait3A_2058 = arith.constant 0 : i32
      %dma_wait3A_2059 = arith.constant 0 : i32
      %dma_wait3A_2060 = tpu.memref_slice %arg4[%dma_wait3A_2057, %dma_wait3A_2058, %dma_wait3A_2059] : memref<6x64x128xf32, #tpu.memory_space<vmem>> -> memref<3x64x128xf32, #tpu.memory_space<vmem>>
      %dma_wait3A_2061 = arith.constant 0 : i32
      %dma_wait3A_2062 = arith.constant 0 : i32
      %dma_wait3A_2063 = tpu.memref_slice %arg3[%add3A_2024, %dma_wait3A_2061, %dma_wait3A_2062] : memref<3768x64x128xf32, #tpu.memory_space<hbm>> -> memref<3x64x128xf32, #tpu.memory_space<hbm>>
      %dma_wait3A_2064 = arith.constant 0 : i32
      %dma_wait3A_2065 = arith.constant 0 : i32
      %dma_wait3A_2066 = tpu.memref_slice %arg3[%add3A_2024, %dma_wait3A_2064, %dma_wait3A_2065] : memref<3768x64x128xf32, #tpu.memory_space<hbm>> -> memref<3x64x128xf32, #tpu.memory_space<hbm>>
      %dma_wait3A_2067 = arith.constant 0 : i32
      %dma_wait3A_2068 = arith.constant 0 : i32
      %dma_wait3A_2069 = arith.constant 0 : i32
      %dma_wait3A_2070 = tpu.memref_slice %arg4[%dma_wait3A_2067, %dma_wait3A_2068, %dma_wait3A_2069] : memref<6x64x128xf32, #tpu.memory_space<vmem>> -> memref<3x64x128xf32, #tpu.memory_space<vmem>>
      tpu.wait_dma2 semaphore(%arg6 : memref<!tpu.dma_semaphore, #tpu.memory_space<semaphore_mem>>) src(%dma_wait3A_2070 : memref<3x64x128xf32, #tpu.memory_space<vmem>>) dst(%dma_wait3A_2066 : memref<3x64x128xf32, #tpu.memory_space<hbm>>)
      %dma_wait3A_2071 = arith.constant 4 : i32
      %dma_wait3A_2072 = arith.constant 0 : i32
      %dma_wait3A_2073 = arith.constant 0 : i32
      %dma_wait3A_2074 = tpu.memref_slice %arg4[%dma_wait3A_2071, %dma_wait3A_2072, %dma_wait3A_2073] : memref<6x64x128xf32, #tpu.memory_space<vmem>> -> memref<2x64x128xf32, #tpu.memory_space<vmem>>
      %dma_wait3A_2075 = arith.constant 0 : i32
      %dma_wait3A_2076 = arith.constant 0 : i32
      %dma_wait3A_2077 = tpu.memref_slice %arg3[%add3A_2042, %dma_wait3A_2075, %dma_wait3A_2076] : memref<3768x64x128xf32, #tpu.memory_space<hbm>> -> memref<2x64x128xf32, #tpu.memory_space<hbm>>
      %dma_wait3A_2078 = arith.constant 0 : i32
      %dma_wait3A_2079 = arith.constant 0 : i32
      %dma_wait3A_2080 = tpu.memref_slice %arg3[%add3A_2042, %dma_wait3A_2078, %dma_wait3A_2079] : memref<3768x64x128xf32, #tpu.memory_space<hbm>> -> memref<2x64x128xf32, #tpu.memory_space<hbm>>
      %dma_wait3A_2081 = arith.constant 4 : i32
      %dma_wait3A_2082 = arith.constant 0 : i32
      %dma_wait3A_2083 = arith.constant 0 : i32
      %dma_wait3A_2084 = tpu.memref_slice %arg4[%dma_wait3A_2081, %dma_wait3A_2082, %dma_wait3A_2083] : memref<6x64x128xf32, #tpu.memory_space<vmem>> -> memref<2x64x128xf32, #tpu.memory_space<vmem>>
      tpu.wait_dma2 semaphore(%arg6 : memref<!tpu.dma_semaphore, #tpu.memory_space<semaphore_mem>>) src(%dma_wait3A_2084 : memref<2x64x128xf32, #tpu.memory_space<vmem>>) dst(%dma_wait3A_2080 : memref<2x64x128xf32, #tpu.memory_space<hbm>>)
    } else {
    }
    %eq3A_1248 = arith.constant 7 : i32
    %eq3A_1249 = arith.cmpi eq, %select_n3A_30, %eq3A_1248 : i32
    %convert_element_type3A_1250 = arith.extui %eq3A_1249 : i1 to i32
    %cond3A_1251 = arith.constant 0 : i32
    %cond3A_1252 = arith.cmpi ne, %convert_element_type3A_1250, %cond3A_1251 : i32
    scf.if %cond3A_1252 {
      %mul3A_2017 = arith.constant 942 : i32
      %mul3A_2018 = arith.muli %select_n3A, %mul3A_2017 : i32
      %add3A_2019 = arith.constant 6 : i32
      %add3A_2020 = arith.addi %mul3A_2018, %add3A_2019 : i32
      %add3A_2021 = arith.constant 900 : i32
      %add3A_2022 = arith.addi %add3A_2020, %add3A_2021 : i32
      %add3A_2023 = arith.constant 18 : i32
      %add3A_2024 = arith.addi %add3A_2022, %add3A_2023 : i32
      %dma_start3A_2025 = arith.constant 0 : i32
      %dma_start3A_2026 = arith.constant 0 : i32
      %dma_start3A_2027 = arith.constant 0 : i32
      %dma_start3A_2028 = tpu.memref_slice %arg4[%dma_start3A_2025, %dma_start3A_2026, %dma_start3A_2027] : memref<6x64x128xf32, #tpu.memory_space<vmem>> -> memref<3x64x128xf32, #tpu.memory_space<vmem>>
      %dma_start3A_2029 = arith.constant 0 : i32
      %dma_start3A_2030 = arith.constant 0 : i32
      %dma_start3A_2031 = tpu.memref_slice %arg3[%add3A_2024, %dma_start3A_2029, %dma_start3A_2030] : memref<3768x64x128xf32, #tpu.memory_space<hbm>> -> memref<3x64x128xf32, #tpu.memory_space<hbm>>
      %dma_start3A_2032 = arith.constant 0 : i32
      %dma_start3A_2033 = arith.constant 0 : i32
      %dma_start3A_2034 = tpu.memref_slice %arg3[%add3A_2024, %dma_start3A_2032, %dma_start3A_2033] : memref<3768x64x128xf32, #tpu.memory_space<hbm>> -> memref<3x64x128xf32, #tpu.memory_space<hbm>>
      %dma_start3A_2035 = arith.constant 0 : i32
      %dma_start3A_2036 = arith.constant 0 : i32
      %dma_start3A_2037 = arith.constant 0 : i32
      %dma_start3A_2038 = tpu.memref_slice %arg4[%dma_start3A_2035, %dma_start3A_2036, %dma_start3A_2037] : memref<6x64x128xf32, #tpu.memory_space<vmem>> -> memref<3x64x128xf32, #tpu.memory_space<vmem>>
      tpu.enqueue_dma source(%dma_start3A_2038 : memref<3x64x128xf32, #tpu.memory_space<vmem>>) target(%dma_start3A_2034 : memref<3x64x128xf32, #tpu.memory_space<hbm>>) target_semaphore(%arg6 : memref<!tpu.dma_semaphore, #tpu.memory_space<semaphore_mem>>)
      %add3A_2039 = arith.constant 3 : i32
      %add3A_2040 = arith.addi %add3A_2024, %add3A_2039 : i32
      %add3A_2041 = arith.constant 1 : i32
      %add3A_2042 = arith.addi %add3A_2040, %add3A_2041 : i32
      %dma_start3A_2043 = arith.constant 4 : i32
      %dma_start3A_2044 = arith.constant 0 : i32
      %dma_start3A_2045 = arith.constant 0 : i32
      %dma_start3A_2046 = tpu.memref_slice %arg4[%dma_start3A_2043, %dma_start3A_2044, %dma_start3A_2045] : memref<6x64x128xf32, #tpu.memory_space<vmem>> -> memref<2x64x128xf32, #tpu.memory_space<vmem>>
      %dma_start3A_2047 = arith.constant 0 : i32
      %dma_start3A_2048 = arith.constant 0 : i32
      %dma_start3A_2049 = tpu.memref_slice %arg3[%add3A_2042, %dma_start3A_2047, %dma_start3A_2048] : memref<3768x64x128xf32, #tpu.memory_space<hbm>> -> memref<2x64x128xf32, #tpu.memory_space<hbm>>
      %dma_start3A_2050 = arith.constant 0 : i32
      %dma_start3A_2051 = arith.constant 0 : i32
      %dma_start3A_2052 = tpu.memref_slice %arg3[%add3A_2042, %dma_start3A_2050, %dma_start3A_2051] : memref<3768x64x128xf32, #tpu.memory_space<hbm>> -> memref<2x64x128xf32, #tpu.memory_space<hbm>>
      %dma_start3A_2053 = arith.constant 4 : i32
      %dma_start3A_2054 = arith.constant 0 : i32
      %dma_start3A_2055 = arith.constant 0 : i32
      %dma_start3A_2056 = tpu.memref_slice %arg4[%dma_start3A_2053, %dma_start3A_2054, %dma_start3A_2055] : memref<6x64x128xf32, #tpu.memory_space<vmem>> -> memref<2x64x128xf32, #tpu.memory_space<vmem>>
      tpu.enqueue_dma source(%dma_start3A_2056 : memref<2x64x128xf32, #tpu.memory_space<vmem>>) target(%dma_start3A_2052 : memref<2x64x128xf32, #tpu.memory_space<hbm>>) target_semaphore(%arg6 : memref<!tpu.dma_semaphore, #tpu.memory_space<semaphore_mem>>)
      %dma_wait3A_2057 = arith.constant 0 : i32
      %dma_wait3A_2058 = arith.constant 0 : i32
      %dma_wait3A_2059 = arith.constant 0 : i32
      %dma_wait3A_2060 = tpu.memref_slice %arg4[%dma_wait3A_2057, %dma_wait3A_2058, %dma_wait3A_2059] : memref<6x64x128xf32, #tpu.memory_space<vmem>> -> memref<3x64x128xf32, #tpu.memory_space<vmem>>
      %dma_wait3A_2061 = arith.constant 0 : i32
      %dma_wait3A_2062 = arith.constant 0 : i32
      %dma_wait3A_2063 = tpu.memref_slice %arg3[%add3A_2024, %dma_wait3A_2061, %dma_wait3A_2062] : memref<3768x64x128xf32, #tpu.memory_space<hbm>> -> memref<3x64x128xf32, #tpu.memory_space<hbm>>
      %dma_wait3A_2064 = arith.constant 0 : i32
      %dma_wait3A_2065 = arith.constant 0 : i32
      %dma_wait3A_2066 = tpu.memref_slice %arg3[%add3A_2024, %dma_wait3A_2064, %dma_wait3A_2065] : memref<3768x64x128xf32, #tpu.memory_space<hbm>> -> memref<3x64x128xf32, #tpu.memory_space<hbm>>
      %dma_wait3A_2067 = arith.constant 0 : i32
      %dma_wait3A_2068 = arith.constant 0 : i32
      %dma_wait3A_2069 = arith.constant 0 : i32
      %dma_wait3A_2070 = tpu.memref_slice %arg4[%dma_wait3A_2067, %dma_wait3A_2068, %dma_wait3A_2069] : memref<6x64x128xf32, #tpu.memory_space<vmem>> -> memref<3x64x128xf32, #tpu.memory_space<vmem>>
      tpu.wait_dma2 semaphore(%arg6 : memref<!tpu.dma_semaphore, #tpu.memory_space<semaphore_mem>>) src(%dma_wait3A_2070 : memref<3x64x128xf32, #tpu.memory_space<vmem>>) dst(%dma_wait3A_2066 : memref<3x64x128xf32, #tpu.memory_space<hbm>>)
      %dma_wait3A_2071 = arith.constant 4 : i32
      %dma_wait3A_2072 = arith.constant 0 : i32
      %dma_wait3A_2073 = arith.constant 0 : i32
      %dma_wait3A_2074 = tpu.memref_slice %arg4[%dma_wait3A_2071, %dma_wait3A_2072, %dma_wait3A_2073] : memref<6x64x128xf32, #tpu.memory_space<vmem>> -> memref<2x64x128xf32, #tpu.memory_space<vmem>>
      %dma_wait3A_2075 = arith.constant 0 : i32
      %dma_wait3A_2076 = arith.constant 0 : i32
      %dma_wait3A_2077 = tpu.memref_slice %arg3[%add3A_2042, %dma_wait3A_2075, %dma_wait3A_2076] : memref<3768x64x128xf32, #tpu.memory_space<hbm>> -> memref<2x64x128xf32, #tpu.memory_space<hbm>>
      %dma_wait3A_2078 = arith.constant 0 : i32
      %dma_wait3A_2079 = arith.constant 0 : i32
      %dma_wait3A_2080 = tpu.memref_slice %arg3[%add3A_2042, %dma_wait3A_2078, %dma_wait3A_2079] : memref<3768x64x128xf32, #tpu.memory_space<hbm>> -> memref<2x64x128xf32, #tpu.memory_space<hbm>>
      %dma_wait3A_2081 = arith.constant 4 : i32
      %dma_wait3A_2082 = arith.constant 0 : i32
      %dma_wait3A_2083 = arith.constant 0 : i32
      %dma_wait3A_2084 = tpu.memref_slice %arg4[%dma_wait3A_2081, %dma_wait3A_2082, %dma_wait3A_2083] : memref<6x64x128xf32, #tpu.memory_space<vmem>> -> memref<2x64x128xf32, #tpu.memory_space<vmem>>
      tpu.wait_dma2 semaphore(%arg6 : memref<!tpu.dma_semaphore, #tpu.memory_space<semaphore_mem>>) src(%dma_wait3A_2084 : memref<2x64x128xf32, #tpu.memory_space<vmem>>) dst(%dma_wait3A_2080 : memref<2x64x128xf32, #tpu.memory_space<hbm>>)
    } else {
    }
    %add3A_1253 = arith.constant 0 : i32
    %add3A_1254 = arith.addi %select_n3A_30, %add3A_1253 : i32
    %mul3A_1255 = arith.constant 942 : i32
    %mul3A_1256 = arith.muli %select_n3A, %mul3A_1255 : i32
    %add3A_1257 = arith.constant 6 : i32
    %add3A_1258 = arith.addi %mul3A_1256, %add3A_1257 : i32
    %mul3A_1259 = arith.constant 36 : i32
    %mul3A_1260 = arith.muli %mul3A_1259, %add3A_1254 : i32
    %add3A_1261 = arith.addi %add3A_1258, %mul3A_1260 : i32
    %add3A_1262 = arith.constant 24 : i32
    %add3A_1263 = arith.addi %add3A_1261, %add3A_1262 : i32
    %dma_wait3A_1264 = arith.constant 3 : i32
    %dma_wait3A_1265 = arith.constant 0 : i32
    %dma_wait3A_1266 = arith.constant 0 : i32
    %dma_wait3A_1267 = tpu.memref_slice %arg4[%dma_wait3A_1264, %dma_wait3A_1265, %dma_wait3A_1266] : memref<6x64x128xf32, #tpu.memory_space<vmem>> -> memref<3x64x128xf32, #tpu.memory_space<vmem>>
    %dma_wait3A_1268 = arith.constant 0 : i32
    %dma_wait3A_1269 = arith.constant 0 : i32
    %dma_wait3A_1270 = tpu.memref_slice %arg3[%add3A_689, %dma_wait3A_1268, %dma_wait3A_1269] : memref<3768x64x128xf32, #tpu.memory_space<hbm>> -> memref<3x64x128xf32, #tpu.memory_space<hbm>>
    %dma_wait3A_1271 = arith.constant 0 : i32
    %dma_wait3A_1272 = arith.constant 0 : i32
    %dma_wait3A_1273 = tpu.memref_slice %arg3[%add3A_689, %dma_wait3A_1271, %dma_wait3A_1272] : memref<3768x64x128xf32, #tpu.memory_space<hbm>> -> memref<3x64x128xf32, #tpu.memory_space<hbm>>
    %dma_wait3A_1274 = arith.constant 3 : i32
    %dma_wait3A_1275 = arith.constant 0 : i32
    %dma_wait3A_1276 = arith.constant 0 : i32
    %dma_wait3A_1277 = tpu.memref_slice %arg4[%dma_wait3A_1274, %dma_wait3A_1275, %dma_wait3A_1276] : memref<6x64x128xf32, #tpu.memory_space<vmem>> -> memref<3x64x128xf32, #tpu.memory_space<vmem>>
    tpu.wait_dma2 semaphore(%arg6 : memref<!tpu.dma_semaphore, #tpu.memory_space<semaphore_mem>>) src(%dma_wait3A_1277 : memref<3x64x128xf32, #tpu.memory_space<vmem>>) dst(%dma_wait3A_1273 : memref<3x64x128xf32, #tpu.memory_space<hbm>>)
    %dma_start3A_1278 = arith.constant 0 : i32
    %dma_start3A_1279 = arith.constant 0 : i32
    %dma_start3A_1280 = arith.constant 0 : i32
    %dma_start3A_1281 = tpu.memref_slice %arg4[%dma_start3A_1278, %dma_start3A_1279, %dma_start3A_1280] : memref<6x64x128xf32, #tpu.memory_space<vmem>> -> memref<4x64x128xf32, #tpu.memory_space<vmem>>
    %dma_start3A_1282 = arith.constant 0 : i32
    %dma_start3A_1283 = arith.constant 0 : i32
    %dma_start3A_1284 = tpu.memref_slice %arg3[%add3A_1263, %dma_start3A_1282, %dma_start3A_1283] : memref<3768x64x128xf32, #tpu.memory_space<hbm>> -> memref<4x64x128xf32, #tpu.memory_space<hbm>>
    %dma_start3A_1285 = arith.constant 0 : i32
    %dma_start3A_1286 = arith.constant 0 : i32
    %dma_start3A_1287 = tpu.memref_slice %arg3[%add3A_1263, %dma_start3A_1285, %dma_start3A_1286] : memref<3768x64x128xf32, #tpu.memory_space<hbm>> -> memref<4x64x128xf32, #tpu.memory_space<hbm>>
    %dma_start3A_1288 = arith.constant 0 : i32
    %dma_start3A_1289 = arith.constant 0 : i32
    %dma_start3A_1290 = arith.constant 0 : i32
    %dma_start3A_1291 = tpu.memref_slice %arg4[%dma_start3A_1288, %dma_start3A_1289, %dma_start3A_1290] : memref<6x64x128xf32, #tpu.memory_space<vmem>> -> memref<4x64x128xf32, #tpu.memory_space<vmem>>
    tpu.enqueue_dma source(%dma_start3A_1291 : memref<4x64x128xf32, #tpu.memory_space<vmem>>) target(%dma_start3A_1287 : memref<4x64x128xf32, #tpu.memory_space<hbm>>) target_semaphore(%arg6 : memref<!tpu.dma_semaphore, #tpu.memory_space<semaphore_mem>>)
    %add3A_1292 = arith.constant 4 : i32
    %add3A_1293 = arith.addi %add3A_1263, %add3A_1292 : i32
    %dma_wait3A_1294 = arith.constant 0 : i32
    %dma_wait3A_1295 = arith.constant 0 : i32
    %dma_wait3A_1296 = arith.constant 0 : i32
    %dma_wait3A_1297 = tpu.memref_slice %arg4[%dma_wait3A_1294, %dma_wait3A_1295, %dma_wait3A_1296] : memref<6x64x128xf32, #tpu.memory_space<vmem>> -> memref<2x64x128xf32, #tpu.memory_space<vmem>>
    %dma_wait3A_1298 = arith.constant 0 : i32
    %dma_wait3A_1299 = arith.constant 0 : i32
    %dma_wait3A_1300 = tpu.memref_slice %arg3[%add3A_728, %dma_wait3A_1298, %dma_wait3A_1299] : memref<3768x64x128xf32, #tpu.memory_space<hbm>> -> memref<2x64x128xf32, #tpu.memory_space<hbm>>
    %dma_wait3A_1301 = arith.constant 0 : i32
    %dma_wait3A_1302 = arith.constant 0 : i32
    %dma_wait3A_1303 = tpu.memref_slice %arg3[%add3A_728, %dma_wait3A_1301, %dma_wait3A_1302] : memref<3768x64x128xf32, #tpu.memory_space<hbm>> -> memref<2x64x128xf32, #tpu.memory_space<hbm>>
    %dma_wait3A_1304 = arith.constant 0 : i32
    %dma_wait3A_1305 = arith.constant 0 : i32
    %dma_wait3A_1306 = arith.constant 0 : i32
    %dma_wait3A_1307 = tpu.memref_slice %arg4[%dma_wait3A_1304, %dma_wait3A_1305, %dma_wait3A_1306] : memref<6x64x128xf32, #tpu.memory_space<vmem>> -> memref<2x64x128xf32, #tpu.memory_space<vmem>>
    tpu.wait_dma2 semaphore(%arg6 : memref<!tpu.dma_semaphore, #tpu.memory_space<semaphore_mem>>) src(%dma_wait3A_1307 : memref<2x64x128xf32, #tpu.memory_space<vmem>>) dst(%dma_wait3A_1303 : memref<2x64x128xf32, #tpu.memory_space<hbm>>)
    %dma_start3A_1308 = arith.constant 0 : i32
    %dma_start3A_1309 = arith.constant 0 : i32
    %dma_start3A_1310 = arith.constant 0 : i32
    %dma_start3A_1311 = tpu.memref_slice %arg5[%dma_start3A_1308, %dma_start3A_1309, %dma_start3A_1310] : memref<8x64x128xf32, #tpu.memory_space<vmem>> -> memref<1x64x128xf32, #tpu.memory_space<vmem>>
    %dma_start3A_1312 = arith.constant 0 : i32
    %dma_start3A_1313 = arith.constant 0 : i32
    %dma_start3A_1314 = tpu.memref_slice %arg3[%add3A_1293, %dma_start3A_1312, %dma_start3A_1313] : memref<3768x64x128xf32, #tpu.memory_space<hbm>> -> memref<1x64x128xf32, #tpu.memory_space<hbm>>
    %dma_start3A_1315 = arith.constant 0 : i32
    %dma_start3A_1316 = arith.constant 0 : i32
    %dma_start3A_1317 = tpu.memref_slice %arg3[%add3A_1293, %dma_start3A_1315, %dma_start3A_1316] : memref<3768x64x128xf32, #tpu.memory_space<hbm>> -> memref<1x64x128xf32, #tpu.memory_space<hbm>>
    %dma_start3A_1318 = arith.constant 0 : i32
    %dma_start3A_1319 = arith.constant 0 : i32
    %dma_start3A_1320 = arith.constant 0 : i32
    %dma_start3A_1321 = tpu.memref_slice %arg5[%dma_start3A_1318, %dma_start3A_1319, %dma_start3A_1320] : memref<8x64x128xf32, #tpu.memory_space<vmem>> -> memref<1x64x128xf32, #tpu.memory_space<vmem>>
    tpu.enqueue_dma source(%dma_start3A_1321 : memref<1x64x128xf32, #tpu.memory_space<vmem>>) target(%dma_start3A_1317 : memref<1x64x128xf32, #tpu.memory_space<hbm>>) target_semaphore(%arg6 : memref<!tpu.dma_semaphore, #tpu.memory_space<semaphore_mem>>)
    %add3A_1322 = arith.constant 4 : i32
    %add3A_1323 = arith.addi %add3A_1263, %add3A_1322 : i32
    %add3A_1324 = arith.constant 1 : i32
    %add3A_1325 = arith.addi %add3A_1323, %add3A_1324 : i32
    %dma_wait3A_1326 = arith.constant 1 : i32
    %dma_wait3A_1327 = arith.constant 0 : i32
    %dma_wait3A_1328 = arith.constant 0 : i32
    %dma_wait3A_1329 = tpu.memref_slice %arg5[%dma_wait3A_1326, %dma_wait3A_1327, %dma_wait3A_1328] : memref<8x64x128xf32, #tpu.memory_space<vmem>> -> memref<1x64x128xf32, #tpu.memory_space<vmem>>
    %dma_wait3A_1330 = arith.constant 0 : i32
    %dma_wait3A_1331 = arith.constant 0 : i32
    %dma_wait3A_1332 = tpu.memref_slice %arg3[%add3A_758, %dma_wait3A_1330, %dma_wait3A_1331] : memref<3768x64x128xf32, #tpu.memory_space<hbm>> -> memref<1x64x128xf32, #tpu.memory_space<hbm>>
    %dma_wait3A_1333 = arith.constant 0 : i32
    %dma_wait3A_1334 = arith.constant 0 : i32
    %dma_wait3A_1335 = tpu.memref_slice %arg3[%add3A_758, %dma_wait3A_1333, %dma_wait3A_1334] : memref<3768x64x128xf32, #tpu.memory_space<hbm>> -> memref<1x64x128xf32, #tpu.memory_space<hbm>>
    %dma_wait3A_1336 = arith.constant 1 : i32
    %dma_wait3A_1337 = arith.constant 0 : i32
    %dma_wait3A_1338 = arith.constant 0 : i32
    %dma_wait3A_1339 = tpu.memref_slice %arg5[%dma_wait3A_1336, %dma_wait3A_1337, %dma_wait3A_1338] : memref<8x64x128xf32, #tpu.memory_space<vmem>> -> memref<1x64x128xf32, #tpu.memory_space<vmem>>
    tpu.wait_dma2 semaphore(%arg6 : memref<!tpu.dma_semaphore, #tpu.memory_space<semaphore_mem>>) src(%dma_wait3A_1339 : memref<1x64x128xf32, #tpu.memory_space<vmem>>) dst(%dma_wait3A_1335 : memref<1x64x128xf32, #tpu.memory_space<hbm>>)
    %dma_start3A_1340 = arith.constant 5 : i32
    %dma_start3A_1341 = arith.constant 0 : i32
    %dma_start3A_1342 = arith.constant 0 : i32
    %dma_start3A_1343 = tpu.memref_slice %arg4[%dma_start3A_1340, %dma_start3A_1341, %dma_start3A_1342] : memref<6x64x128xf32, #tpu.memory_space<vmem>> -> memref<1x64x128xf32, #tpu.memory_space<vmem>>
    %dma_start3A_1344 = arith.constant 0 : i32
    %dma_start3A_1345 = arith.constant 0 : i32
    %dma_start3A_1346 = tpu.memref_slice %arg3[%add3A_1325, %dma_start3A_1344, %dma_start3A_1345] : memref<3768x64x128xf32, #tpu.memory_space<hbm>> -> memref<1x64x128xf32, #tpu.memory_space<hbm>>
    %dma_start3A_1347 = arith.constant 0 : i32
    %dma_start3A_1348 = arith.constant 0 : i32
    %dma_start3A_1349 = tpu.memref_slice %arg3[%add3A_1325, %dma_start3A_1347, %dma_start3A_1348] : memref<3768x64x128xf32, #tpu.memory_space<hbm>> -> memref<1x64x128xf32, #tpu.memory_space<hbm>>
    %dma_start3A_1350 = arith.constant 5 : i32
    %dma_start3A_1351 = arith.constant 0 : i32
    %dma_start3A_1352 = arith.constant 0 : i32
    %dma_start3A_1353 = tpu.memref_slice %arg4[%dma_start3A_1350, %dma_start3A_1351, %dma_start3A_1352] : memref<6x64x128xf32, #tpu.memory_space<vmem>> -> memref<1x64x128xf32, #tpu.memory_space<vmem>>
    tpu.enqueue_dma source(%dma_start3A_1353 : memref<1x64x128xf32, #tpu.memory_space<vmem>>) target(%dma_start3A_1349 : memref<1x64x128xf32, #tpu.memory_space<hbm>>) target_semaphore(%arg6 : memref<!tpu.dma_semaphore, #tpu.memory_space<semaphore_mem>>)
    %add3A_1354 = arith.constant 8 : i32
    %add3A_1355 = arith.addi %select_n3A_30, %add3A_1354 : i32
    %mul3A_1356 = arith.constant 942 : i32
    %mul3A_1357 = arith.muli %select_n3A, %mul3A_1356 : i32
    %add3A_1358 = arith.constant 6 : i32
    %add3A_1359 = arith.addi %mul3A_1357, %add3A_1358 : i32
    %mul3A_1360 = arith.constant 36 : i32
    %mul3A_1361 = arith.muli %mul3A_1360, %add3A_1355 : i32
    %add3A_1362 = arith.addi %add3A_1359, %mul3A_1361 : i32
    %add3A_1363 = arith.constant 24 : i32
    %add3A_1364 = arith.addi %add3A_1362, %add3A_1363 : i32
    %dma_wait3A_1365 = arith.constant 3 : i32
    %dma_wait3A_1366 = arith.constant 0 : i32
    %dma_wait3A_1367 = arith.constant 0 : i32
    %dma_wait3A_1368 = tpu.memref_slice %arg4[%dma_wait3A_1365, %dma_wait3A_1366, %dma_wait3A_1367] : memref<6x64x128xf32, #tpu.memory_space<vmem>> -> memref<3x64x128xf32, #tpu.memory_space<vmem>>
    %dma_wait3A_1369 = arith.constant 0 : i32
    %dma_wait3A_1370 = arith.constant 0 : i32
    %dma_wait3A_1371 = tpu.memref_slice %arg3[%add3A_790, %dma_wait3A_1369, %dma_wait3A_1370] : memref<3768x64x128xf32, #tpu.memory_space<hbm>> -> memref<3x64x128xf32, #tpu.memory_space<hbm>>
    %dma_wait3A_1372 = arith.constant 0 : i32
    %dma_wait3A_1373 = arith.constant 0 : i32
    %dma_wait3A_1374 = tpu.memref_slice %arg3[%add3A_790, %dma_wait3A_1372, %dma_wait3A_1373] : memref<3768x64x128xf32, #tpu.memory_space<hbm>> -> memref<3x64x128xf32, #tpu.memory_space<hbm>>
    %dma_wait3A_1375 = arith.constant 3 : i32
    %dma_wait3A_1376 = arith.constant 0 : i32
    %dma_wait3A_1377 = arith.constant 0 : i32
    %dma_wait3A_1378 = tpu.memref_slice %arg4[%dma_wait3A_1375, %dma_wait3A_1376, %dma_wait3A_1377] : memref<6x64x128xf32, #tpu.memory_space<vmem>> -> memref<3x64x128xf32, #tpu.memory_space<vmem>>
    tpu.wait_dma2 semaphore(%arg6 : memref<!tpu.dma_semaphore, #tpu.memory_space<semaphore_mem>>) src(%dma_wait3A_1378 : memref<3x64x128xf32, #tpu.memory_space<vmem>>) dst(%dma_wait3A_1374 : memref<3x64x128xf32, #tpu.memory_space<hbm>>)
    %dma_start3A_1379 = arith.constant 0 : i32
    %dma_start3A_1380 = arith.constant 0 : i32
    %dma_start3A_1381 = arith.constant 0 : i32
    %dma_start3A_1382 = tpu.memref_slice %arg4[%dma_start3A_1379, %dma_start3A_1380, %dma_start3A_1381] : memref<6x64x128xf32, #tpu.memory_space<vmem>> -> memref<4x64x128xf32, #tpu.memory_space<vmem>>
    %dma_start3A_1383 = arith.constant 0 : i32
    %dma_start3A_1384 = arith.constant 0 : i32
    %dma_start3A_1385 = tpu.memref_slice %arg3[%add3A_1364, %dma_start3A_1383, %dma_start3A_1384] : memref<3768x64x128xf32, #tpu.memory_space<hbm>> -> memref<4x64x128xf32, #tpu.memory_space<hbm>>
    %dma_start3A_1386 = arith.constant 0 : i32
    %dma_start3A_1387 = arith.constant 0 : i32
    %dma_start3A_1388 = tpu.memref_slice %arg3[%add3A_1364, %dma_start3A_1386, %dma_start3A_1387] : memref<3768x64x128xf32, #tpu.memory_space<hbm>> -> memref<4x64x128xf32, #tpu.memory_space<hbm>>
    %dma_start3A_1389 = arith.constant 0 : i32
    %dma_start3A_1390 = arith.constant 0 : i32
    %dma_start3A_1391 = arith.constant 0 : i32
    %dma_start3A_1392 = tpu.memref_slice %arg4[%dma_start3A_1389, %dma_start3A_1390, %dma_start3A_1391] : memref<6x64x128xf32, #tpu.memory_space<vmem>> -> memref<4x64x128xf32, #tpu.memory_space<vmem>>
    tpu.enqueue_dma source(%dma_start3A_1392 : memref<4x64x128xf32, #tpu.memory_space<vmem>>) target(%dma_start3A_1388 : memref<4x64x128xf32, #tpu.memory_space<hbm>>) target_semaphore(%arg6 : memref<!tpu.dma_semaphore, #tpu.memory_space<semaphore_mem>>)
    %add3A_1393 = arith.constant 4 : i32
    %add3A_1394 = arith.addi %add3A_1364, %add3A_1393 : i32
    %dma_wait3A_1395 = arith.constant 0 : i32
    %dma_wait3A_1396 = arith.constant 0 : i32
    %dma_wait3A_1397 = arith.constant 0 : i32
    %dma_wait3A_1398 = tpu.memref_slice %arg4[%dma_wait3A_1395, %dma_wait3A_1396, %dma_wait3A_1397] : memref<6x64x128xf32, #tpu.memory_space<vmem>> -> memref<2x64x128xf32, #tpu.memory_space<vmem>>
    %dma_wait3A_1399 = arith.constant 0 : i32
    %dma_wait3A_1400 = arith.constant 0 : i32
    %dma_wait3A_1401 = tpu.memref_slice %arg3[%add3A_829, %dma_wait3A_1399, %dma_wait3A_1400] : memref<3768x64x128xf32, #tpu.memory_space<hbm>> -> memref<2x64x128xf32, #tpu.memory_space<hbm>>
    %dma_wait3A_1402 = arith.constant 0 : i32
    %dma_wait3A_1403 = arith.constant 0 : i32
    %dma_wait3A_1404 = tpu.memref_slice %arg3[%add3A_829, %dma_wait3A_1402, %dma_wait3A_1403] : memref<3768x64x128xf32, #tpu.memory_space<hbm>> -> memref<2x64x128xf32, #tpu.memory_space<hbm>>
    %dma_wait3A_1405 = arith.constant 0 : i32
    %dma_wait3A_1406 = arith.constant 0 : i32
    %dma_wait3A_1407 = arith.constant 0 : i32
    %dma_wait3A_1408 = tpu.memref_slice %arg4[%dma_wait3A_1405, %dma_wait3A_1406, %dma_wait3A_1407] : memref<6x64x128xf32, #tpu.memory_space<vmem>> -> memref<2x64x128xf32, #tpu.memory_space<vmem>>
    tpu.wait_dma2 semaphore(%arg6 : memref<!tpu.dma_semaphore, #tpu.memory_space<semaphore_mem>>) src(%dma_wait3A_1408 : memref<2x64x128xf32, #tpu.memory_space<vmem>>) dst(%dma_wait3A_1404 : memref<2x64x128xf32, #tpu.memory_space<hbm>>)
    %dma_start3A_1409 = arith.constant 1 : i32
    %dma_start3A_1410 = arith.constant 0 : i32
    %dma_start3A_1411 = arith.constant 0 : i32
    %dma_start3A_1412 = tpu.memref_slice %arg5[%dma_start3A_1409, %dma_start3A_1410, %dma_start3A_1411] : memref<8x64x128xf32, #tpu.memory_space<vmem>> -> memref<1x64x128xf32, #tpu.memory_space<vmem>>
    %dma_start3A_1413 = arith.constant 0 : i32
    %dma_start3A_1414 = arith.constant 0 : i32
    %dma_start3A_1415 = tpu.memref_slice %arg3[%add3A_1394, %dma_start3A_1413, %dma_start3A_1414] : memref<3768x64x128xf32, #tpu.memory_space<hbm>> -> memref<1x64x128xf32, #tpu.memory_space<hbm>>
    %dma_start3A_1416 = arith.constant 0 : i32
    %dma_start3A_1417 = arith.constant 0 : i32
    %dma_start3A_1418 = tpu.memref_slice %arg3[%add3A_1394, %dma_start3A_1416, %dma_start3A_1417] : memref<3768x64x128xf32, #tpu.memory_space<hbm>> -> memref<1x64x128xf32, #tpu.memory_space<hbm>>
    %dma_start3A_1419 = arith.constant 1 : i32
    %dma_start3A_1420 = arith.constant 0 : i32
    %dma_start3A_1421 = arith.constant 0 : i32
    %dma_start3A_1422 = tpu.memref_slice %arg5[%dma_start3A_1419, %dma_start3A_1420, %dma_start3A_1421] : memref<8x64x128xf32, #tpu.memory_space<vmem>> -> memref<1x64x128xf32, #tpu.memory_space<vmem>>
    tpu.enqueue_dma source(%dma_start3A_1422 : memref<1x64x128xf32, #tpu.memory_space<vmem>>) target(%dma_start3A_1418 : memref<1x64x128xf32, #tpu.memory_space<hbm>>) target_semaphore(%arg6 : memref<!tpu.dma_semaphore, #tpu.memory_space<semaphore_mem>>)
    %add3A_1423 = arith.constant 4 : i32
    %add3A_1424 = arith.addi %add3A_1364, %add3A_1423 : i32
    %add3A_1425 = arith.constant 1 : i32
    %add3A_1426 = arith.addi %add3A_1424, %add3A_1425 : i32
    %dma_wait3A_1427 = arith.constant 2 : i32
    %dma_wait3A_1428 = arith.constant 0 : i32
    %dma_wait3A_1429 = arith.constant 0 : i32
    %dma_wait3A_1430 = tpu.memref_slice %arg5[%dma_wait3A_1427, %dma_wait3A_1428, %dma_wait3A_1429] : memref<8x64x128xf32, #tpu.memory_space<vmem>> -> memref<1x64x128xf32, #tpu.memory_space<vmem>>
    %dma_wait3A_1431 = arith.constant 0 : i32
    %dma_wait3A_1432 = arith.constant 0 : i32
    %dma_wait3A_1433 = tpu.memref_slice %arg3[%add3A_859, %dma_wait3A_1431, %dma_wait3A_1432] : memref<3768x64x128xf32, #tpu.memory_space<hbm>> -> memref<1x64x128xf32, #tpu.memory_space<hbm>>
    %dma_wait3A_1434 = arith.constant 0 : i32
    %dma_wait3A_1435 = arith.constant 0 : i32
    %dma_wait3A_1436 = tpu.memref_slice %arg3[%add3A_859, %dma_wait3A_1434, %dma_wait3A_1435] : memref<3768x64x128xf32, #tpu.memory_space<hbm>> -> memref<1x64x128xf32, #tpu.memory_space<hbm>>
    %dma_wait3A_1437 = arith.constant 2 : i32
    %dma_wait3A_1438 = arith.constant 0 : i32
    %dma_wait3A_1439 = arith.constant 0 : i32
    %dma_wait3A_1440 = tpu.memref_slice %arg5[%dma_wait3A_1437, %dma_wait3A_1438, %dma_wait3A_1439] : memref<8x64x128xf32, #tpu.memory_space<vmem>> -> memref<1x64x128xf32, #tpu.memory_space<vmem>>
    tpu.wait_dma2 semaphore(%arg6 : memref<!tpu.dma_semaphore, #tpu.memory_space<semaphore_mem>>) src(%dma_wait3A_1440 : memref<1x64x128xf32, #tpu.memory_space<vmem>>) dst(%dma_wait3A_1436 : memref<1x64x128xf32, #tpu.memory_space<hbm>>)
    %dma_start3A_1441 = arith.constant 5 : i32
    %dma_start3A_1442 = arith.constant 0 : i32
    %dma_start3A_1443 = arith.constant 0 : i32
    %dma_start3A_1444 = tpu.memref_slice %arg4[%dma_start3A_1441, %dma_start3A_1442, %dma_start3A_1443] : memref<6x64x128xf32, #tpu.memory_space<vmem>> -> memref<1x64x128xf32, #tpu.memory_space<vmem>>
    %dma_start3A_1445 = arith.constant 0 : i32
    %dma_start3A_1446 = arith.constant 0 : i32
    %dma_start3A_1447 = tpu.memref_slice %arg3[%add3A_1426, %dma_start3A_1445, %dma_start3A_1446] : memref<3768x64x128xf32, #tpu.memory_space<hbm>> -> memref<1x64x128xf32, #tpu.memory_space<hbm>>
    %dma_start3A_1448 = arith.constant 0 : i32
    %dma_start3A_1449 = arith.constant 0 : i32
    %dma_start3A_1450 = tpu.memref_slice %arg3[%add3A_1426, %dma_start3A_1448, %dma_start3A_1449] : memref<3768x64x128xf32, #tpu.memory_space<hbm>> -> memref<1x64x128xf32, #tpu.memory_space<hbm>>
    %dma_start3A_1451 = arith.constant 5 : i32
    %dma_start3A_1452 = arith.constant 0 : i32
    %dma_start3A_1453 = arith.constant 0 : i32
    %dma_start3A_1454 = tpu.memref_slice %arg4[%dma_start3A_1451, %dma_start3A_1452, %dma_start3A_1453] : memref<6x64x128xf32, #tpu.memory_space<vmem>> -> memref<1x64x128xf32, #tpu.memory_space<vmem>>
    tpu.enqueue_dma source(%dma_start3A_1454 : memref<1x64x128xf32, #tpu.memory_space<vmem>>) target(%dma_start3A_1450 : memref<1x64x128xf32, #tpu.memory_space<hbm>>) target_semaphore(%arg6 : memref<!tpu.dma_semaphore, #tpu.memory_space<semaphore_mem>>)
    %add3A_1455 = arith.constant 16 : i32
    %add3A_1456 = arith.addi %select_n3A_30, %add3A_1455 : i32
    %mul3A_1457 = arith.constant 942 : i32
    %mul3A_1458 = arith.muli %select_n3A, %mul3A_1457 : i32
    %add3A_1459 = arith.constant 6 : i32
    %add3A_1460 = arith.addi %mul3A_1458, %add3A_1459 : i32
    %mul3A_1461 = arith.constant 36 : i32
    %mul3A_1462 = arith.muli %mul3A_1461, %add3A_1456 : i32
    %add3A_1463 = arith.addi %add3A_1460, %mul3A_1462 : i32
    %add3A_1464 = arith.constant 24 : i32
    %add3A_1465 = arith.addi %add3A_1463, %add3A_1464 : i32
    %dma_wait3A_1466 = arith.constant 3 : i32
    %dma_wait3A_1467 = arith.constant 0 : i32
    %dma_wait3A_1468 = arith.constant 0 : i32
    %dma_wait3A_1469 = tpu.memref_slice %arg4[%dma_wait3A_1466, %dma_wait3A_1467, %dma_wait3A_1468] : memref<6x64x128xf32, #tpu.memory_space<vmem>> -> memref<3x64x128xf32, #tpu.memory_space<vmem>>
    %dma_wait3A_1470 = arith.constant 0 : i32
    %dma_wait3A_1471 = arith.constant 0 : i32
    %dma_wait3A_1472 = tpu.memref_slice %arg3[%add3A_891, %dma_wait3A_1470, %dma_wait3A_1471] : memref<3768x64x128xf32, #tpu.memory_space<hbm>> -> memref<3x64x128xf32, #tpu.memory_space<hbm>>
    %dma_wait3A_1473 = arith.constant 0 : i32
    %dma_wait3A_1474 = arith.constant 0 : i32
    %dma_wait3A_1475 = tpu.memref_slice %arg3[%add3A_891, %dma_wait3A_1473, %dma_wait3A_1474] : memref<3768x64x128xf32, #tpu.memory_space<hbm>> -> memref<3x64x128xf32, #tpu.memory_space<hbm>>
    %dma_wait3A_1476 = arith.constant 3 : i32
    %dma_wait3A_1477 = arith.constant 0 : i32
    %dma_wait3A_1478 = arith.constant 0 : i32
    %dma_wait3A_1479 = tpu.memref_slice %arg4[%dma_wait3A_1476, %dma_wait3A_1477, %dma_wait3A_1478] : memref<6x64x128xf32, #tpu.memory_space<vmem>> -> memref<3x64x128xf32, #tpu.memory_space<vmem>>
    tpu.wait_dma2 semaphore(%arg6 : memref<!tpu.dma_semaphore, #tpu.memory_space<semaphore_mem>>) src(%dma_wait3A_1479 : memref<3x64x128xf32, #tpu.memory_space<vmem>>) dst(%dma_wait3A_1475 : memref<3x64x128xf32, #tpu.memory_space<hbm>>)
    %dma_start3A_1480 = arith.constant 0 : i32
    %dma_start3A_1481 = arith.constant 0 : i32
    %dma_start3A_1482 = arith.constant 0 : i32
    %dma_start3A_1483 = tpu.memref_slice %arg4[%dma_start3A_1480, %dma_start3A_1481, %dma_start3A_1482] : memref<6x64x128xf32, #tpu.memory_space<vmem>> -> memref<4x64x128xf32, #tpu.memory_space<vmem>>
    %dma_start3A_1484 = arith.constant 0 : i32
    %dma_start3A_1485 = arith.constant 0 : i32
    %dma_start3A_1486 = tpu.memref_slice %arg3[%add3A_1465, %dma_start3A_1484, %dma_start3A_1485] : memref<3768x64x128xf32, #tpu.memory_space<hbm>> -> memref<4x64x128xf32, #tpu.memory_space<hbm>>
    %dma_start3A_1487 = arith.constant 0 : i32
    %dma_start3A_1488 = arith.constant 0 : i32
    %dma_start3A_1489 = tpu.memref_slice %arg3[%add3A_1465, %dma_start3A_1487, %dma_start3A_1488] : memref<3768x64x128xf32, #tpu.memory_space<hbm>> -> memref<4x64x128xf32, #tpu.memory_space<hbm>>
    %dma_start3A_1490 = arith.constant 0 : i32
    %dma_start3A_1491 = arith.constant 0 : i32
    %dma_start3A_1492 = arith.constant 0 : i32
    %dma_start3A_1493 = tpu.memref_slice %arg4[%dma_start3A_1490, %dma_start3A_1491, %dma_start3A_1492] : memref<6x64x128xf32, #tpu.memory_space<vmem>> -> memref<4x64x128xf32, #tpu.memory_space<vmem>>
    tpu.enqueue_dma source(%dma_start3A_1493 : memref<4x64x128xf32, #tpu.memory_space<vmem>>) target(%dma_start3A_1489 : memref<4x64x128xf32, #tpu.memory_space<hbm>>) target_semaphore(%arg6 : memref<!tpu.dma_semaphore, #tpu.memory_space<semaphore_mem>>)
    %add3A_1494 = arith.constant 4 : i32
    %add3A_1495 = arith.addi %add3A_1465, %add3A_1494 : i32
    %dma_wait3A_1496 = arith.constant 0 : i32
    %dma_wait3A_1497 = arith.constant 0 : i32
    %dma_wait3A_1498 = arith.constant 0 : i32
    %dma_wait3A_1499 = tpu.memref_slice %arg4[%dma_wait3A_1496, %dma_wait3A_1497, %dma_wait3A_1498] : memref<6x64x128xf32, #tpu.memory_space<vmem>> -> memref<3x64x128xf32, #tpu.memory_space<vmem>>
    %dma_wait3A_1500 = arith.constant 0 : i32
    %dma_wait3A_1501 = arith.constant 0 : i32
    %dma_wait3A_1502 = tpu.memref_slice %arg3[%add3A_945, %dma_wait3A_1500, %dma_wait3A_1501] : memref<3768x64x128xf32, #tpu.memory_space<hbm>> -> memref<3x64x128xf32, #tpu.memory_space<hbm>>
    %dma_wait3A_1503 = arith.constant 0 : i32
    %dma_wait3A_1504 = arith.constant 0 : i32
    %dma_wait3A_1505 = tpu.memref_slice %arg3[%add3A_945, %dma_wait3A_1503, %dma_wait3A_1504] : memref<3768x64x128xf32, #tpu.memory_space<hbm>> -> memref<3x64x128xf32, #tpu.memory_space<hbm>>
    %dma_wait3A_1506 = arith.constant 0 : i32
    %dma_wait3A_1507 = arith.constant 0 : i32
    %dma_wait3A_1508 = arith.constant 0 : i32
    %dma_wait3A_1509 = tpu.memref_slice %arg4[%dma_wait3A_1506, %dma_wait3A_1507, %dma_wait3A_1508] : memref<6x64x128xf32, #tpu.memory_space<vmem>> -> memref<3x64x128xf32, #tpu.memory_space<vmem>>
    tpu.wait_dma2 semaphore(%arg6 : memref<!tpu.dma_semaphore, #tpu.memory_space<semaphore_mem>>) src(%dma_wait3A_1509 : memref<3x64x128xf32, #tpu.memory_space<vmem>>) dst(%dma_wait3A_1505 : memref<3x64x128xf32, #tpu.memory_space<hbm>>)
    %dma_start3A_1510 = arith.constant 2 : i32
    %dma_start3A_1511 = arith.constant 0 : i32
    %dma_start3A_1512 = arith.constant 0 : i32
    %dma_start3A_1513 = tpu.memref_slice %arg5[%dma_start3A_1510, %dma_start3A_1511, %dma_start3A_1512] : memref<8x64x128xf32, #tpu.memory_space<vmem>> -> memref<1x64x128xf32, #tpu.memory_space<vmem>>
    %dma_start3A_1514 = arith.constant 0 : i32
    %dma_start3A_1515 = arith.constant 0 : i32
    %dma_start3A_1516 = tpu.memref_slice %arg3[%add3A_1495, %dma_start3A_1514, %dma_start3A_1515] : memref<3768x64x128xf32, #tpu.memory_space<hbm>> -> memref<1x64x128xf32, #tpu.memory_space<hbm>>
    %dma_start3A_1517 = arith.constant 0 : i32
    %dma_start3A_1518 = arith.constant 0 : i32
    %dma_start3A_1519 = tpu.memref_slice %arg3[%add3A_1495, %dma_start3A_1517, %dma_start3A_1518] : memref<3768x64x128xf32, #tpu.memory_space<hbm>> -> memref<1x64x128xf32, #tpu.memory_space<hbm>>
    %dma_start3A_1520 = arith.constant 2 : i32
    %dma_start3A_1521 = arith.constant 0 : i32
    %dma_start3A_1522 = arith.constant 0 : i32
    %dma_start3A_1523 = tpu.memref_slice %arg5[%dma_start3A_1520, %dma_start3A_1521, %dma_start3A_1522] : memref<8x64x128xf32, #tpu.memory_space<vmem>> -> memref<1x64x128xf32, #tpu.memory_space<vmem>>
    tpu.enqueue_dma source(%dma_start3A_1523 : memref<1x64x128xf32, #tpu.memory_space<vmem>>) target(%dma_start3A_1519 : memref<1x64x128xf32, #tpu.memory_space<hbm>>) target_semaphore(%arg6 : memref<!tpu.dma_semaphore, #tpu.memory_space<semaphore_mem>>)
    %add3A_1524 = arith.constant 4 : i32
    %add3A_1525 = arith.addi %add3A_1465, %add3A_1524 : i32
    %add3A_1526 = arith.constant 1 : i32
    %add3A_1527 = arith.addi %add3A_1525, %add3A_1526 : i32
    %dma_wait3A_1528 = arith.constant 4 : i32
    %dma_wait3A_1529 = arith.constant 0 : i32
    %dma_wait3A_1530 = arith.constant 0 : i32
    %dma_wait3A_1531 = tpu.memref_slice %arg5[%dma_wait3A_1528, %dma_wait3A_1529, %dma_wait3A_1530] : memref<8x64x128xf32, #tpu.memory_space<vmem>> -> memref<1x64x128xf32, #tpu.memory_space<vmem>>
    %dma_wait3A_1532 = arith.constant 0 : i32
    %dma_wait3A_1533 = arith.constant 0 : i32
    %dma_wait3A_1534 = tpu.memref_slice %arg3[%add3A_975, %dma_wait3A_1532, %dma_wait3A_1533] : memref<3768x64x128xf32, #tpu.memory_space<hbm>> -> memref<1x64x128xf32, #tpu.memory_space<hbm>>
    %dma_wait3A_1535 = arith.constant 0 : i32
    %dma_wait3A_1536 = arith.constant 0 : i32
    %dma_wait3A_1537 = tpu.memref_slice %arg3[%add3A_975, %dma_wait3A_1535, %dma_wait3A_1536] : memref<3768x64x128xf32, #tpu.memory_space<hbm>> -> memref<1x64x128xf32, #tpu.memory_space<hbm>>
    %dma_wait3A_1538 = arith.constant 4 : i32
    %dma_wait3A_1539 = arith.constant 0 : i32
    %dma_wait3A_1540 = arith.constant 0 : i32
    %dma_wait3A_1541 = tpu.memref_slice %arg5[%dma_wait3A_1538, %dma_wait3A_1539, %dma_wait3A_1540] : memref<8x64x128xf32, #tpu.memory_space<vmem>> -> memref<1x64x128xf32, #tpu.memory_space<vmem>>
    tpu.wait_dma2 semaphore(%arg6 : memref<!tpu.dma_semaphore, #tpu.memory_space<semaphore_mem>>) src(%dma_wait3A_1541 : memref<1x64x128xf32, #tpu.memory_space<vmem>>) dst(%dma_wait3A_1537 : memref<1x64x128xf32, #tpu.memory_space<hbm>>)
    %dma_start3A_1542 = arith.constant 5 : i32
    %dma_start3A_1543 = arith.constant 0 : i32
    %dma_start3A_1544 = arith.constant 0 : i32
    %dma_start3A_1545 = tpu.memref_slice %arg4[%dma_start3A_1542, %dma_start3A_1543, %dma_start3A_1544] : memref<6x64x128xf32, #tpu.memory_space<vmem>> -> memref<1x64x128xf32, #tpu.memory_space<vmem>>
    %dma_start3A_1546 = arith.constant 0 : i32
    %dma_start3A_1547 = arith.constant 0 : i32
    %dma_start3A_1548 = tpu.memref_slice %arg3[%add3A_1527, %dma_start3A_1546, %dma_start3A_1547] : memref<3768x64x128xf32, #tpu.memory_space<hbm>> -> memref<1x64x128xf32, #tpu.memory_space<hbm>>
    %dma_start3A_1549 = arith.constant 0 : i32
    %dma_start3A_1550 = arith.constant 0 : i32
    %dma_start3A_1551 = tpu.memref_slice %arg3[%add3A_1527, %dma_start3A_1549, %dma_start3A_1550] : memref<3768x64x128xf32, #tpu.memory_space<hbm>> -> memref<1x64x128xf32, #tpu.memory_space<hbm>>
    %dma_start3A_1552 = arith.constant 5 : i32
    %dma_start3A_1553 = arith.constant 0 : i32
    %dma_start3A_1554 = arith.constant 0 : i32
    %dma_start3A_1555 = tpu.memref_slice %arg4[%dma_start3A_1552, %dma_start3A_1553, %dma_start3A_1554] : memref<6x64x128xf32, #tpu.memory_space<vmem>> -> memref<1x64x128xf32, #tpu.memory_space<vmem>>
    tpu.enqueue_dma source(%dma_start3A_1555 : memref<1x64x128xf32, #tpu.memory_space<vmem>>) target(%dma_start3A_1551 : memref<1x64x128xf32, #tpu.memory_space<hbm>>) target_semaphore(%arg6 : memref<!tpu.dma_semaphore, #tpu.memory_space<semaphore_mem>>)
    %lt3A_1556 = arith.constant 2 : i32
    %lt3A_1557 = arith.cmpi slt, %select_n3A_30, %lt3A_1556 : i32
    %convert_element_type3A_1558 = arith.extui %lt3A_1557 : i1 to i32
    %cond3A_1559 = arith.constant 0 : i32
    %cond3A_1560 = arith.cmpi ne, %convert_element_type3A_1558, %cond3A_1559 : i32
    scf.if %cond3A_1560 {
      %add3A_2017 = arith.constant 24 : i32
      %add3A_2018 = arith.addi %select_n3A_30, %add3A_2017 : i32
      %mul3A_2019 = arith.constant 942 : i32
      %mul3A_2020 = arith.muli %select_n3A, %mul3A_2019 : i32
      %add3A_2021 = arith.constant 6 : i32
      %add3A_2022 = arith.addi %mul3A_2020, %add3A_2021 : i32
      %mul3A_2023 = arith.constant 36 : i32
      %mul3A_2024 = arith.muli %mul3A_2023, %add3A_2018 : i32
      %add3A_2025 = arith.addi %add3A_2022, %mul3A_2024 : i32
      %add3A_2026 = arith.constant 24 : i32
      %add3A_2027 = arith.addi %add3A_2025, %add3A_2026 : i32
      %add3A_2028 = arith.constant 4 : i32
      %add3A_2029 = arith.addi %add3A_2027, %add3A_2028 : i32
      "tpu.region"() ({
        %run_scoped3A = tpu.sem_alloc : memref<!tpu.dma_semaphore, #tpu.memory_space<semaphore_mem>>
        %dma_start3A_2030 = arith.constant 3 : i32
        %dma_start3A_2031 = arith.constant 0 : i32
        %dma_start3A_2032 = arith.constant 0 : i32
        %dma_start3A_2033 = tpu.memref_slice %arg5[%dma_start3A_2030, %dma_start3A_2031, %dma_start3A_2032] : memref<8x64x128xf32, #tpu.memory_space<vmem>> -> memref<1x64x128xf32, #tpu.memory_space<vmem>>
        %dma_start3A_2034 = arith.constant 0 : i32
        %dma_start3A_2035 = arith.constant 0 : i32
        %dma_start3A_2036 = tpu.memref_slice %arg3[%add3A_2029, %dma_start3A_2034, %dma_start3A_2035] : memref<3768x64x128xf32, #tpu.memory_space<hbm>> -> memref<1x64x128xf32, #tpu.memory_space<hbm>>
        %dma_start3A_2037 = arith.constant 0 : i32
        %dma_start3A_2038 = arith.constant 0 : i32
        %dma_start3A_2039 = tpu.memref_slice %arg3[%add3A_2029, %dma_start3A_2037, %dma_start3A_2038] : memref<3768x64x128xf32, #tpu.memory_space<hbm>> -> memref<1x64x128xf32, #tpu.memory_space<hbm>>
        %dma_start3A_2040 = arith.constant 3 : i32
        %dma_start3A_2041 = arith.constant 0 : i32
        %dma_start3A_2042 = arith.constant 0 : i32
        %dma_start3A_2043 = tpu.memref_slice %arg5[%dma_start3A_2040, %dma_start3A_2041, %dma_start3A_2042] : memref<8x64x128xf32, #tpu.memory_space<vmem>> -> memref<1x64x128xf32, #tpu.memory_space<vmem>>
        tpu.enqueue_dma source(%dma_start3A_2043 : memref<1x64x128xf32, #tpu.memory_space<vmem>>) target(%dma_start3A_2039 : memref<1x64x128xf32, #tpu.memory_space<hbm>>) target_semaphore(%run_scoped3A : memref<!tpu.dma_semaphore, #tpu.memory_space<semaphore_mem>>)
        %dma_wait3A_2044 = arith.constant 3 : i32
        %dma_wait3A_2045 = arith.constant 0 : i32
        %dma_wait3A_2046 = arith.constant 0 : i32
        %dma_wait3A_2047 = tpu.memref_slice %arg5[%dma_wait3A_2044, %dma_wait3A_2045, %dma_wait3A_2046] : memref<8x64x128xf32, #tpu.memory_space<vmem>> -> memref<1x64x128xf32, #tpu.memory_space<vmem>>
        %dma_wait3A_2048 = arith.constant 0 : i32
        %dma_wait3A_2049 = arith.constant 0 : i32
        %dma_wait3A_2050 = tpu.memref_slice %arg3[%add3A_2029, %dma_wait3A_2048, %dma_wait3A_2049] : memref<3768x64x128xf32, #tpu.memory_space<hbm>> -> memref<1x64x128xf32, #tpu.memory_space<hbm>>
        %dma_wait3A_2051 = arith.constant 0 : i32
        %dma_wait3A_2052 = arith.constant 0 : i32
        %dma_wait3A_2053 = tpu.memref_slice %arg3[%add3A_2029, %dma_wait3A_2051, %dma_wait3A_2052] : memref<3768x64x128xf32, #tpu.memory_space<hbm>> -> memref<1x64x128xf32, #tpu.memory_space<hbm>>
        %dma_wait3A_2054 = arith.constant 3 : i32
        %dma_wait3A_2055 = arith.constant 0 : i32
        %dma_wait3A_2056 = arith.constant 0 : i32
        %dma_wait3A_2057 = tpu.memref_slice %arg5[%dma_wait3A_2054, %dma_wait3A_2055, %dma_wait3A_2056] : memref<8x64x128xf32, #tpu.memory_space<vmem>> -> memref<1x64x128xf32, #tpu.memory_space<vmem>>
        tpu.wait_dma2 semaphore(%run_scoped3A : memref<!tpu.dma_semaphore, #tpu.memory_space<semaphore_mem>>) src(%dma_wait3A_2057 : memref<1x64x128xf32, #tpu.memory_space<vmem>>) dst(%dma_wait3A_2053 : memref<1x64x128xf32, #tpu.memory_space<hbm>>)
        tpu.yield
      }) : () -> ()
    } else {
    }
    %eq3A_1561 = arith.constant 2 : i32
    %eq3A_1562 = arith.cmpi eq, %select_n3A_30, %eq3A_1561 : i32
    %convert_element_type3A_1563 = arith.extui %eq3A_1562 : i1 to i32
    %cond3A_1564 = arith.constant 0 : i32
    %cond3A_1565 = arith.cmpi ne, %convert_element_type3A_1563, %cond3A_1564 : i32
    scf.if %cond3A_1565 {
      %mul3A_2017 = arith.constant 942 : i32
      %mul3A_2018 = arith.muli %select_n3A, %mul3A_2017 : i32
      %add3A_2019 = arith.constant 6 : i32
      %add3A_2020 = arith.addi %mul3A_2018, %add3A_2019 : i32
      %add3A_2021 = arith.constant 864 : i32
      %add3A_2022 = arith.addi %add3A_2020, %add3A_2021 : i32
      %add3A_2023 = arith.constant 24 : i32
      %add3A_2024 = arith.addi %add3A_2022, %add3A_2023 : i32
      %dma_start3A_2025 = arith.constant 0 : i32
      %dma_start3A_2026 = arith.constant 0 : i32
      %dma_start3A_2027 = arith.constant 0 : i32
      %dma_start3A_2028 = tpu.memref_slice %arg4[%dma_start3A_2025, %dma_start3A_2026, %dma_start3A_2027] : memref<6x64x128xf32, #tpu.memory_space<vmem>> -> memref<4x64x128xf32, #tpu.memory_space<vmem>>
      %dma_start3A_2029 = arith.constant 0 : i32
      %dma_start3A_2030 = arith.constant 0 : i32
      %dma_start3A_2031 = tpu.memref_slice %arg3[%add3A_2024, %dma_start3A_2029, %dma_start3A_2030] : memref<3768x64x128xf32, #tpu.memory_space<hbm>> -> memref<4x64x128xf32, #tpu.memory_space<hbm>>
      %dma_start3A_2032 = arith.constant 0 : i32
      %dma_start3A_2033 = arith.constant 0 : i32
      %dma_start3A_2034 = tpu.memref_slice %arg3[%add3A_2024, %dma_start3A_2032, %dma_start3A_2033] : memref<3768x64x128xf32, #tpu.memory_space<hbm>> -> memref<4x64x128xf32, #tpu.memory_space<hbm>>
      %dma_start3A_2035 = arith.constant 0 : i32
      %dma_start3A_2036 = arith.constant 0 : i32
      %dma_start3A_2037 = arith.constant 0 : i32
      %dma_start3A_2038 = tpu.memref_slice %arg4[%dma_start3A_2035, %dma_start3A_2036, %dma_start3A_2037] : memref<6x64x128xf32, #tpu.memory_space<vmem>> -> memref<4x64x128xf32, #tpu.memory_space<vmem>>
      tpu.enqueue_dma source(%dma_start3A_2038 : memref<4x64x128xf32, #tpu.memory_space<vmem>>) target(%dma_start3A_2034 : memref<4x64x128xf32, #tpu.memory_space<hbm>>) target_semaphore(%arg6 : memref<!tpu.dma_semaphore, #tpu.memory_space<semaphore_mem>>)
      %add3A_2039 = arith.constant 4 : i32
      %add3A_2040 = arith.addi %add3A_2024, %add3A_2039 : i32
      %add3A_2041 = arith.constant 1 : i32
      %add3A_2042 = arith.addi %add3A_2040, %add3A_2041 : i32
      %dma_start3A_2043 = arith.constant 5 : i32
      %dma_start3A_2044 = arith.constant 0 : i32
      %dma_start3A_2045 = arith.constant 0 : i32
      %dma_start3A_2046 = tpu.memref_slice %arg4[%dma_start3A_2043, %dma_start3A_2044, %dma_start3A_2045] : memref<6x64x128xf32, #tpu.memory_space<vmem>> -> memref<1x64x128xf32, #tpu.memory_space<vmem>>
      %dma_start3A_2047 = arith.constant 0 : i32
      %dma_start3A_2048 = arith.constant 0 : i32
      %dma_start3A_2049 = tpu.memref_slice %arg3[%add3A_2042, %dma_start3A_2047, %dma_start3A_2048] : memref<3768x64x128xf32, #tpu.memory_space<hbm>> -> memref<1x64x128xf32, #tpu.memory_space<hbm>>
      %dma_start3A_2050 = arith.constant 0 : i32
      %dma_start3A_2051 = arith.constant 0 : i32
      %dma_start3A_2052 = tpu.memref_slice %arg3[%add3A_2042, %dma_start3A_2050, %dma_start3A_2051] : memref<3768x64x128xf32, #tpu.memory_space<hbm>> -> memref<1x64x128xf32, #tpu.memory_space<hbm>>
      %dma_start3A_2053 = arith.constant 5 : i32
      %dma_start3A_2054 = arith.constant 0 : i32
      %dma_start3A_2055 = arith.constant 0 : i32
      %dma_start3A_2056 = tpu.memref_slice %arg4[%dma_start3A_2053, %dma_start3A_2054, %dma_start3A_2055] : memref<6x64x128xf32, #tpu.memory_space<vmem>> -> memref<1x64x128xf32, #tpu.memory_space<vmem>>
      tpu.enqueue_dma source(%dma_start3A_2056 : memref<1x64x128xf32, #tpu.memory_space<vmem>>) target(%dma_start3A_2052 : memref<1x64x128xf32, #tpu.memory_space<hbm>>) target_semaphore(%arg6 : memref<!tpu.dma_semaphore, #tpu.memory_space<semaphore_mem>>)
      %dma_wait3A_2057 = arith.constant 0 : i32
      %dma_wait3A_2058 = arith.constant 0 : i32
      %dma_wait3A_2059 = arith.constant 0 : i32
      %dma_wait3A_2060 = tpu.memref_slice %arg4[%dma_wait3A_2057, %dma_wait3A_2058, %dma_wait3A_2059] : memref<6x64x128xf32, #tpu.memory_space<vmem>> -> memref<4x64x128xf32, #tpu.memory_space<vmem>>
      %dma_wait3A_2061 = arith.constant 0 : i32
      %dma_wait3A_2062 = arith.constant 0 : i32
      %dma_wait3A_2063 = tpu.memref_slice %arg3[%add3A_2024, %dma_wait3A_2061, %dma_wait3A_2062] : memref<3768x64x128xf32, #tpu.memory_space<hbm>> -> memref<4x64x128xf32, #tpu.memory_space<hbm>>
      %dma_wait3A_2064 = arith.constant 0 : i32
      %dma_wait3A_2065 = arith.constant 0 : i32
      %dma_wait3A_2066 = tpu.memref_slice %arg3[%add3A_2024, %dma_wait3A_2064, %dma_wait3A_2065] : memref<3768x64x128xf32, #tpu.memory_space<hbm>> -> memref<4x64x128xf32, #tpu.memory_space<hbm>>
      %dma_wait3A_2067 = arith.constant 0 : i32
      %dma_wait3A_2068 = arith.constant 0 : i32
      %dma_wait3A_2069 = arith.constant 0 : i32
      %dma_wait3A_2070 = tpu.memref_slice %arg4[%dma_wait3A_2067, %dma_wait3A_2068, %dma_wait3A_2069] : memref<6x64x128xf32, #tpu.memory_space<vmem>> -> memref<4x64x128xf32, #tpu.memory_space<vmem>>
      tpu.wait_dma2 semaphore(%arg6 : memref<!tpu.dma_semaphore, #tpu.memory_space<semaphore_mem>>) src(%dma_wait3A_2070 : memref<4x64x128xf32, #tpu.memory_space<vmem>>) dst(%dma_wait3A_2066 : memref<4x64x128xf32, #tpu.memory_space<hbm>>)
      %dma_wait3A_2071 = arith.constant 5 : i32
      %dma_wait3A_2072 = arith.constant 0 : i32
      %dma_wait3A_2073 = arith.constant 0 : i32
      %dma_wait3A_2074 = tpu.memref_slice %arg4[%dma_wait3A_2071, %dma_wait3A_2072, %dma_wait3A_2073] : memref<6x64x128xf32, #tpu.memory_space<vmem>> -> memref<1x64x128xf32, #tpu.memory_space<vmem>>
      %dma_wait3A_2075 = arith.constant 0 : i32
      %dma_wait3A_2076 = arith.constant 0 : i32
      %dma_wait3A_2077 = tpu.memref_slice %arg3[%add3A_2042, %dma_wait3A_2075, %dma_wait3A_2076] : memref<3768x64x128xf32, #tpu.memory_space<hbm>> -> memref<1x64x128xf32, #tpu.memory_space<hbm>>
      %dma_wait3A_2078 = arith.constant 0 : i32
      %dma_wait3A_2079 = arith.constant 0 : i32
      %dma_wait3A_2080 = tpu.memref_slice %arg3[%add3A_2042, %dma_wait3A_2078, %dma_wait3A_2079] : memref<3768x64x128xf32, #tpu.memory_space<hbm>> -> memref<1x64x128xf32, #tpu.memory_space<hbm>>
      %dma_wait3A_2081 = arith.constant 5 : i32
      %dma_wait3A_2082 = arith.constant 0 : i32
      %dma_wait3A_2083 = arith.constant 0 : i32
      %dma_wait3A_2084 = tpu.memref_slice %arg4[%dma_wait3A_2081, %dma_wait3A_2082, %dma_wait3A_2083] : memref<6x64x128xf32, #tpu.memory_space<vmem>> -> memref<1x64x128xf32, #tpu.memory_space<vmem>>
      tpu.wait_dma2 semaphore(%arg6 : memref<!tpu.dma_semaphore, #tpu.memory_space<semaphore_mem>>) src(%dma_wait3A_2084 : memref<1x64x128xf32, #tpu.memory_space<vmem>>) dst(%dma_wait3A_2080 : memref<1x64x128xf32, #tpu.memory_space<hbm>>)
    } else {
    }
    %eq3A_1566 = arith.constant 3 : i32
    %eq3A_1567 = arith.cmpi eq, %select_n3A_30, %eq3A_1566 : i32
    %convert_element_type3A_1568 = arith.extui %eq3A_1567 : i1 to i32
    %cond3A_1569 = arith.constant 0 : i32
    %cond3A_1570 = arith.cmpi ne, %convert_element_type3A_1568, %cond3A_1569 : i32
    scf.if %cond3A_1570 {
      %mul3A_2017 = arith.constant 942 : i32
      %mul3A_2018 = arith.muli %select_n3A, %mul3A_2017 : i32
      %add3A_2019 = arith.constant 6 : i32
      %add3A_2020 = arith.addi %mul3A_2018, %add3A_2019 : i32
      %add3A_2021 = arith.constant 900 : i32
      %add3A_2022 = arith.addi %add3A_2020, %add3A_2021 : i32
      %add3A_2023 = arith.constant 24 : i32
      %add3A_2024 = arith.addi %add3A_2022, %add3A_2023 : i32
      %dma_start3A_2025 = arith.constant 0 : i32
      %dma_start3A_2026 = arith.constant 0 : i32
      %dma_start3A_2027 = arith.constant 0 : i32
      %dma_start3A_2028 = tpu.memref_slice %arg4[%dma_start3A_2025, %dma_start3A_2026, %dma_start3A_2027] : memref<6x64x128xf32, #tpu.memory_space<vmem>> -> memref<4x64x128xf32, #tpu.memory_space<vmem>>
      %dma_start3A_2029 = arith.constant 0 : i32
      %dma_start3A_2030 = arith.constant 0 : i32
      %dma_start3A_2031 = tpu.memref_slice %arg3[%add3A_2024, %dma_start3A_2029, %dma_start3A_2030] : memref<3768x64x128xf32, #tpu.memory_space<hbm>> -> memref<4x64x128xf32, #tpu.memory_space<hbm>>
      %dma_start3A_2032 = arith.constant 0 : i32
      %dma_start3A_2033 = arith.constant 0 : i32
      %dma_start3A_2034 = tpu.memref_slice %arg3[%add3A_2024, %dma_start3A_2032, %dma_start3A_2033] : memref<3768x64x128xf32, #tpu.memory_space<hbm>> -> memref<4x64x128xf32, #tpu.memory_space<hbm>>
      %dma_start3A_2035 = arith.constant 0 : i32
      %dma_start3A_2036 = arith.constant 0 : i32
      %dma_start3A_2037 = arith.constant 0 : i32
      %dma_start3A_2038 = tpu.memref_slice %arg4[%dma_start3A_2035, %dma_start3A_2036, %dma_start3A_2037] : memref<6x64x128xf32, #tpu.memory_space<vmem>> -> memref<4x64x128xf32, #tpu.memory_space<vmem>>
      tpu.enqueue_dma source(%dma_start3A_2038 : memref<4x64x128xf32, #tpu.memory_space<vmem>>) target(%dma_start3A_2034 : memref<4x64x128xf32, #tpu.memory_space<hbm>>) target_semaphore(%arg6 : memref<!tpu.dma_semaphore, #tpu.memory_space<semaphore_mem>>)
      %add3A_2039 = arith.constant 4 : i32
      %add3A_2040 = arith.addi %add3A_2024, %add3A_2039 : i32
      %add3A_2041 = arith.constant 1 : i32
      %add3A_2042 = arith.addi %add3A_2040, %add3A_2041 : i32
      %dma_start3A_2043 = arith.constant 5 : i32
      %dma_start3A_2044 = arith.constant 0 : i32
      %dma_start3A_2045 = arith.constant 0 : i32
      %dma_start3A_2046 = tpu.memref_slice %arg4[%dma_start3A_2043, %dma_start3A_2044, %dma_start3A_2045] : memref<6x64x128xf32, #tpu.memory_space<vmem>> -> memref<1x64x128xf32, #tpu.memory_space<vmem>>
      %dma_start3A_2047 = arith.constant 0 : i32
      %dma_start3A_2048 = arith.constant 0 : i32
      %dma_start3A_2049 = tpu.memref_slice %arg3[%add3A_2042, %dma_start3A_2047, %dma_start3A_2048] : memref<3768x64x128xf32, #tpu.memory_space<hbm>> -> memref<1x64x128xf32, #tpu.memory_space<hbm>>
      %dma_start3A_2050 = arith.constant 0 : i32
      %dma_start3A_2051 = arith.constant 0 : i32
      %dma_start3A_2052 = tpu.memref_slice %arg3[%add3A_2042, %dma_start3A_2050, %dma_start3A_2051] : memref<3768x64x128xf32, #tpu.memory_space<hbm>> -> memref<1x64x128xf32, #tpu.memory_space<hbm>>
      %dma_start3A_2053 = arith.constant 5 : i32
      %dma_start3A_2054 = arith.constant 0 : i32
      %dma_start3A_2055 = arith.constant 0 : i32
      %dma_start3A_2056 = tpu.memref_slice %arg4[%dma_start3A_2053, %dma_start3A_2054, %dma_start3A_2055] : memref<6x64x128xf32, #tpu.memory_space<vmem>> -> memref<1x64x128xf32, #tpu.memory_space<vmem>>
      tpu.enqueue_dma source(%dma_start3A_2056 : memref<1x64x128xf32, #tpu.memory_space<vmem>>) target(%dma_start3A_2052 : memref<1x64x128xf32, #tpu.memory_space<hbm>>) target_semaphore(%arg6 : memref<!tpu.dma_semaphore, #tpu.memory_space<semaphore_mem>>)
      %dma_wait3A_2057 = arith.constant 0 : i32
      %dma_wait3A_2058 = arith.constant 0 : i32
      %dma_wait3A_2059 = arith.constant 0 : i32
      %dma_wait3A_2060 = tpu.memref_slice %arg4[%dma_wait3A_2057, %dma_wait3A_2058, %dma_wait3A_2059] : memref<6x64x128xf32, #tpu.memory_space<vmem>> -> memref<4x64x128xf32, #tpu.memory_space<vmem>>
      %dma_wait3A_2061 = arith.constant 0 : i32
      %dma_wait3A_2062 = arith.constant 0 : i32
      %dma_wait3A_2063 = tpu.memref_slice %arg3[%add3A_2024, %dma_wait3A_2061, %dma_wait3A_2062] : memref<3768x64x128xf32, #tpu.memory_space<hbm>> -> memref<4x64x128xf32, #tpu.memory_space<hbm>>
      %dma_wait3A_2064 = arith.constant 0 : i32
      %dma_wait3A_2065 = arith.constant 0 : i32
      %dma_wait3A_2066 = tpu.memref_slice %arg3[%add3A_2024, %dma_wait3A_2064, %dma_wait3A_2065] : memref<3768x64x128xf32, #tpu.memory_space<hbm>> -> memref<4x64x128xf32, #tpu.memory_space<hbm>>
      %dma_wait3A_2067 = arith.constant 0 : i32
      %dma_wait3A_2068 = arith.constant 0 : i32
      %dma_wait3A_2069 = arith.constant 0 : i32
      %dma_wait3A_2070 = tpu.memref_slice %arg4[%dma_wait3A_2067, %dma_wait3A_2068, %dma_wait3A_2069] : memref<6x64x128xf32, #tpu.memory_space<vmem>> -> memref<4x64x128xf32, #tpu.memory_space<vmem>>
      tpu.wait_dma2 semaphore(%arg6 : memref<!tpu.dma_semaphore, #tpu.memory_space<semaphore_mem>>) src(%dma_wait3A_2070 : memref<4x64x128xf32, #tpu.memory_space<vmem>>) dst(%dma_wait3A_2066 : memref<4x64x128xf32, #tpu.memory_space<hbm>>)
      %dma_wait3A_2071 = arith.constant 5 : i32
      %dma_wait3A_2072 = arith.constant 0 : i32
      %dma_wait3A_2073 = arith.constant 0 : i32
      %dma_wait3A_2074 = tpu.memref_slice %arg4[%dma_wait3A_2071, %dma_wait3A_2072, %dma_wait3A_2073] : memref<6x64x128xf32, #tpu.memory_space<vmem>> -> memref<1x64x128xf32, #tpu.memory_space<vmem>>
      %dma_wait3A_2075 = arith.constant 0 : i32
      %dma_wait3A_2076 = arith.constant 0 : i32
      %dma_wait3A_2077 = tpu.memref_slice %arg3[%add3A_2042, %dma_wait3A_2075, %dma_wait3A_2076] : memref<3768x64x128xf32, #tpu.memory_space<hbm>> -> memref<1x64x128xf32, #tpu.memory_space<hbm>>
      %dma_wait3A_2078 = arith.constant 0 : i32
      %dma_wait3A_2079 = arith.constant 0 : i32
      %dma_wait3A_2080 = tpu.memref_slice %arg3[%add3A_2042, %dma_wait3A_2078, %dma_wait3A_2079] : memref<3768x64x128xf32, #tpu.memory_space<hbm>> -> memref<1x64x128xf32, #tpu.memory_space<hbm>>
      %dma_wait3A_2081 = arith.constant 5 : i32
      %dma_wait3A_2082 = arith.constant 0 : i32
      %dma_wait3A_2083 = arith.constant 0 : i32
      %dma_wait3A_2084 = tpu.memref_slice %arg4[%dma_wait3A_2081, %dma_wait3A_2082, %dma_wait3A_2083] : memref<6x64x128xf32, #tpu.memory_space<vmem>> -> memref<1x64x128xf32, #tpu.memory_space<vmem>>
      tpu.wait_dma2 semaphore(%arg6 : memref<!tpu.dma_semaphore, #tpu.memory_space<semaphore_mem>>) src(%dma_wait3A_2084 : memref<1x64x128xf32, #tpu.memory_space<vmem>>) dst(%dma_wait3A_2080 : memref<1x64x128xf32, #tpu.memory_space<hbm>>)
    } else {
    }
    %add3A_1571 = arith.constant 0 : i32
    %add3A_1572 = arith.addi %select_n3A_48, %add3A_1571 : i32
    %mul3A_1573 = arith.constant 942 : i32
    %mul3A_1574 = arith.muli %select_n3A, %mul3A_1573 : i32
    %add3A_1575 = arith.constant 6 : i32
    %add3A_1576 = arith.addi %mul3A_1574, %add3A_1575 : i32
    %mul3A_1577 = arith.constant 36 : i32
    %mul3A_1578 = arith.muli %mul3A_1577, %add3A_1572 : i32
    %add3A_1579 = arith.addi %add3A_1576, %mul3A_1578 : i32
    %add3A_1580 = arith.constant 30 : i32
    %add3A_1581 = arith.addi %add3A_1579, %add3A_1580 : i32
    %dma_wait3A_1582 = arith.constant 4 : i32
    %dma_wait3A_1583 = arith.constant 0 : i32
    %dma_wait3A_1584 = arith.constant 0 : i32
    %dma_wait3A_1585 = tpu.memref_slice %arg4[%dma_wait3A_1582, %dma_wait3A_1583, %dma_wait3A_1584] : memref<6x64x128xf32, #tpu.memory_space<vmem>> -> memref<2x64x128xf32, #tpu.memory_space<vmem>>
    %dma_wait3A_1586 = arith.constant 0 : i32
    %dma_wait3A_1587 = arith.constant 0 : i32
    %dma_wait3A_1588 = tpu.memref_slice %arg3[%add3A_1007, %dma_wait3A_1586, %dma_wait3A_1587] : memref<3768x64x128xf32, #tpu.memory_space<hbm>> -> memref<2x64x128xf32, #tpu.memory_space<hbm>>
    %dma_wait3A_1589 = arith.constant 0 : i32
    %dma_wait3A_1590 = arith.constant 0 : i32
    %dma_wait3A_1591 = tpu.memref_slice %arg3[%add3A_1007, %dma_wait3A_1589, %dma_wait3A_1590] : memref<3768x64x128xf32, #tpu.memory_space<hbm>> -> memref<2x64x128xf32, #tpu.memory_space<hbm>>
    %dma_wait3A_1592 = arith.constant 4 : i32
    %dma_wait3A_1593 = arith.constant 0 : i32
    %dma_wait3A_1594 = arith.constant 0 : i32
    %dma_wait3A_1595 = tpu.memref_slice %arg4[%dma_wait3A_1592, %dma_wait3A_1593, %dma_wait3A_1594] : memref<6x64x128xf32, #tpu.memory_space<vmem>> -> memref<2x64x128xf32, #tpu.memory_space<vmem>>
    tpu.wait_dma2 semaphore(%arg6 : memref<!tpu.dma_semaphore, #tpu.memory_space<semaphore_mem>>) src(%dma_wait3A_1595 : memref<2x64x128xf32, #tpu.memory_space<vmem>>) dst(%dma_wait3A_1591 : memref<2x64x128xf32, #tpu.memory_space<hbm>>)
    %dma_start3A_1596 = arith.constant 0 : i32
    %dma_start3A_1597 = arith.constant 0 : i32
    %dma_start3A_1598 = arith.constant 0 : i32
    %dma_start3A_1599 = tpu.memref_slice %arg4[%dma_start3A_1596, %dma_start3A_1597, %dma_start3A_1598] : memref<6x64x128xf32, #tpu.memory_space<vmem>> -> memref<5x64x128xf32, #tpu.memory_space<vmem>>
    %dma_start3A_1600 = arith.constant 0 : i32
    %dma_start3A_1601 = arith.constant 0 : i32
    %dma_start3A_1602 = tpu.memref_slice %arg3[%add3A_1581, %dma_start3A_1600, %dma_start3A_1601] : memref<3768x64x128xf32, #tpu.memory_space<hbm>> -> memref<5x64x128xf32, #tpu.memory_space<hbm>>
    %dma_start3A_1603 = arith.constant 0 : i32
    %dma_start3A_1604 = arith.constant 0 : i32
    %dma_start3A_1605 = tpu.memref_slice %arg3[%add3A_1581, %dma_start3A_1603, %dma_start3A_1604] : memref<3768x64x128xf32, #tpu.memory_space<hbm>> -> memref<5x64x128xf32, #tpu.memory_space<hbm>>
    %dma_start3A_1606 = arith.constant 0 : i32
    %dma_start3A_1607 = arith.constant 0 : i32
    %dma_start3A_1608 = arith.constant 0 : i32
    %dma_start3A_1609 = tpu.memref_slice %arg4[%dma_start3A_1606, %dma_start3A_1607, %dma_start3A_1608] : memref<6x64x128xf32, #tpu.memory_space<vmem>> -> memref<5x64x128xf32, #tpu.memory_space<vmem>>
    tpu.enqueue_dma source(%dma_start3A_1609 : memref<5x64x128xf32, #tpu.memory_space<vmem>>) target(%dma_start3A_1605 : memref<5x64x128xf32, #tpu.memory_space<hbm>>) target_semaphore(%arg6 : memref<!tpu.dma_semaphore, #tpu.memory_space<semaphore_mem>>)
    %add3A_1610 = arith.constant 5 : i32
    %add3A_1611 = arith.addi %add3A_1581, %add3A_1610 : i32
    %dma_wait3A_1612 = arith.constant 0 : i32
    %dma_wait3A_1613 = arith.constant 0 : i32
    %dma_wait3A_1614 = arith.constant 0 : i32
    %dma_wait3A_1615 = tpu.memref_slice %arg4[%dma_wait3A_1612, %dma_wait3A_1613, %dma_wait3A_1614] : memref<6x64x128xf32, #tpu.memory_space<vmem>> -> memref<3x64x128xf32, #tpu.memory_space<vmem>>
    %dma_wait3A_1616 = arith.constant 0 : i32
    %dma_wait3A_1617 = arith.constant 0 : i32
    %dma_wait3A_1618 = tpu.memref_slice %arg3[%add3A_1046, %dma_wait3A_1616, %dma_wait3A_1617] : memref<3768x64x128xf32, #tpu.memory_space<hbm>> -> memref<3x64x128xf32, #tpu.memory_space<hbm>>
    %dma_wait3A_1619 = arith.constant 0 : i32
    %dma_wait3A_1620 = arith.constant 0 : i32
    %dma_wait3A_1621 = tpu.memref_slice %arg3[%add3A_1046, %dma_wait3A_1619, %dma_wait3A_1620] : memref<3768x64x128xf32, #tpu.memory_space<hbm>> -> memref<3x64x128xf32, #tpu.memory_space<hbm>>
    %dma_wait3A_1622 = arith.constant 0 : i32
    %dma_wait3A_1623 = arith.constant 0 : i32
    %dma_wait3A_1624 = arith.constant 0 : i32
    %dma_wait3A_1625 = tpu.memref_slice %arg4[%dma_wait3A_1622, %dma_wait3A_1623, %dma_wait3A_1624] : memref<6x64x128xf32, #tpu.memory_space<vmem>> -> memref<3x64x128xf32, #tpu.memory_space<vmem>>
    tpu.wait_dma2 semaphore(%arg6 : memref<!tpu.dma_semaphore, #tpu.memory_space<semaphore_mem>>) src(%dma_wait3A_1625 : memref<3x64x128xf32, #tpu.memory_space<vmem>>) dst(%dma_wait3A_1621 : memref<3x64x128xf32, #tpu.memory_space<hbm>>)
    %dma_start3A_1626 = arith.constant 4 : i32
    %dma_start3A_1627 = arith.constant 0 : i32
    %dma_start3A_1628 = arith.constant 0 : i32
    %dma_start3A_1629 = tpu.memref_slice %arg5[%dma_start3A_1626, %dma_start3A_1627, %dma_start3A_1628] : memref<8x64x128xf32, #tpu.memory_space<vmem>> -> memref<1x64x128xf32, #tpu.memory_space<vmem>>
    %dma_start3A_1630 = arith.constant 0 : i32
    %dma_start3A_1631 = arith.constant 0 : i32
    %dma_start3A_1632 = tpu.memref_slice %arg3[%add3A_1611, %dma_start3A_1630, %dma_start3A_1631] : memref<3768x64x128xf32, #tpu.memory_space<hbm>> -> memref<1x64x128xf32, #tpu.memory_space<hbm>>
    %dma_start3A_1633 = arith.constant 0 : i32
    %dma_start3A_1634 = arith.constant 0 : i32
    %dma_start3A_1635 = tpu.memref_slice %arg3[%add3A_1611, %dma_start3A_1633, %dma_start3A_1634] : memref<3768x64x128xf32, #tpu.memory_space<hbm>> -> memref<1x64x128xf32, #tpu.memory_space<hbm>>
    %dma_start3A_1636 = arith.constant 4 : i32
    %dma_start3A_1637 = arith.constant 0 : i32
    %dma_start3A_1638 = arith.constant 0 : i32
    %dma_start3A_1639 = tpu.memref_slice %arg5[%dma_start3A_1636, %dma_start3A_1637, %dma_start3A_1638] : memref<8x64x128xf32, #tpu.memory_space<vmem>> -> memref<1x64x128xf32, #tpu.memory_space<vmem>>
    tpu.enqueue_dma source(%dma_start3A_1639 : memref<1x64x128xf32, #tpu.memory_space<vmem>>) target(%dma_start3A_1635 : memref<1x64x128xf32, #tpu.memory_space<hbm>>) target_semaphore(%arg6 : memref<!tpu.dma_semaphore, #tpu.memory_space<semaphore_mem>>)
    %add3A_1640 = arith.constant 8 : i32
    %add3A_1641 = arith.addi %select_n3A_48, %add3A_1640 : i32
    %mul3A_1642 = arith.constant 942 : i32
    %mul3A_1643 = arith.muli %select_n3A, %mul3A_1642 : i32
    %add3A_1644 = arith.constant 6 : i32
    %add3A_1645 = arith.addi %mul3A_1643, %add3A_1644 : i32
    %mul3A_1646 = arith.constant 36 : i32
    %mul3A_1647 = arith.muli %mul3A_1646, %add3A_1641 : i32
    %add3A_1648 = arith.addi %add3A_1645, %mul3A_1647 : i32
    %add3A_1649 = arith.constant 30 : i32
    %add3A_1650 = arith.addi %add3A_1648, %add3A_1649 : i32
    %dma_wait3A_1651 = arith.constant 5 : i32
    %dma_wait3A_1652 = arith.constant 0 : i32
    %dma_wait3A_1653 = arith.constant 0 : i32
    %dma_wait3A_1654 = tpu.memref_slice %arg5[%dma_wait3A_1651, %dma_wait3A_1652, %dma_wait3A_1653] : memref<8x64x128xf32, #tpu.memory_space<vmem>> -> memref<1x64x128xf32, #tpu.memory_space<vmem>>
    %dma_wait3A_1655 = arith.constant 0 : i32
    %dma_wait3A_1656 = arith.constant 0 : i32
    %dma_wait3A_1657 = tpu.memref_slice %arg3[%add3A_1076, %dma_wait3A_1655, %dma_wait3A_1656] : memref<3768x64x128xf32, #tpu.memory_space<hbm>> -> memref<1x64x128xf32, #tpu.memory_space<hbm>>
    %dma_wait3A_1658 = arith.constant 0 : i32
    %dma_wait3A_1659 = arith.constant 0 : i32
    %dma_wait3A_1660 = tpu.memref_slice %arg3[%add3A_1076, %dma_wait3A_1658, %dma_wait3A_1659] : memref<3768x64x128xf32, #tpu.memory_space<hbm>> -> memref<1x64x128xf32, #tpu.memory_space<hbm>>
    %dma_wait3A_1661 = arith.constant 5 : i32
    %dma_wait3A_1662 = arith.constant 0 : i32
    %dma_wait3A_1663 = arith.constant 0 : i32
    %dma_wait3A_1664 = tpu.memref_slice %arg5[%dma_wait3A_1661, %dma_wait3A_1662, %dma_wait3A_1663] : memref<8x64x128xf32, #tpu.memory_space<vmem>> -> memref<1x64x128xf32, #tpu.memory_space<vmem>>
    tpu.wait_dma2 semaphore(%arg6 : memref<!tpu.dma_semaphore, #tpu.memory_space<semaphore_mem>>) src(%dma_wait3A_1664 : memref<1x64x128xf32, #tpu.memory_space<vmem>>) dst(%dma_wait3A_1660 : memref<1x64x128xf32, #tpu.memory_space<hbm>>)
    %dma_start3A_1665 = arith.constant 0 : i32
    %dma_start3A_1666 = arith.constant 0 : i32
    %dma_start3A_1667 = arith.constant 0 : i32
    %dma_start3A_1668 = tpu.memref_slice %arg4[%dma_start3A_1665, %dma_start3A_1666, %dma_start3A_1667] : memref<6x64x128xf32, #tpu.memory_space<vmem>> -> memref<5x64x128xf32, #tpu.memory_space<vmem>>
    %dma_start3A_1669 = arith.constant 0 : i32
    %dma_start3A_1670 = arith.constant 0 : i32
    %dma_start3A_1671 = tpu.memref_slice %arg3[%add3A_1650, %dma_start3A_1669, %dma_start3A_1670] : memref<3768x64x128xf32, #tpu.memory_space<hbm>> -> memref<5x64x128xf32, #tpu.memory_space<hbm>>
    %dma_start3A_1672 = arith.constant 0 : i32
    %dma_start3A_1673 = arith.constant 0 : i32
    %dma_start3A_1674 = tpu.memref_slice %arg3[%add3A_1650, %dma_start3A_1672, %dma_start3A_1673] : memref<3768x64x128xf32, #tpu.memory_space<hbm>> -> memref<5x64x128xf32, #tpu.memory_space<hbm>>
    %dma_start3A_1675 = arith.constant 0 : i32
    %dma_start3A_1676 = arith.constant 0 : i32
    %dma_start3A_1677 = arith.constant 0 : i32
    %dma_start3A_1678 = tpu.memref_slice %arg4[%dma_start3A_1675, %dma_start3A_1676, %dma_start3A_1677] : memref<6x64x128xf32, #tpu.memory_space<vmem>> -> memref<5x64x128xf32, #tpu.memory_space<vmem>>
    tpu.enqueue_dma source(%dma_start3A_1678 : memref<5x64x128xf32, #tpu.memory_space<vmem>>) target(%dma_start3A_1674 : memref<5x64x128xf32, #tpu.memory_space<hbm>>) target_semaphore(%arg6 : memref<!tpu.dma_semaphore, #tpu.memory_space<semaphore_mem>>)
    %add3A_1679 = arith.constant 5 : i32
    %add3A_1680 = arith.addi %add3A_1650, %add3A_1679 : i32
    %dma_wait3A_1681 = arith.constant 4 : i32
    %dma_wait3A_1682 = arith.constant 0 : i32
    %dma_wait3A_1683 = arith.constant 0 : i32
    %dma_wait3A_1684 = tpu.memref_slice %arg4[%dma_wait3A_1681, %dma_wait3A_1682, %dma_wait3A_1683] : memref<6x64x128xf32, #tpu.memory_space<vmem>> -> memref<2x64x128xf32, #tpu.memory_space<vmem>>
    %dma_wait3A_1685 = arith.constant 0 : i32
    %dma_wait3A_1686 = arith.constant 0 : i32
    %dma_wait3A_1687 = tpu.memref_slice %arg3[%add3A_1108, %dma_wait3A_1685, %dma_wait3A_1686] : memref<3768x64x128xf32, #tpu.memory_space<hbm>> -> memref<2x64x128xf32, #tpu.memory_space<hbm>>
    %dma_wait3A_1688 = arith.constant 0 : i32
    %dma_wait3A_1689 = arith.constant 0 : i32
    %dma_wait3A_1690 = tpu.memref_slice %arg3[%add3A_1108, %dma_wait3A_1688, %dma_wait3A_1689] : memref<3768x64x128xf32, #tpu.memory_space<hbm>> -> memref<2x64x128xf32, #tpu.memory_space<hbm>>
    %dma_wait3A_1691 = arith.constant 4 : i32
    %dma_wait3A_1692 = arith.constant 0 : i32
    %dma_wait3A_1693 = arith.constant 0 : i32
    %dma_wait3A_1694 = tpu.memref_slice %arg4[%dma_wait3A_1691, %dma_wait3A_1692, %dma_wait3A_1693] : memref<6x64x128xf32, #tpu.memory_space<vmem>> -> memref<2x64x128xf32, #tpu.memory_space<vmem>>
    tpu.wait_dma2 semaphore(%arg6 : memref<!tpu.dma_semaphore, #tpu.memory_space<semaphore_mem>>) src(%dma_wait3A_1694 : memref<2x64x128xf32, #tpu.memory_space<vmem>>) dst(%dma_wait3A_1690 : memref<2x64x128xf32, #tpu.memory_space<hbm>>)
    %dma_start3A_1695 = arith.constant 5 : i32
    %dma_start3A_1696 = arith.constant 0 : i32
    %dma_start3A_1697 = arith.constant 0 : i32
    %dma_start3A_1698 = tpu.memref_slice %arg5[%dma_start3A_1695, %dma_start3A_1696, %dma_start3A_1697] : memref<8x64x128xf32, #tpu.memory_space<vmem>> -> memref<1x64x128xf32, #tpu.memory_space<vmem>>
    %dma_start3A_1699 = arith.constant 0 : i32
    %dma_start3A_1700 = arith.constant 0 : i32
    %dma_start3A_1701 = tpu.memref_slice %arg3[%add3A_1680, %dma_start3A_1699, %dma_start3A_1700] : memref<3768x64x128xf32, #tpu.memory_space<hbm>> -> memref<1x64x128xf32, #tpu.memory_space<hbm>>
    %dma_start3A_1702 = arith.constant 0 : i32
    %dma_start3A_1703 = arith.constant 0 : i32
    %dma_start3A_1704 = tpu.memref_slice %arg3[%add3A_1680, %dma_start3A_1702, %dma_start3A_1703] : memref<3768x64x128xf32, #tpu.memory_space<hbm>> -> memref<1x64x128xf32, #tpu.memory_space<hbm>>
    %dma_start3A_1705 = arith.constant 5 : i32
    %dma_start3A_1706 = arith.constant 0 : i32
    %dma_start3A_1707 = arith.constant 0 : i32
    %dma_start3A_1708 = tpu.memref_slice %arg5[%dma_start3A_1705, %dma_start3A_1706, %dma_start3A_1707] : memref<8x64x128xf32, #tpu.memory_space<vmem>> -> memref<1x64x128xf32, #tpu.memory_space<vmem>>
    tpu.enqueue_dma source(%dma_start3A_1708 : memref<1x64x128xf32, #tpu.memory_space<vmem>>) target(%dma_start3A_1704 : memref<1x64x128xf32, #tpu.memory_space<hbm>>) target_semaphore(%arg6 : memref<!tpu.dma_semaphore, #tpu.memory_space<semaphore_mem>>)
    %add3A_1709 = arith.constant 16 : i32
    %add3A_1710 = arith.addi %select_n3A_48, %add3A_1709 : i32
    %mul3A_1711 = arith.constant 942 : i32
    %mul3A_1712 = arith.muli %select_n3A, %mul3A_1711 : i32
    %add3A_1713 = arith.constant 6 : i32
    %add3A_1714 = arith.addi %mul3A_1712, %add3A_1713 : i32
    %mul3A_1715 = arith.constant 36 : i32
    %mul3A_1716 = arith.muli %mul3A_1715, %add3A_1710 : i32
    %add3A_1717 = arith.addi %add3A_1714, %mul3A_1716 : i32
    %add3A_1718 = arith.constant 30 : i32
    %add3A_1719 = arith.addi %add3A_1717, %add3A_1718 : i32
    %dma_wait3A_1720 = arith.constant 0 : i32
    %dma_wait3A_1721 = arith.constant 0 : i32
    %dma_wait3A_1722 = arith.constant 0 : i32
    %dma_wait3A_1723 = tpu.memref_slice %arg4[%dma_wait3A_1720, %dma_wait3A_1721, %dma_wait3A_1722] : memref<6x64x128xf32, #tpu.memory_space<vmem>> -> memref<3x64x128xf32, #tpu.memory_space<vmem>>
    %dma_wait3A_1724 = arith.constant 0 : i32
    %dma_wait3A_1725 = arith.constant 0 : i32
    %dma_wait3A_1726 = tpu.memref_slice %arg3[%add3A_1147, %dma_wait3A_1724, %dma_wait3A_1725] : memref<3768x64x128xf32, #tpu.memory_space<hbm>> -> memref<3x64x128xf32, #tpu.memory_space<hbm>>
    %dma_wait3A_1727 = arith.constant 0 : i32
    %dma_wait3A_1728 = arith.constant 0 : i32
    %dma_wait3A_1729 = tpu.memref_slice %arg3[%add3A_1147, %dma_wait3A_1727, %dma_wait3A_1728] : memref<3768x64x128xf32, #tpu.memory_space<hbm>> -> memref<3x64x128xf32, #tpu.memory_space<hbm>>
    %dma_wait3A_1730 = arith.constant 0 : i32
    %dma_wait3A_1731 = arith.constant 0 : i32
    %dma_wait3A_1732 = arith.constant 0 : i32
    %dma_wait3A_1733 = tpu.memref_slice %arg4[%dma_wait3A_1730, %dma_wait3A_1731, %dma_wait3A_1732] : memref<6x64x128xf32, #tpu.memory_space<vmem>> -> memref<3x64x128xf32, #tpu.memory_space<vmem>>
    tpu.wait_dma2 semaphore(%arg6 : memref<!tpu.dma_semaphore, #tpu.memory_space<semaphore_mem>>) src(%dma_wait3A_1733 : memref<3x64x128xf32, #tpu.memory_space<vmem>>) dst(%dma_wait3A_1729 : memref<3x64x128xf32, #tpu.memory_space<hbm>>)
    %dma_start3A_1734 = arith.constant 0 : i32
    %dma_start3A_1735 = arith.constant 0 : i32
    %dma_start3A_1736 = arith.constant 0 : i32
    %dma_start3A_1737 = tpu.memref_slice %arg4[%dma_start3A_1734, %dma_start3A_1735, %dma_start3A_1736] : memref<6x64x128xf32, #tpu.memory_space<vmem>> -> memref<5x64x128xf32, #tpu.memory_space<vmem>>
    %dma_start3A_1738 = arith.constant 0 : i32
    %dma_start3A_1739 = arith.constant 0 : i32
    %dma_start3A_1740 = tpu.memref_slice %arg3[%add3A_1719, %dma_start3A_1738, %dma_start3A_1739] : memref<3768x64x128xf32, #tpu.memory_space<hbm>> -> memref<5x64x128xf32, #tpu.memory_space<hbm>>
    %dma_start3A_1741 = arith.constant 0 : i32
    %dma_start3A_1742 = arith.constant 0 : i32
    %dma_start3A_1743 = tpu.memref_slice %arg3[%add3A_1719, %dma_start3A_1741, %dma_start3A_1742] : memref<3768x64x128xf32, #tpu.memory_space<hbm>> -> memref<5x64x128xf32, #tpu.memory_space<hbm>>
    %dma_start3A_1744 = arith.constant 0 : i32
    %dma_start3A_1745 = arith.constant 0 : i32
    %dma_start3A_1746 = arith.constant 0 : i32
    %dma_start3A_1747 = tpu.memref_slice %arg4[%dma_start3A_1744, %dma_start3A_1745, %dma_start3A_1746] : memref<6x64x128xf32, #tpu.memory_space<vmem>> -> memref<5x64x128xf32, #tpu.memory_space<vmem>>
    tpu.enqueue_dma source(%dma_start3A_1747 : memref<5x64x128xf32, #tpu.memory_space<vmem>>) target(%dma_start3A_1743 : memref<5x64x128xf32, #tpu.memory_space<hbm>>) target_semaphore(%arg6 : memref<!tpu.dma_semaphore, #tpu.memory_space<semaphore_mem>>)
    %add3A_1748 = arith.constant 5 : i32
    %add3A_1749 = arith.addi %add3A_1719, %add3A_1748 : i32
    %dma_wait3A_1750 = arith.constant 6 : i32
    %dma_wait3A_1751 = arith.constant 0 : i32
    %dma_wait3A_1752 = arith.constant 0 : i32
    %dma_wait3A_1753 = tpu.memref_slice %arg5[%dma_wait3A_1750, %dma_wait3A_1751, %dma_wait3A_1752] : memref<8x64x128xf32, #tpu.memory_space<vmem>> -> memref<1x64x128xf32, #tpu.memory_space<vmem>>
    %dma_wait3A_1754 = arith.constant 0 : i32
    %dma_wait3A_1755 = arith.constant 0 : i32
    %dma_wait3A_1756 = tpu.memref_slice %arg3[%add3A_1177, %dma_wait3A_1754, %dma_wait3A_1755] : memref<3768x64x128xf32, #tpu.memory_space<hbm>> -> memref<1x64x128xf32, #tpu.memory_space<hbm>>
    %dma_wait3A_1757 = arith.constant 0 : i32
    %dma_wait3A_1758 = arith.constant 0 : i32
    %dma_wait3A_1759 = tpu.memref_slice %arg3[%add3A_1177, %dma_wait3A_1757, %dma_wait3A_1758] : memref<3768x64x128xf32, #tpu.memory_space<hbm>> -> memref<1x64x128xf32, #tpu.memory_space<hbm>>
    %dma_wait3A_1760 = arith.constant 6 : i32
    %dma_wait3A_1761 = arith.constant 0 : i32
    %dma_wait3A_1762 = arith.constant 0 : i32
    %dma_wait3A_1763 = tpu.memref_slice %arg5[%dma_wait3A_1760, %dma_wait3A_1761, %dma_wait3A_1762] : memref<8x64x128xf32, #tpu.memory_space<vmem>> -> memref<1x64x128xf32, #tpu.memory_space<vmem>>
    tpu.wait_dma2 semaphore(%arg6 : memref<!tpu.dma_semaphore, #tpu.memory_space<semaphore_mem>>) src(%dma_wait3A_1763 : memref<1x64x128xf32, #tpu.memory_space<vmem>>) dst(%dma_wait3A_1759 : memref<1x64x128xf32, #tpu.memory_space<hbm>>)
    %dma_start3A_1764 = arith.constant 6 : i32
    %dma_start3A_1765 = arith.constant 0 : i32
    %dma_start3A_1766 = arith.constant 0 : i32
    %dma_start3A_1767 = tpu.memref_slice %arg5[%dma_start3A_1764, %dma_start3A_1765, %dma_start3A_1766] : memref<8x64x128xf32, #tpu.memory_space<vmem>> -> memref<1x64x128xf32, #tpu.memory_space<vmem>>
    %dma_start3A_1768 = arith.constant 0 : i32
    %dma_start3A_1769 = arith.constant 0 : i32
    %dma_start3A_1770 = tpu.memref_slice %arg3[%add3A_1749, %dma_start3A_1768, %dma_start3A_1769] : memref<3768x64x128xf32, #tpu.memory_space<hbm>> -> memref<1x64x128xf32, #tpu.memory_space<hbm>>
    %dma_start3A_1771 = arith.constant 0 : i32
    %dma_start3A_1772 = arith.constant 0 : i32
    %dma_start3A_1773 = tpu.memref_slice %arg3[%add3A_1749, %dma_start3A_1771, %dma_start3A_1772] : memref<3768x64x128xf32, #tpu.memory_space<hbm>> -> memref<1x64x128xf32, #tpu.memory_space<hbm>>
    %dma_start3A_1774 = arith.constant 6 : i32
    %dma_start3A_1775 = arith.constant 0 : i32
    %dma_start3A_1776 = arith.constant 0 : i32
    %dma_start3A_1777 = tpu.memref_slice %arg5[%dma_start3A_1774, %dma_start3A_1775, %dma_start3A_1776] : memref<8x64x128xf32, #tpu.memory_space<vmem>> -> memref<1x64x128xf32, #tpu.memory_space<vmem>>
    tpu.enqueue_dma source(%dma_start3A_1777 : memref<1x64x128xf32, #tpu.memory_space<vmem>>) target(%dma_start3A_1773 : memref<1x64x128xf32, #tpu.memory_space<hbm>>) target_semaphore(%arg6 : memref<!tpu.dma_semaphore, #tpu.memory_space<semaphore_mem>>)
    %lt3A_1778 = arith.constant 2 : i32
    %lt3A_1779 = arith.cmpi slt, %select_n3A_48, %lt3A_1778 : i32
    %convert_element_type3A_1780 = arith.extui %lt3A_1779 : i1 to i32
    %cond3A_1781 = arith.constant 0 : i32
    %cond3A_1782 = arith.cmpi ne, %convert_element_type3A_1780, %cond3A_1781 : i32
    scf.if %cond3A_1782 {
      %add3A_2017 = arith.constant 24 : i32
      %add3A_2018 = arith.addi %select_n3A_48, %add3A_2017 : i32
      %mul3A_2019 = arith.constant 942 : i32
      %mul3A_2020 = arith.muli %select_n3A, %mul3A_2019 : i32
      %add3A_2021 = arith.constant 6 : i32
      %add3A_2022 = arith.addi %mul3A_2020, %add3A_2021 : i32
      %mul3A_2023 = arith.constant 36 : i32
      %mul3A_2024 = arith.muli %mul3A_2023, %add3A_2018 : i32
      %add3A_2025 = arith.addi %add3A_2022, %mul3A_2024 : i32
      %add3A_2026 = arith.constant 30 : i32
      %add3A_2027 = arith.addi %add3A_2025, %add3A_2026 : i32
      %add3A_2028 = arith.constant 5 : i32
      %add3A_2029 = arith.addi %add3A_2027, %add3A_2028 : i32
      "tpu.region"() ({
        %run_scoped3A = tpu.sem_alloc : memref<!tpu.dma_semaphore, #tpu.memory_space<semaphore_mem>>
        %dma_start3A_2030 = arith.constant 7 : i32
        %dma_start3A_2031 = arith.constant 0 : i32
        %dma_start3A_2032 = arith.constant 0 : i32
        %dma_start3A_2033 = tpu.memref_slice %arg5[%dma_start3A_2030, %dma_start3A_2031, %dma_start3A_2032] : memref<8x64x128xf32, #tpu.memory_space<vmem>> -> memref<1x64x128xf32, #tpu.memory_space<vmem>>
        %dma_start3A_2034 = arith.constant 0 : i32
        %dma_start3A_2035 = arith.constant 0 : i32
        %dma_start3A_2036 = tpu.memref_slice %arg3[%add3A_2029, %dma_start3A_2034, %dma_start3A_2035] : memref<3768x64x128xf32, #tpu.memory_space<hbm>> -> memref<1x64x128xf32, #tpu.memory_space<hbm>>
        %dma_start3A_2037 = arith.constant 0 : i32
        %dma_start3A_2038 = arith.constant 0 : i32
        %dma_start3A_2039 = tpu.memref_slice %arg3[%add3A_2029, %dma_start3A_2037, %dma_start3A_2038] : memref<3768x64x128xf32, #tpu.memory_space<hbm>> -> memref<1x64x128xf32, #tpu.memory_space<hbm>>
        %dma_start3A_2040 = arith.constant 7 : i32
        %dma_start3A_2041 = arith.constant 0 : i32
        %dma_start3A_2042 = arith.constant 0 : i32
        %dma_start3A_2043 = tpu.memref_slice %arg5[%dma_start3A_2040, %dma_start3A_2041, %dma_start3A_2042] : memref<8x64x128xf32, #tpu.memory_space<vmem>> -> memref<1x64x128xf32, #tpu.memory_space<vmem>>
        tpu.enqueue_dma source(%dma_start3A_2043 : memref<1x64x128xf32, #tpu.memory_space<vmem>>) target(%dma_start3A_2039 : memref<1x64x128xf32, #tpu.memory_space<hbm>>) target_semaphore(%run_scoped3A : memref<!tpu.dma_semaphore, #tpu.memory_space<semaphore_mem>>)
        %dma_wait3A_2044 = arith.constant 7 : i32
        %dma_wait3A_2045 = arith.constant 0 : i32
        %dma_wait3A_2046 = arith.constant 0 : i32
        %dma_wait3A_2047 = tpu.memref_slice %arg5[%dma_wait3A_2044, %dma_wait3A_2045, %dma_wait3A_2046] : memref<8x64x128xf32, #tpu.memory_space<vmem>> -> memref<1x64x128xf32, #tpu.memory_space<vmem>>
        %dma_wait3A_2048 = arith.constant 0 : i32
        %dma_wait3A_2049 = arith.constant 0 : i32
        %dma_wait3A_2050 = tpu.memref_slice %arg3[%add3A_2029, %dma_wait3A_2048, %dma_wait3A_2049] : memref<3768x64x128xf32, #tpu.memory_space<hbm>> -> memref<1x64x128xf32, #tpu.memory_space<hbm>>
        %dma_wait3A_2051 = arith.constant 0 : i32
        %dma_wait3A_2052 = arith.constant 0 : i32
        %dma_wait3A_2053 = tpu.memref_slice %arg3[%add3A_2029, %dma_wait3A_2051, %dma_wait3A_2052] : memref<3768x64x128xf32, #tpu.memory_space<hbm>> -> memref<1x64x128xf32, #tpu.memory_space<hbm>>
        %dma_wait3A_2054 = arith.constant 7 : i32
        %dma_wait3A_2055 = arith.constant 0 : i32
        %dma_wait3A_2056 = arith.constant 0 : i32
        %dma_wait3A_2057 = tpu.memref_slice %arg5[%dma_wait3A_2054, %dma_wait3A_2055, %dma_wait3A_2056] : memref<8x64x128xf32, #tpu.memory_space<vmem>> -> memref<1x64x128xf32, #tpu.memory_space<vmem>>
        tpu.wait_dma2 semaphore(%run_scoped3A : memref<!tpu.dma_semaphore, #tpu.memory_space<semaphore_mem>>) src(%dma_wait3A_2057 : memref<1x64x128xf32, #tpu.memory_space<vmem>>) dst(%dma_wait3A_2053 : memref<1x64x128xf32, #tpu.memory_space<hbm>>)
        tpu.yield
      }) : () -> ()
    } else {
    }
    %eq3A_1783 = arith.constant 6 : i32
    %eq3A_1784 = arith.cmpi eq, %select_n3A_30, %eq3A_1783 : i32
    %convert_element_type3A_1785 = arith.extui %eq3A_1784 : i1 to i32
    %cond3A_1786 = arith.constant 0 : i32
    %cond3A_1787 = arith.cmpi ne, %convert_element_type3A_1785, %cond3A_1786 : i32
    scf.if %cond3A_1787 {
      %mul3A_2017 = arith.constant 942 : i32
      %mul3A_2018 = arith.muli %select_n3A, %mul3A_2017 : i32
      %add3A_2019 = arith.constant 6 : i32
      %add3A_2020 = arith.addi %mul3A_2018, %add3A_2019 : i32
      %add3A_2021 = arith.constant 864 : i32
      %add3A_2022 = arith.addi %add3A_2020, %add3A_2021 : i32
      %add3A_2023 = arith.constant 30 : i32
      %add3A_2024 = arith.addi %add3A_2022, %add3A_2023 : i32
      %dma_start3A_2025 = arith.constant 0 : i32
      %dma_start3A_2026 = arith.constant 0 : i32
      %dma_start3A_2027 = arith.constant 0 : i32
      %dma_start3A_2028 = tpu.memref_slice %arg4[%dma_start3A_2025, %dma_start3A_2026, %dma_start3A_2027] : memref<6x64x128xf32, #tpu.memory_space<vmem>> -> memref<5x64x128xf32, #tpu.memory_space<vmem>>
      %dma_start3A_2029 = arith.constant 0 : i32
      %dma_start3A_2030 = arith.constant 0 : i32
      %dma_start3A_2031 = tpu.memref_slice %arg3[%add3A_2024, %dma_start3A_2029, %dma_start3A_2030] : memref<3768x64x128xf32, #tpu.memory_space<hbm>> -> memref<5x64x128xf32, #tpu.memory_space<hbm>>
      %dma_start3A_2032 = arith.constant 0 : i32
      %dma_start3A_2033 = arith.constant 0 : i32
      %dma_start3A_2034 = tpu.memref_slice %arg3[%add3A_2024, %dma_start3A_2032, %dma_start3A_2033] : memref<3768x64x128xf32, #tpu.memory_space<hbm>> -> memref<5x64x128xf32, #tpu.memory_space<hbm>>
      %dma_start3A_2035 = arith.constant 0 : i32
      %dma_start3A_2036 = arith.constant 0 : i32
      %dma_start3A_2037 = arith.constant 0 : i32
      %dma_start3A_2038 = tpu.memref_slice %arg4[%dma_start3A_2035, %dma_start3A_2036, %dma_start3A_2037] : memref<6x64x128xf32, #tpu.memory_space<vmem>> -> memref<5x64x128xf32, #tpu.memory_space<vmem>>
      tpu.enqueue_dma source(%dma_start3A_2038 : memref<5x64x128xf32, #tpu.memory_space<vmem>>) target(%dma_start3A_2034 : memref<5x64x128xf32, #tpu.memory_space<hbm>>) target_semaphore(%arg6 : memref<!tpu.dma_semaphore, #tpu.memory_space<semaphore_mem>>)
      %dma_wait3A_2039 = arith.constant 0 : i32
      %dma_wait3A_2040 = arith.constant 0 : i32
      %dma_wait3A_2041 = arith.constant 0 : i32
      %dma_wait3A_2042 = tpu.memref_slice %arg4[%dma_wait3A_2039, %dma_wait3A_2040, %dma_wait3A_2041] : memref<6x64x128xf32, #tpu.memory_space<vmem>> -> memref<5x64x128xf32, #tpu.memory_space<vmem>>
      %dma_wait3A_2043 = arith.constant 0 : i32
      %dma_wait3A_2044 = arith.constant 0 : i32
      %dma_wait3A_2045 = tpu.memref_slice %arg3[%add3A_2024, %dma_wait3A_2043, %dma_wait3A_2044] : memref<3768x64x128xf32, #tpu.memory_space<hbm>> -> memref<5x64x128xf32, #tpu.memory_space<hbm>>
      %dma_wait3A_2046 = arith.constant 0 : i32
      %dma_wait3A_2047 = arith.constant 0 : i32
      %dma_wait3A_2048 = tpu.memref_slice %arg3[%add3A_2024, %dma_wait3A_2046, %dma_wait3A_2047] : memref<3768x64x128xf32, #tpu.memory_space<hbm>> -> memref<5x64x128xf32, #tpu.memory_space<hbm>>
      %dma_wait3A_2049 = arith.constant 0 : i32
      %dma_wait3A_2050 = arith.constant 0 : i32
      %dma_wait3A_2051 = arith.constant 0 : i32
      %dma_wait3A_2052 = tpu.memref_slice %arg4[%dma_wait3A_2049, %dma_wait3A_2050, %dma_wait3A_2051] : memref<6x64x128xf32, #tpu.memory_space<vmem>> -> memref<5x64x128xf32, #tpu.memory_space<vmem>>
      tpu.wait_dma2 semaphore(%arg6 : memref<!tpu.dma_semaphore, #tpu.memory_space<semaphore_mem>>) src(%dma_wait3A_2052 : memref<5x64x128xf32, #tpu.memory_space<vmem>>) dst(%dma_wait3A_2048 : memref<5x64x128xf32, #tpu.memory_space<hbm>>)
    } else {
    }
    %eq3A_1788 = arith.constant 7 : i32
    %eq3A_1789 = arith.cmpi eq, %select_n3A_30, %eq3A_1788 : i32
    %convert_element_type3A_1790 = arith.extui %eq3A_1789 : i1 to i32
    %cond3A_1791 = arith.constant 0 : i32
    %cond3A_1792 = arith.cmpi ne, %convert_element_type3A_1790, %cond3A_1791 : i32
    scf.if %cond3A_1792 {
      %mul3A_2017 = arith.constant 942 : i32
      %mul3A_2018 = arith.muli %select_n3A, %mul3A_2017 : i32
      %add3A_2019 = arith.constant 6 : i32
      %add3A_2020 = arith.addi %mul3A_2018, %add3A_2019 : i32
      %add3A_2021 = arith.constant 900 : i32
      %add3A_2022 = arith.addi %add3A_2020, %add3A_2021 : i32
      %add3A_2023 = arith.constant 30 : i32
      %add3A_2024 = arith.addi %add3A_2022, %add3A_2023 : i32
      %dma_start3A_2025 = arith.constant 0 : i32
      %dma_start3A_2026 = arith.constant 0 : i32
      %dma_start3A_2027 = arith.constant 0 : i32
      %dma_start3A_2028 = tpu.memref_slice %arg4[%dma_start3A_2025, %dma_start3A_2026, %dma_start3A_2027] : memref<6x64x128xf32, #tpu.memory_space<vmem>> -> memref<5x64x128xf32, #tpu.memory_space<vmem>>
      %dma_start3A_2029 = arith.constant 0 : i32
      %dma_start3A_2030 = arith.constant 0 : i32
      %dma_start3A_2031 = tpu.memref_slice %arg3[%add3A_2024, %dma_start3A_2029, %dma_start3A_2030] : memref<3768x64x128xf32, #tpu.memory_space<hbm>> -> memref<5x64x128xf32, #tpu.memory_space<hbm>>
      %dma_start3A_2032 = arith.constant 0 : i32
      %dma_start3A_2033 = arith.constant 0 : i32
      %dma_start3A_2034 = tpu.memref_slice %arg3[%add3A_2024, %dma_start3A_2032, %dma_start3A_2033] : memref<3768x64x128xf32, #tpu.memory_space<hbm>> -> memref<5x64x128xf32, #tpu.memory_space<hbm>>
      %dma_start3A_2035 = arith.constant 0 : i32
      %dma_start3A_2036 = arith.constant 0 : i32
      %dma_start3A_2037 = arith.constant 0 : i32
      %dma_start3A_2038 = tpu.memref_slice %arg4[%dma_start3A_2035, %dma_start3A_2036, %dma_start3A_2037] : memref<6x64x128xf32, #tpu.memory_space<vmem>> -> memref<5x64x128xf32, #tpu.memory_space<vmem>>
      tpu.enqueue_dma source(%dma_start3A_2038 : memref<5x64x128xf32, #tpu.memory_space<vmem>>) target(%dma_start3A_2034 : memref<5x64x128xf32, #tpu.memory_space<hbm>>) target_semaphore(%arg6 : memref<!tpu.dma_semaphore, #tpu.memory_space<semaphore_mem>>)
      %dma_wait3A_2039 = arith.constant 0 : i32
      %dma_wait3A_2040 = arith.constant 0 : i32
      %dma_wait3A_2041 = arith.constant 0 : i32
      %dma_wait3A_2042 = tpu.memref_slice %arg4[%dma_wait3A_2039, %dma_wait3A_2040, %dma_wait3A_2041] : memref<6x64x128xf32, #tpu.memory_space<vmem>> -> memref<5x64x128xf32, #tpu.memory_space<vmem>>
      %dma_wait3A_2043 = arith.constant 0 : i32
      %dma_wait3A_2044 = arith.constant 0 : i32
      %dma_wait3A_2045 = tpu.memref_slice %arg3[%add3A_2024, %dma_wait3A_2043, %dma_wait3A_2044] : memref<3768x64x128xf32, #tpu.memory_space<hbm>> -> memref<5x64x128xf32, #tpu.memory_space<hbm>>
      %dma_wait3A_2046 = arith.constant 0 : i32
      %dma_wait3A_2047 = arith.constant 0 : i32
      %dma_wait3A_2048 = tpu.memref_slice %arg3[%add3A_2024, %dma_wait3A_2046, %dma_wait3A_2047] : memref<3768x64x128xf32, #tpu.memory_space<hbm>> -> memref<5x64x128xf32, #tpu.memory_space<hbm>>
      %dma_wait3A_2049 = arith.constant 0 : i32
      %dma_wait3A_2050 = arith.constant 0 : i32
      %dma_wait3A_2051 = arith.constant 0 : i32
      %dma_wait3A_2052 = tpu.memref_slice %arg4[%dma_wait3A_2049, %dma_wait3A_2050, %dma_wait3A_2051] : memref<6x64x128xf32, #tpu.memory_space<vmem>> -> memref<5x64x128xf32, #tpu.memory_space<vmem>>
      tpu.wait_dma2 semaphore(%arg6 : memref<!tpu.dma_semaphore, #tpu.memory_space<semaphore_mem>>) src(%dma_wait3A_2052 : memref<5x64x128xf32, #tpu.memory_space<vmem>>) dst(%dma_wait3A_2048 : memref<5x64x128xf32, #tpu.memory_space<hbm>>)
    } else {
    }
    %dma_wait3A_1793 = arith.constant 4 : i32
    %dma_wait3A_1794 = arith.constant 0 : i32
    %dma_wait3A_1795 = arith.constant 0 : i32
    %dma_wait3A_1796 = tpu.memref_slice %arg4[%dma_wait3A_1793, %dma_wait3A_1794, %dma_wait3A_1795] : memref<6x64x128xf32, #tpu.memory_space<vmem>> -> memref<2x64x128xf32, #tpu.memory_space<vmem>>
    %dma_wait3A_1797 = arith.constant 0 : i32
    %dma_wait3A_1798 = arith.constant 0 : i32
    %dma_wait3A_1799 = tpu.memref_slice %arg3[%add3A_1209, %dma_wait3A_1797, %dma_wait3A_1798] : memref<3768x64x128xf32, #tpu.memory_space<hbm>> -> memref<2x64x128xf32, #tpu.memory_space<hbm>>
    %dma_wait3A_1800 = arith.constant 0 : i32
    %dma_wait3A_1801 = arith.constant 0 : i32
    %dma_wait3A_1802 = tpu.memref_slice %arg3[%add3A_1209, %dma_wait3A_1800, %dma_wait3A_1801] : memref<3768x64x128xf32, #tpu.memory_space<hbm>> -> memref<2x64x128xf32, #tpu.memory_space<hbm>>
    %dma_wait3A_1803 = arith.constant 4 : i32
    %dma_wait3A_1804 = arith.constant 0 : i32
    %dma_wait3A_1805 = arith.constant 0 : i32
    %dma_wait3A_1806 = tpu.memref_slice %arg4[%dma_wait3A_1803, %dma_wait3A_1804, %dma_wait3A_1805] : memref<6x64x128xf32, #tpu.memory_space<vmem>> -> memref<2x64x128xf32, #tpu.memory_space<vmem>>
    tpu.wait_dma2 semaphore(%arg6 : memref<!tpu.dma_semaphore, #tpu.memory_space<semaphore_mem>>) src(%dma_wait3A_1806 : memref<2x64x128xf32, #tpu.memory_space<vmem>>) dst(%dma_wait3A_1802 : memref<2x64x128xf32, #tpu.memory_space<hbm>>)
    %dma_wait3A_1807 = arith.constant 0 : i32
    %dma_wait3A_1808 = arith.constant 0 : i32
    %dma_wait3A_1809 = arith.constant 0 : i32
    %dma_wait3A_1810 = tpu.memref_slice %arg4[%dma_wait3A_1807, %dma_wait3A_1808, %dma_wait3A_1809] : memref<6x64x128xf32, #tpu.memory_space<vmem>> -> memref<4x64x128xf32, #tpu.memory_space<vmem>>
    %dma_wait3A_1811 = arith.constant 0 : i32
    %dma_wait3A_1812 = arith.constant 0 : i32
    %dma_wait3A_1813 = tpu.memref_slice %arg3[%add3A_1263, %dma_wait3A_1811, %dma_wait3A_1812] : memref<3768x64x128xf32, #tpu.memory_space<hbm>> -> memref<4x64x128xf32, #tpu.memory_space<hbm>>
    %dma_wait3A_1814 = arith.constant 0 : i32
    %dma_wait3A_1815 = arith.constant 0 : i32
    %dma_wait3A_1816 = tpu.memref_slice %arg3[%add3A_1263, %dma_wait3A_1814, %dma_wait3A_1815] : memref<3768x64x128xf32, #tpu.memory_space<hbm>> -> memref<4x64x128xf32, #tpu.memory_space<hbm>>
    %dma_wait3A_1817 = arith.constant 0 : i32
    %dma_wait3A_1818 = arith.constant 0 : i32
    %dma_wait3A_1819 = arith.constant 0 : i32
    %dma_wait3A_1820 = tpu.memref_slice %arg4[%dma_wait3A_1817, %dma_wait3A_1818, %dma_wait3A_1819] : memref<6x64x128xf32, #tpu.memory_space<vmem>> -> memref<4x64x128xf32, #tpu.memory_space<vmem>>
    tpu.wait_dma2 semaphore(%arg6 : memref<!tpu.dma_semaphore, #tpu.memory_space<semaphore_mem>>) src(%dma_wait3A_1820 : memref<4x64x128xf32, #tpu.memory_space<vmem>>) dst(%dma_wait3A_1816 : memref<4x64x128xf32, #tpu.memory_space<hbm>>)
    %dma_wait3A_1821 = arith.constant 0 : i32
    %dma_wait3A_1822 = arith.constant 0 : i32
    %dma_wait3A_1823 = arith.constant 0 : i32
    %dma_wait3A_1824 = tpu.memref_slice %arg5[%dma_wait3A_1821, %dma_wait3A_1822, %dma_wait3A_1823] : memref<8x64x128xf32, #tpu.memory_space<vmem>> -> memref<1x64x128xf32, #tpu.memory_space<vmem>>
    %dma_wait3A_1825 = arith.constant 0 : i32
    %dma_wait3A_1826 = arith.constant 0 : i32
    %dma_wait3A_1827 = tpu.memref_slice %arg3[%add3A_1293, %dma_wait3A_1825, %dma_wait3A_1826] : memref<3768x64x128xf32, #tpu.memory_space<hbm>> -> memref<1x64x128xf32, #tpu.memory_space<hbm>>
    %dma_wait3A_1828 = arith.constant 0 : i32
    %dma_wait3A_1829 = arith.constant 0 : i32
    %dma_wait3A_1830 = tpu.memref_slice %arg3[%add3A_1293, %dma_wait3A_1828, %dma_wait3A_1829] : memref<3768x64x128xf32, #tpu.memory_space<hbm>> -> memref<1x64x128xf32, #tpu.memory_space<hbm>>
    %dma_wait3A_1831 = arith.constant 0 : i32
    %dma_wait3A_1832 = arith.constant 0 : i32
    %dma_wait3A_1833 = arith.constant 0 : i32
    %dma_wait3A_1834 = tpu.memref_slice %arg5[%dma_wait3A_1831, %dma_wait3A_1832, %dma_wait3A_1833] : memref<8x64x128xf32, #tpu.memory_space<vmem>> -> memref<1x64x128xf32, #tpu.memory_space<vmem>>
    tpu.wait_dma2 semaphore(%arg6 : memref<!tpu.dma_semaphore, #tpu.memory_space<semaphore_mem>>) src(%dma_wait3A_1834 : memref<1x64x128xf32, #tpu.memory_space<vmem>>) dst(%dma_wait3A_1830 : memref<1x64x128xf32, #tpu.memory_space<hbm>>)
    %dma_wait3A_1835 = arith.constant 5 : i32
    %dma_wait3A_1836 = arith.constant 0 : i32
    %dma_wait3A_1837 = arith.constant 0 : i32
    %dma_wait3A_1838 = tpu.memref_slice %arg4[%dma_wait3A_1835, %dma_wait3A_1836, %dma_wait3A_1837] : memref<6x64x128xf32, #tpu.memory_space<vmem>> -> memref<1x64x128xf32, #tpu.memory_space<vmem>>
    %dma_wait3A_1839 = arith.constant 0 : i32
    %dma_wait3A_1840 = arith.constant 0 : i32
    %dma_wait3A_1841 = tpu.memref_slice %arg3[%add3A_1325, %dma_wait3A_1839, %dma_wait3A_1840] : memref<3768x64x128xf32, #tpu.memory_space<hbm>> -> memref<1x64x128xf32, #tpu.memory_space<hbm>>
    %dma_wait3A_1842 = arith.constant 0 : i32
    %dma_wait3A_1843 = arith.constant 0 : i32
    %dma_wait3A_1844 = tpu.memref_slice %arg3[%add3A_1325, %dma_wait3A_1842, %dma_wait3A_1843] : memref<3768x64x128xf32, #tpu.memory_space<hbm>> -> memref<1x64x128xf32, #tpu.memory_space<hbm>>
    %dma_wait3A_1845 = arith.constant 5 : i32
    %dma_wait3A_1846 = arith.constant 0 : i32
    %dma_wait3A_1847 = arith.constant 0 : i32
    %dma_wait3A_1848 = tpu.memref_slice %arg4[%dma_wait3A_1845, %dma_wait3A_1846, %dma_wait3A_1847] : memref<6x64x128xf32, #tpu.memory_space<vmem>> -> memref<1x64x128xf32, #tpu.memory_space<vmem>>
    tpu.wait_dma2 semaphore(%arg6 : memref<!tpu.dma_semaphore, #tpu.memory_space<semaphore_mem>>) src(%dma_wait3A_1848 : memref<1x64x128xf32, #tpu.memory_space<vmem>>) dst(%dma_wait3A_1844 : memref<1x64x128xf32, #tpu.memory_space<hbm>>)
    %dma_wait3A_1849 = arith.constant 0 : i32
    %dma_wait3A_1850 = arith.constant 0 : i32
    %dma_wait3A_1851 = arith.constant 0 : i32
    %dma_wait3A_1852 = tpu.memref_slice %arg4[%dma_wait3A_1849, %dma_wait3A_1850, %dma_wait3A_1851] : memref<6x64x128xf32, #tpu.memory_space<vmem>> -> memref<4x64x128xf32, #tpu.memory_space<vmem>>
    %dma_wait3A_1853 = arith.constant 0 : i32
    %dma_wait3A_1854 = arith.constant 0 : i32
    %dma_wait3A_1855 = tpu.memref_slice %arg3[%add3A_1364, %dma_wait3A_1853, %dma_wait3A_1854] : memref<3768x64x128xf32, #tpu.memory_space<hbm>> -> memref<4x64x128xf32, #tpu.memory_space<hbm>>
    %dma_wait3A_1856 = arith.constant 0 : i32
    %dma_wait3A_1857 = arith.constant 0 : i32
    %dma_wait3A_1858 = tpu.memref_slice %arg3[%add3A_1364, %dma_wait3A_1856, %dma_wait3A_1857] : memref<3768x64x128xf32, #tpu.memory_space<hbm>> -> memref<4x64x128xf32, #tpu.memory_space<hbm>>
    %dma_wait3A_1859 = arith.constant 0 : i32
    %dma_wait3A_1860 = arith.constant 0 : i32
    %dma_wait3A_1861 = arith.constant 0 : i32
    %dma_wait3A_1862 = tpu.memref_slice %arg4[%dma_wait3A_1859, %dma_wait3A_1860, %dma_wait3A_1861] : memref<6x64x128xf32, #tpu.memory_space<vmem>> -> memref<4x64x128xf32, #tpu.memory_space<vmem>>
    tpu.wait_dma2 semaphore(%arg6 : memref<!tpu.dma_semaphore, #tpu.memory_space<semaphore_mem>>) src(%dma_wait3A_1862 : memref<4x64x128xf32, #tpu.memory_space<vmem>>) dst(%dma_wait3A_1858 : memref<4x64x128xf32, #tpu.memory_space<hbm>>)
    %dma_wait3A_1863 = arith.constant 1 : i32
    %dma_wait3A_1864 = arith.constant 0 : i32
    %dma_wait3A_1865 = arith.constant 0 : i32
    %dma_wait3A_1866 = tpu.memref_slice %arg5[%dma_wait3A_1863, %dma_wait3A_1864, %dma_wait3A_1865] : memref<8x64x128xf32, #tpu.memory_space<vmem>> -> memref<1x64x128xf32, #tpu.memory_space<vmem>>
    %dma_wait3A_1867 = arith.constant 0 : i32
    %dma_wait3A_1868 = arith.constant 0 : i32
    %dma_wait3A_1869 = tpu.memref_slice %arg3[%add3A_1394, %dma_wait3A_1867, %dma_wait3A_1868] : memref<3768x64x128xf32, #tpu.memory_space<hbm>> -> memref<1x64x128xf32, #tpu.memory_space<hbm>>
    %dma_wait3A_1870 = arith.constant 0 : i32
    %dma_wait3A_1871 = arith.constant 0 : i32
    %dma_wait3A_1872 = tpu.memref_slice %arg3[%add3A_1394, %dma_wait3A_1870, %dma_wait3A_1871] : memref<3768x64x128xf32, #tpu.memory_space<hbm>> -> memref<1x64x128xf32, #tpu.memory_space<hbm>>
    %dma_wait3A_1873 = arith.constant 1 : i32
    %dma_wait3A_1874 = arith.constant 0 : i32
    %dma_wait3A_1875 = arith.constant 0 : i32
    %dma_wait3A_1876 = tpu.memref_slice %arg5[%dma_wait3A_1873, %dma_wait3A_1874, %dma_wait3A_1875] : memref<8x64x128xf32, #tpu.memory_space<vmem>> -> memref<1x64x128xf32, #tpu.memory_space<vmem>>
    tpu.wait_dma2 semaphore(%arg6 : memref<!tpu.dma_semaphore, #tpu.memory_space<semaphore_mem>>) src(%dma_wait3A_1876 : memref<1x64x128xf32, #tpu.memory_space<vmem>>) dst(%dma_wait3A_1872 : memref<1x64x128xf32, #tpu.memory_space<hbm>>)
    %dma_wait3A_1877 = arith.constant 5 : i32
    %dma_wait3A_1878 = arith.constant 0 : i32
    %dma_wait3A_1879 = arith.constant 0 : i32
    %dma_wait3A_1880 = tpu.memref_slice %arg4[%dma_wait3A_1877, %dma_wait3A_1878, %dma_wait3A_1879] : memref<6x64x128xf32, #tpu.memory_space<vmem>> -> memref<1x64x128xf32, #tpu.memory_space<vmem>>
    %dma_wait3A_1881 = arith.constant 0 : i32
    %dma_wait3A_1882 = arith.constant 0 : i32
    %dma_wait3A_1883 = tpu.memref_slice %arg3[%add3A_1426, %dma_wait3A_1881, %dma_wait3A_1882] : memref<3768x64x128xf32, #tpu.memory_space<hbm>> -> memref<1x64x128xf32, #tpu.memory_space<hbm>>
    %dma_wait3A_1884 = arith.constant 0 : i32
    %dma_wait3A_1885 = arith.constant 0 : i32
    %dma_wait3A_1886 = tpu.memref_slice %arg3[%add3A_1426, %dma_wait3A_1884, %dma_wait3A_1885] : memref<3768x64x128xf32, #tpu.memory_space<hbm>> -> memref<1x64x128xf32, #tpu.memory_space<hbm>>
    %dma_wait3A_1887 = arith.constant 5 : i32
    %dma_wait3A_1888 = arith.constant 0 : i32
    %dma_wait3A_1889 = arith.constant 0 : i32
    %dma_wait3A_1890 = tpu.memref_slice %arg4[%dma_wait3A_1887, %dma_wait3A_1888, %dma_wait3A_1889] : memref<6x64x128xf32, #tpu.memory_space<vmem>> -> memref<1x64x128xf32, #tpu.memory_space<vmem>>
    tpu.wait_dma2 semaphore(%arg6 : memref<!tpu.dma_semaphore, #tpu.memory_space<semaphore_mem>>) src(%dma_wait3A_1890 : memref<1x64x128xf32, #tpu.memory_space<vmem>>) dst(%dma_wait3A_1886 : memref<1x64x128xf32, #tpu.memory_space<hbm>>)
    %dma_wait3A_1891 = arith.constant 0 : i32
    %dma_wait3A_1892 = arith.constant 0 : i32
    %dma_wait3A_1893 = arith.constant 0 : i32
    %dma_wait3A_1894 = tpu.memref_slice %arg4[%dma_wait3A_1891, %dma_wait3A_1892, %dma_wait3A_1893] : memref<6x64x128xf32, #tpu.memory_space<vmem>> -> memref<4x64x128xf32, #tpu.memory_space<vmem>>
    %dma_wait3A_1895 = arith.constant 0 : i32
    %dma_wait3A_1896 = arith.constant 0 : i32
    %dma_wait3A_1897 = tpu.memref_slice %arg3[%add3A_1465, %dma_wait3A_1895, %dma_wait3A_1896] : memref<3768x64x128xf32, #tpu.memory_space<hbm>> -> memref<4x64x128xf32, #tpu.memory_space<hbm>>
    %dma_wait3A_1898 = arith.constant 0 : i32
    %dma_wait3A_1899 = arith.constant 0 : i32
    %dma_wait3A_1900 = tpu.memref_slice %arg3[%add3A_1465, %dma_wait3A_1898, %dma_wait3A_1899] : memref<3768x64x128xf32, #tpu.memory_space<hbm>> -> memref<4x64x128xf32, #tpu.memory_space<hbm>>
    %dma_wait3A_1901 = arith.constant 0 : i32
    %dma_wait3A_1902 = arith.constant 0 : i32
    %dma_wait3A_1903 = arith.constant 0 : i32
    %dma_wait3A_1904 = tpu.memref_slice %arg4[%dma_wait3A_1901, %dma_wait3A_1902, %dma_wait3A_1903] : memref<6x64x128xf32, #tpu.memory_space<vmem>> -> memref<4x64x128xf32, #tpu.memory_space<vmem>>
    tpu.wait_dma2 semaphore(%arg6 : memref<!tpu.dma_semaphore, #tpu.memory_space<semaphore_mem>>) src(%dma_wait3A_1904 : memref<4x64x128xf32, #tpu.memory_space<vmem>>) dst(%dma_wait3A_1900 : memref<4x64x128xf32, #tpu.memory_space<hbm>>)
    %dma_wait3A_1905 = arith.constant 2 : i32
    %dma_wait3A_1906 = arith.constant 0 : i32
    %dma_wait3A_1907 = arith.constant 0 : i32
    %dma_wait3A_1908 = tpu.memref_slice %arg5[%dma_wait3A_1905, %dma_wait3A_1906, %dma_wait3A_1907] : memref<8x64x128xf32, #tpu.memory_space<vmem>> -> memref<1x64x128xf32, #tpu.memory_space<vmem>>
    %dma_wait3A_1909 = arith.constant 0 : i32
    %dma_wait3A_1910 = arith.constant 0 : i32
    %dma_wait3A_1911 = tpu.memref_slice %arg3[%add3A_1495, %dma_wait3A_1909, %dma_wait3A_1910] : memref<3768x64x128xf32, #tpu.memory_space<hbm>> -> memref<1x64x128xf32, #tpu.memory_space<hbm>>
    %dma_wait3A_1912 = arith.constant 0 : i32
    %dma_wait3A_1913 = arith.constant 0 : i32
    %dma_wait3A_1914 = tpu.memref_slice %arg3[%add3A_1495, %dma_wait3A_1912, %dma_wait3A_1913] : memref<3768x64x128xf32, #tpu.memory_space<hbm>> -> memref<1x64x128xf32, #tpu.memory_space<hbm>>
    %dma_wait3A_1915 = arith.constant 2 : i32
    %dma_wait3A_1916 = arith.constant 0 : i32
    %dma_wait3A_1917 = arith.constant 0 : i32
    %dma_wait3A_1918 = tpu.memref_slice %arg5[%dma_wait3A_1915, %dma_wait3A_1916, %dma_wait3A_1917] : memref<8x64x128xf32, #tpu.memory_space<vmem>> -> memref<1x64x128xf32, #tpu.memory_space<vmem>>
    tpu.wait_dma2 semaphore(%arg6 : memref<!tpu.dma_semaphore, #tpu.memory_space<semaphore_mem>>) src(%dma_wait3A_1918 : memref<1x64x128xf32, #tpu.memory_space<vmem>>) dst(%dma_wait3A_1914 : memref<1x64x128xf32, #tpu.memory_space<hbm>>)
    %dma_wait3A_1919 = arith.constant 5 : i32
    %dma_wait3A_1920 = arith.constant 0 : i32
    %dma_wait3A_1921 = arith.constant 0 : i32
    %dma_wait3A_1922 = tpu.memref_slice %arg4[%dma_wait3A_1919, %dma_wait3A_1920, %dma_wait3A_1921] : memref<6x64x128xf32, #tpu.memory_space<vmem>> -> memref<1x64x128xf32, #tpu.memory_space<vmem>>
    %dma_wait3A_1923 = arith.constant 0 : i32
    %dma_wait3A_1924 = arith.constant 0 : i32
    %dma_wait3A_1925 = tpu.memref_slice %arg3[%add3A_1527, %dma_wait3A_1923, %dma_wait3A_1924] : memref<3768x64x128xf32, #tpu.memory_space<hbm>> -> memref<1x64x128xf32, #tpu.memory_space<hbm>>
    %dma_wait3A_1926 = arith.constant 0 : i32
    %dma_wait3A_1927 = arith.constant 0 : i32
    %dma_wait3A_1928 = tpu.memref_slice %arg3[%add3A_1527, %dma_wait3A_1926, %dma_wait3A_1927] : memref<3768x64x128xf32, #tpu.memory_space<hbm>> -> memref<1x64x128xf32, #tpu.memory_space<hbm>>
    %dma_wait3A_1929 = arith.constant 5 : i32
    %dma_wait3A_1930 = arith.constant 0 : i32
    %dma_wait3A_1931 = arith.constant 0 : i32
    %dma_wait3A_1932 = tpu.memref_slice %arg4[%dma_wait3A_1929, %dma_wait3A_1930, %dma_wait3A_1931] : memref<6x64x128xf32, #tpu.memory_space<vmem>> -> memref<1x64x128xf32, #tpu.memory_space<vmem>>
    tpu.wait_dma2 semaphore(%arg6 : memref<!tpu.dma_semaphore, #tpu.memory_space<semaphore_mem>>) src(%dma_wait3A_1932 : memref<1x64x128xf32, #tpu.memory_space<vmem>>) dst(%dma_wait3A_1928 : memref<1x64x128xf32, #tpu.memory_space<hbm>>)
    %dma_wait3A_1933 = arith.constant 0 : i32
    %dma_wait3A_1934 = arith.constant 0 : i32
    %dma_wait3A_1935 = arith.constant 0 : i32
    %dma_wait3A_1936 = tpu.memref_slice %arg4[%dma_wait3A_1933, %dma_wait3A_1934, %dma_wait3A_1935] : memref<6x64x128xf32, #tpu.memory_space<vmem>> -> memref<5x64x128xf32, #tpu.memory_space<vmem>>
    %dma_wait3A_1937 = arith.constant 0 : i32
    %dma_wait3A_1938 = arith.constant 0 : i32
    %dma_wait3A_1939 = tpu.memref_slice %arg3[%add3A_1581, %dma_wait3A_1937, %dma_wait3A_1938] : memref<3768x64x128xf32, #tpu.memory_space<hbm>> -> memref<5x64x128xf32, #tpu.memory_space<hbm>>
    %dma_wait3A_1940 = arith.constant 0 : i32
    %dma_wait3A_1941 = arith.constant 0 : i32
    %dma_wait3A_1942 = tpu.memref_slice %arg3[%add3A_1581, %dma_wait3A_1940, %dma_wait3A_1941] : memref<3768x64x128xf32, #tpu.memory_space<hbm>> -> memref<5x64x128xf32, #tpu.memory_space<hbm>>
    %dma_wait3A_1943 = arith.constant 0 : i32
    %dma_wait3A_1944 = arith.constant 0 : i32
    %dma_wait3A_1945 = arith.constant 0 : i32
    %dma_wait3A_1946 = tpu.memref_slice %arg4[%dma_wait3A_1943, %dma_wait3A_1944, %dma_wait3A_1945] : memref<6x64x128xf32, #tpu.memory_space<vmem>> -> memref<5x64x128xf32, #tpu.memory_space<vmem>>
    tpu.wait_dma2 semaphore(%arg6 : memref<!tpu.dma_semaphore, #tpu.memory_space<semaphore_mem>>) src(%dma_wait3A_1946 : memref<5x64x128xf32, #tpu.memory_space<vmem>>) dst(%dma_wait3A_1942 : memref<5x64x128xf32, #tpu.memory_space<hbm>>)
    %dma_wait3A_1947 = arith.constant 4 : i32
    %dma_wait3A_1948 = arith.constant 0 : i32
    %dma_wait3A_1949 = arith.constant 0 : i32
    %dma_wait3A_1950 = tpu.memref_slice %arg5[%dma_wait3A_1947, %dma_wait3A_1948, %dma_wait3A_1949] : memref<8x64x128xf32, #tpu.memory_space<vmem>> -> memref<1x64x128xf32, #tpu.memory_space<vmem>>
    %dma_wait3A_1951 = arith.constant 0 : i32
    %dma_wait3A_1952 = arith.constant 0 : i32
    %dma_wait3A_1953 = tpu.memref_slice %arg3[%add3A_1611, %dma_wait3A_1951, %dma_wait3A_1952] : memref<3768x64x128xf32, #tpu.memory_space<hbm>> -> memref<1x64x128xf32, #tpu.memory_space<hbm>>
    %dma_wait3A_1954 = arith.constant 0 : i32
    %dma_wait3A_1955 = arith.constant 0 : i32
    %dma_wait3A_1956 = tpu.memref_slice %arg3[%add3A_1611, %dma_wait3A_1954, %dma_wait3A_1955] : memref<3768x64x128xf32, #tpu.memory_space<hbm>> -> memref<1x64x128xf32, #tpu.memory_space<hbm>>
    %dma_wait3A_1957 = arith.constant 4 : i32
    %dma_wait3A_1958 = arith.constant 0 : i32
    %dma_wait3A_1959 = arith.constant 0 : i32
    %dma_wait3A_1960 = tpu.memref_slice %arg5[%dma_wait3A_1957, %dma_wait3A_1958, %dma_wait3A_1959] : memref<8x64x128xf32, #tpu.memory_space<vmem>> -> memref<1x64x128xf32, #tpu.memory_space<vmem>>
    tpu.wait_dma2 semaphore(%arg6 : memref<!tpu.dma_semaphore, #tpu.memory_space<semaphore_mem>>) src(%dma_wait3A_1960 : memref<1x64x128xf32, #tpu.memory_space<vmem>>) dst(%dma_wait3A_1956 : memref<1x64x128xf32, #tpu.memory_space<hbm>>)
    %dma_wait3A_1961 = arith.constant 0 : i32
    %dma_wait3A_1962 = arith.constant 0 : i32
    %dma_wait3A_1963 = arith.constant 0 : i32
    %dma_wait3A_1964 = tpu.memref_slice %arg4[%dma_wait3A_1961, %dma_wait3A_1962, %dma_wait3A_1963] : memref<6x64x128xf32, #tpu.memory_space<vmem>> -> memref<5x64x128xf32, #tpu.memory_space<vmem>>
    %dma_wait3A_1965 = arith.constant 0 : i32
    %dma_wait3A_1966 = arith.constant 0 : i32
    %dma_wait3A_1967 = tpu.memref_slice %arg3[%add3A_1650, %dma_wait3A_1965, %dma_wait3A_1966] : memref<3768x64x128xf32, #tpu.memory_space<hbm>> -> memref<5x64x128xf32, #tpu.memory_space<hbm>>
    %dma_wait3A_1968 = arith.constant 0 : i32
    %dma_wait3A_1969 = arith.constant 0 : i32
    %dma_wait3A_1970 = tpu.memref_slice %arg3[%add3A_1650, %dma_wait3A_1968, %dma_wait3A_1969] : memref<3768x64x128xf32, #tpu.memory_space<hbm>> -> memref<5x64x128xf32, #tpu.memory_space<hbm>>
    %dma_wait3A_1971 = arith.constant 0 : i32
    %dma_wait3A_1972 = arith.constant 0 : i32
    %dma_wait3A_1973 = arith.constant 0 : i32
    %dma_wait3A_1974 = tpu.memref_slice %arg4[%dma_wait3A_1971, %dma_wait3A_1972, %dma_wait3A_1973] : memref<6x64x128xf32, #tpu.memory_space<vmem>> -> memref<5x64x128xf32, #tpu.memory_space<vmem>>
    tpu.wait_dma2 semaphore(%arg6 : memref<!tpu.dma_semaphore, #tpu.memory_space<semaphore_mem>>) src(%dma_wait3A_1974 : memref<5x64x128xf32, #tpu.memory_space<vmem>>) dst(%dma_wait3A_1970 : memref<5x64x128xf32, #tpu.memory_space<hbm>>)
    %dma_wait3A_1975 = arith.constant 5 : i32
    %dma_wait3A_1976 = arith.constant 0 : i32
    %dma_wait3A_1977 = arith.constant 0 : i32
    %dma_wait3A_1978 = tpu.memref_slice %arg5[%dma_wait3A_1975, %dma_wait3A_1976, %dma_wait3A_1977] : memref<8x64x128xf32, #tpu.memory_space<vmem>> -> memref<1x64x128xf32, #tpu.memory_space<vmem>>
    %dma_wait3A_1979 = arith.constant 0 : i32
    %dma_wait3A_1980 = arith.constant 0 : i32
    %dma_wait3A_1981 = tpu.memref_slice %arg3[%add3A_1680, %dma_wait3A_1979, %dma_wait3A_1980] : memref<3768x64x128xf32, #tpu.memory_space<hbm>> -> memref<1x64x128xf32, #tpu.memory_space<hbm>>
    %dma_wait3A_1982 = arith.constant 0 : i32
    %dma_wait3A_1983 = arith.constant 0 : i32
    %dma_wait3A_1984 = tpu.memref_slice %arg3[%add3A_1680, %dma_wait3A_1982, %dma_wait3A_1983] : memref<3768x64x128xf32, #tpu.memory_space<hbm>> -> memref<1x64x128xf32, #tpu.memory_space<hbm>>
    %dma_wait3A_1985 = arith.constant 5 : i32
    %dma_wait3A_1986 = arith.constant 0 : i32
    %dma_wait3A_1987 = arith.constant 0 : i32
    %dma_wait3A_1988 = tpu.memref_slice %arg5[%dma_wait3A_1985, %dma_wait3A_1986, %dma_wait3A_1987] : memref<8x64x128xf32, #tpu.memory_space<vmem>> -> memref<1x64x128xf32, #tpu.memory_space<vmem>>
    tpu.wait_dma2 semaphore(%arg6 : memref<!tpu.dma_semaphore, #tpu.memory_space<semaphore_mem>>) src(%dma_wait3A_1988 : memref<1x64x128xf32, #tpu.memory_space<vmem>>) dst(%dma_wait3A_1984 : memref<1x64x128xf32, #tpu.memory_space<hbm>>)
    %dma_wait3A_1989 = arith.constant 0 : i32
    %dma_wait3A_1990 = arith.constant 0 : i32
    %dma_wait3A_1991 = arith.constant 0 : i32
    %dma_wait3A_1992 = tpu.memref_slice %arg4[%dma_wait3A_1989, %dma_wait3A_1990, %dma_wait3A_1991] : memref<6x64x128xf32, #tpu.memory_space<vmem>> -> memref<5x64x128xf32, #tpu.memory_space<vmem>>
    %dma_wait3A_1993 = arith.constant 0 : i32
    %dma_wait3A_1994 = arith.constant 0 : i32
    %dma_wait3A_1995 = tpu.memref_slice %arg3[%add3A_1719, %dma_wait3A_1993, %dma_wait3A_1994] : memref<3768x64x128xf32, #tpu.memory_space<hbm>> -> memref<5x64x128xf32, #tpu.memory_space<hbm>>
    %dma_wait3A_1996 = arith.constant 0 : i32
    %dma_wait3A_1997 = arith.constant 0 : i32
    %dma_wait3A_1998 = tpu.memref_slice %arg3[%add3A_1719, %dma_wait3A_1996, %dma_wait3A_1997] : memref<3768x64x128xf32, #tpu.memory_space<hbm>> -> memref<5x64x128xf32, #tpu.memory_space<hbm>>
    %dma_wait3A_1999 = arith.constant 0 : i32
    %dma_wait3A_2000 = arith.constant 0 : i32
    %dma_wait3A_2001 = arith.constant 0 : i32
    %dma_wait3A_2002 = tpu.memref_slice %arg4[%dma_wait3A_1999, %dma_wait3A_2000, %dma_wait3A_2001] : memref<6x64x128xf32, #tpu.memory_space<vmem>> -> memref<5x64x128xf32, #tpu.memory_space<vmem>>
    tpu.wait_dma2 semaphore(%arg6 : memref<!tpu.dma_semaphore, #tpu.memory_space<semaphore_mem>>) src(%dma_wait3A_2002 : memref<5x64x128xf32, #tpu.memory_space<vmem>>) dst(%dma_wait3A_1998 : memref<5x64x128xf32, #tpu.memory_space<hbm>>)
    %dma_wait3A_2003 = arith.constant 6 : i32
    %dma_wait3A_2004 = arith.constant 0 : i32
    %dma_wait3A_2005 = arith.constant 0 : i32
    %dma_wait3A_2006 = tpu.memref_slice %arg5[%dma_wait3A_2003, %dma_wait3A_2004, %dma_wait3A_2005] : memref<8x64x128xf32, #tpu.memory_space<vmem>> -> memref<1x64x128xf32, #tpu.memory_space<vmem>>
    %dma_wait3A_2007 = arith.constant 0 : i32
    %dma_wait3A_2008 = arith.constant 0 : i32
    %dma_wait3A_2009 = tpu.memref_slice %arg3[%add3A_1749, %dma_wait3A_2007, %dma_wait3A_2008] : memref<3768x64x128xf32, #tpu.memory_space<hbm>> -> memref<1x64x128xf32, #tpu.memory_space<hbm>>
    %dma_wait3A_2010 = arith.constant 0 : i32
    %dma_wait3A_2011 = arith.constant 0 : i32
    %dma_wait3A_2012 = tpu.memref_slice %arg3[%add3A_1749, %dma_wait3A_2010, %dma_wait3A_2011] : memref<3768x64x128xf32, #tpu.memory_space<hbm>> -> memref<1x64x128xf32, #tpu.memory_space<hbm>>
    %dma_wait3A_2013 = arith.constant 6 : i32
    %dma_wait3A_2014 = arith.constant 0 : i32
    %dma_wait3A_2015 = arith.constant 0 : i32
    %dma_wait3A_2016 = tpu.memref_slice %arg5[%dma_wait3A_2013, %dma_wait3A_2014, %dma_wait3A_2015] : memref<8x64x128xf32, #tpu.memory_space<vmem>> -> memref<1x64x128xf32, #tpu.memory_space<vmem>>
    tpu.wait_dma2 semaphore(%arg6 : memref<!tpu.dma_semaphore, #tpu.memory_space<semaphore_mem>>) src(%dma_wait3A_2016 : memref<1x64x128xf32, #tpu.memory_space<vmem>>) dst(%dma_wait3A_2012 : memref<1x64x128xf32, #tpu.memory_space<hbm>>)
    return
  }
}

</mosaic_0001>

<sc_bundles>
// kernel: kernel.3.cloned.1.call-start
scs
__scs_entry_jumppad:
0x0: {  	(pc) =	sbr.rel $0x88, $3  }
0x1: {  	(tag) =	ssettag $0x0;
	lr =	simm.s32 $0x1  }
0x2: {  	[smem:$0x3FA0] =	sst lr;
	_ =	strace $0xD0000000  }
0x3: {  	_ = 	snop  }
0x4: {  	_ = 	snop  }
0x5: {  	_ = 	snop  }
0x6: {  	_ = 	snop  }
0x7: {  	_ = 	snop  }
__scs_overlays_trampoline_lowered:
0x8: {  	[smem:$0x3FAF] =	sst s0  }
0x9: {  	[smem:$0x3FB0] =	sst s1  }
0xa: {  	[smem:$0x3FB1] =	sst s2  }
0xb: {  	[smem:$0x3FB2] =	sst s3  }
0xc: {  	[smem:$0x3FB3] =	sst s4  }
0xd: {  	[smem:$0x3FB4] =	sst s5  }
0xe: {  	[smem:$0x3FB5] =	sst s6  }
0xf: {  	[smem:$0x3FB6] =	sst s7  }
0x10: {  	[smem:$0x3FB7] =	sst s8  }
0x11: {  	[smem:$0x3FB8] =	sst s9;
	s0 =	simm.s32 @!p0 $0x0  }
0x12: {  	s1 =	sld [smem:$0x3F9E];
	s0 =	simm.s32 @p0 $0x1  }
0x13: {  	[smem:$0x3FB9] =	sst s0;
	s0 =	simm.s32 @!p1 $0x0  }
0x14: {  	s2 =	sld [smem:$0x3F9D];
	s0 =	simm.s32 @p1 $0x1  }
0x15: {  	[smem:$0x3FBA] =	sst s0;
	s0 =	simm.s32 @!p2 $0x0  }
0x16: {  	s3 =	sld [smem:$0x3FDB];
	s0 =	simm.s32 @p2 $0x1  }
0x17: {  	s4 =	simm.s32 $0x1BF5;
	[smem:$0x3FBC] =	sst s0  }
0x18: {  	s0 =	sld [smem:$0x3F9F];
	_ =	swait.ge [sflag:s4], $0x0  }
0x19: {  	s7 =	sld [smem:$0x3FA0]  }
0x1a: {  	s8 =	sadd.s32 $0xFFFFE003, lr  }
0x1b: {  	s9 =	sadd.s32 $0xFFFFFEF7, lr;
	s5 =	simm.s32 $0xFFFFFFFF;
	p2 =	slt.u32 s8, $0xFFFFF086  }
0x1c: {  	p1 =	slt.u32 s9, $0xF7A;
	s5 =	simm.s32 @!p2 $0x0  }
0x1d: {  	s5 =	simm.s32 @p1 $0x1;
	p0 =	seq.s32 s7, s2  }
0x1e: {  	s7 =	smul.u32 @!p0 $0xF7A, s2;
	p2 =	seq.s32 @!p0 s5, $0x0  }
0x1f: {  	s9 =	smul.u32 $0xF7A, s1;
	s8 =	simm.s32 @!p0 $0x1BF5;
	p2 =	por !p2, p0  }
0x20: {  	[sflag:s8] =	ssyncset.s32 @!p0 $0xFFFFF086;
	s6 =	sadd.s32 @!p0 s3, s7;
	s7 =	simm.s32 @!p0 $0x108  }
0x21: {  	s3 =	sadd.s32 s3, s9;
	s6 =	sadd.s32 @!p0 $0x88, s6;
	s7 =	simm.s32 @p2 $0x1082  }
0x22: {  	[simem:s7], [sflag:s8] =	dma.local @!p0 [hbm:s6], $0xF7A  }
0x23: {  	s9 =	sor.u32 $0xD0000000, s2;
	s6 =	simm.s32 $0x108;
	_ =	swait.ge @!p0 [sflag:s8], $0x0  }
0x24: {  	s3 =	sadd.s32 $0x88, s3;
	s6 =	simm.s32 @!p1 $0x1082;
	[sflag:s4] =	ssyncset.s32 $0xFFFFF086  }
0x25: {  	[simem:s6], [sflag:s4] =	dma.local [hbm:s3], $0xF7A  }
0x26: {  	[smem:$0x3FA0] =	sst s1;
	(tag) =	ssettag s2;
	_ =	strace s9  }
0x27: {  	s1 =	sld [smem:$0x3FB0]  }
0x28: {  	s2 =	sld [smem:$0x3FB1]  }
0x29: {  	s4 =	sld [smem:$0x3FB3]  }
0x2a: {  	p0 =	seq.s32 s5, $0x0;
	s5 =	sld [smem:$0x3FB4]  }
0x2b: {  	s6 =	sld [smem:$0x3FB5]  }
0x2c: {  	s7 =	sld [smem:$0x3FB6]  }
0x2d: {  	s3 =	simm.s32 $0x108;
	s8 =	sld [smem:$0x3FB7]  }
0x2e: {  	s3 =	simm.s32 @!p0 $0x1082;
	s9 =	sld [smem:$0x3FB8]  }
0x2f: {  	lr =	sadd.s32 s0, s3;
	s0 =	sld [smem:$0x3FAF]  }
0x30: {  	s3 =	sld [smem:$0x3FB2]  }
0x31: {  	[smem:$0x3FBB] =	sst s10  }
0x32: {  	s10 =	sld [smem:$0x3FB9];
	_ =	sdelay $0x3  }
0x33: {  	p0 =	seq.s32 s10, $0x1;
	s10 =	sld [smem:$0x3FBB];
	_ =	sdelay $0x3  }
0x34: {  	[smem:$0x3FBB] =	sst s10  }
0x35: {  	s10 =	sld [smem:$0x3FBA];
	_ =	sdelay $0x3  }
0x36: {  	p1 =	seq.s32 s10, $0x1;
	s10 =	sld [smem:$0x3FBB];
	_ =	sdelay $0x3  }
0x37: {  	[smem:$0x3FBB] =	sst s10  }
0x38: {  	s10 =	sld [smem:$0x3FBC]  }
0x39: {  	_ = 	snop;
	(pc) =	sbr.ind lr, $3  }
0x3a: {  	_ = 	snop  }
0x3b: {  	_ = 	snop  }
0x3c: {  	p2 =	seq.s32 s10, $0x1;
	s10 =	sld [smem:$0x3FBB]  }
0x3d: {  	_ =	shalt  }
0x3e: {  	_ =	shalt  }
0x3f: {  	_ =	shalt  }
0x40: {  	_ =	shalt  }
0x41: {  	_ =	shalt  }
0x42: {  	_ =	shalt  }
0x43: {  	_ =	shalt  }
0x44: {  	_ =	shalt  }
0x45: {  	_ =	shalt  }
0x46: {  	_ =	shalt  }
0x47: {  	_ =	shalt  }
0x48: {  	_ =	shalt  }
0x49: {  	_ =	shalt  }
0x4a: {  	_ =	shalt  }
0x4b: {  	_ =	shalt  }
0x4c: {  	_ =	shalt  }
0x4d: {  	_ =	shalt  }
0x4e: {  	_ =	shalt  }
0x4f: {  	_ =	shalt  }
0x50: {  	_ =	shalt  }
0x51: {  	_ =	shalt  }
0x52: {  	_ =	shalt  }
0x53: {  	_ =	shalt  }
0x54: {  	_ =	shalt  }
0x55: {  	_ =	shalt  }
0x56: {  	_ =	shalt  }
0x57: {  	_ =	shalt  }
0x58: {  	_ =	shalt  }
0x59: {  	_ =	shalt  }
0x5a: {  	_ =	shalt  }
0x5b: {  	_ =	shalt  }
0x5c: {  	_ =	shalt  }
0x5d: {  	_ =	shalt  }
0x5e: {  	_ =	shalt  }
0x5f: {  	_ =	shalt  }
0x60: {  	_ =	shalt  }
0x61: {  	_ =	shalt  }
0x62: {  	_ =	shalt  }
0x63: {  	_ =	shalt  }
0x64: {  	_ =	shalt  }
0x65: {  	_ =	shalt  }
0x66: {  	_ =	shalt  }
0x67: {  	_ =	shalt  }
0x68: {  	_ =	shalt  }
0x69: {  	_ =	shalt  }
0x6a: {  	_ =	shalt  }
0x6b: {  	_ =	shalt  }
0x6c: {  	_ =	shalt  }
0x6d: {  	_ =	shalt  }
0x6e: {  	_ =	shalt  }
0x6f: {  	_ =	shalt  }
0x70: {  	_ =	shalt  }
0x71: {  	_ =	shalt  }
0x72: {  	_ =	shalt  }
0x73: {  	_ =	shalt  }
0x74: {  	_ =	shalt  }
0x75: {  	_ =	shalt  }
0x76: {  	_ =	shalt  }
0x77: {  	_ =	shalt  }
0x78: {  	_ =	shalt  }
0x79: {  	_ =	shalt  }
0x7a: {  	_ =	shalt  }
0x7b: {  	_ =	shalt  }
0x7c: {  	_ =	shalt  }
0x7d: {  	_ =	shalt  }
0x7e: {  	_ =	shalt  }
0x7f: {  	_ =	shalt  }
0x80: {  	_ =	shalt  }
0x81: {  	_ =	shalt  }
0x82: {  	_ =	shalt  }
0x83: {  	_ =	shalt  }
0x84: {  	_ =	shalt  }
0x85: {  	_ =	shalt  }
0x86: {  	_ =	shalt  }
0x87: {  	_ =	shalt  }
.Lfunc_end0:
.L_simem_size_0:
called_computation_lowered:
.L_overlay_start_0:
0x88: {  	s2 =	sld [smem:$0x3FD9]  }
0x89: {  	s3 =	sld [smem:$0x3FFE];
	_ =	sdelay $0x1  }
0x8a: {  	s1 =	srdreg.scid  }
0x8b: {  	s0 =	sand.u32 $0x1, s1  }
0x8c: {  	s18 =	sshll.u32 s0, $0xA;
	s2 =	sadd.s32 s3, s2  }
0x8d: {  	s2 =	sadd.s32 s2, s18  }
0x8e: {  	[smem:$0x3FC7] =	sst s2  }
0x8f: {  	_ = 	snop  }
0x90: {  	s2 =	sld [smem:$0x3FC9]  }
0x91: {  	s19 =	sld [smem:$0x3FD0];
	(tm) =	ssettm $0x1  }
0x92: {  	s4 =	sld [smem:$0x3FFB];
	_ =	sdelay $0x3  }
0x93: {  	_ =	strace s4  }
0x94: {  	s4 =	sld [smem:$0x3FFC];
	_ =	sdelay $0x3  }
0x95: {  	_ =	strace s4  }
0x96: {  	s4 =	sld [smem:$0x3FFD];
	_ =	sdelay $0x3  }
0x97: {  	_ =	strace s4  }
0x98: {  	_ =	strace $0x8FFFFFFF  }
0x99: {  	s20 =	sld [smem:$0x3FDB];
	_ =	sdelay $0x1  }
0x9a: {  	s5 =	simm.s32 $_scs_section_size  }
0x9b: {  	s6 =	simm.s32 $_size__tile_overlayer_lowered;
	s7 =	simm.s32 $_tile_overlayer_lowered  }
0x9c: {  	s23 =	simm.s32 $0x1BFF;
	s22 =	sshll.u32 s7, $0x1;
	s4 =	sadd.s32 s5, s20  }
0x9d: {  	s8 =	simm.s32 $0x0;
	s21 =	sshll.u32 s6, $0x1;
	s6 =	sadd.s32 s22, s4  }
0x9e: {  	[timem:s8], [sflag:s23] =	dma.local [hbm:s6], s21  }
0x9f: {  	_ =	swait.ge [sflag:s23], s21  }
0xa0: {  	s5 =	ssub.s32 $0x0, s21;
	[sflag:s23] =	ssyncset.done $0x0  }
0xa1: {  	[sflag:s23] =	ssyncadd.s32 s5;
	_ =	sdelay $0x1  }
0xa2: {  	s24 =	simm.s32 $0x1B8B  }
0xa3: {  	_ =	swait.ge [sflag:s24], $0x1  }
0xa4: {  	[sflag:s24] =	ssyncset.done $0x0  }
0xa5: {  	s25 =	simm.s32 $0x1B8E;
	[sflag:s24] =	ssyncadd.s32 $0xFFFFFFFF  }
0xa6: {  	s26 =	simm.s32 $execute0_lowered;
	[smem:$0x3FD2] =	sst s25  }
0xa7: {  	s5 =	sshll.u32 s26, $0x1;
	_ =	strace $0x80000046;
	[dreg:$0x1] =	wrdreg $0xFFFFFFFF  }
0xa8: {  	s28 =	simm.s32 $_size_execute0_lowered;
	s4 =	sadd.s32 s4, s5;
	[dreg:$0x0] =	wrdreg $0x0  }
0xa9: {  	s5 =	sshll.u32 s28, $0x1;
	[dreg:$0x2] =	wrdreg s4  }
0xaa: {  	[dreg:$0x3] =	wrdreg s5  }
0xab: {  	[dreg:$0x4] =	wrdreg $0xC0  }
0xac: {  	_ =	task [dreg:s8], $0x5FFFF  }
0xad: {  	[dreg:$0x1] =	wrdreg $0xFFFFFFFF  }
0xae: {  	[dreg:$0x0] =	wrdreg $0x60  }
0xaf: {  	[dreg:$0x2] =	wrdreg s2  }
0xb0: {  	[dreg:$0x3] =	wrdreg s19  }
0xb1: {  	[dreg:$0x4] =	wrdreg $0x9  }
0xb2: {  	_ =	task.clear_ibuf [dreg:s8], $0x5FFFF;
	_ =	strace $0x90000046  }
0xb3: {  	s29 =	simm.s32 $0x9;
	_ =	strace $0x80000048  }
0xb4: {  	_ =	swait.ge [sflag:s29], $0x1  }
0xb5: {  	[sflag:s29] =	ssyncadd.s32 $0xFFFFFFFF  }
0xb6: {  	_ =	strace $0x90000048  }
0xb7: {  	_ =	sfence  }
0xb8: {  	s30 =	sld [smem:$0x0];
	_ =	sdelay $0x2  }
0xb9: {  	s31 =	sshll.u32 s1, $0xD;
	s1 =	sshrl.u32 s1, $0x2  }
0xba: {  	s3 =	sand.u32 $0x4000, s31;
	s1 =	sadd.s32 s1, s30  }
0xbb: {  	s0 =	sor.u32 s3, s0;
	s1 =	sshll.u32 s1, $0x11  }
0xbc: {  	s0 =	sor.u32 s1, s0  }
0xbd: {  	s0 =	sadd.s32 $0x8F2B, s0  }
0xbe: {  	[sflag:s0] =	ssyncadd.remote.s32 $0x1  }
0xbf: {  	_ =	sfence.sel $0xFFFF  }
0xc0: {  	[dreg:$0x0] =	wrdreg $0xFFFFFFFF;
	(pc) =	sbr.abs _section_cstart, $3  }
0xc1: {  	[dreg:$0x1] =	wrdreg $0xFFFFFFFF  }
0xc2: {  	_ =	task.clear_ibuf [dreg:s8], $0x2FFFF;
	_ =	strace $0x9FFFFFFF  }
0xc3: {  	(tm) =	ssettm $0x7FFFFFFF  }
tec
execute0_lowered:
.L_overlay_start_1:
0x0: {  	(tag) =	ssettag $0x1  }
0x1: {  	s6 =	rddreg [dreg:$0x0]  }
0x2: {  	s3 =	rddreg [dreg:$0x1]  }
0x3: {  	s23 =	rddreg [dreg:$0x2]  }
0x4: {  	s24 =	stileid.u32;
	s2 =	simm.s32 $0x0;
	s0 =	srdreg.scid  }
0x5: {  	s1 =	sshll.u32 s24, $0x1;
	s5 =	sand.u32 $0x1, s0;
	s4 =	sshrl.u32 s24, $0x2  }
0x6: {  	[smem:$0x7FF] =	sst s2;
	s10 =	sadd.s32 $0x2000, s6;
	s18 =	sadd.s32 $0x4000, s6  }
0x7: {  	s1 =	sand.u32 $0x6, s1;
	s7 =	sshll.u32 s4, $0x5;
	s8 =	sshll.u32 s4, $0xF  }
0x8: {  	s19 =	smul.u32 $0xEB800, s4;
	s0 =	sor.u32 s5, s1;
	s8 =	sadd.s32 s8, s6  }
0x9: {  	_ =	strace $0x80000047;
	s9 =	sor.u32 s7, s0;
	s8 =	sadd.s32 $0x6800, s8  }
0xa: {  	s30 =	sadd.s32 s3, s19;
	s9 =	sshll.u32 s9, $0xA;
	[dreg:$0x3] =	wrdreg s8  }
0xb: {  	s12 =	sadd.s32 $0x6000, s6;
	[dreg:$0xc] =	wrdreg s30;
	s16 =	sadd.s32 s6, s9  }
0xc: {  	s31 =	sadd.s32 $0x400, s3;
	s17 =	sadd.s32 s9, s10;
	[dreg:$0x4] =	wrdreg s16  }
0xd: {  	s15 =	sxor.u32 $0x4, s0;
	s11 =	sadd.s32 s9, s18;
	[dreg:$0x5] =	wrdreg s17  }
0xe: {  	s7 =	sor.u32 s7, s15;
	s9 =	sadd.s32 s9, s12;
	[dreg:$0x6] =	wrdreg s11  }
0xf: {  	s13 =	smul.u32 $0x24, s5;
	s7 =	sshll.u32 s7, $0xA;
	[dreg:$0x7] =	wrdreg s9  }
0x10: {  	s6 =	sadd.s32 s6, s7;
	s20 =	sadd.s32 s7, s10;
	s10 =	smul.u32 $0x3AE, s4  }
0x11: {  	s22 =	smul.u32 $0x24, s0;
	s30 =	sadd.s32 $0x2000, s3;
	[dreg:$0x8] =	wrdreg s6  }
0x12: {  	s21 =	sadd.s32 s7, s18;
	[dreg:$0x9] =	wrdreg s20;
	s26 =	sadd.s32 $0x6, s10  }
0x13: {  	s25 =	sadd.s32 s7, s12;
	[dreg:$0xa] =	wrdreg s21;
	s8 =	sadd.s32 s26, s22  }
0x14: {  	[dreg:$0xb] =	wrdreg s25;
	s13 =	sadd.s32 s26, s13;
	s9 =	sshll.u32 s8, $0xA  }
0x15: {  	s22 =	sadd.s32 $0x1800, s3;
	s20 =	sshll.u32 s13, $0xA;
	s8 =	sadd.s32 s3, s9  }
0x16: {  	s6 =	sadd.s32 $0x48000, s9;
	s16 =	sadd.s32 s9, s31;
	[dreg:$0xd] =	wrdreg s8  }
0x17: {  	s17 =	sand.u32 $0x1FFFF800, s6;
	[dreg:$0xe] =	wrdreg s16;
	s8 =	sadd.s32 $0x90000, s9  }
0x18: {  	s16 =	smul.u32 $0x24, s15;
	s18 =	sadd.s32 s3, s17;
	s12 =	sadd.s32 s17, s31  }
0x19: {  	s19 =	sand.u32 $0x1FFFF800, s8;
	s17 =	sadd.s32 $0x1C00, s3;
	[dreg:$0xf] =	wrdreg s18  }
0x1a: {  	[dreg:$0x10] =	wrdreg s12;
	s14 =	sadd.s32 s3, s19;
	s11 =	sadd.s32 s19, s31  }
0x1b: {  	s12 =	sadd.s32 $0xD8000, s20;
	s7 =	sadd.s32 s26, s16;
	[dreg:$0x11] =	wrdreg s14  }
0x1c: {  	[dreg:$0x12] =	wrdreg s11;
	s21 =	sadd.s32 s3, s12;
	s7 =	sshll.u32 s7, $0xA  }
0x1d: {  	s10 =	sadd.s32 s16, s10;
	[dreg:$0x13] =	wrdreg s21;
	s25 =	sadd.s32 s7, s22  }
0x1e: {  	s16 =	sshll.u32 s10, $0xA;
	s26 =	sadd.s32 s7, s17;
	[dreg:$0x14] =	wrdreg s25  }
0x1f: {  	s31 =	sadd.s32 s7, s30;
	s10 =	sadd.s32 $0x49800, s16;
	[dreg:$0x15] =	wrdreg s26  }
0x20: {  	[dreg:$0x16] =	wrdreg s31;
	s18 =	sadd.s32 s10, s22  }
0x21: {  	s11 =	sadd.s32 $0x91800, s16;
	s19 =	sadd.s32 s10, s17;
	[dreg:$0x17] =	wrdreg s18  }
0x22: {  	s13 =	sadd.s32 s11, s22;
	[dreg:$0x18] =	wrdreg s19  }
0x23: {  	s20 =	sadd.s32 s11, s17;
	[dreg:$0x1a] =	wrdreg s13  }
0x24: {  	s14 =	sadd.s32 $0xD9800, s16;
	s21 =	sadd.s32 s11, s30;
	[dreg:$0x1b] =	wrdreg s20  }
0x25: {  	s22 =	sadd.s32 s14, s17;
	[dreg:$0x1c] =	wrdreg s21  }
0x26: {  	s25 =	sadd.s32 $0x3000, s3;
	s18 =	sadd.s32 s10, s30;
	[dreg:$0x1d] =	wrdreg s22  }
0x27: {  	s17 =	sadd.s32 $0x3800, s3;
	s26 =	sadd.s32 s9, s25;
	[dreg:$0x19] =	wrdreg s18  }
0x28: {  	s31 =	sadd.s32 $0x3C00, s3;
	s30 =	sadd.s32 s9, s17;
	[dreg:$0x1e] =	wrdreg s26  }
0x29: {  	s20 =	sadd.s32 s9, s31;
	[dreg:$0x1f] =	wrdreg s30  }
0x2a: {  	s21 =	sadd.s32 s6, s25;
	[smem:$0x7C2] =	sst s20  }
0x2b: {  	s22 =	sadd.s32 s6, s17;
	[smem:$0x7C3] =	sst s21  }
0x2c: {  	s19 =	sadd.s32 s6, s31;
	[smem:$0x7C4] =	sst s22  }
0x2d: {  	s13 =	smul.u32 $0x75C000, s4;
	s16 =	sadd.s32 s8, s25;
	[smem:$0x7C5] =	sst s19  }
0x2e: {  	s25 =	sadd.s32 s8, s17;
	[smem:$0x7C6] =	sst s16  }
0x2f: {  	s17 =	sadd.s32 s12, s17;
	[smem:$0x7C7] =	sst s25;
	s30 =	sshrl.u32 s13, $0x3  }
0x30: {  	s26 =	sadd.s32 s8, s31;
	[smem:$0x7C9] =	sst s17;
	s16 =	sadd.s32 s3, s30  }
0x31: {  	[smem:$0x7C8] =	sst s26;
	s31 =	sadd.s32 $0xDC800, s16  }
0x32: {  	s18 =	sadd.s32 $0xDD400, s16;
	[smem:$0x7CA] =	sst s31  }
0x33: {  	s19 =	sadd.s32 $0xE5800, s16;
	[smem:$0x7CB] =	sst s18  }
0x34: {  	s20 =	sadd.s32 $0xE6400, s16;
	[smem:$0x7CC] =	sst s19;
	s18 =	sadd.s32 $0x4800, s3  }
0x35: {  	[smem:$0x7CD] =	sst s20;
	s19 =	sadd.s32 $0x5400, s3;
	s21 =	sadd.s32 s7, s18  }
0x36: {  	s20 =	sadd.s32 $0x5800, s3;
	s22 =	sadd.s32 s7, s19;
	[smem:$0x7CE] =	sst s21  }
0x37: {  	s25 =	sadd.s32 s7, s20;
	[smem:$0x7CF] =	sst s22  }
0x38: {  	s26 =	sadd.s32 s10, s18;
	[smem:$0x7D0] =	sst s25  }
0x39: {  	s30 =	sadd.s32 s10, s19;
	[smem:$0x7D1] =	sst s26  }
0x3a: {  	s31 =	sadd.s32 s10, s20;
	[smem:$0x7D2] =	sst s30  }
0x3b: {  	[smem:$0x7D3] =	sst s31;
	s21 =	sadd.s32 s11, s18  }
0x3c: {  	s22 =	sadd.s32 s11, s19;
	[smem:$0x7D4] =	sst s21  }
0x3d: {  	s25 =	sadd.s32 s11, s20;
	[smem:$0x7D5] =	sst s22  }
0x3e: {  	s26 =	sadd.s32 s14, s19;
	[smem:$0x7D6] =	sst s25  }
0x3f: {  	s30 =	sadd.s32 $0xDE000, s16;
	[smem:$0x7D7] =	sst s26  }
0x40: {  	s31 =	sadd.s32 $0xDF000, s16;
	[smem:$0x7D8] =	sst s30  }
0x41: {  	s18 =	sadd.s32 $0xE7000, s16;
	[smem:$0x7D9] =	sst s31  }
0x42: {  	s19 =	sadd.s32 $0xE8000, s16;
	s20 =	sadd.s32 $0x6000, s3;
	[smem:$0x7DA] =	sst s18  }
0x43: {  	p4 =	por $0x0, $0x0;
	[smem:$0x7DB] =	sst s19;
	s21 =	sadd.s32 s9, s20  }
0x44: {  	s22 =	sadd.s32 $0x7000, s3;
	s30 =	sadd.s32 s6, s20;
	[smem:$0x7DC] =	sst s21  }
0x45: {  	s26 =	sadd.s32 $0x7400, s3;
	s25 =	sadd.s32 s9, s22;
	[smem:$0x7DF] =	sst s30  }
0x46: {  	s29 =	simm.s32 $0x6000;
	s9 =	sadd.s32 s9, s26;
	[smem:$0x7DD] =	sst s25  }
0x47: {  	s28 =	simm.s32 $0x8000;
	s31 =	sadd.s32 s6, s22;
	[smem:$0x7DE] =	sst s9  }
0x48: {  	s5 =	ssub.s32 $0x2, s5;
	s6 =	sadd.s32 s6, s26;
	[smem:$0x7E0] =	sst s31  }
0x49: {  	p2 =	seq.s32 s1, $0x2;
	s17 =	sadd.s32 s8, s22;
	[smem:$0x7E1] =	sst s6  }
0x4a: {  	p0 =	sne.s32 s0, $0x2;
	s18 =	sadd.s32 s8, s26;
	[smem:$0x7E3] =	sst s17  }
0x4b: {  	p5 =	sne.s32 s0, $0x6;
	s19 =	sadd.s32 s12, s22;
	[smem:$0x7E4] =	sst s18  }
0x4c: {  	p1 =	sne.s32 @!p2 s1, $0x0;
	s21 =	sadd.s32 $0xE0C00, s16;
	[smem:$0x7E5] =	sst s19  }
0x4d: {  	p3 =	por p1, p2;
	s22 =	sadd.s32 $0xE8800, s16;
	[smem:$0x7E7] =	sst s21  }
0x4e: {  	p1 =	por !p1, p2;
	s9 =	sadd.s32 s8, s20;
	[smem:$0x7E8] =	sst s22  }
0x4f: {  	p6 =	sgt.u32 s15, $0x1;
	s20 =	sadd.s32 $0xDF800, s16;
	[smem:$0x7E2] =	sst s9  }
0x50: {  	s26 =	sadd.s32 $0x7800, s3;
	s25 =	sadd.s32 $0xE9C00, s16;
	[smem:$0x7E6] =	sst s20  }
0x51: {  	s30 =	sadd.s32 s7, s26;
	s31 =	sadd.s32 $0x8C00, s3;
	[smem:$0x7E9] =	sst s25  }
0x52: {  	s12 =	sadd.s32 s10, s26;
	s17 =	sshrl.u32 s5, $0x1;
	[smem:$0x7EA] =	sst s30  }
0x53: {  	s19 =	sadd.s32 s11, s26;
	s26 =	sadd.s32 $0xEA000, s16;
	[smem:$0x7EC] =	sst s12  }
0x54: {  	s6 =	simm.s32 $0x716000;
	s7 =	sadd.s32 s7, s31;
	[smem:$0x7EE] =	sst s19  }
0x55: {  	s18 =	sadd.s32 s10, s31;
	s5 =	ssub.s32 s5, s17;
	[smem:$0x7F2] =	sst s26  }
0x56: {  	s20 =	sand.u32 $0x1, s4;
	s21 =	sadd.s32 s11, s31;
	s11 =	rddreg [dreg:$0x3]  }
0x57: {  	s22 =	sadd.s32 s14, s31;
	s25 =	sadd.s32 $0xE1000, s16;
	[smem:$0x7EB] =	sst s7  }
0x58: {  	s6 =	simm.s32 @!p0 $0x6CE000;
	s4 =	simm.s32 $0x724000;
	[smem:$0x7ED] =	sst s18  }
0x59: {  	s10 =	simm.s32 $0xC000;
	s26 =	simm.s32 $0xE000;
	[smem:$0x7EF] =	sst s21  }
0x5a: {  	s16 =	simm.s32 $0x14000;
	s9 =	simm.s32 @!p3 $0x0;
	[smem:$0x7F0] =	sst s22  }
0x5b: {  	[smem:$0x7F1] =	sst s25;
	s6 =	sadd.s32 s6, s13;
	s4 =	simm.s32 @!p5 $0x6DC000  }
0x5c: {  	s7 =	simm.s32 $0x720000;
	s31 =	smax.u32 s5, $0x1;
	s5 =	simm.s32 $0x18000  }
0x5d: {  	s9 =	simm.s32 @p3 $0x1;
	s25 =	simm.s32 $0xA000;
	p3 =	sne.s32 s1, $0x0  }
0x5e: {  	s6 =	sshrl.u32 s6, $0x3;
	[smem:$0x7F6] =	sst s9;
	s9 =	simm.s32 @!p2 $0x0  }
0x5f: {  	s4 =	sadd.s32 s4, s13;
	s7 =	simm.s32 @!p5 $0x6D8000;
	s9 =	simm.s32 @p2 $0x1  }
0x60: {  	s8 =	sadd.s32 $0xFFFFFFFF, s31;
	[smem:$0x7F7] =	sst s9;
	s9 =	simm.s32 @!p1 $0x0  }
0x61: {  	s6 =	sadd.s32 s3, s6;
	s9 =	simm.s32 @p1 $0x1;
	p1 =	sne.s32 s1, $0x6  }
0x62: {  	s4 =	sshrl.u32 s4, $0x3;
	[smem:$0x7F8] =	sst s9;
	s9 =	simm.s32 @!p1 $0x0  }
0x63: {  	p4 =	por @!p1 p5, p5;
	s9 =	simm.s32 @p1 $0x1;
	p1 =	sne.s32 s0, s20  }
0x64: {  	s7 =	sadd.s32 s7, s13;
	p2 =	sne.s32 s8, $0x0;
	s0 =	simm.s32 @!p1 $0x0  }
0x65: {  	[smem:$0x7F3] =	sst s6;
	s4 =	sadd.s32 s3, s4;
	s0 =	simm.s32 @p1 $0x1  }
0x66: {  	s30 =	sshrl.u32 s7, $0x3;
	[smem:$0x7FA] =	sst s0;
	s0 =	simm.s32 @!p4 $0x0  }
0x67: {  	[smem:$0x7F4] =	sst s4;
	s3 =	sadd.s32 s3, s30;
	s0 =	simm.s32 @p4 $0x1  }
.Ltmp0:
0x68: {  	[smem:$0x7FB] =	sst s0;
	s0 =	simm.s32 @!p0 $0x0;
	(pc) =	sbr.rel @!p2 .LBB2_1-.Ltmp0, $4  }
0x69: {  	s13 =	simm.s32 $0x4000;
	[smem:$0x7F5] =	sst s3;
	s0 =	simm.s32 @p0 $0x1  }
0x6a: {  	s7 =	simm.s32 $0x10000;
	[smem:$0x7FC] =	sst s0;
	s0 =	simm.s32 @!p5 $0x0  }
0x6b: {  	s6 =	simm.s32 $0x16000;
	[smem:$0x7F9] =	sst s9;
	s0 =	simm.s32 @p5 $0x1  }
0x6c: {  	s4 =	simm.s32 $0x2000;
	s3 =	simm.s32 $0x1;
	[smem:$0x7FD] =	sst s0  }
0x6d: {  	[tilespmem:s2], [sflag:$0x1] =	stream.linear.gather [hbm4b:s11+s2], $0xC000, $0x38;
	[tilespmem:$0x1C000] =	vst v63  }
0x6e: {  	s0 =	rddreg [dreg:$0x4]  }
0x6f: {  	[tilespmem:s10], [sflag:$0x1] =	stream.linear.gather [hbm4b:s0+s2], $0x2000, $0x38;
	[tilespmem:$0x1C000] =	vst v63  }
0x70: {  	s1 =	rddreg [dreg:$0x5]  }
0x71: {  	[tilespmem:s26], [sflag:$0x1] =	stream.linear.gather [hbm4b:s1+s2], $0x2000, $0x38;
	[tilespmem:$0x1C000] =	vst v63  }
0x72: {  	s21 =	rddreg [dreg:$0x6];
	s9 =	simm.s32 @!p3 $0x0  }
0x73: {  	[tilespmem:s7], [sflag:$0x1] =	stream.linear.gather [hbm4b:s21+s2], $0x2000, $0x38;
	[tilespmem:$0x1C000] =	vst v63  }
0x74: {  	s15 =	simm.s32 @!p3 $0x12000;
	s17 =	simm.s32 @!p3 $0x2;
	s1 =	rddreg [dreg:$0x7]  }
0x75: {  	[tilespmem:s15], [sflag:$0x2] =	stream.linear.gather @!p3 [hbm4b:s1+s9], $0x2000, $0x38;
	[tilespmem:$0x1C000] =	vst v63  }
0x76: {  	_ =	swait.ge @!p3 [sflag:s17], $0x2000  }
0x77: {  	[sflag:s17] =	ssyncset.done @!p3 $0x0  }
0x78: {  	s22 =	rddreg [dreg:$0x8];
	[sflag:s17] =	ssyncadd.s32 @!p3 $0xFFFFE000  }
0x79: {  	[tilespmem:s16], [sflag:$0x1] =	stream.linear.gather [hbm4b:s22+s2], $0x2000, $0x38;
	[tilespmem:$0x1C000] =	vst v63  }
0x7a: {  	s23 =	rddreg [dreg:$0x9]  }
0x7b: {  	[tilespmem:s6], [sflag:$0x1] =	stream.linear.gather [hbm4b:s23+s2], $0x2000, $0x38;
	[tilespmem:$0x1C000] =	vst v63  }
0x7c: {  	s19 =	simm.s32 @!p6 $0x0;
	s24 =	rddreg [dreg:$0xa]  }
0x7d: {  	[tilespmem:s5], [sflag:$0x1] =	stream.linear.gather [hbm4b:s24+s2], $0x2000, $0x38;
	[tilespmem:$0x1C000] =	vst v63  }
0x7e: {  	s12 =	simm.s32 @!p6 $0x1A000;
	s20 =	simm.s32 @!p6 $0x2;
	s1 =	rddreg [dreg:$0xb]  }
0x7f: {  	[tilespmem:s12], [sflag:$0x2] =	stream.linear.gather @!p6 [hbm4b:s1+s19], $0x2000, $0x38;
	[tilespmem:$0x1C000] =	vst v63  }
0x80: {  	_ =	swait.ge @!p6 [sflag:s20], $0x2000  }
0x81: {  	[sflag:s20] =	ssyncset.done @!p6 $0x0  }
0x82: {  	[sflag:s20] =	ssyncadd.s32 @!p6 $0xFFFFE000  }
0x83: {  	_ =	swait.ge [sflag:s3], $0xC000  }
0x84: {  	[sflag:s3] =	ssyncset.done $0x0  }
0x85: {  	[sflag:s3] =	ssyncadd.s32 $0xFFFF4000  }
0x86: {  	_ =	swait.ge [sflag:s3], $0x2000  }
0x87: {  	[sflag:s3] =	ssyncset.done $0x0  }
0x88: {  	[sflag:s3] =	ssyncadd.s32 $0xFFFFE000  }
0x89: {  	_ =	swait.ge [sflag:s3], $0x2000  }
0x8a: {  	[sflag:s3] =	ssyncset.done $0x0  }
0x8b: {  	[sflag:s3] =	ssyncadd.s32 $0xFFFFE000  }
0x8c: {  	_ =	swait.ge [sflag:s3], $0x2000  }
0x8d: {  	[sflag:s3] =	ssyncset.done $0x0  }
0x8e: {  	[sflag:s3] =	ssyncadd.s32 $0xFFFFE000  }
0x8f: {  	_ =	swait.ge [sflag:s3], $0x2000  }
0x90: {  	[sflag:s3] =	ssyncset.done $0x0  }
0x91: {  	[sflag:s3] =	ssyncadd.s32 $0xFFFFE000  }
0x92: {  	_ =	swait.ge [sflag:s3], $0x2000  }
0x93: {  	[sflag:s3] =	ssyncset.done $0x0  }
0x94: {  	[sflag:s3] =	ssyncadd.s32 $0xFFFFE000  }
0x95: {  	_ =	swait.ge [sflag:s3], $0x2000  }
0x96: {  	s11 =	sld [smem:$0x7FA];
	_ =	sdelay $0x2  }
0x97: {  	s0 =	rddreg [dreg:$0xc];
	[sflag:s3] =	ssyncset.done $0x0;
	p1 =	seq.s32 s11, $0x1  }
0x98: {  	[smem:$0x7BF] =	sst s8;
	[sflag:s3] =	ssyncadd.s32 $0xFFFFE000;
	s1 =	simm.s32 @!p1 $0x0  }
0x99: {  	s8 =	simm.s32 @!p1 $0x0;
	s11 =	simm.s32 @!p1 $0x2;
	[smem:$0x7B4] =	sst s1  }
0x9a: {  	[hbm4b:s0+s8] =	stream.linear.scatter @!p1 [tilespmem:s8], [sflag:$0x2], $0xC000, $0x38;
	[tilespmem:$0x1C000] =	vst v63  }
0x9b: {  	_ =	swait.ge @!p1 [sflag:s11], $0xC000  }
0x9c: {  	s14 =	rddreg [dreg:$0xd]  }
0x9d: {  	[sflag:s11] =	ssyncset.done @!p1 $0x0;
	[smem:$0x7B5] =	sst s11  }
0x9e: {  	s18 =	rddreg [dreg:$0xe];
	[sflag:s11] =	ssyncadd.s32 @!p1 $0xFFFF4000  }
0x9f: {  	[hbm4b:s14+s2] =	stream.linear.scatter [tilespmem:s10], [sflag:$0x1], $0x2000, $0x38;
	[tilespmem:$0x1C000] =	vst v63  }
0xa0: {  	s21 =	rddreg [dreg:$0xf]  }
0xa1: {  	[hbm4b:s18+s2] =	stream.linear.scatter [tilespmem:s4], [sflag:$0x1], $0xA000, $0x38;
	[tilespmem:$0x1C000] =	vst v63  }
0xa2: {  	s22 =	rddreg [dreg:$0x10]  }
0xa3: {  	[hbm4b:s21+s2] =	stream.linear.scatter [tilespmem:s26], [sflag:$0x1], $0x2000, $0x38;
	[tilespmem:$0x1C000] =	vst v63  }
0xa4: {  	s26 =	sld [smem:$0x7F7]  }
0xa5: {  	s23 =	rddreg [dreg:$0x11]  }
0xa6: {  	[hbm4b:s22+s2] =	stream.linear.scatter [tilespmem:s4], [sflag:$0x1], $0xA000, $0x38;
	[tilespmem:$0x1C000] =	vst v63  }
0xa7: {  	s24 =	rddreg [dreg:$0x12];
	p1 =	seq.s32 s26, $0x1  }
0xa8: {  	[hbm4b:s23+s2] =	stream.linear.scatter [tilespmem:s7], [sflag:$0x1], $0x2000, $0x38;
	[tilespmem:$0x1C000] =	vst v63  }
0xa9: {  	s0 =	sld [smem:$0x7F3];
	s1 =	simm.s32 @p1 $0x0  }
0xaa: {  	s8 =	simm.s32 @p1 $0x2000;
	[smem:$0x7B6] =	sst s1;
	s1 =	simm.s32 @p1 $0x2000  }
0xab: {  	[hbm4b:s24+s2] =	stream.linear.scatter [tilespmem:s4], [sflag:$0x1], $0xA000, $0x38;
	[tilespmem:$0x1C000] =	vst v63  }
0xac: {  	s11 =	simm.s32 @p1 $0x1;
	s4 =	simm.s32 @p1 $0x0;
	[smem:$0x7B7] =	sst s1  }
0xad: {  	[hbm4b:s0+s4] =	stream.linear.scatter @p1 [tilespmem:s8], [sflag:$0x1], $0xA000, $0x38;
	[tilespmem:$0x1C000] =	vst v63  }
0xae: {  	_ =	swait.ge @p1 [sflag:s11], $0xA000  }
0xaf: {  	s4 =	sld [smem:$0x7F6];
	_ =	sdelay $0x1  }
0xb0: {  	s1 =	simm.s32 @p1 $0x1;
	s0 =	rddreg [dreg:$0x13]  }
0xb1: {  	[sflag:s11] =	ssyncset.done @p1 $0x0;
	[smem:$0x7B8] =	sst s1;
	p2 =	seq.s32 s4, $0x1  }
0xb2: {  	[sflag:s11] =	ssyncadd.s32 @p1 $0xFFFF6000;
	s4 =	simm.s32 @!p2 $0x0;
	s1 =	simm.s32 @!p2 $0x0  }
0xb3: {  	s8 =	simm.s32 @!p2 $0x12000;
	[smem:$0x7B9] =	sst s1;
	s1 =	simm.s32 @!p2 $0x12000  }
0xb4: {  	[hbm4b:s0+s4] =	stream.linear.scatter @!p2 [tilespmem:s8], [sflag:$0x2], $0x2000, $0x38;
	[tilespmem:$0x1C000] =	vst v63  }
0xb5: {  	s22 =	simm.s32 @!p2 $0x2;
	[smem:$0x7BA] =	sst s1  }
0xb6: {  	_ =	swait.ge @!p2 [sflag:s22], $0x2000  }
0xb7: {  	s1 =	simm.s32 @!p2 $0x2;
	s8 =	rddreg [dreg:$0x14];
	[sflag:s22] =	ssyncset.done @!p2 $0x0  }
0xb8: {  	[smem:$0x7BB] =	sst s1;
	[sflag:s22] =	ssyncadd.s32 @!p2 $0xFFFFE000  }
0xb9: {  	[hbm4b:s8+s2] =	stream.linear.scatter [tilespmem:s2], [sflag:$0x1], $0x2000, $0x38;
	[tilespmem:$0x1C000] =	vst v63  }
0xba: {  	s11 =	rddreg [dreg:$0x15]  }
0xbb: {  	[hbm4b:s11+s2] =	stream.linear.scatter [tilespmem:s16], [sflag:$0x1], $0x2000, $0x38;
	[tilespmem:$0x1C000] =	vst v63  }
0xbc: {  	s14 =	rddreg [dreg:$0x16]  }
0xbd: {  	[hbm4b:s14+s2] =	stream.linear.scatter [tilespmem:s13], [sflag:$0x1], $0x8000, $0x38;
	[tilespmem:$0x1C000] =	vst v63  }
0xbe: {  	s18 =	rddreg [dreg:$0x17]  }
0xbf: {  	[hbm4b:s18+s2] =	stream.linear.scatter [tilespmem:s2], [sflag:$0x1], $0x2000, $0x38;
	[tilespmem:$0x1C000] =	vst v63  }
0xc0: {  	s21 =	rddreg [dreg:$0x18]  }
0xc1: {  	[hbm4b:s21+s2] =	stream.linear.scatter [tilespmem:s6], [sflag:$0x1], $0x2000, $0x38;
	[tilespmem:$0x1C000] =	vst v63  }
0xc2: {  	s22 =	rddreg [dreg:$0x19]  }
0xc3: {  	[hbm4b:s22+s2] =	stream.linear.scatter [tilespmem:s13], [sflag:$0x1], $0x8000, $0x38;
	[tilespmem:$0x1C000] =	vst v63  }
0xc4: {  	s23 =	rddreg [dreg:$0x1a]  }
0xc5: {  	[hbm4b:s23+s2] =	stream.linear.scatter [tilespmem:s2], [sflag:$0x1], $0x2000, $0x38;
	[tilespmem:$0x1C000] =	vst v63  }
0xc6: {  	s26 =	rddreg [dreg:$0x1b]  }
0xc7: {  	[hbm4b:s26+s2] =	stream.linear.scatter [tilespmem:s5], [sflag:$0x1], $0x2000, $0x38;
	[tilespmem:$0x1C000] =	vst v63  }
0xc8: {  	s4 =	rddreg [dreg:$0x1c]  }
0xc9: {  	[hbm4b:s4+s2] =	stream.linear.scatter [tilespmem:s13], [sflag:$0x1], $0x8000, $0x38;
	[tilespmem:$0x1C000] =	vst v63  }
0xca: {  	s1 =	rddreg [dreg:$0x1d]  }
0xcb: {  	[hbm4b:s1+s19] =	stream.linear.scatter @!p6 [tilespmem:s12], [sflag:$0x2], $0x2000, $0x38;
	[tilespmem:$0x1C000] =	vst v63  }
0xcc: {  	_ =	swait.ge @!p6 [sflag:s20], $0x2000  }
0xcd: {  	s8 =	sld [smem:$0x7F9];
	_ =	sdelay $0x1  }
0xce: {  	p1 =	por p3, p3;
	s0 =	sld [smem:$0x7F5]  }
0xcf: {  	[sflag:s20] =	ssyncset.done @!p6 $0x0;
	s1 =	sld [smem:$0x7F4];
	p3 =	seq.s32 s8, $0x1  }
0xd0: {  	[sflag:s20] =	ssyncadd.s32 @!p6 $0xFFFFE000;
	s8 =	simm.s32 @!p3 $0x0;
	s11 =	simm.s32 @!p3 $0x4000  }
0xd1: {  	[hbm4b:s0+s8] =	stream.linear.scatter @!p3 [tilespmem:s8], [sflag:$0x1], $0x2000, $0x38;
	[tilespmem:$0x1C000] =	vst v63  }
0xd2: {  	s13 =	simm.s32 @!p3 $0x4000;
	s0 =	simm.s32 @!p3 $0x1;
	[smem:$0x7BC] =	sst s11  }
0xd3: {  	[hbm4b:s1+s8] =	stream.linear.scatter @!p3 [tilespmem:s13], [sflag:$0x1], $0x8000, $0x38;
	[tilespmem:$0x1C000] =	vst v63  }
0xd4: {  	_ =	swait.ge @!p3 [sflag:s0], $0x2000  }
0xd5: {  	[sflag:s0] =	ssyncset.done @!p3 $0x0  }
0xd6: {  	[sflag:s0] =	ssyncadd.s32 @!p3 $0xFFFFE000  }
0xd7: {  	_ =	swait.ge @!p3 [sflag:s0], $0x8000  }
0xd8: {  	[sflag:s0] =	ssyncset.done @!p3 $0x0  }
0xd9: {  	s11 =	rddreg [dreg:$0x1e];
	[sflag:s0] =	ssyncadd.s32 @!p3 $0xFFFF8000  }
0xda: {  	[hbm4b:s11+s2] =	stream.linear.scatter [tilespmem:s2], [sflag:$0x1], $0x4000, $0x38;
	[tilespmem:$0x1C000] =	vst v63  }
0xdb: {  	_ =	swait.ge [sflag:s3], $0x2000  }
0xdc: {  	[sflag:s3] =	ssyncset.done $0x0  }
0xdd: {  	s13 =	rddreg [dreg:$0x1f];
	[sflag:s3] =	ssyncadd.s32 $0xFFFFE000  }
0xde: {  	[hbm4b:s13+s2] =	stream.linear.scatter [tilespmem:s10], [sflag:$0x1], $0x2000, $0x38;
	[tilespmem:$0x1C000] =	vst v63  }
0xdf: {  	_ =	swait.ge [sflag:s3], $0xA000  }
0xe0: {  	s18 =	sld [smem:$0x7C2]  }
0xe1: {  	[sflag:s3] =	ssyncset.done $0x0  }
0xe2: {  	[sflag:s3] =	ssyncadd.s32 $0xFFFF6000  }
0xe3: {  	[hbm4b:s18+s2] =	stream.linear.scatter [tilespmem:s29], [sflag:$0x1], $0x6000, $0x38;
	[tilespmem:$0x1C000] =	vst v63  }
0xe4: {  	_ =	swait.ge [sflag:s3], $0x2000  }
0xe5: {  	s22 =	sld [smem:$0x7C3]  }
0xe6: {  	[sflag:s3] =	ssyncset.done $0x0  }
0xe7: {  	[sflag:s3] =	ssyncadd.s32 $0xFFFFE000  }
0xe8: {  	[hbm4b:s22+s2] =	stream.linear.scatter [tilespmem:s2], [sflag:$0x1], $0x4000, $0x38;
	[tilespmem:$0x1C000] =	vst v63  }
0xe9: {  	_ =	swait.ge [sflag:s3], $0xA000  }
0xea: {  	s23 =	sld [smem:$0x7C4]  }
0xeb: {  	[sflag:s3] =	ssyncset.done $0x0  }
0xec: {  	s24 =	simm.s32 $0xE000;
	[sflag:s3] =	ssyncadd.s32 $0xFFFF6000  }
0xed: {  	[hbm4b:s23+s2] =	stream.linear.scatter [tilespmem:s24], [sflag:$0x1], $0x2000, $0x38;
	[tilespmem:$0x1C000] =	vst v63  }
0xee: {  	_ =	swait.ge [sflag:s3], $0x2000  }
0xef: {  	s26 =	sld [smem:$0x7C5]  }
0xf0: {  	[sflag:s3] =	ssyncset.done $0x0  }
0xf1: {  	[sflag:s3] =	ssyncadd.s32 $0xFFFFE000  }
0xf2: {  	[hbm4b:s26+s2] =	stream.linear.scatter [tilespmem:s29], [sflag:$0x1], $0x6000, $0x38;
	[tilespmem:$0x1C000] =	vst v63  }
0xf3: {  	_ =	swait.ge [sflag:s3], $0xA000  }
0xf4: {  	s0 =	sld [smem:$0x7C6]  }
0xf5: {  	[sflag:s3] =	ssyncset.done $0x0  }
0xf6: {  	[sflag:s3] =	ssyncadd.s32 $0xFFFF6000  }
0xf7: {  	[hbm4b:s0+s2] =	stream.linear.scatter [tilespmem:s2], [sflag:$0x1], $0x4000, $0x38;
	[tilespmem:$0x1C000] =	vst v63  }
0xf8: {  	_ =	swait.ge [sflag:s3], $0x2000  }
0xf9: {  	s4 =	sld [smem:$0x7C7]  }
0xfa: {  	[sflag:s3] =	ssyncset.done $0x0  }
0xfb: {  	[sflag:s3] =	ssyncadd.s32 $0xFFFFE000  }
0xfc: {  	[hbm4b:s4+s2] =	stream.linear.scatter [tilespmem:s7], [sflag:$0x1], $0x2000, $0x38;
	[tilespmem:$0x1C000] =	vst v63  }
0xfd: {  	_ =	swait.ge [sflag:s3], $0x2000  }
0xfe: {  	s8 =	sld [smem:$0x7C8]  }
0xff: {  	s0 =	simm.s32 @!p1 $0x0;
	[sflag:s3] =	ssyncset.done $0x0  }
0x100: {  	s0 =	simm.s32 @p1 $0x1;
	s11 =	sld [smem:$0x7C9];
	[sflag:s3] =	ssyncadd.s32 $0xFFFFE000  }
0x101: {  	[hbm4b:s8+s2] =	stream.linear.scatter [tilespmem:s29], [sflag:$0x1], $0x6000, $0x38;
	[tilespmem:$0x1C000] =	vst v63  }
0x102: {  	[smem:$0x7C0] =	sst s0  }
0x103: {  	[hbm4b:s11+s9] =	stream.linear.scatter @!p1 [tilespmem:s15], [sflag:$0x2], $0x2000, $0x38;
	[tilespmem:$0x1C000] =	vst v63  }
0x104: {  	_ =	swait.ge @!p1 [sflag:s17], $0x2000  }
0x105: {  	s11 =	sld [smem:$0x7CA]  }
0x106: {  	[sflag:s17] =	ssyncset.done @!p1 $0x0  }
0x107: {  	s1 =	simm.s32 @!p0 $0x0;
	s8 =	sld [smem:$0x7CB];
	[sflag:s17] =	ssyncadd.s32 @!p1 $0xFFFFE000  }
0x108: {  	[hbm4b:s11+s1] =	stream.linear.scatter @!p0 [tilespmem:s1], [sflag:$0x1], $0x4000, $0x38;
	[tilespmem:$0x1C000] =	vst v63  }
0x109: {  	s23 =	simm.s32 @!p0 $0x1;
	s11 =	simm.s32 @!p0 $0x6000  }
0x10a: {  	[hbm4b:s8+s1] =	stream.linear.scatter @!p0 [tilespmem:s11], [sflag:$0x1], $0x6000, $0x38;
	[tilespmem:$0x1C000] =	vst v63  }
0x10b: {  	_ =	swait.ge @!p0 [sflag:s23], $0x4000  }
0x10c: {  	[sflag:s23] =	ssyncset.done @!p0 $0x0  }
0x10d: {  	[sflag:s23] =	ssyncadd.s32 @!p0 $0xFFFFC000  }
0x10e: {  	_ =	swait.ge @!p0 [sflag:s23], $0x6000  }
0x10f: {  	s11 =	sld [smem:$0x7F8]  }
0x110: {  	s21 =	simm.s32 @!p3 $0x0;
	s14 =	simm.s32 @!p3 $0x1;
	s13 =	sld [smem:$0x7F7]  }
0x111: {  	p3 =	por p4, p4;
	p4 =	por @!p2 $0x0, $0x0;
	p1 =	por p5, p5  }
0x112: {  	p5 =	por $0x0, $0x0;
	p2 =	seq.s32 s11, $0x1;
	s11 =	sld [smem:$0x7CC]  }
0x113: {  	p4 =	por @!p2 p5, p5;
	p2 =	por p0, p0;
	p5 =	seq.s32 s13, $0x1  }
0x114: {  	[sflag:s23] =	ssyncset.done @!p0 $0x0;
	p2 =	por @!p5 p4, p4  }
0x115: {  	s8 =	sld [smem:$0x7CD];
	[sflag:s23] =	ssyncadd.s32 @!p0 $0xFFFFA000;
	s22 =	simm.s32 @p2 $0x0  }
0x116: {  	[hbm4b:s11+s22] =	stream.linear.scatter @p2 [tilespmem:s22], [sflag:$0x1], $0x4000, $0x38;
	[tilespmem:$0x1C000] =	vst v63  }
0x117: {  	s29 =	simm.s32 @p2 $0x1;
	s11 =	simm.s32 @p2 $0x6000  }
0x118: {  	[hbm4b:s8+s22] =	stream.linear.scatter @p2 [tilespmem:s11], [sflag:$0x1], $0x6000, $0x38;
	[tilespmem:$0x1C000] =	vst v63  }
0x119: {  	_ =	swait.ge @p2 [sflag:s29], $0x4000  }
0x11a: {  	[sflag:s29] =	ssyncset.done @p2 $0x0  }
0x11b: {  	[sflag:s29] =	ssyncadd.s32 @p2 $0xFFFFC000  }
0x11c: {  	_ =	swait.ge @p2 [sflag:s29], $0x6000  }
0x11d: {  	[sflag:s29] =	ssyncset.done @p2 $0x0  }
0x11e: {  	[sflag:s29] =	ssyncadd.s32 @p2 $0xFFFFA000  }
0x11f: {  	_ =	swait.ge [sflag:s3], $0x8000  }
0x120: {  	s18 =	sld [smem:$0x7CE]  }
0x121: {  	[sflag:s3] =	ssyncset.done $0x0  }
0x122: {  	[sflag:s3] =	ssyncadd.s32 $0xFFFF8000  }
0x123: {  	[hbm4b:s18+s2] =	stream.linear.scatter [tilespmem:s2], [sflag:$0x1], $0x6000, $0x38;
	[tilespmem:$0x1C000] =	vst v63  }
0x124: {  	_ =	swait.ge [sflag:s3], $0x2000  }
0x125: {  	s26 =	sld [smem:$0x7CF]  }
0x126: {  	[sflag:s3] =	ssyncset.done $0x0  }
0x127: {  	[sflag:s3] =	ssyncadd.s32 $0xFFFFE000  }
0x128: {  	[hbm4b:s26+s2] =	stream.linear.scatter [tilespmem:s16], [sflag:$0x1], $0x2000, $0x38;
	[tilespmem:$0x1C000] =	vst v63  }
0x129: {  	_ =	swait.ge [sflag:s3], $0x2000  }
0x12a: {  	s0 =	sld [smem:$0x7D0]  }
0x12b: {  	[sflag:s3] =	ssyncset.done $0x0  }
0x12c: {  	[sflag:s3] =	ssyncadd.s32 $0xFFFFE000  }
0x12d: {  	[hbm4b:s0+s2] =	stream.linear.scatter [tilespmem:s28], [sflag:$0x1], $0x4000, $0x38;
	[tilespmem:$0x1C000] =	vst v63  }
0x12e: {  	_ =	swait.ge [sflag:s3], $0x8000  }
0x12f: {  	s4 =	sld [smem:$0x7D1]  }
0x130: {  	[sflag:s3] =	ssyncset.done $0x0  }
0x131: {  	[sflag:s3] =	ssyncadd.s32 $0xFFFF8000  }
0x132: {  	[hbm4b:s4+s2] =	stream.linear.scatter [tilespmem:s2], [sflag:$0x1], $0x6000, $0x38;
	[tilespmem:$0x1C000] =	vst v63  }
0x133: {  	_ =	swait.ge [sflag:s3], $0x2000  }
0x134: {  	s8 =	sld [smem:$0x7D2]  }
0x135: {  	[sflag:s3] =	ssyncset.done $0x0  }
0x136: {  	[sflag:s3] =	ssyncadd.s32 $0xFFFFE000  }
0x137: {  	[hbm4b:s8+s2] =	stream.linear.scatter [tilespmem:s6], [sflag:$0x1], $0x2000, $0x38;
	[tilespmem:$0x1C000] =	vst v63  }
0x138: {  	_ =	swait.ge [sflag:s3], $0x2000  }
0x139: {  	s13 =	sld [smem:$0x7D3]  }
0x13a: {  	[sflag:s3] =	ssyncset.done $0x0  }
0x13b: {  	[sflag:s3] =	ssyncadd.s32 $0xFFFFE000  }
0x13c: {  	[hbm4b:s13+s2] =	stream.linear.scatter [tilespmem:s28], [sflag:$0x1], $0x4000, $0x38;
	[tilespmem:$0x1C000] =	vst v63  }
0x13d: {  	_ =	swait.ge [sflag:s3], $0x8000  }
0x13e: {  	s18 =	sld [smem:$0x7D4]  }
0x13f: {  	[sflag:s3] =	ssyncset.done $0x0  }
0x140: {  	[sflag:s3] =	ssyncadd.s32 $0xFFFF8000  }
0x141: {  	[hbm4b:s18+s2] =	stream.linear.scatter [tilespmem:s2], [sflag:$0x1], $0x6000, $0x38;
	[tilespmem:$0x1C000] =	vst v63  }
0x142: {  	_ =	swait.ge [sflag:s3], $0x4000  }
0x143: {  	s26 =	sld [smem:$0x7D5]  }
0x144: {  	[sflag:s3] =	ssyncset.done $0x0  }
0x145: {  	[sflag:s3] =	ssyncadd.s32 $0xFFFFC000  }
0x146: {  	[hbm4b:s26+s2] =	stream.linear.scatter [tilespmem:s5], [sflag:$0x1], $0x2000, $0x38;
	[tilespmem:$0x1C000] =	vst v63  }
0x147: {  	_ =	swait.ge [sflag:s3], $0x2000  }
0x148: {  	s0 =	sld [smem:$0x7D6]  }
0x149: {  	[sflag:s3] =	ssyncset.done $0x0  }
0x14a: {  	s8 =	sld [smem:$0x7D7];
	[sflag:s3] =	ssyncadd.s32 $0xFFFFE000  }
0x14b: {  	[hbm4b:s0+s2] =	stream.linear.scatter [tilespmem:s28], [sflag:$0x1], $0x4000, $0x38;
	[tilespmem:$0x1C000] =	vst v63  }
0x14c: {  	_ = 	snop  }
0x14d: {  	[hbm4b:s8+s19] =	stream.linear.scatter @!p6 [tilespmem:s12], [sflag:$0x2], $0x2000, $0x38;
	[tilespmem:$0x1C000] =	vst v63  }
0x14e: {  	_ =	swait.ge @!p6 [sflag:s20], $0x2000  }
0x14f: {  	s11 =	sld [smem:$0x7D8]  }
0x150: {  	[sflag:s20] =	ssyncset.done @!p6 $0x0  }
0x151: {  	s18 =	simm.s32 @!p1 $0x0;
	s8 =	sld [smem:$0x7D9];
	[sflag:s20] =	ssyncadd.s32 @!p6 $0xFFFFE000  }
0x152: {  	[hbm4b:s11+s18] =	stream.linear.scatter @!p1 [tilespmem:s18], [sflag:$0x1], $0x6000, $0x38;
	[tilespmem:$0x1C000] =	vst v63  }
0x153: {  	s11 =	simm.s32 @!p1 $0x8000  }
0x154: {  	s13 =	simm.s32 @!p1 $0x8000;
	s28 =	simm.s32 @!p1 $0x1;
	[smem:$0x7BD] =	sst s11  }
0x155: {  	[hbm4b:s8+s18] =	stream.linear.scatter @!p1 [tilespmem:s13], [sflag:$0x1], $0x4000, $0x38;
	[tilespmem:$0x1C000] =	vst v63  }
0x156: {  	_ =	swait.ge @!p1 [sflag:s28], $0x6000  }
0x157: {  	[sflag:s28] =	ssyncset.done @!p1 $0x0  }
0x158: {  	[sflag:s28] =	ssyncadd.s32 @!p1 $0xFFFFA000  }
0x159: {  	_ =	swait.ge @!p1 [sflag:s28], $0x4000  }
0x15a: {  	s11 =	sld [smem:$0x7DA]  }
0x15b: {  	[sflag:s28] =	ssyncset.done @!p1 $0x0  }
0x15c: {  	s13 =	simm.s32 @p3 $0x0;
	s30 =	sld [smem:$0x7DB];
	[sflag:s28] =	ssyncadd.s32 @!p1 $0xFFFFC000  }
0x15d: {  	[hbm4b:s11+s13] =	stream.linear.scatter @p3 [tilespmem:s13], [sflag:$0x1], $0x6000, $0x38;
	[tilespmem:$0x1C000] =	vst v63  }
0x15e: {  	s8 =	simm.s32 @p3 $0x8000;
	s11 =	simm.s32 @p3 $0x8000  }
0x15f: {  	[hbm4b:s30+s13] =	stream.linear.scatter @p3 [tilespmem:s11], [sflag:$0x1], $0x4000, $0x38;
	[tilespmem:$0x1C000] =	vst v63  }
0x160: {  	[smem:$0x7BE] =	sst s8;
	s30 =	simm.s32 @p3 $0x1  }
0x161: {  	_ =	swait.ge @p3 [sflag:s30], $0x6000  }
0x162: {  	[sflag:s30] =	ssyncset.done @p3 $0x0  }
0x163: {  	[sflag:s30] =	ssyncadd.s32 @p3 $0xFFFFA000  }
0x164: {  	_ =	swait.ge @p3 [sflag:s30], $0x4000  }
0x165: {  	[sflag:s30] =	ssyncset.done @p3 $0x0  }
0x166: {  	[sflag:s30] =	ssyncadd.s32 @p3 $0xFFFFC000  }
0x167: {  	_ =	swait.ge [sflag:s3], $0x6000  }
0x168: {  	s4 =	sld [smem:$0x7DC]  }
0x169: {  	[sflag:s3] =	ssyncset.done $0x0  }
0x16a: {  	[sflag:s3] =	ssyncadd.s32 $0xFFFFA000  }
0x16b: {  	[hbm4b:s4+s2] =	stream.linear.scatter [tilespmem:s2], [sflag:$0x1], $0x8000, $0x38;
	[tilespmem:$0x1C000] =	vst v63  }
0x16c: {  	_ =	swait.ge [sflag:s3], $0x4000  }
0x16d: {  	s8 =	sld [smem:$0x7DD]  }
0x16e: {  	[sflag:s3] =	ssyncset.done $0x0  }
0x16f: {  	[sflag:s3] =	ssyncadd.s32 $0xFFFFC000  }
0x170: {  	[hbm4b:s8+s2] =	stream.linear.scatter [tilespmem:s10], [sflag:$0x1], $0x2000, $0x38;
	[tilespmem:$0x1C000] =	vst v63  }
0x171: {  	_ =	swait.ge [sflag:s3], $0x2000  }
0x172: {  	s10 =	sld [smem:$0x7DE]  }
0x173: {  	[sflag:s3] =	ssyncset.done $0x0  }
0x174: {  	[sflag:s3] =	ssyncadd.s32 $0xFFFFE000  }
0x175: {  	[hbm4b:s10+s2] =	stream.linear.scatter [tilespmem:s25], [sflag:$0x1], $0x2000, $0x38;
	[tilespmem:$0x1C000] =	vst v63  }
0x176: {  	_ =	swait.ge [sflag:s3], $0x6000  }
0x177: {  	s26 =	sld [smem:$0x7DF]  }
0x178: {  	[sflag:s3] =	ssyncset.done $0x0  }
0x179: {  	[sflag:s3] =	ssyncadd.s32 $0xFFFFA000  }
0x17a: {  	[hbm4b:s26+s2] =	stream.linear.scatter [tilespmem:s2], [sflag:$0x1], $0x8000, $0x38;
	[tilespmem:$0x1C000] =	vst v63  }
0x17b: {  	_ =	swait.ge [sflag:s3], $0x4000  }
0x17c: {  	s0 =	sld [smem:$0x7E0]  }
0x17d: {  	[sflag:s3] =	ssyncset.done $0x0  }
0x17e: {  	[sflag:s3] =	ssyncadd.s32 $0xFFFFC000  }
0x17f: {  	[hbm4b:s0+s2] =	stream.linear.scatter [tilespmem:s24], [sflag:$0x1], $0x2000, $0x38;
	[tilespmem:$0x1C000] =	vst v63  }
0x180: {  	_ =	swait.ge [sflag:s3], $0x2000  }
0x181: {  	s4 =	sld [smem:$0x7E1]  }
0x182: {  	[sflag:s3] =	ssyncset.done $0x0  }
0x183: {  	[sflag:s3] =	ssyncadd.s32 $0xFFFFE000  }
0x184: {  	[hbm4b:s4+s2] =	stream.linear.scatter [tilespmem:s25], [sflag:$0x1], $0x2000, $0x38;
	[tilespmem:$0x1C000] =	vst v63  }
0x185: {  	_ =	swait.ge [sflag:s3], $0x6000  }
0x186: {  	s8 =	sld [smem:$0x7E2]  }
0x187: {  	[sflag:s3] =	ssyncset.done $0x0  }
0x188: {  	[sflag:s3] =	ssyncadd.s32 $0xFFFFA000  }
0x189: {  	[hbm4b:s8+s2] =	stream.linear.scatter [tilespmem:s2], [sflag:$0x1], $0x8000, $0x38;
	[tilespmem:$0x1C000] =	vst v63  }
0x18a: {  	_ =	swait.ge [sflag:s3], $0x6000  }
0x18b: {  	s10 =	sld [smem:$0x7E3]  }
0x18c: {  	[sflag:s3] =	ssyncset.done $0x0  }
0x18d: {  	[sflag:s3] =	ssyncadd.s32 $0xFFFFA000  }
0x18e: {  	[hbm4b:s10+s2] =	stream.linear.scatter [tilespmem:s7], [sflag:$0x1], $0x2000, $0x38;
	[tilespmem:$0x1C000] =	vst v63  }
0x18f: {  	_ =	swait.ge [sflag:s3], $0x2000  }
0x190: {  	s24 =	sld [smem:$0x7E4]  }
0x191: {  	[sflag:s3] =	ssyncset.done $0x0;
	s26 =	sld [smem:$0x7C0]  }
0x192: {  	s8 =	sld [smem:$0x7E5];
	[sflag:s3] =	ssyncadd.s32 $0xFFFFE000  }
0x193: {  	[hbm4b:s24+s2] =	stream.linear.scatter [tilespmem:s25], [sflag:$0x1], $0x2000, $0x38;
	[tilespmem:$0x1C000] =	vst v63  }
0x194: {  	p5 =	seq.s32 s26, $0x1  }
0x195: {  	[hbm4b:s8+s9] =	stream.linear.scatter @!p5 [tilespmem:s15], [sflag:$0x2], $0x2000, $0x38;
	[tilespmem:$0x1C000] =	vst v63  }
0x196: {  	_ =	swait.ge @!p5 [sflag:s17], $0x2000  }
0x197: {  	s8 =	sld [smem:$0x7E6]  }
0x198: {  	[sflag:s17] =	ssyncset.done @!p5 $0x0  }
0x199: {  	s11 =	sld [smem:$0x7E7];
	[sflag:s17] =	ssyncadd.s32 @!p5 $0xFFFFE000  }
0x19a: {  	[hbm4b:s8+s1] =	stream.linear.scatter @!p0 [tilespmem:s1], [sflag:$0x1], $0x8000, $0x38;
	[tilespmem:$0x1C000] =	vst v63  }
0x19b: {  	s8 =	simm.s32 @!p0 $0xA000  }
0x19c: {  	[hbm4b:s11+s1] =	stream.linear.scatter @!p0 [tilespmem:s8], [sflag:$0x1], $0x2000, $0x38;
	[tilespmem:$0x1C000] =	vst v63  }
0x19d: {  	_ =	swait.ge @!p0 [sflag:s23], $0x8000  }
0x19e: {  	[sflag:s23] =	ssyncset.done @!p0 $0x0  }
0x19f: {  	[sflag:s23] =	ssyncadd.s32 @!p0 $0xFFFF8000  }
0x1a0: {  	_ =	swait.ge @!p0 [sflag:s23], $0x2000  }
0x1a1: {  	s8 =	sld [smem:$0x7E8]  }
0x1a2: {  	[sflag:s23] =	ssyncset.done @!p0 $0x0  }
0x1a3: {  	s11 =	sld [smem:$0x7E9];
	[sflag:s23] =	ssyncadd.s32 @!p0 $0xFFFFE000  }
0x1a4: {  	[hbm4b:s8+s22] =	stream.linear.scatter @p2 [tilespmem:s22], [sflag:$0x1], $0x8000, $0x38;
	[tilespmem:$0x1C000] =	vst v63  }
0x1a5: {  	s1 =	simm.s32 @p2 $0xA000  }
0x1a6: {  	[hbm4b:s11+s22] =	stream.linear.scatter @p2 [tilespmem:s1], [sflag:$0x1], $0x2000, $0x38;
	[tilespmem:$0x1C000] =	vst v63  }
0x1a7: {  	_ =	swait.ge @p2 [sflag:s29], $0x8000  }
0x1a8: {  	[sflag:s29] =	ssyncset.done @p2 $0x0  }
0x1a9: {  	[sflag:s29] =	ssyncadd.s32 @p2 $0xFFFF8000  }
0x1aa: {  	_ =	swait.ge @p2 [sflag:s29], $0x2000  }
0x1ab: {  	[sflag:s29] =	ssyncset.done @p2 $0x0  }
0x1ac: {  	[sflag:s29] =	ssyncadd.s32 @p2 $0xFFFFE000  }
0x1ad: {  	_ =	swait.ge [sflag:s3], $0x4000  }
0x1ae: {  	s1 =	sld [smem:$0x7EA]  }
0x1af: {  	[sflag:s3] =	ssyncset.done $0x0  }
0x1b0: {  	[sflag:s3] =	ssyncadd.s32 $0xFFFFC000  }
0x1b1: {  	[hbm4b:s1+s2] =	stream.linear.scatter [tilespmem:s2], [sflag:$0x1], $0xA000, $0x38;
	[tilespmem:$0x1C000] =	vst v63  }
0x1b2: {  	_ =	swait.ge [sflag:s3], $0x6000  }
0x1b3: {  	s4 =	sld [smem:$0x7EB]  }
0x1b4: {  	[sflag:s3] =	ssyncset.done $0x0  }
0x1b5: {  	[sflag:s3] =	ssyncadd.s32 $0xFFFFA000  }
0x1b6: {  	[hbm4b:s4+s2] =	stream.linear.scatter [tilespmem:s16], [sflag:$0x1], $0x2000, $0x38;
	[tilespmem:$0x1C000] =	vst v63  }
0x1b7: {  	_ =	swait.ge [sflag:s3], $0x2000  }
0x1b8: {  	s9 =	sld [smem:$0x7EC]  }
0x1b9: {  	[sflag:s3] =	ssyncset.done $0x0  }
0x1ba: {  	[sflag:s3] =	ssyncadd.s32 $0xFFFFE000  }
0x1bb: {  	[hbm4b:s9+s2] =	stream.linear.scatter [tilespmem:s2], [sflag:$0x1], $0xA000, $0x38;
	[tilespmem:$0x1C000] =	vst v63  }
0x1bc: {  	_ =	swait.ge [sflag:s3], $0x4000  }
0x1bd: {  	s11 =	sld [smem:$0x7ED]  }
0x1be: {  	[sflag:s3] =	ssyncset.done $0x0  }
0x1bf: {  	[sflag:s3] =	ssyncadd.s32 $0xFFFFC000  }
0x1c0: {  	[hbm4b:s11+s2] =	stream.linear.scatter [tilespmem:s6], [sflag:$0x1], $0x2000, $0x38;
	[tilespmem:$0x1C000] =	vst v63  }
0x1c1: {  	_ =	swait.ge [sflag:s3], $0x6000  }
0x1c2: {  	s15 =	sld [smem:$0x7EE]  }
0x1c3: {  	[sflag:s3] =	ssyncset.done $0x0  }
0x1c4: {  	[sflag:s3] =	ssyncadd.s32 $0xFFFFA000  }
0x1c5: {  	[hbm4b:s15+s2] =	stream.linear.scatter [tilespmem:s2], [sflag:$0x1], $0xA000, $0x38;
	[tilespmem:$0x1C000] =	vst v63  }
0x1c6: {  	_ =	swait.ge [sflag:s3], $0x2000  }
0x1c7: {  	s16 =	sld [smem:$0x7EF]  }
0x1c8: {  	[sflag:s3] =	ssyncset.done $0x0  }
0x1c9: {  	s11 =	sld [smem:$0x7F0];
	[sflag:s3] =	ssyncadd.s32 $0xFFFFE000  }
0x1ca: {  	[hbm4b:s16+s2] =	stream.linear.scatter [tilespmem:s5], [sflag:$0x1], $0x2000, $0x38;
	[tilespmem:$0x1C000] =	vst v63  }
0x1cb: {  	_ = 	snop  }
0x1cc: {  	[hbm4b:s11+s19] =	stream.linear.scatter @!p6 [tilespmem:s12], [sflag:$0x2], $0x2000, $0x38;
	[tilespmem:$0x1C000] =	vst v63  }
0x1cd: {  	_ =	swait.ge @!p6 [sflag:s20], $0x2000  }
0x1ce: {  	s8 =	sld [smem:$0x7F1]  }
0x1cf: {  	[sflag:s20] =	ssyncset.done @!p6 $0x0  }
0x1d0: {  	[sflag:s20] =	ssyncadd.s32 @!p6 $0xFFFFE000  }
0x1d1: {  	[hbm4b:s8+s18] =	stream.linear.scatter @!p1 [tilespmem:s18], [sflag:$0x1], $0xA000, $0x38;
	[tilespmem:$0x1C000] =	vst v63  }
0x1d2: {  	_ =	swait.ge @!p1 [sflag:s28], $0xA000  }
0x1d3: {  	s8 =	sld [smem:$0x7F2]  }
0x1d4: {  	[sflag:s28] =	ssyncset.done @!p1 $0x0  }
0x1d5: {  	[sflag:s28] =	ssyncadd.s32 @!p1 $0xFFFF6000  }
0x1d6: {  	[hbm4b:s8+s13] =	stream.linear.scatter @p3 [tilespmem:s13], [sflag:$0x1], $0xA000, $0x38;
	[tilespmem:$0x1C000] =	vst v63  }
0x1d7: {  	_ =	swait.ge @p3 [sflag:s30], $0xA000  }
0x1d8: {  	[sflag:s30] =	ssyncset.done @p3 $0x0  }
0x1d9: {  	[sflag:s30] =	ssyncadd.s32 @p3 $0xFFFF6000  }
0x1da: {  	_ =	swait.ge [sflag:s3], $0x4000  }
0x1db: {  	[sflag:s3] =	ssyncset.done $0x0  }
0x1dc: {  	[sflag:s3] =	ssyncadd.s32 $0xFFFFC000  }
0x1dd: {  	_ =	swait.ge [sflag:s3], $0x8000  }
0x1de: {  	[sflag:s3] =	ssyncset.done $0x0  }
0x1df: {  	[sflag:s3] =	ssyncadd.s32 $0xFFFF8000  }
0x1e0: {  	_ =	swait.ge [sflag:s3], $0x2000  }
0x1e1: {  	[sflag:s3] =	ssyncset.done $0x0  }
0x1e2: {  	[sflag:s3] =	ssyncadd.s32 $0xFFFFE000  }
0x1e3: {  	_ =	swait.ge [sflag:s3], $0x2000  }
0x1e4: {  	[sflag:s3] =	ssyncset.done $0x0  }
0x1e5: {  	[sflag:s3] =	ssyncadd.s32 $0xFFFFE000  }
0x1e6: {  	_ =	swait.ge [sflag:s3], $0x8000  }
0x1e7: {  	[sflag:s3] =	ssyncset.done $0x0  }
0x1e8: {  	[sflag:s3] =	ssyncadd.s32 $0xFFFF8000  }
0x1e9: {  	_ =	swait.ge [sflag:s3], $0x2000  }
0x1ea: {  	[sflag:s3] =	ssyncset.done $0x0  }
0x1eb: {  	[sflag:s3] =	ssyncadd.s32 $0xFFFFE000  }
0x1ec: {  	_ =	swait.ge [sflag:s3], $0x2000  }
0x1ed: {  	[sflag:s3] =	ssyncset.done $0x0  }
0x1ee: {  	[sflag:s3] =	ssyncadd.s32 $0xFFFFE000  }
0x1ef: {  	_ =	swait.ge [sflag:s3], $0x8000  }
0x1f0: {  	[sflag:s3] =	ssyncset.done $0x0  }
0x1f1: {  	[sflag:s3] =	ssyncadd.s32 $0xFFFF8000  }
0x1f2: {  	_ =	swait.ge [sflag:s3], $0x2000  }
0x1f3: {  	[sflag:s3] =	ssyncset.done $0x0  }
0x1f4: {  	[sflag:s3] =	ssyncadd.s32 $0xFFFFE000  }
0x1f5: {  	_ =	swait.ge [sflag:s3], $0x2000  }
0x1f6: {  	[sflag:s3] =	ssyncset.done $0x0  }
0x1f7: {  	[sflag:s3] =	ssyncadd.s32 $0xFFFFE000  }
0x1f8: {  	_ =	swait.ge [sflag:s3], $0xA000  }
0x1f9: {  	[sflag:s3] =	ssyncset.done $0x0  }
0x1fa: {  	[sflag:s3] =	ssyncadd.s32 $0xFFFF6000  }
0x1fb: {  	_ =	swait.ge [sflag:s3], $0x2000  }
0x1fc: {  	[sflag:s3] =	ssyncset.done $0x0  }
0x1fd: {  	[sflag:s3] =	ssyncadd.s32 $0xFFFFE000  }
0x1fe: {  	_ =	swait.ge [sflag:s3], $0xA000  }
0x1ff: {  	[sflag:s3] =	ssyncset.done $0x0  }
0x200: {  	[sflag:s3] =	ssyncadd.s32 $0xFFFF6000  }
0x201: {  	_ =	swait.ge [sflag:s3], $0x2000  }
0x202: {  	[sflag:s3] =	ssyncset.done $0x0  }
0x203: {  	[sflag:s3] =	ssyncadd.s32 $0xFFFFE000  }
0x204: {  	_ =	swait.ge [sflag:s3], $0xA000  }
0x205: {  	s22 =	sld [smem:$0x7BF];
	_ =	sdelay $0x2  }
0x206: {  	s8 =	sadd.s32 $0xFFFFFFFF, s22  }
0x207: {  	s7 =	simm.s32 @!p5 $0x0;
	s10 =	simm.s32 @!p5 $0x12000;
	p5 =	sne.s32 s8, $0x0  }
0x208: {  	s0 =	simm.s32 @!p5 $0x0  }
0x209: {  	[sflag:s3] =	ssyncset.done $0x0;
	s0 =	simm.s32 @p5 $0x1  }
0x20a: {  	[sflag:s3] =	ssyncadd.s32 $0xFFFF6000;
	[smem:$0x7C1] =	sst s0  }
0x20b: {  	_ =	swait.ge [sflag:s3], $0x2000  }
0x20c: {  	s25 =	sld [smem:$0x7C1];
	_ =	sdelay $0x2  }
0x20d: {  	p5 =	seq.s32 s25, $0x1  }
.Ltmp1:
0x20e: {  	_ = 	snop;
	(pc) =	sbr.rel @!p5 .LBB2_7-.Ltmp1, $4  }
0x20f: {  	s24 =	sld [smem:$0x7C0]  }
0x210: {  	s31 =	simm.s32 @p3 $0x0;
	p4 =	por p3, p3  }
0x211: {  	s26 =	simm.s32 @!p6 $0x0;
	s16 =	simm.s32 @!p6 $0x1A000;
	s19 =	simm.s32 @!p1 $0x0  }
0x212: {  	[sflag:s3] =	ssyncset.done $0x0;
	s11 =	rddreg [dreg:$0x3];
	p3 =	seq.s32 s24, $0x1  }
0x213: {  	s24 =	simm.s32 $0xE000  }
0x214: {  	s4 =	simm.s32 $0x14000;
	s0 =	simm.s32 $0x16000;
	s22 =	simm.s32 $0x18000  }
.LBB2_4:
0x215: {  	s8 =	sadd.s32 $0xFFFFFFFF, s8;
	[sflag:s3] =	ssyncadd.s32 $0xFFFFE000;
	s12 =	rddreg [dreg:$0x4]  }
0x216: {  	[tilespmem:s2], [sflag:$0x1] =	stream.linear.gather [hbm4b:s11+s2], $0xC000, $0x38;
	[tilespmem:$0x1C000] =	vst v63  }
0x217: {  	s18 =	rddreg [dreg:$0x5];
	s6 =	simm.s32 $0xC000;
	p5 =	sne.s32 s8, $0x0  }
0x218: {  	[tilespmem:s6], [sflag:$0x1] =	stream.linear.gather [hbm4b:s12+s2], $0x2000, $0x38;
	[tilespmem:$0x1C000] =	vst v63  }
0x219: {  	s25 =	rddreg [dreg:$0x6];
	s1 =	simm.s32 @!p5 $0x0  }
0x21a: {  	[tilespmem:s24], [sflag:$0x1] =	stream.linear.gather [hbm4b:s18+s2], $0x2000, $0x38;
	[tilespmem:$0x1C000] =	vst v63  }
0x21b: {  	s5 =	simm.s32 $0x10000;
	s11 =	rddreg [dreg:$0x7];
	s1 =	simm.s32 @p5 $0x1  }
0x21c: {  	[tilespmem:s5], [sflag:$0x1] =	stream.linear.gather [hbm4b:s25+s2], $0x2000, $0x38;
	[tilespmem:$0x1C000] =	vst v63  }
0x21d: {  	[smem:$0x7B3] =	sst s1  }
0x21e: {  	[tilespmem:s10], [sflag:$0x2] =	stream.linear.gather @!p3 [hbm4b:s11+s7], $0x2000, $0x38;
	[tilespmem:$0x1C000] =	vst v63  }
0x21f: {  	_ =	swait.ge @!p3 [sflag:s17], $0x2000  }
0x220: {  	[sflag:s17] =	ssyncset.done @!p3 $0x0  }
0x221: {  	s1 =	rddreg [dreg:$0x8];
	[sflag:s17] =	ssyncadd.s32 @!p3 $0xFFFFE000  }
0x222: {  	[tilespmem:s4], [sflag:$0x1] =	stream.linear.gather [hbm4b:s1+s2], $0x2000, $0x38;
	[tilespmem:$0x1C000] =	vst v63  }
0x223: {  	s9 =	smov.u32 s7;
	s7 =	rddreg [dreg:$0x9]  }
0x224: {  	[tilespmem:s0], [sflag:$0x1] =	stream.linear.gather [hbm4b:s7+s2], $0x2000, $0x38;
	[tilespmem:$0x1C000] =	vst v63  }
0x225: {  	s15 =	smov.u32 s10;
	s10 =	rddreg [dreg:$0xa]  }
0x226: {  	[tilespmem:s22], [sflag:$0x1] =	stream.linear.gather [hbm4b:s10+s2], $0x2000, $0x38;
	[tilespmem:$0x1C000] =	vst v63  }
0x227: {  	s12 =	rddreg [dreg:$0xb]  }
0x228: {  	[tilespmem:s16], [sflag:$0x2] =	stream.linear.gather @!p6 [hbm4b:s12+s26], $0x2000, $0x38;
	[tilespmem:$0x1C000] =	vst v63  }
0x229: {  	_ =	swait.ge @!p6 [sflag:s20], $0x2000  }
0x22a: {  	[sflag:s20] =	ssyncset.done @!p6 $0x0  }
0x22b: {  	[sflag:s20] =	ssyncadd.s32 @!p6 $0xFFFFE000  }
0x22c: {  	_ =	swait.ge [sflag:s3], $0xC000  }
0x22d: {  	[sflag:s3] =	ssyncset.done $0x0  }
0x22e: {  	[sflag:s3] =	ssyncadd.s32 $0xFFFF4000  }
0x22f: {  	_ =	swait.ge [sflag:s3], $0x2000  }
0x230: {  	[sflag:s3] =	ssyncset.done $0x0  }
0x231: {  	[sflag:s3] =	ssyncadd.s32 $0xFFFFE000  }
0x232: {  	_ =	swait.ge [sflag:s3], $0x2000  }
0x233: {  	[sflag:s3] =	ssyncset.done $0x0  }
0x234: {  	[sflag:s3] =	ssyncadd.s32 $0xFFFFE000  }
0x235: {  	_ =	swait.ge [sflag:s3], $0x2000  }
0x236: {  	[sflag:s3] =	ssyncset.done $0x0  }
0x237: {  	[sflag:s3] =	ssyncadd.s32 $0xFFFFE000  }
0x238: {  	_ =	swait.ge [sflag:s3], $0x2000  }
0x239: {  	[sflag:s3] =	ssyncset.done $0x0  }
0x23a: {  	[sflag:s3] =	ssyncadd.s32 $0xFFFFE000  }
0x23b: {  	_ =	swait.ge [sflag:s3], $0x2000  }
0x23c: {  	[sflag:s3] =	ssyncset.done $0x0  }
0x23d: {  	[sflag:s3] =	ssyncadd.s32 $0xFFFFE000  }
0x23e: {  	_ =	swait.ge [sflag:s3], $0x2000  }
0x23f: {  	s12 =	sld [smem:$0x7FA]  }
0x240: {  	s7 =	sld [smem:$0x7B4]  }
0x241: {  	[sflag:s3] =	ssyncset.done $0x0  }
0x242: {  	s11 =	rddreg [dreg:$0xc];
	[sflag:s3] =	ssyncadd.s32 $0xFFFFE000;
	p5 =	seq.s32 s12, $0x1  }
0x243: {  	[hbm4b:s11+s7] =	stream.linear.scatter @!p5 [tilespmem:s7], [sflag:$0x2], $0xC000, $0x38;
	[tilespmem:$0x1C000] =	vst v63  }
0x244: {  	s7 =	sld [smem:$0x7B5];
	_ =	sdelay $0x2  }
0x245: {  	_ =	swait.ge @!p5 [sflag:s7], $0xC000  }
0x246: {  	s18 =	rddreg [dreg:$0xd]  }
0x247: {  	[sflag:s7] =	ssyncset.done @!p5 $0x0;
	s25 =	rddreg [dreg:$0xe]  }
0x248: {  	s10 =	rddreg [dreg:$0xf];
	[sflag:s7] =	ssyncadd.s32 @!p5 $0xFFFF4000  }
0x249: {  	[hbm4b:s18+s2] =	stream.linear.scatter [tilespmem:s6], [sflag:$0x1], $0x2000, $0x38;
	[tilespmem:$0x1C000] =	vst v63  }
0x24a: {  	s11 =	sld [smem:$0x7F3];
	s7 =	simm.s32 $0x2000  }
0x24b: {  	[hbm4b:s25+s2] =	stream.linear.scatter [tilespmem:s7], [sflag:$0x1], $0xA000, $0x38;
	[tilespmem:$0x1C000] =	vst v63  }
0x24c: {  	s12 =	sld [smem:$0x7F7]  }
0x24d: {  	[hbm4b:s10+s2] =	stream.linear.scatter [tilespmem:s24], [sflag:$0x1], $0x2000, $0x38;
	[tilespmem:$0x1C000] =	vst v63  }
0x24e: {  	s18 =	rddreg [dreg:$0x10]  }
0x24f: {  	[hbm4b:s18+s2] =	stream.linear.scatter [tilespmem:s7], [sflag:$0x1], $0xA000, $0x38;
	[tilespmem:$0x1C000] =	vst v63  }
0x250: {  	s25 =	rddreg [dreg:$0x11]  }
0x251: {  	[hbm4b:s25+s2] =	stream.linear.scatter [tilespmem:s5], [sflag:$0x1], $0x2000, $0x38;
	[tilespmem:$0x1C000] =	vst v63  }
0x252: {  	s10 =	rddreg [dreg:$0x12]  }
0x253: {  	[hbm4b:s10+s2] =	stream.linear.scatter [tilespmem:s7], [sflag:$0x1], $0xA000, $0x38;
	[tilespmem:$0x1C000] =	vst v63  }
0x254: {  	s7 =	sld [smem:$0x7B6]  }
0x255: {  	s10 =	sld [smem:$0x7B7];
	_ =	sdelay $0x1  }
0x256: {  	p5 =	seq.s32 s12, $0x1  }
0x257: {  	[hbm4b:s11+s7] =	stream.linear.scatter @p5 [tilespmem:s10], [sflag:$0x1], $0xA000, $0x38;
	[tilespmem:$0x1C000] =	vst v63  }
0x258: {  	s7 =	sld [smem:$0x7B8];
	_ =	sdelay $0x2  }
0x259: {  	_ =	swait.ge @p5 [sflag:s7], $0xA000  }
0x25a: {  	s18 =	sld [smem:$0x7F6]  }
0x25b: {  	[sflag:s7] =	ssyncset.done @p5 $0x0;
	s10 =	sld [smem:$0x7BA]  }
0x25c: {  	[sflag:s7] =	ssyncadd.s32 @p5 $0xFFFF6000;
	s7 =	sld [smem:$0x7B9];
	_ =	sdelay $0x1  }
0x25d: {  	s11 =	rddreg [dreg:$0x13];
	p5 =	seq.s32 s18, $0x1  }
0x25e: {  	[hbm4b:s11+s7] =	stream.linear.scatter @!p5 [tilespmem:s10], [sflag:$0x2], $0x2000, $0x38;
	[tilespmem:$0x1C000] =	vst v63  }
0x25f: {  	s7 =	sld [smem:$0x7BB];
	_ =	sdelay $0x2  }
0x260: {  	_ =	swait.ge @!p5 [sflag:s7], $0x2000  }
0x261: {  	[sflag:s7] =	ssyncset.done @!p5 $0x0  }
0x262: {  	s25 =	rddreg [dreg:$0x14];
	[sflag:s7] =	ssyncadd.s32 @!p5 $0xFFFFE000  }
0x263: {  	[hbm4b:s25+s2] =	stream.linear.scatter [tilespmem:s2], [sflag:$0x1], $0x2000, $0x38;
	[tilespmem:$0x1C000] =	vst v63  }
0x264: {  	s7 =	rddreg [dreg:$0x15]  }
0x265: {  	[hbm4b:s7+s2] =	stream.linear.scatter [tilespmem:s4], [sflag:$0x1], $0x2000, $0x38;
	[tilespmem:$0x1C000] =	vst v63  }
0x266: {  	s10 =	rddreg [dreg:$0x16];
	s7 =	simm.s32 $0x4000  }
0x267: {  	[hbm4b:s10+s2] =	stream.linear.scatter [tilespmem:s7], [sflag:$0x1], $0x8000, $0x38;
	[tilespmem:$0x1C000] =	vst v63  }
0x268: {  	s18 =	rddreg [dreg:$0x17]  }
0x269: {  	[hbm4b:s18+s2] =	stream.linear.scatter [tilespmem:s2], [sflag:$0x1], $0x2000, $0x38;
	[tilespmem:$0x1C000] =	vst v63  }
0x26a: {  	s25 =	rddreg [dreg:$0x18]  }
0x26b: {  	[hbm4b:s25+s2] =	stream.linear.scatter [tilespmem:s0], [sflag:$0x1], $0x2000, $0x38;
	[tilespmem:$0x1C000] =	vst v63  }
0x26c: {  	s10 =	rddreg [dreg:$0x19]  }
0x26d: {  	[hbm4b:s10+s2] =	stream.linear.scatter [tilespmem:s7], [sflag:$0x1], $0x8000, $0x38;
	[tilespmem:$0x1C000] =	vst v63  }
0x26e: {  	s18 =	rddreg [dreg:$0x1a]  }
0x26f: {  	[hbm4b:s18+s2] =	stream.linear.scatter [tilespmem:s2], [sflag:$0x1], $0x2000, $0x38;
	[tilespmem:$0x1C000] =	vst v63  }
0x270: {  	s25 =	rddreg [dreg:$0x1b]  }
0x271: {  	[hbm4b:s25+s2] =	stream.linear.scatter [tilespmem:s22], [sflag:$0x1], $0x2000, $0x38;
	[tilespmem:$0x1C000] =	vst v63  }
0x272: {  	s10 =	rddreg [dreg:$0x1c]  }
0x273: {  	[hbm4b:s10+s2] =	stream.linear.scatter [tilespmem:s7], [sflag:$0x1], $0x8000, $0x38;
	[tilespmem:$0x1C000] =	vst v63  }
0x274: {  	s12 =	rddreg [dreg:$0x1d]  }
0x275: {  	[hbm4b:s12+s26] =	stream.linear.scatter @!p6 [tilespmem:s16], [sflag:$0x2], $0x2000, $0x38;
	[tilespmem:$0x1C000] =	vst v63  }
0x276: {  	_ =	swait.ge @!p6 [sflag:s20], $0x2000  }
0x277: {  	s1 =	smov.u32 s16;
	s16 =	sld [smem:$0x7F9]  }
0x278: {  	s11 =	sld [smem:$0x7F5]  }
0x279: {  	[sflag:s20] =	ssyncset.done @!p6 $0x0;
	s12 =	sld [smem:$0x7F4]  }
0x27a: {  	s10 =	sld [smem:$0x7BC];
	[sflag:s20] =	ssyncadd.s32 @!p6 $0xFFFFE000;
	p5 =	seq.s32 s16, $0x1  }
0x27b: {  	[hbm4b:s11+s21] =	stream.linear.scatter @!p5 [tilespmem:s21], [sflag:$0x1], $0x2000, $0x38;
	[tilespmem:$0x1C000] =	vst v63  }
0x27c: {  	_ = 	snop  }
0x27d: {  	[hbm4b:s12+s21] =	stream.linear.scatter @!p5 [tilespmem:s10], [sflag:$0x1], $0x8000, $0x38;
	[tilespmem:$0x1C000] =	vst v63  }
0x27e: {  	_ =	swait.ge @!p5 [sflag:s14], $0x2000  }
0x27f: {  	[sflag:s14] =	ssyncset.done @!p5 $0x0  }
0x280: {  	[sflag:s14] =	ssyncadd.s32 @!p5 $0xFFFFE000  }
0x281: {  	_ =	swait.ge @!p5 [sflag:s14], $0x8000  }
0x282: {  	[sflag:s14] =	ssyncset.done @!p5 $0x0  }
0x283: {  	s18 =	rddreg [dreg:$0x1e];
	[sflag:s14] =	ssyncadd.s32 @!p5 $0xFFFF8000  }
0x284: {  	[hbm4b:s18+s2] =	stream.linear.scatter [tilespmem:s2], [sflag:$0x1], $0x4000, $0x38;
	[tilespmem:$0x1C000] =	vst v63  }
0x285: {  	_ =	swait.ge [sflag:s3], $0x2000  }
0x286: {  	[sflag:s3] =	ssyncset.done $0x0  }
0x287: {  	s25 =	rddreg [dreg:$0x1f];
	[sflag:s3] =	ssyncadd.s32 $0xFFFFE000  }
0x288: {  	[hbm4b:s25+s2] =	stream.linear.scatter [tilespmem:s6], [sflag:$0x1], $0x2000, $0x38;
	[tilespmem:$0x1C000] =	vst v63  }
0x289: {  	_ =	swait.ge [sflag:s3], $0xA000  }
0x28a: {  	s13 =	smov.u32 s26;
	s26 =	sld [smem:$0x7C2]  }
0x28b: {  	[sflag:s3] =	ssyncset.done $0x0  }
0x28c: {  	s7 =	simm.s32 $0x6000;
	[sflag:s3] =	ssyncadd.s32 $0xFFFF6000  }
0x28d: {  	[hbm4b:s26+s2] =	stream.linear.scatter [tilespmem:s7], [sflag:$0x1], $0x6000, $0x38;
	[tilespmem:$0x1C000] =	vst v63  }
0x28e: {  	_ =	swait.ge [sflag:s3], $0x2000  }
0x28f: {  	s10 =	sld [smem:$0x7C3]  }
0x290: {  	[sflag:s3] =	ssyncset.done $0x0  }
0x291: {  	[sflag:s3] =	ssyncadd.s32 $0xFFFFE000  }
0x292: {  	[hbm4b:s10+s2] =	stream.linear.scatter [tilespmem:s2], [sflag:$0x1], $0x4000, $0x38;
	[tilespmem:$0x1C000] =	vst v63  }
0x293: {  	_ =	swait.ge [sflag:s3], $0xA000  }
0x294: {  	s12 =	sld [smem:$0x7C4]  }
0x295: {  	[sflag:s3] =	ssyncset.done $0x0  }
0x296: {  	[sflag:s3] =	ssyncadd.s32 $0xFFFF6000  }
0x297: {  	[hbm4b:s12+s2] =	stream.linear.scatter [tilespmem:s24], [sflag:$0x1], $0x2000, $0x38;
	[tilespmem:$0x1C000] =	vst v63  }
0x298: {  	_ =	swait.ge [sflag:s3], $0x2000  }
0x299: {  	s16 =	sld [smem:$0x7C5]  }
0x29a: {  	[sflag:s3] =	ssyncset.done $0x0  }
0x29b: {  	[sflag:s3] =	ssyncadd.s32 $0xFFFFE000  }
0x29c: {  	[hbm4b:s16+s2] =	stream.linear.scatter [tilespmem:s7], [sflag:$0x1], $0x6000, $0x38;
	[tilespmem:$0x1C000] =	vst v63  }
0x29d: {  	_ =	swait.ge [sflag:s3], $0xA000  }
0x29e: {  	s18 =	sld [smem:$0x7C6]  }
0x29f: {  	[sflag:s3] =	ssyncset.done $0x0  }
0x2a0: {  	[sflag:s3] =	ssyncadd.s32 $0xFFFF6000  }
0x2a1: {  	[hbm4b:s18+s2] =	stream.linear.scatter [tilespmem:s2], [sflag:$0x1], $0x4000, $0x38;
	[tilespmem:$0x1C000] =	vst v63  }
0x2a2: {  	_ =	swait.ge [sflag:s3], $0x2000  }
0x2a3: {  	s25 =	sld [smem:$0x7C7]  }
0x2a4: {  	[sflag:s3] =	ssyncset.done $0x0  }
0x2a5: {  	[sflag:s3] =	ssyncadd.s32 $0xFFFFE000  }
0x2a6: {  	[hbm4b:s25+s2] =	stream.linear.scatter [tilespmem:s5], [sflag:$0x1], $0x2000, $0x38;
	[tilespmem:$0x1C000] =	vst v63  }
0x2a7: {  	_ =	swait.ge [sflag:s3], $0x2000  }
0x2a8: {  	s26 =	sld [smem:$0x7C8]  }
0x2a9: {  	[sflag:s3] =	ssyncset.done $0x0  }
0x2aa: {  	s12 =	sld [smem:$0x7C9];
	[sflag:s3] =	ssyncadd.s32 $0xFFFFE000  }
0x2ab: {  	[hbm4b:s26+s2] =	stream.linear.scatter [tilespmem:s7], [sflag:$0x1], $0x6000, $0x38;
	[tilespmem:$0x1C000] =	vst v63  }
0x2ac: {  	_ = 	snop  }
0x2ad: {  	[hbm4b:s12+s9] =	stream.linear.scatter @!p3 [tilespmem:s15], [sflag:$0x2], $0x2000, $0x38;
	[tilespmem:$0x1C000] =	vst v63  }
0x2ae: {  	_ =	swait.ge @!p3 [sflag:s17], $0x2000  }
0x2af: {  	s11 =	sld [smem:$0x7CA]  }
0x2b0: {  	[sflag:s17] =	ssyncset.done @!p3 $0x0  }
0x2b1: {  	s16 =	simm.s32 @!p0 $0x0;
	s12 =	sld [smem:$0x7CB];
	[sflag:s17] =	ssyncadd.s32 @!p3 $0xFFFFE000  }
0x2b2: {  	[hbm4b:s11+s16] =	stream.linear.scatter @!p0 [tilespmem:s16], [sflag:$0x1], $0x4000, $0x38;
	[tilespmem:$0x1C000] =	vst v63  }
0x2b3: {  	s7 =	simm.s32 @!p0 $0x6000  }
0x2b4: {  	[hbm4b:s12+s16] =	stream.linear.scatter @!p0 [tilespmem:s7], [sflag:$0x1], $0x6000, $0x38;
	[tilespmem:$0x1C000] =	vst v63  }
0x2b5: {  	_ =	swait.ge @!p0 [sflag:s23], $0x4000  }
0x2b6: {  	[sflag:s23] =	ssyncset.done @!p0 $0x0  }
0x2b7: {  	[sflag:s23] =	ssyncadd.s32 @!p0 $0xFFFFC000  }
0x2b8: {  	_ =	swait.ge @!p0 [sflag:s23], $0x6000  }
0x2b9: {  	s11 =	sld [smem:$0x7CC]  }
0x2ba: {  	[sflag:s23] =	ssyncset.done @!p0 $0x0  }
0x2bb: {  	s26 =	simm.s32 @p2 $0x0;
	s12 =	sld [smem:$0x7CD];
	[sflag:s23] =	ssyncadd.s32 @!p0 $0xFFFFA000  }
0x2bc: {  	[hbm4b:s11+s26] =	stream.linear.scatter @p2 [tilespmem:s26], [sflag:$0x1], $0x4000, $0x38;
	[tilespmem:$0x1C000] =	vst v63  }
0x2bd: {  	s7 =	simm.s32 @p2 $0x6000  }
0x2be: {  	[hbm4b:s12+s26] =	stream.linear.scatter @p2 [tilespmem:s7], [sflag:$0x1], $0x6000, $0x38;
	[tilespmem:$0x1C000] =	vst v63  }
0x2bf: {  	_ =	swait.ge @p2 [sflag:s29], $0x4000  }
0x2c0: {  	[sflag:s29] =	ssyncset.done @p2 $0x0  }
0x2c1: {  	[sflag:s29] =	ssyncadd.s32 @p2 $0xFFFFC000  }
0x2c2: {  	_ =	swait.ge @p2 [sflag:s29], $0x6000  }
0x2c3: {  	[sflag:s29] =	ssyncset.done @p2 $0x0  }
0x2c4: {  	[sflag:s29] =	ssyncadd.s32 @p2 $0xFFFFA000  }
0x2c5: {  	_ =	swait.ge [sflag:s3], $0x8000  }
0x2c6: {  	s10 =	sld [smem:$0x7CE]  }
0x2c7: {  	[sflag:s3] =	ssyncset.done $0x0  }
0x2c8: {  	[sflag:s3] =	ssyncadd.s32 $0xFFFF8000  }
0x2c9: {  	[hbm4b:s10+s2] =	stream.linear.scatter [tilespmem:s2], [sflag:$0x1], $0x6000, $0x38;
	[tilespmem:$0x1C000] =	vst v63  }
0x2ca: {  	_ =	swait.ge [sflag:s3], $0x2000  }
0x2cb: {  	s12 =	sld [smem:$0x7CF]  }
0x2cc: {  	[sflag:s3] =	ssyncset.done $0x0  }
0x2cd: {  	[sflag:s3] =	ssyncadd.s32 $0xFFFFE000  }
0x2ce: {  	[hbm4b:s12+s2] =	stream.linear.scatter [tilespmem:s4], [sflag:$0x1], $0x2000, $0x38;
	[tilespmem:$0x1C000] =	vst v63  }
0x2cf: {  	_ =	swait.ge [sflag:s3], $0x2000  }
0x2d0: {  	s18 =	sld [smem:$0x7D0]  }
0x2d1: {  	[sflag:s3] =	ssyncset.done $0x0  }
0x2d2: {  	s7 =	simm.s32 $0x8000;
	[sflag:s3] =	ssyncadd.s32 $0xFFFFE000  }
0x2d3: {  	[hbm4b:s18+s2] =	stream.linear.scatter [tilespmem:s7], [sflag:$0x1], $0x4000, $0x38;
	[tilespmem:$0x1C000] =	vst v63  }
0x2d4: {  	_ =	swait.ge [sflag:s3], $0x8000  }
0x2d5: {  	s25 =	sld [smem:$0x7D1]  }
0x2d6: {  	[sflag:s3] =	ssyncset.done $0x0  }
0x2d7: {  	[sflag:s3] =	ssyncadd.s32 $0xFFFF8000  }
0x2d8: {  	[hbm4b:s25+s2] =	stream.linear.scatter [tilespmem:s2], [sflag:$0x1], $0x6000, $0x38;
	[tilespmem:$0x1C000] =	vst v63  }
0x2d9: {  	_ =	swait.ge [sflag:s3], $0x2000  }
0x2da: {  	s10 =	sld [smem:$0x7D2]  }
0x2db: {  	[sflag:s3] =	ssyncset.done $0x0  }
0x2dc: {  	[sflag:s3] =	ssyncadd.s32 $0xFFFFE000  }
0x2dd: {  	[hbm4b:s10+s2] =	stream.linear.scatter [tilespmem:s0], [sflag:$0x1], $0x2000, $0x38;
	[tilespmem:$0x1C000] =	vst v63  }
0x2de: {  	_ =	swait.ge [sflag:s3], $0x2000  }
0x2df: {  	s12 =	sld [smem:$0x7D3]  }
0x2e0: {  	[sflag:s3] =	ssyncset.done $0x0  }
0x2e1: {  	[sflag:s3] =	ssyncadd.s32 $0xFFFFE000  }
0x2e2: {  	[hbm4b:s12+s2] =	stream.linear.scatter [tilespmem:s7], [sflag:$0x1], $0x4000, $0x38;
	[tilespmem:$0x1C000] =	vst v63  }
0x2e3: {  	_ =	swait.ge [sflag:s3], $0x8000  }
0x2e4: {  	s18 =	sld [smem:$0x7D4]  }
0x2e5: {  	[sflag:s3] =	ssyncset.done $0x0  }
0x2e6: {  	[sflag:s3] =	ssyncadd.s32 $0xFFFF8000  }
0x2e7: {  	[hbm4b:s18+s2] =	stream.linear.scatter [tilespmem:s2], [sflag:$0x1], $0x6000, $0x38;
	[tilespmem:$0x1C000] =	vst v63  }
0x2e8: {  	_ =	swait.ge [sflag:s3], $0x4000  }
0x2e9: {  	s25 =	sld [smem:$0x7D5]  }
0x2ea: {  	[sflag:s3] =	ssyncset.done $0x0  }
0x2eb: {  	[sflag:s3] =	ssyncadd.s32 $0xFFFFC000  }
0x2ec: {  	[hbm4b:s25+s2] =	stream.linear.scatter [tilespmem:s22], [sflag:$0x1], $0x2000, $0x38;
	[tilespmem:$0x1C000] =	vst v63  }
0x2ed: {  	_ =	swait.ge [sflag:s3], $0x2000  }
0x2ee: {  	s10 =	sld [smem:$0x7D6]  }
0x2ef: {  	[sflag:s3] =	ssyncset.done $0x0  }
0x2f0: {  	s12 =	sld [smem:$0x7D7];
	[sflag:s3] =	ssyncadd.s32 $0xFFFFE000  }
0x2f1: {  	[hbm4b:s10+s2] =	stream.linear.scatter [tilespmem:s7], [sflag:$0x1], $0x4000, $0x38;
	[tilespmem:$0x1C000] =	vst v63  }
0x2f2: {  	_ = 	snop  }
0x2f3: {  	[hbm4b:s12+s13] =	stream.linear.scatter @!p6 [tilespmem:s1], [sflag:$0x2], $0x2000, $0x38;
	[tilespmem:$0x1C000] =	vst v63  }
0x2f4: {  	_ =	swait.ge @!p6 [sflag:s20], $0x2000  }
0x2f5: {  	s11 =	sld [smem:$0x7D8]  }
0x2f6: {  	[sflag:s20] =	ssyncset.done @!p6 $0x0;
	s12 =	sld [smem:$0x7D9]  }
0x2f7: {  	s7 =	sld [smem:$0x7BD];
	[sflag:s20] =	ssyncadd.s32 @!p6 $0xFFFFE000  }
0x2f8: {  	[hbm4b:s11+s19] =	stream.linear.scatter @!p1 [tilespmem:s19], [sflag:$0x1], $0x6000, $0x38;
	[tilespmem:$0x1C000] =	vst v63  }
0x2f9: {  	_ = 	snop  }
0x2fa: {  	[hbm4b:s12+s19] =	stream.linear.scatter @!p1 [tilespmem:s7], [sflag:$0x1], $0x4000, $0x38;
	[tilespmem:$0x1C000] =	vst v63  }
0x2fb: {  	_ =	swait.ge @!p1 [sflag:s28], $0x6000  }
0x2fc: {  	[sflag:s28] =	ssyncset.done @!p1 $0x0  }
0x2fd: {  	[sflag:s28] =	ssyncadd.s32 @!p1 $0xFFFFA000  }
0x2fe: {  	_ =	swait.ge @!p1 [sflag:s28], $0x4000  }
0x2ff: {  	s11 =	sld [smem:$0x7DA]  }
0x300: {  	[sflag:s28] =	ssyncset.done @!p1 $0x0;
	s12 =	sld [smem:$0x7DB]  }
0x301: {  	s7 =	sld [smem:$0x7BE];
	[sflag:s28] =	ssyncadd.s32 @!p1 $0xFFFFC000  }
0x302: {  	[hbm4b:s11+s31] =	stream.linear.scatter @p4 [tilespmem:s31], [sflag:$0x1], $0x6000, $0x38;
	[tilespmem:$0x1C000] =	vst v63  }
0x303: {  	_ = 	snop  }
0x304: {  	[hbm4b:s12+s31] =	stream.linear.scatter @p4 [tilespmem:s7], [sflag:$0x1], $0x4000, $0x38;
	[tilespmem:$0x1C000] =	vst v63  }
0x305: {  	_ =	swait.ge @p4 [sflag:s30], $0x6000  }
0x306: {  	[sflag:s30] =	ssyncset.done @p4 $0x0  }
0x307: {  	[sflag:s30] =	ssyncadd.s32 @p4 $0xFFFFA000  }
0x308: {  	_ =	swait.ge @p4 [sflag:s30], $0x4000  }
0x309: {  	[sflag:s30] =	ssyncset.done @p4 $0x0  }
0x30a: {  	[sflag:s30] =	ssyncadd.s32 @p4 $0xFFFFC000  }
0x30b: {  	_ =	swait.ge [sflag:s3], $0x6000  }
0x30c: {  	s12 =	sld [smem:$0x7DC]  }
0x30d: {  	[sflag:s3] =	ssyncset.done $0x0  }
0x30e: {  	[sflag:s3] =	ssyncadd.s32 $0xFFFFA000  }
0x30f: {  	[hbm4b:s12+s2] =	stream.linear.scatter [tilespmem:s2], [sflag:$0x1], $0x8000, $0x38;
	[tilespmem:$0x1C000] =	vst v63  }
0x310: {  	_ =	swait.ge [sflag:s3], $0x4000  }
0x311: {  	s18 =	sld [smem:$0x7DD]  }
0x312: {  	[sflag:s3] =	ssyncset.done $0x0  }
0x313: {  	[sflag:s3] =	ssyncadd.s32 $0xFFFFC000  }
0x314: {  	[hbm4b:s18+s2] =	stream.linear.scatter [tilespmem:s6], [sflag:$0x1], $0x2000, $0x38;
	[tilespmem:$0x1C000] =	vst v63  }
0x315: {  	_ =	swait.ge [sflag:s3], $0x2000  }
0x316: {  	s25 =	sld [smem:$0x7DE]  }
0x317: {  	[sflag:s3] =	ssyncset.done $0x0  }
0x318: {  	s6 =	simm.s32 $0xA000;
	[sflag:s3] =	ssyncadd.s32 $0xFFFFE000  }
0x319: {  	[hbm4b:s25+s2] =	stream.linear.scatter [tilespmem:s6], [sflag:$0x1], $0x2000, $0x38;
	[tilespmem:$0x1C000] =	vst v63  }
0x31a: {  	_ =	swait.ge [sflag:s3], $0x6000  }
0x31b: {  	s7 =	sld [smem:$0x7DF]  }
0x31c: {  	[sflag:s3] =	ssyncset.done $0x0  }
0x31d: {  	[sflag:s3] =	ssyncadd.s32 $0xFFFFA000  }
0x31e: {  	[hbm4b:s7+s2] =	stream.linear.scatter [tilespmem:s2], [sflag:$0x1], $0x8000, $0x38;
	[tilespmem:$0x1C000] =	vst v63  }
0x31f: {  	_ =	swait.ge [sflag:s3], $0x4000  }
0x320: {  	s10 =	sld [smem:$0x7E0]  }
0x321: {  	[sflag:s3] =	ssyncset.done $0x0  }
0x322: {  	[sflag:s3] =	ssyncadd.s32 $0xFFFFC000  }
0x323: {  	[hbm4b:s10+s2] =	stream.linear.scatter [tilespmem:s24], [sflag:$0x1], $0x2000, $0x38;
	[tilespmem:$0x1C000] =	vst v63  }
0x324: {  	_ =	swait.ge [sflag:s3], $0x2000  }
0x325: {  	s12 =	sld [smem:$0x7E1]  }
0x326: {  	[sflag:s3] =	ssyncset.done $0x0  }
0x327: {  	[sflag:s3] =	ssyncadd.s32 $0xFFFFE000  }
0x328: {  	[hbm4b:s12+s2] =	stream.linear.scatter [tilespmem:s6], [sflag:$0x1], $0x2000, $0x38;
	[tilespmem:$0x1C000] =	vst v63  }
0x329: {  	_ =	swait.ge [sflag:s3], $0x6000  }
0x32a: {  	s18 =	sld [smem:$0x7E2]  }
0x32b: {  	[sflag:s3] =	ssyncset.done $0x0  }
0x32c: {  	[sflag:s3] =	ssyncadd.s32 $0xFFFFA000  }
0x32d: {  	[hbm4b:s18+s2] =	stream.linear.scatter [tilespmem:s2], [sflag:$0x1], $0x8000, $0x38;
	[tilespmem:$0x1C000] =	vst v63  }
0x32e: {  	_ =	swait.ge [sflag:s3], $0x6000  }
0x32f: {  	s25 =	sld [smem:$0x7E3]  }
0x330: {  	[sflag:s3] =	ssyncset.done $0x0  }
0x331: {  	[sflag:s3] =	ssyncadd.s32 $0xFFFFA000  }
0x332: {  	[hbm4b:s25+s2] =	stream.linear.scatter [tilespmem:s5], [sflag:$0x1], $0x2000, $0x38;
	[tilespmem:$0x1C000] =	vst v63  }
0x333: {  	_ =	swait.ge [sflag:s3], $0x2000  }
0x334: {  	s5 =	sld [smem:$0x7E4]  }
0x335: {  	[sflag:s3] =	ssyncset.done $0x0  }
0x336: {  	s12 =	sld [smem:$0x7E5];
	[sflag:s3] =	ssyncadd.s32 $0xFFFFE000  }
0x337: {  	[hbm4b:s5+s2] =	stream.linear.scatter [tilespmem:s6], [sflag:$0x1], $0x2000, $0x38;
	[tilespmem:$0x1C000] =	vst v63  }
0x338: {  	_ = 	snop  }
0x339: {  	[hbm4b:s12+s9] =	stream.linear.scatter @!p3 [tilespmem:s15], [sflag:$0x2], $0x2000, $0x38;
	[tilespmem:$0x1C000] =	vst v63  }
0x33a: {  	_ =	swait.ge @!p3 [sflag:s17], $0x2000  }
0x33b: {  	s11 =	sld [smem:$0x7E6]  }
0x33c: {  	[sflag:s17] =	ssyncset.done @!p3 $0x0  }
0x33d: {  	s12 =	sld [smem:$0x7E7];
	[sflag:s17] =	ssyncadd.s32 @!p3 $0xFFFFE000  }
0x33e: {  	[hbm4b:s11+s16] =	stream.linear.scatter @!p0 [tilespmem:s16], [sflag:$0x1], $0x8000, $0x38;
	[tilespmem:$0x1C000] =	vst v63  }
0x33f: {  	s7 =	smov.u32 s9;
	s9 =	simm.s32 @!p0 $0xA000  }
0x340: {  	[hbm4b:s12+s16] =	stream.linear.scatter @!p0 [tilespmem:s9], [sflag:$0x1], $0x2000, $0x38;
	[tilespmem:$0x1C000] =	vst v63  }
0x341: {  	_ =	swait.ge @!p0 [sflag:s23], $0x8000  }
0x342: {  	[sflag:s23] =	ssyncset.done @!p0 $0x0  }
0x343: {  	[sflag:s23] =	ssyncadd.s32 @!p0 $0xFFFF8000  }
0x344: {  	_ =	swait.ge @!p0 [sflag:s23], $0x2000  }
0x345: {  	s11 =	sld [smem:$0x7E8]  }
0x346: {  	[sflag:s23] =	ssyncset.done @!p0 $0x0  }
0x347: {  	s12 =	sld [smem:$0x7E9];
	[sflag:s23] =	ssyncadd.s32 @!p0 $0xFFFFE000  }
0x348: {  	[hbm4b:s11+s26] =	stream.linear.scatter @p2 [tilespmem:s26], [sflag:$0x1], $0x8000, $0x38;
	[tilespmem:$0x1C000] =	vst v63  }
0x349: {  	s5 =	simm.s32 @p2 $0xA000  }
0x34a: {  	[hbm4b:s12+s26] =	stream.linear.scatter @p2 [tilespmem:s5], [sflag:$0x1], $0x2000, $0x38;
	[tilespmem:$0x1C000] =	vst v63  }
0x34b: {  	_ =	swait.ge @p2 [sflag:s29], $0x8000  }
0x34c: {  	[sflag:s29] =	ssyncset.done @p2 $0x0  }
0x34d: {  	[sflag:s29] =	ssyncadd.s32 @p2 $0xFFFF8000  }
0x34e: {  	_ =	swait.ge @p2 [sflag:s29], $0x2000  }
0x34f: {  	[sflag:s29] =	ssyncset.done @p2 $0x0  }
0x350: {  	[sflag:s29] =	ssyncadd.s32 @p2 $0xFFFFE000  }
0x351: {  	_ =	swait.ge [sflag:s3], $0x4000  }
0x352: {  	s6 =	sld [smem:$0x7EA]  }
0x353: {  	[sflag:s3] =	ssyncset.done $0x0  }
0x354: {  	[sflag:s3] =	ssyncadd.s32 $0xFFFFC000  }
0x355: {  	[hbm4b:s6+s2] =	stream.linear.scatter [tilespmem:s2], [sflag:$0x1], $0xA000, $0x38;
	[tilespmem:$0x1C000] =	vst v63  }
0x356: {  	_ =	swait.ge [sflag:s3], $0x6000  }
0x357: {  	s9 =	sld [smem:$0x7EB]  }
0x358: {  	[sflag:s3] =	ssyncset.done $0x0  }
0x359: {  	[sflag:s3] =	ssyncadd.s32 $0xFFFFA000  }
0x35a: {  	[hbm4b:s9+s2] =	stream.linear.scatter [tilespmem:s4], [sflag:$0x1], $0x2000, $0x38;
	[tilespmem:$0x1C000] =	vst v63  }
0x35b: {  	_ =	swait.ge [sflag:s3], $0x2000  }
0x35c: {  	s12 =	sld [smem:$0x7EC]  }
0x35d: {  	[sflag:s3] =	ssyncset.done $0x0  }
0x35e: {  	[sflag:s3] =	ssyncadd.s32 $0xFFFFE000  }
0x35f: {  	[hbm4b:s12+s2] =	stream.linear.scatter [tilespmem:s2], [sflag:$0x1], $0xA000, $0x38;
	[tilespmem:$0x1C000] =	vst v63  }
0x360: {  	_ =	swait.ge [sflag:s3], $0x4000  }
0x361: {  	s10 =	smov.u32 s15;
	s15 =	sld [smem:$0x7ED]  }
0x362: {  	[sflag:s3] =	ssyncset.done $0x0  }
0x363: {  	[sflag:s3] =	ssyncadd.s32 $0xFFFFC000  }
0x364: {  	[hbm4b:s15+s2] =	stream.linear.scatter [tilespmem:s0], [sflag:$0x1], $0x2000, $0x38;
	[tilespmem:$0x1C000] =	vst v63  }
0x365: {  	_ =	swait.ge [sflag:s3], $0x6000  }
0x366: {  	s16 =	sld [smem:$0x7EE]  }
0x367: {  	[sflag:s3] =	ssyncset.done $0x0  }
0x368: {  	[sflag:s3] =	ssyncadd.s32 $0xFFFFA000  }
0x369: {  	[hbm4b:s16+s2] =	stream.linear.scatter [tilespmem:s2], [sflag:$0x1], $0xA000, $0x38;
	[tilespmem:$0x1C000] =	vst v63  }
0x36a: {  	_ =	swait.ge [sflag:s3], $0x2000  }
0x36b: {  	s18 =	sld [smem:$0x7EF]  }
0x36c: {  	[sflag:s3] =	ssyncset.done $0x0  }
0x36d: {  	s12 =	sld [smem:$0x7F0];
	[sflag:s3] =	ssyncadd.s32 $0xFFFFE000  }
0x36e: {  	[hbm4b:s18+s2] =	stream.linear.scatter [tilespmem:s22], [sflag:$0x1], $0x2000, $0x38;
	[tilespmem:$0x1C000] =	vst v63  }
0x36f: {  	_ = 	snop  }
0x370: {  	[hbm4b:s12+s13] =	stream.linear.scatter @!p6 [tilespmem:s1], [sflag:$0x2], $0x2000, $0x38;
	[tilespmem:$0x1C000] =	vst v63  }
0x371: {  	_ =	swait.ge @!p6 [sflag:s20], $0x2000  }
0x372: {  	s11 =	sld [smem:$0x7F1]  }
0x373: {  	[sflag:s20] =	ssyncset.done @!p6 $0x0  }
0x374: {  	[sflag:s20] =	ssyncadd.s32 @!p6 $0xFFFFE000  }
0x375: {  	[hbm4b:s11+s19] =	stream.linear.scatter @!p1 [tilespmem:s19], [sflag:$0x1], $0xA000, $0x38;
	[tilespmem:$0x1C000] =	vst v63  }
0x376: {  	_ =	swait.ge @!p1 [sflag:s28], $0xA000  }
0x377: {  	s11 =	sld [smem:$0x7F2]  }
0x378: {  	[sflag:s28] =	ssyncset.done @!p1 $0x0  }
0x379: {  	[sflag:s28] =	ssyncadd.s32 @!p1 $0xFFFF6000  }
0x37a: {  	[hbm4b:s11+s31] =	stream.linear.scatter @p4 [tilespmem:s31], [sflag:$0x1], $0xA000, $0x38;
	[tilespmem:$0x1C000] =	vst v63  }
0x37b: {  	_ =	swait.ge @p4 [sflag:s30], $0xA000  }
0x37c: {  	[sflag:s30] =	ssyncset.done @p4 $0x0  }
0x37d: {  	[sflag:s30] =	ssyncadd.s32 @p4 $0xFFFF6000  }
0x37e: {  	_ =	swait.ge [sflag:s3], $0x4000  }
0x37f: {  	[sflag:s3] =	ssyncset.done $0x0  }
0x380: {  	[sflag:s3] =	ssyncadd.s32 $0xFFFFC000  }
0x381: {  	_ =	swait.ge [sflag:s3], $0x8000  }
0x382: {  	[sflag:s3] =	ssyncset.done $0x0  }
0x383: {  	[sflag:s3] =	ssyncadd.s32 $0xFFFF8000  }
0x384: {  	_ =	swait.ge [sflag:s3], $0x2000  }
0x385: {  	[sflag:s3] =	ssyncset.done $0x0  }
0x386: {  	[sflag:s3] =	ssyncadd.s32 $0xFFFFE000  }
0x387: {  	_ =	swait.ge [sflag:s3], $0x2000  }
0x388: {  	[sflag:s3] =	ssyncset.done $0x0  }
0x389: {  	[sflag:s3] =	ssyncadd.s32 $0xFFFFE000  }
0x38a: {  	_ =	swait.ge [sflag:s3], $0x8000  }
0x38b: {  	[sflag:s3] =	ssyncset.done $0x0  }
0x38c: {  	[sflag:s3] =	ssyncadd.s32 $0xFFFF8000  }
0x38d: {  	_ =	swait.ge [sflag:s3], $0x2000  }
0x38e: {  	[sflag:s3] =	ssyncset.done $0x0  }
0x38f: {  	[sflag:s3] =	ssyncadd.s32 $0xFFFFE000  }
0x390: {  	_ =	swait.ge [sflag:s3], $0x2000  }
0x391: {  	[sflag:s3] =	ssyncset.done $0x0  }
0x392: {  	[sflag:s3] =	ssyncadd.s32 $0xFFFFE000  }
0x393: {  	_ =	swait.ge [sflag:s3], $0x8000  }
0x394: {  	[sflag:s3] =	ssyncset.done $0x0  }
0x395: {  	[sflag:s3] =	ssyncadd.s32 $0xFFFF8000  }
0x396: {  	_ =	swait.ge [sflag:s3], $0x2000  }
0x397: {  	[sflag:s3] =	ssyncset.done $0x0  }
0x398: {  	[sflag:s3] =	ssyncadd.s32 $0xFFFFE000  }
0x399: {  	_ =	swait.ge [sflag:s3], $0x2000  }
0x39a: {  	[sflag:s3] =	ssyncset.done $0x0  }
0x39b: {  	[sflag:s3] =	ssyncadd.s32 $0xFFFFE000  }
0x39c: {  	_ =	swait.ge [sflag:s3], $0xA000  }
0x39d: {  	[sflag:s3] =	ssyncset.done $0x0  }
0x39e: {  	[sflag:s3] =	ssyncadd.s32 $0xFFFF6000  }
0x39f: {  	_ =	swait.ge [sflag:s3], $0x2000  }
0x3a0: {  	[sflag:s3] =	ssyncset.done $0x0  }
0x3a1: {  	[sflag:s3] =	ssyncadd.s32 $0xFFFFE000  }
0x3a2: {  	_ =	swait.ge [sflag:s3], $0xA000  }
0x3a3: {  	[sflag:s3] =	ssyncset.done $0x0  }
0x3a4: {  	[sflag:s3] =	ssyncadd.s32 $0xFFFF6000  }
0x3a5: {  	_ =	swait.ge [sflag:s3], $0x2000  }
0x3a6: {  	[sflag:s3] =	ssyncset.done $0x0  }
0x3a7: {  	[sflag:s3] =	ssyncadd.s32 $0xFFFFE000  }
0x3a8: {  	_ =	swait.ge [sflag:s3], $0xA000  }
0x3a9: {  	[sflag:s3] =	ssyncset.done $0x0  }
0x3aa: {  	[sflag:s3] =	ssyncadd.s32 $0xFFFF6000  }
0x3ab: {  	_ =	swait.ge [sflag:s3], $0x2000  }
0x3ac: {  	s25 =	sld [smem:$0x7B3];
	_ =	sdelay $0x2  }
0x3ad: {  	p5 =	seq.s32 s25, $0x1  }
.Ltmp2:
0x3ae: {  	_ = 	snop;
	(pc) =	sbr.rel @p5 .LBB2_4-.Ltmp2, $3  }
0x3af: {  	_ =	sdelay $0x1  }
0x3b0: {  	s26 =	smov.u32 s13  }
0x3b1: {  	s16 =	smov.u32 s1;
	s11 =	rddreg [dreg:$0x3];
	[sflag:s3] =	ssyncset.done $0x0  }
0x3b2: {  	s0 =	sld [smem:$0x7F9]  }
0x3b3: {  	s31 =	sld [smem:$0x7FA]  }
0x3b4: {  	s23 =	rddreg [dreg:$0x2];
	s24 =	stileid.u32;
	s28 =	simm.s32 $0x8000  }
0x3b5: {  	s29 =	simm.s32 $0x6000;
	s13 =	simm.s32 $0x4000;
	s4 =	simm.s32 $0x2000  }
0x3b6: {  	s7 =	simm.s32 $0x10000;
	s26 =	simm.s32 $0xE000;
	s10 =	simm.s32 $0xC000  }
0x3b7: {  	p1 =	por $0x1, $0x1;
	p0 =	seq.s32 s0, $0x1;
	p2 =	seq.s32 s31, $0x1  }
.LBB2_6:
0x3b8: {  	[sflag:s3] =	ssyncadd.s32 @p1 $0xFFFFE000  }
0x3b9: {  	[tilespmem:s2], [sflag:$0x1] =	stream.linear.gather [hbm4b:s11+s2], $0xC000, $0x38;
	[tilespmem:$0x1C000] =	vst v63  }
0x3ba: {  	s0 =	rddreg [dreg:$0x4]  }
0x3bb: {  	[tilespmem:s10], [sflag:$0x1] =	stream.linear.gather [hbm4b:s0+s2], $0x2000, $0x38;
	[tilespmem:$0x1C000] =	vst v63  }
0x3bc: {  	s1 =	rddreg [dreg:$0x5]  }
0x3bd: {  	[tilespmem:s26], [sflag:$0x1] =	stream.linear.gather [hbm4b:s1+s2], $0x2000, $0x38;
	[tilespmem:$0x1C000] =	vst v63  }
0x3be: {  	s8 =	rddreg [dreg:$0x6];
	s16 =	simm.s32 @!p3 $0x0  }
0x3bf: {  	[tilespmem:s7], [sflag:$0x1] =	stream.linear.gather [hbm4b:s8+s2], $0x2000, $0x38;
	[tilespmem:$0x1C000] =	vst v63  }
0x3c0: {  	s17 =	simm.s32 @!p3 $0x12000;
	s15 =	simm.s32 @!p3 $0x2;
	s1 =	rddreg [dreg:$0x7]  }
0x3c1: {  	[tilespmem:s17], [sflag:$0x2] =	stream.linear.gather @!p3 [hbm4b:s1+s16], $0x2000, $0x38;
	[tilespmem:$0x1C000] =	vst v63  }
0x3c2: {  	_ =	swait.ge @!p3 [sflag:s15], $0x2000  }
0x3c3: {  	[sflag:s15] =	ssyncset.done @!p3 $0x0  }
0x3c4: {  	s6 =	simm.s32 $0x14000;
	s9 =	rddreg [dreg:$0x8];
	[sflag:s15] =	ssyncadd.s32 @!p3 $0xFFFFE000  }
0x3c5: {  	[tilespmem:s6], [sflag:$0x1] =	stream.linear.gather [hbm4b:s9+s2], $0x2000, $0x38;
	[tilespmem:$0x1C000] =	vst v63  }
0x3c6: {  	s5 =	simm.s32 $0x16000;
	s11 =	rddreg [dreg:$0x9]  }
0x3c7: {  	[tilespmem:s5], [sflag:$0x1] =	stream.linear.gather [hbm4b:s11+s2], $0x2000, $0x38;
	[tilespmem:$0x1C000] =	vst v63  }
0x3c8: {  	s25 =	simm.s32 $0x18000;
	s0 =	simm.s32 @!p6 $0x2;
	s12 =	rddreg [dreg:$0xa]  }
0x3c9: {  	[tilespmem:s25], [sflag:$0x1] =	stream.linear.gather [hbm4b:s12+s2], $0x2000, $0x38;
	[tilespmem:$0x1C000] =	vst v63  }
0x3ca: {  	s8 =	simm.s32 @!p6 $0x1A000;
	s1 =	simm.s32 @!p6 $0x0;
	s11 =	rddreg [dreg:$0xb]  }
0x3cb: {  	[tilespmem:s8], [sflag:$0x2] =	stream.linear.gather @!p6 [hbm4b:s11+s1], $0x2000, $0x38;
	[tilespmem:$0x1C000] =	vst v63  }
0x3cc: {  	_ =	swait.ge @!p6 [sflag:s0], $0x2000  }
0x3cd: {  	[sflag:s0] =	ssyncset.done @!p6 $0x0  }
0x3ce: {  	[sflag:s0] =	ssyncadd.s32 @!p6 $0xFFFFE000  }
0x3cf: {  	_ =	swait.ge [sflag:s3], $0xC000  }
0x3d0: {  	[sflag:s3] =	ssyncset.done $0x0  }
0x3d1: {  	[sflag:s3] =	ssyncadd.s32 $0xFFFF4000  }
0x3d2: {  	_ =	swait.ge [sflag:s3], $0x2000  }
0x3d3: {  	[sflag:s3] =	ssyncset.done $0x0  }
0x3d4: {  	[sflag:s3] =	ssyncadd.s32 $0xFFFFE000  }
0x3d5: {  	_ =	swait.ge [sflag:s3], $0x2000  }
0x3d6: {  	[sflag:s3] =	ssyncset.done $0x0  }
0x3d7: {  	[sflag:s3] =	ssyncadd.s32 $0xFFFFE000  }
0x3d8: {  	_ =	swait.ge [sflag:s3], $0x2000  }
0x3d9: {  	[sflag:s3] =	ssyncset.done $0x0  }
0x3da: {  	[sflag:s3] =	ssyncadd.s32 $0xFFFFE000  }
0x3db: {  	_ =	swait.ge [sflag:s3], $0x2000  }
0x3dc: {  	[sflag:s3] =	ssyncset.done $0x0  }
0x3dd: {  	[sflag:s3] =	ssyncadd.s32 $0xFFFFE000  }
0x3de: {  	_ =	swait.ge [sflag:s3], $0x2000  }
0x3df: {  	[sflag:s3] =	ssyncset.done $0x0  }
0x3e0: {  	[sflag:s3] =	ssyncadd.s32 $0xFFFFE000  }
0x3e1: {  	_ =	swait.ge [sflag:s3], $0x2000  }
0x3e2: {  	s18 =	simm.s32 @!p2 $0x2;
	[sflag:s3] =	ssyncset.done $0x0  }
0x3e3: {  	s12 =	simm.s32 @!p2 $0x0;
	s11 =	rddreg [dreg:$0xc];
	[sflag:s3] =	ssyncadd.s32 $0xFFFFE000  }
0x3e4: {  	[hbm4b:s11+s12] =	stream.linear.scatter @!p2 [tilespmem:s12], [sflag:$0x2], $0xC000, $0x38;
	[tilespmem:$0x1C000] =	vst v63  }
0x3e5: {  	_ =	swait.ge @!p2 [sflag:s18], $0xC000  }
0x3e6: {  	s14 =	rddreg [dreg:$0xd]  }
0x3e7: {  	[sflag:s18] =	ssyncset.done @!p2 $0x0;
	s19 =	rddreg [dreg:$0xf]  }
0x3e8: {  	s20 =	rddreg [dreg:$0x10];
	[sflag:s18] =	ssyncadd.s32 @!p2 $0xFFFF4000  }
0x3e9: {  	[hbm4b:s14+s2] =	stream.linear.scatter [tilespmem:s10], [sflag:$0x1], $0x2000, $0x38;
	[tilespmem:$0x1C000] =	vst v63  }
0x3ea: {  	s18 =	rddreg [dreg:$0xe]  }
0x3eb: {  	[hbm4b:s18+s2] =	stream.linear.scatter [tilespmem:s4], [sflag:$0x1], $0xA000, $0x38;
	[tilespmem:$0x1C000] =	vst v63  }
0x3ec: {  	s21 =	rddreg [dreg:$0x11]  }
0x3ed: {  	[hbm4b:s19+s2] =	stream.linear.scatter [tilespmem:s26], [sflag:$0x1], $0x2000, $0x38;
	[tilespmem:$0x1C000] =	vst v63  }
0x3ee: {  	s30 =	sld [smem:$0x7F7]  }
0x3ef: {  	[hbm4b:s20+s2] =	stream.linear.scatter [tilespmem:s4], [sflag:$0x1], $0xA000, $0x38;
	[tilespmem:$0x1C000] =	vst v63  }
0x3f0: {  	s22 =	rddreg [dreg:$0x12]  }
0x3f1: {  	[hbm4b:s21+s2] =	stream.linear.scatter [tilespmem:s7], [sflag:$0x1], $0x2000, $0x38;
	[tilespmem:$0x1C000] =	vst v63  }
0x3f2: {  	s11 =	sld [smem:$0x7F3];
	p1 =	seq.s32 s30, $0x1  }
0x3f3: {  	[hbm4b:s22+s2] =	stream.linear.scatter [tilespmem:s4], [sflag:$0x1], $0xA000, $0x38;
	[tilespmem:$0x1C000] =	vst v63  }
0x3f4: {  	s12 =	simm.s32 @p1 $0x0;
	s14 =	simm.s32 @p1 $0x2000;
	s18 =	simm.s32 @p1 $0x1  }
0x3f5: {  	[hbm4b:s11+s12] =	stream.linear.scatter @p1 [tilespmem:s14], [sflag:$0x1], $0xA000, $0x38;
	[tilespmem:$0x1C000] =	vst v63  }
0x3f6: {  	_ =	swait.ge @p1 [sflag:s18], $0xA000  }
0x3f7: {  	s31 =	sld [smem:$0x7F6];
	_ =	sdelay $0x1  }
0x3f8: {  	[sflag:s18] =	ssyncset.done @p1 $0x0  }
0x3f9: {  	s11 =	rddreg [dreg:$0x13];
	[sflag:s18] =	ssyncadd.s32 @p1 $0xFFFF6000;
	p2 =	seq.s32 s31, $0x1  }
0x3fa: {  	s12 =	simm.s32 @!p2 $0x2;
	s14 =	simm.s32 @!p2 $0x0;
	s18 =	simm.s32 @!p2 $0x12000  }
0x3fb: {  	[hbm4b:s11+s14] =	stream.linear.scatter @!p2 [tilespmem:s18], [sflag:$0x2], $0x2000, $0x38;
	[tilespmem:$0x1C000] =	vst v63  }
0x3fc: {  	_ =	swait.ge @!p2 [sflag:s12], $0x2000  }
0x3fd: {  	[sflag:s12] =	ssyncset.done @!p2 $0x0  }
0x3fe: {  	s9 =	rddreg [dreg:$0x14];
	[sflag:s12] =	ssyncadd.s32 @!p2 $0xFFFFE000  }
0x3ff: {  	[hbm4b:s9+s2] =	stream.linear.scatter [tilespmem:s2], [sflag:$0x1], $0x2000, $0x38;
	[tilespmem:$0x1C000] =	vst v63  }
0x400: {  	s14 =	rddreg [dreg:$0x15]  }
0x401: {  	[hbm4b:s14+s2] =	stream.linear.scatter [tilespmem:s6], [sflag:$0x1], $0x2000, $0x38;
	[tilespmem:$0x1C000] =	vst v63  }
0x402: {  	s18 =	rddreg [dreg:$0x16]  }
0x403: {  	[hbm4b:s18+s2] =	stream.linear.scatter [tilespmem:s13], [sflag:$0x1], $0x8000, $0x38;
	[tilespmem:$0x1C000] =	vst v63  }
0x404: {  	s19 =	rddreg [dreg:$0x17]  }
0x405: {  	[hbm4b:s19+s2] =	stream.linear.scatter [tilespmem:s2], [sflag:$0x1], $0x2000, $0x38;
	[tilespmem:$0x1C000] =	vst v63  }
0x406: {  	s20 =	rddreg [dreg:$0x18]  }
0x407: {  	[hbm4b:s20+s2] =	stream.linear.scatter [tilespmem:s5], [sflag:$0x1], $0x2000, $0x38;
	[tilespmem:$0x1C000] =	vst v63  }
0x408: {  	s21 =	rddreg [dreg:$0x19]  }
0x409: {  	[hbm4b:s21+s2] =	stream.linear.scatter [tilespmem:s13], [sflag:$0x1], $0x8000, $0x38;
	[tilespmem:$0x1C000] =	vst v63  }
0x40a: {  	s22 =	rddreg [dreg:$0x1a]  }
0x40b: {  	[hbm4b:s22+s2] =	stream.linear.scatter [tilespmem:s2], [sflag:$0x1], $0x2000, $0x38;
	[tilespmem:$0x1C000] =	vst v63  }
0x40c: {  	s30 =	rddreg [dreg:$0x1b]  }
0x40d: {  	[hbm4b:s30+s2] =	stream.linear.scatter [tilespmem:s25], [sflag:$0x1], $0x2000, $0x38;
	[tilespmem:$0x1C000] =	vst v63  }
0x40e: {  	s31 =	rddreg [dreg:$0x1c]  }
0x40f: {  	[hbm4b:s31+s2] =	stream.linear.scatter [tilespmem:s13], [sflag:$0x1], $0x8000, $0x38;
	[tilespmem:$0x1C000] =	vst v63  }
0x410: {  	s12 =	rddreg [dreg:$0x1d]  }
0x411: {  	[hbm4b:s12+s1] =	stream.linear.scatter @!p6 [tilespmem:s8], [sflag:$0x2], $0x2000, $0x38;
	[tilespmem:$0x1C000] =	vst v63  }
0x412: {  	_ =	swait.ge @!p6 [sflag:s0], $0x2000  }
0x413: {  	s11 =	sld [smem:$0x7F5]  }
0x414: {  	[sflag:s0] =	ssyncset.done @!p6 $0x0  }
0x415: {  	s12 =	simm.s32 @!p0 $0x0;
	s13 =	sld [smem:$0x7F4];
	[sflag:s0] =	ssyncadd.s32 @!p6 $0xFFFFE000  }
0x416: {  	[hbm4b:s11+s12] =	stream.linear.scatter @!p0 [tilespmem:s12], [sflag:$0x1], $0x2000, $0x38;
	[tilespmem:$0x1C000] =	vst v63  }
0x417: {  	s14 =	simm.s32 @!p0 $0x1;
	s11 =	simm.s32 @!p0 $0x4000  }
0x418: {  	[hbm4b:s13+s12] =	stream.linear.scatter @!p0 [tilespmem:s11], [sflag:$0x1], $0x8000, $0x38;
	[tilespmem:$0x1C000] =	vst v63  }
0x419: {  	_ =	swait.ge @!p0 [sflag:s14], $0x2000  }
0x41a: {  	[sflag:s14] =	ssyncset.done @!p0 $0x0  }
0x41b: {  	[sflag:s14] =	ssyncadd.s32 @!p0 $0xFFFFE000  }
0x41c: {  	_ =	swait.ge @!p0 [sflag:s14], $0x8000  }
0x41d: {  	[sflag:s14] =	ssyncset.done @!p0 $0x0  }
0x41e: {  	s4 =	rddreg [dreg:$0x1e];
	[sflag:s14] =	ssyncadd.s32 @!p0 $0xFFFF8000  }
0x41f: {  	[hbm4b:s4+s2] =	stream.linear.scatter [tilespmem:s2], [sflag:$0x1], $0x4000, $0x38;
	[tilespmem:$0x1C000] =	vst v63  }
0x420: {  	_ =	swait.ge [sflag:s3], $0x2000  }
0x421: {  	[sflag:s3] =	ssyncset.done $0x0  }
0x422: {  	s9 =	rddreg [dreg:$0x1f];
	[sflag:s3] =	ssyncadd.s32 $0xFFFFE000  }
0x423: {  	[hbm4b:s9+s2] =	stream.linear.scatter [tilespmem:s10], [sflag:$0x1], $0x2000, $0x38;
	[tilespmem:$0x1C000] =	vst v63  }
0x424: {  	_ =	swait.ge [sflag:s3], $0xA000  }
0x425: {  	s12 =	sld [smem:$0x7C2]  }
0x426: {  	[sflag:s3] =	ssyncset.done $0x0  }
0x427: {  	[sflag:s3] =	ssyncadd.s32 $0xFFFF6000  }
0x428: {  	[hbm4b:s12+s2] =	stream.linear.scatter [tilespmem:s29], [sflag:$0x1], $0x6000, $0x38;
	[tilespmem:$0x1C000] =	vst v63  }
0x429: {  	_ =	swait.ge [sflag:s3], $0x2000  }
0x42a: {  	s13 =	sld [smem:$0x7C3]  }
0x42b: {  	[sflag:s3] =	ssyncset.done $0x0  }
0x42c: {  	[sflag:s3] =	ssyncadd.s32 $0xFFFFE000  }
0x42d: {  	[hbm4b:s13+s2] =	stream.linear.scatter [tilespmem:s2], [sflag:$0x1], $0x4000, $0x38;
	[tilespmem:$0x1C000] =	vst v63  }
0x42e: {  	_ =	swait.ge [sflag:s3], $0xA000  }
0x42f: {  	s14 =	sld [smem:$0x7C4]  }
0x430: {  	[sflag:s3] =	ssyncset.done $0x0  }
0x431: {  	[sflag:s3] =	ssyncadd.s32 $0xFFFF6000  }
0x432: {  	[hbm4b:s14+s2] =	stream.linear.scatter [tilespmem:s26], [sflag:$0x1], $0x2000, $0x38;
	[tilespmem:$0x1C000] =	vst v63  }
0x433: {  	_ =	swait.ge [sflag:s3], $0x2000  }
0x434: {  	s18 =	sld [smem:$0x7C5]  }
0x435: {  	[sflag:s3] =	ssyncset.done $0x0  }
0x436: {  	[sflag:s3] =	ssyncadd.s32 $0xFFFFE000  }
0x437: {  	[hbm4b:s18+s2] =	stream.linear.scatter [tilespmem:s29], [sflag:$0x1], $0x6000, $0x38;
	[tilespmem:$0x1C000] =	vst v63  }
0x438: {  	_ =	swait.ge [sflag:s3], $0xA000  }
0x439: {  	s19 =	sld [smem:$0x7C6]  }
0x43a: {  	[sflag:s3] =	ssyncset.done $0x0  }
0x43b: {  	[sflag:s3] =	ssyncadd.s32 $0xFFFF6000  }
0x43c: {  	[hbm4b:s19+s2] =	stream.linear.scatter [tilespmem:s2], [sflag:$0x1], $0x4000, $0x38;
	[tilespmem:$0x1C000] =	vst v63  }
0x43d: {  	_ =	swait.ge [sflag:s3], $0x2000  }
0x43e: {  	s20 =	sld [smem:$0x7C7]  }
0x43f: {  	[sflag:s3] =	ssyncset.done $0x0  }
0x440: {  	[sflag:s3] =	ssyncadd.s32 $0xFFFFE000  }
0x441: {  	[hbm4b:s20+s2] =	stream.linear.scatter [tilespmem:s7], [sflag:$0x1], $0x2000, $0x38;
	[tilespmem:$0x1C000] =	vst v63  }
0x442: {  	_ =	swait.ge [sflag:s3], $0x2000  }
0x443: {  	s21 =	sld [smem:$0x7C8]  }
0x444: {  	[sflag:s3] =	ssyncset.done $0x0  }
0x445: {  	s12 =	sld [smem:$0x7C9];
	[sflag:s3] =	ssyncadd.s32 $0xFFFFE000  }
0x446: {  	[hbm4b:s21+s2] =	stream.linear.scatter [tilespmem:s29], [sflag:$0x1], $0x6000, $0x38;
	[tilespmem:$0x1C000] =	vst v63  }
0x447: {  	_ = 	snop  }
0x448: {  	[hbm4b:s12+s16] =	stream.linear.scatter @!p3 [tilespmem:s17], [sflag:$0x2], $0x2000, $0x38;
	[tilespmem:$0x1C000] =	vst v63  }
0x449: {  	_ =	swait.ge @!p3 [sflag:s15], $0x2000  }
0x44a: {  	s22 =	sld [smem:$0x7FC];
	_ =	sdelay $0x1  }
0x44b: {  	s11 =	sld [smem:$0x7CA]  }
0x44c: {  	[sflag:s15] =	ssyncset.done @!p3 $0x0;
	p0 =	seq.s32 s22, $0x1  }
0x44d: {  	s14 =	sld [smem:$0x7CB];
	[sflag:s15] =	ssyncadd.s32 @!p3 $0xFFFFE000;
	s13 =	simm.s32 @!p0 $0x0  }
0x44e: {  	[hbm4b:s11+s13] =	stream.linear.scatter @!p0 [tilespmem:s13], [sflag:$0x1], $0x4000, $0x38;
	[tilespmem:$0x1C000] =	vst v63  }
0x44f: {  	s12 =	simm.s32 @!p0 $0x1;
	s11 =	simm.s32 @!p0 $0x6000  }
0x450: {  	[hbm4b:s14+s13] =	stream.linear.scatter @!p0 [tilespmem:s11], [sflag:$0x1], $0x6000, $0x38;
	[tilespmem:$0x1C000] =	vst v63  }
0x451: {  	_ =	swait.ge @!p0 [sflag:s12], $0x4000  }
0x452: {  	[sflag:s12] =	ssyncset.done @!p0 $0x0  }
0x453: {  	[sflag:s12] =	ssyncadd.s32 @!p0 $0xFFFFC000  }
0x454: {  	_ =	swait.ge @!p0 [sflag:s12], $0x6000  }
0x455: {  	s29 =	sld [smem:$0x7F8];
	_ =	sdelay $0x2  }
0x456: {  	p5 =	por $0x0, $0x0;
	p4 =	por @!p2 $0x0, $0x0;
	p2 =	seq.s32 s29, $0x1  }
0x457: {  	s11 =	sld [smem:$0x7CC];
	p4 =	por @!p2 p5, p5;
	p2 =	por p0, p0  }
0x458: {  	[sflag:s12] =	ssyncset.done @!p0 $0x0;
	p2 =	por @!p1 p4, p4  }
0x459: {  	s19 =	sld [smem:$0x7CD];
	[sflag:s12] =	ssyncadd.s32 @!p0 $0xFFFFA000;
	s18 =	simm.s32 @p2 $0x0  }
0x45a: {  	[hbm4b:s11+s18] =	stream.linear.scatter @p2 [tilespmem:s18], [sflag:$0x1], $0x4000, $0x38;
	[tilespmem:$0x1C000] =	vst v63  }
0x45b: {  	s14 =	simm.s32 @p2 $0x1;
	s11 =	simm.s32 @p2 $0x6000  }
0x45c: {  	[hbm4b:s19+s18] =	stream.linear.scatter @p2 [tilespmem:s11], [sflag:$0x1], $0x6000, $0x38;
	[tilespmem:$0x1C000] =	vst v63  }
0x45d: {  	_ =	swait.ge @p2 [sflag:s14], $0x4000  }
0x45e: {  	[sflag:s14] =	ssyncset.done @p2 $0x0  }
0x45f: {  	[sflag:s14] =	ssyncadd.s32 @p2 $0xFFFFC000  }
0x460: {  	_ =	swait.ge @p2 [sflag:s14], $0x6000  }
0x461: {  	[sflag:s14] =	ssyncset.done @p2 $0x0  }
0x462: {  	[sflag:s14] =	ssyncadd.s32 @p2 $0xFFFFA000  }
0x463: {  	_ =	swait.ge [sflag:s3], $0x8000  }
0x464: {  	s30 =	sld [smem:$0x7CE]  }
0x465: {  	[sflag:s3] =	ssyncset.done $0x0  }
0x466: {  	[sflag:s3] =	ssyncadd.s32 $0xFFFF8000  }
0x467: {  	[hbm4b:s30+s2] =	stream.linear.scatter [tilespmem:s2], [sflag:$0x1], $0x6000, $0x38;
	[tilespmem:$0x1C000] =	vst v63  }
0x468: {  	_ =	swait.ge [sflag:s3], $0x2000  }
0x469: {  	s31 =	sld [smem:$0x7CF]  }
0x46a: {  	[sflag:s3] =	ssyncset.done $0x0  }
0x46b: {  	[sflag:s3] =	ssyncadd.s32 $0xFFFFE000  }
0x46c: {  	[hbm4b:s31+s2] =	stream.linear.scatter [tilespmem:s6], [sflag:$0x1], $0x2000, $0x38;
	[tilespmem:$0x1C000] =	vst v63  }
0x46d: {  	_ =	swait.ge [sflag:s3], $0x2000  }
0x46e: {  	s4 =	sld [smem:$0x7D0]  }
0x46f: {  	[sflag:s3] =	ssyncset.done $0x0  }
0x470: {  	[sflag:s3] =	ssyncadd.s32 $0xFFFFE000  }
0x471: {  	[hbm4b:s4+s2] =	stream.linear.scatter [tilespmem:s28], [sflag:$0x1], $0x4000, $0x38;
	[tilespmem:$0x1C000] =	vst v63  }
0x472: {  	_ =	swait.ge [sflag:s3], $0x8000  }
0x473: {  	s9 =	sld [smem:$0x7D1]  }
0x474: {  	[sflag:s3] =	ssyncset.done $0x0  }
0x475: {  	[sflag:s3] =	ssyncadd.s32 $0xFFFF8000  }
0x476: {  	[hbm4b:s9+s2] =	stream.linear.scatter [tilespmem:s2], [sflag:$0x1], $0x6000, $0x38;
	[tilespmem:$0x1C000] =	vst v63  }
0x477: {  	_ =	swait.ge [sflag:s3], $0x2000  }
0x478: {  	s19 =	sld [smem:$0x7D2]  }
0x479: {  	[sflag:s3] =	ssyncset.done $0x0  }
0x47a: {  	[sflag:s3] =	ssyncadd.s32 $0xFFFFE000  }
0x47b: {  	[hbm4b:s19+s2] =	stream.linear.scatter [tilespmem:s5], [sflag:$0x1], $0x2000, $0x38;
	[tilespmem:$0x1C000] =	vst v63  }
0x47c: {  	_ =	swait.ge [sflag:s3], $0x2000  }
0x47d: {  	s20 =	sld [smem:$0x7D3]  }
0x47e: {  	[sflag:s3] =	ssyncset.done $0x0  }
0x47f: {  	[sflag:s3] =	ssyncadd.s32 $0xFFFFE000  }
0x480: {  	[hbm4b:s20+s2] =	stream.linear.scatter [tilespmem:s28], [sflag:$0x1], $0x4000, $0x38;
	[tilespmem:$0x1C000] =	vst v63  }
0x481: {  	_ =	swait.ge [sflag:s3], $0x8000  }
0x482: {  	s21 =	sld [smem:$0x7D4]  }
0x483: {  	[sflag:s3] =	ssyncset.done $0x0  }
0x484: {  	[sflag:s3] =	ssyncadd.s32 $0xFFFF8000  }
0x485: {  	[hbm4b:s21+s2] =	stream.linear.scatter [tilespmem:s2], [sflag:$0x1], $0x6000, $0x38;
	[tilespmem:$0x1C000] =	vst v63  }
0x486: {  	_ =	swait.ge [sflag:s3], $0x4000  }
0x487: {  	s22 =	sld [smem:$0x7D5]  }
0x488: {  	[sflag:s3] =	ssyncset.done $0x0  }
0x489: {  	[sflag:s3] =	ssyncadd.s32 $0xFFFFC000  }
0x48a: {  	[hbm4b:s22+s2] =	stream.linear.scatter [tilespmem:s25], [sflag:$0x1], $0x2000, $0x38;
	[tilespmem:$0x1C000] =	vst v63  }
0x48b: {  	_ =	swait.ge [sflag:s3], $0x2000  }
0x48c: {  	s29 =	sld [smem:$0x7D6]  }
0x48d: {  	[sflag:s3] =	ssyncset.done $0x0  }
0x48e: {  	s19 =	sld [smem:$0x7D7];
	[sflag:s3] =	ssyncadd.s32 $0xFFFFE000  }
0x48f: {  	[hbm4b:s29+s2] =	stream.linear.scatter [tilespmem:s28], [sflag:$0x1], $0x4000, $0x38;
	[tilespmem:$0x1C000] =	vst v63  }
0x490: {  	_ = 	snop  }
0x491: {  	[hbm4b:s19+s1] =	stream.linear.scatter @!p6 [tilespmem:s8], [sflag:$0x2], $0x2000, $0x38;
	[tilespmem:$0x1C000] =	vst v63  }
0x492: {  	_ =	swait.ge @!p6 [sflag:s0], $0x2000  }
0x493: {  	s30 =	sld [smem:$0x7FD];
	_ =	sdelay $0x1  }
0x494: {  	s19 =	sld [smem:$0x7D8]  }
0x495: {  	[sflag:s0] =	ssyncset.done @!p6 $0x0;
	p1 =	seq.s32 s30, $0x1  }
0x496: {  	s20 =	sld [smem:$0x7D9];
	[sflag:s0] =	ssyncadd.s32 @!p6 $0xFFFFE000;
	s11 =	simm.s32 @!p1 $0x0  }
0x497: {  	[hbm4b:s19+s11] =	stream.linear.scatter @!p1 [tilespmem:s11], [sflag:$0x1], $0x6000, $0x38;
	[tilespmem:$0x1C000] =	vst v63  }
0x498: {  	s21 =	simm.s32 @!p1 $0x8000;
	s19 =	simm.s32 @!p1 $0x1  }
0x499: {  	[hbm4b:s20+s11] =	stream.linear.scatter @!p1 [tilespmem:s21], [sflag:$0x1], $0x4000, $0x38;
	[tilespmem:$0x1C000] =	vst v63  }
0x49a: {  	_ =	swait.ge @!p1 [sflag:s19], $0x6000  }
0x49b: {  	[sflag:s19] =	ssyncset.done @!p1 $0x0  }
0x49c: {  	[sflag:s19] =	ssyncadd.s32 @!p1 $0xFFFFA000  }
0x49d: {  	_ =	swait.ge @!p1 [sflag:s19], $0x4000  }
0x49e: {  	s31 =	sld [smem:$0x7FB];
	_ =	sdelay $0x1  }
0x49f: {  	s21 =	sld [smem:$0x7DA]  }
0x4a0: {  	[sflag:s19] =	ssyncset.done @!p1 $0x0;
	p4 =	seq.s32 s31, $0x1  }
0x4a1: {  	s22 =	sld [smem:$0x7DB];
	[sflag:s19] =	ssyncadd.s32 @!p1 $0xFFFFC000;
	s20 =	simm.s32 @p4 $0x0  }
0x4a2: {  	[hbm4b:s21+s20] =	stream.linear.scatter @p4 [tilespmem:s20], [sflag:$0x1], $0x6000, $0x38;
	[tilespmem:$0x1C000] =	vst v63  }
0x4a3: {  	s21 =	simm.s32 @p4 $0x8000  }
0x4a4: {  	[hbm4b:s22+s20] =	stream.linear.scatter @p4 [tilespmem:s21], [sflag:$0x1], $0x4000, $0x38;
	[tilespmem:$0x1C000] =	vst v63  }
0x4a5: {  	s21 =	simm.s32 @p4 $0x1  }
0x4a6: {  	_ =	swait.ge @p4 [sflag:s21], $0x6000  }
0x4a7: {  	[sflag:s21] =	ssyncset.done @p4 $0x0  }
0x4a8: {  	[sflag:s21] =	ssyncadd.s32 @p4 $0xFFFFA000  }
0x4a9: {  	_ =	swait.ge @p4 [sflag:s21], $0x4000  }
0x4aa: {  	[sflag:s21] =	ssyncset.done @p4 $0x0  }
0x4ab: {  	[sflag:s21] =	ssyncadd.s32 @p4 $0xFFFFC000  }
0x4ac: {  	_ =	swait.ge [sflag:s3], $0x6000  }
0x4ad: {  	s4 =	sld [smem:$0x7DC]  }
0x4ae: {  	[sflag:s3] =	ssyncset.done $0x0  }
0x4af: {  	[sflag:s3] =	ssyncadd.s32 $0xFFFFA000  }
0x4b0: {  	[hbm4b:s4+s2] =	stream.linear.scatter [tilespmem:s2], [sflag:$0x1], $0x8000, $0x38;
	[tilespmem:$0x1C000] =	vst v63  }
0x4b1: {  	_ =	swait.ge [sflag:s3], $0x4000  }
0x4b2: {  	s9 =	sld [smem:$0x7DD]  }
0x4b3: {  	[sflag:s3] =	ssyncset.done $0x0  }
0x4b4: {  	[sflag:s3] =	ssyncadd.s32 $0xFFFFC000  }
0x4b5: {  	[hbm4b:s9+s2] =	stream.linear.scatter [tilespmem:s10], [sflag:$0x1], $0x2000, $0x38;
	[tilespmem:$0x1C000] =	vst v63  }
0x4b6: {  	_ =	swait.ge [sflag:s3], $0x2000  }
0x4b7: {  	s22 =	sld [smem:$0x7DE]  }
0x4b8: {  	[sflag:s3] =	ssyncset.done $0x0  }
0x4b9: {  	s28 =	simm.s32 $0xA000;
	[sflag:s3] =	ssyncadd.s32 $0xFFFFE000  }
0x4ba: {  	[hbm4b:s22+s2] =	stream.linear.scatter [tilespmem:s28], [sflag:$0x1], $0x2000, $0x38;
	[tilespmem:$0x1C000] =	vst v63  }
0x4bb: {  	_ =	swait.ge [sflag:s3], $0x6000  }
0x4bc: {  	s29 =	sld [smem:$0x7DF]  }
0x4bd: {  	[sflag:s3] =	ssyncset.done $0x0  }
0x4be: {  	[sflag:s3] =	ssyncadd.s32 $0xFFFFA000  }
0x4bf: {  	[hbm4b:s29+s2] =	stream.linear.scatter [tilespmem:s2], [sflag:$0x1], $0x8000, $0x38;
	[tilespmem:$0x1C000] =	vst v63  }
0x4c0: {  	_ =	swait.ge [sflag:s3], $0x4000  }
0x4c1: {  	s30 =	sld [smem:$0x7E0]  }
0x4c2: {  	[sflag:s3] =	ssyncset.done $0x0  }
0x4c3: {  	[sflag:s3] =	ssyncadd.s32 $0xFFFFC000  }
0x4c4: {  	[hbm4b:s30+s2] =	stream.linear.scatter [tilespmem:s26], [sflag:$0x1], $0x2000, $0x38;
	[tilespmem:$0x1C000] =	vst v63  }
0x4c5: {  	_ =	swait.ge [sflag:s3], $0x2000  }
0x4c6: {  	s9 =	sld [smem:$0x7E1]  }
0x4c7: {  	[sflag:s3] =	ssyncset.done $0x0  }
0x4c8: {  	[sflag:s3] =	ssyncadd.s32 $0xFFFFE000  }
0x4c9: {  	[hbm4b:s9+s2] =	stream.linear.scatter [tilespmem:s28], [sflag:$0x1], $0x2000, $0x38;
	[tilespmem:$0x1C000] =	vst v63  }
0x4ca: {  	_ =	swait.ge [sflag:s3], $0x6000  }
0x4cb: {  	s31 =	sld [smem:$0x7E2]  }
0x4cc: {  	[sflag:s3] =	ssyncset.done $0x0  }
0x4cd: {  	[sflag:s3] =	ssyncadd.s32 $0xFFFFA000  }
0x4ce: {  	[hbm4b:s31+s2] =	stream.linear.scatter [tilespmem:s2], [sflag:$0x1], $0x8000, $0x38;
	[tilespmem:$0x1C000] =	vst v63  }
0x4cf: {  	_ =	swait.ge [sflag:s3], $0x6000  }
0x4d0: {  	s4 =	sld [smem:$0x7E3]  }
0x4d1: {  	[sflag:s3] =	ssyncset.done $0x0  }
0x4d2: {  	[sflag:s3] =	ssyncadd.s32 $0xFFFFA000  }
0x4d3: {  	[hbm4b:s4+s2] =	stream.linear.scatter [tilespmem:s7], [sflag:$0x1], $0x2000, $0x38;
	[tilespmem:$0x1C000] =	vst v63  }
0x4d4: {  	_ =	swait.ge [sflag:s3], $0x2000  }
0x4d5: {  	s10 =	sld [smem:$0x7E4]  }
0x4d6: {  	[sflag:s3] =	ssyncset.done $0x0  }
0x4d7: {  	s9 =	sld [smem:$0x7E5];
	[sflag:s3] =	ssyncadd.s32 $0xFFFFE000  }
0x4d8: {  	[hbm4b:s10+s2] =	stream.linear.scatter [tilespmem:s28], [sflag:$0x1], $0x2000, $0x38;
	[tilespmem:$0x1C000] =	vst v63  }
0x4d9: {  	_ = 	snop  }
0x4da: {  	[hbm4b:s9+s16] =	stream.linear.scatter @!p3 [tilespmem:s17], [sflag:$0x2], $0x2000, $0x38;
	[tilespmem:$0x1C000] =	vst v63  }
0x4db: {  	_ =	swait.ge @!p3 [sflag:s15], $0x2000  }
0x4dc: {  	s7 =	sld [smem:$0x7E6]  }
0x4dd: {  	[sflag:s15] =	ssyncset.done @!p3 $0x0  }
0x4de: {  	s9 =	sld [smem:$0x7E7];
	[sflag:s15] =	ssyncadd.s32 @!p3 $0xFFFFE000  }
0x4df: {  	[hbm4b:s7+s13] =	stream.linear.scatter @!p0 [tilespmem:s13], [sflag:$0x1], $0x8000, $0x38;
	[tilespmem:$0x1C000] =	vst v63  }
0x4e0: {  	s7 =	simm.s32 @!p0 $0xA000  }
0x4e1: {  	[hbm4b:s9+s13] =	stream.linear.scatter @!p0 [tilespmem:s7], [sflag:$0x1], $0x2000, $0x38;
	[tilespmem:$0x1C000] =	vst v63  }
0x4e2: {  	_ =	swait.ge @!p0 [sflag:s12], $0x8000  }
0x4e3: {  	[sflag:s12] =	ssyncset.done @!p0 $0x0  }
0x4e4: {  	[sflag:s12] =	ssyncadd.s32 @!p0 $0xFFFF8000  }
0x4e5: {  	_ =	swait.ge @!p0 [sflag:s12], $0x2000  }
0x4e6: {  	s7 =	sld [smem:$0x7E8]  }
0x4e7: {  	[sflag:s12] =	ssyncset.done @!p0 $0x0  }
0x4e8: {  	s9 =	sld [smem:$0x7E9];
	[sflag:s12] =	ssyncadd.s32 @!p0 $0xFFFFE000  }
0x4e9: {  	[hbm4b:s7+s18] =	stream.linear.scatter @p2 [tilespmem:s18], [sflag:$0x1], $0x8000, $0x38;
	[tilespmem:$0x1C000] =	vst v63  }
0x4ea: {  	s7 =	simm.s32 @p2 $0xA000  }
0x4eb: {  	[hbm4b:s9+s18] =	stream.linear.scatter @p2 [tilespmem:s7], [sflag:$0x1], $0x2000, $0x38;
	[tilespmem:$0x1C000] =	vst v63  }
0x4ec: {  	_ =	swait.ge @p2 [sflag:s14], $0x8000  }
0x4ed: {  	[sflag:s14] =	ssyncset.done @p2 $0x0  }
0x4ee: {  	[sflag:s14] =	ssyncadd.s32 @p2 $0xFFFF8000  }
0x4ef: {  	_ =	swait.ge @p2 [sflag:s14], $0x2000  }
0x4f0: {  	[sflag:s14] =	ssyncset.done @p2 $0x0  }
0x4f1: {  	[sflag:s14] =	ssyncadd.s32 @p2 $0xFFFFE000  }
0x4f2: {  	_ =	swait.ge [sflag:s3], $0x4000  }
0x4f3: {  	s22 =	sld [smem:$0x7EA]  }
0x4f4: {  	[sflag:s3] =	ssyncset.done $0x0  }
0x4f5: {  	[sflag:s3] =	ssyncadd.s32 $0xFFFFC000  }
0x4f6: {  	[hbm4b:s22+s2] =	stream.linear.scatter [tilespmem:s2], [sflag:$0x1], $0xA000, $0x38;
	[tilespmem:$0x1C000] =	vst v63  }
0x4f7: {  	_ =	swait.ge [sflag:s3], $0x6000  }
0x4f8: {  	s26 =	sld [smem:$0x7EB]  }
0x4f9: {  	[sflag:s3] =	ssyncset.done $0x0  }
0x4fa: {  	[sflag:s3] =	ssyncadd.s32 $0xFFFFA000  }
0x4fb: {  	[hbm4b:s26+s2] =	stream.linear.scatter [tilespmem:s6], [sflag:$0x1], $0x2000, $0x38;
	[tilespmem:$0x1C000] =	vst v63  }
0x4fc: {  	_ =	swait.ge [sflag:s3], $0x2000  }
0x4fd: {  	s28 =	sld [smem:$0x7EC]  }
0x4fe: {  	[sflag:s3] =	ssyncset.done $0x0  }
0x4ff: {  	[sflag:s3] =	ssyncadd.s32 $0xFFFFE000  }
0x500: {  	[hbm4b:s28+s2] =	stream.linear.scatter [tilespmem:s2], [sflag:$0x1], $0xA000, $0x38;
	[tilespmem:$0x1C000] =	vst v63  }
0x501: {  	_ =	swait.ge [sflag:s3], $0x4000  }
0x502: {  	s29 =	sld [smem:$0x7ED]  }
0x503: {  	[sflag:s3] =	ssyncset.done $0x0  }
0x504: {  	[sflag:s3] =	ssyncadd.s32 $0xFFFFC000  }
0x505: {  	[hbm4b:s29+s2] =	stream.linear.scatter [tilespmem:s5], [sflag:$0x1], $0x2000, $0x38;
	[tilespmem:$0x1C000] =	vst v63  }
0x506: {  	_ =	swait.ge [sflag:s3], $0x6000  }
0x507: {  	s30 =	sld [smem:$0x7EE]  }
0x508: {  	[sflag:s3] =	ssyncset.done $0x0  }
0x509: {  	[sflag:s3] =	ssyncadd.s32 $0xFFFFA000  }
0x50a: {  	[hbm4b:s30+s2] =	stream.linear.scatter [tilespmem:s2], [sflag:$0x1], $0xA000, $0x38;
	[tilespmem:$0x1C000] =	vst v63  }
0x50b: {  	_ =	swait.ge [sflag:s3], $0x2000  }
0x50c: {  	s31 =	sld [smem:$0x7EF]  }
0x50d: {  	[sflag:s3] =	ssyncset.done $0x0  }
0x50e: {  	s6 =	sld [smem:$0x7F0];
	[sflag:s3] =	ssyncadd.s32 $0xFFFFE000  }
0x50f: {  	[hbm4b:s31+s2] =	stream.linear.scatter [tilespmem:s25], [sflag:$0x1], $0x2000, $0x38;
	[tilespmem:$0x1C000] =	vst v63  }
0x510: {  	_ = 	snop  }
0x511: {  	[hbm4b:s6+s1] =	stream.linear.scatter @!p6 [tilespmem:s8], [sflag:$0x2], $0x2000, $0x38;
	[tilespmem:$0x1C000] =	vst v63  }
0x512: {  	_ =	swait.ge @!p6 [sflag:s0], $0x2000  }
0x513: {  	s1 =	sld [smem:$0x7F1]  }
0x514: {  	[sflag:s0] =	ssyncset.done @!p6 $0x0  }
0x515: {  	[sflag:s0] =	ssyncadd.s32 @!p6 $0xFFFFE000  }
0x516: {  	[hbm4b:s1+s11] =	stream.linear.scatter @!p1 [tilespmem:s11], [sflag:$0x1], $0xA000, $0x38;
	[tilespmem:$0x1C000] =	vst v63  }
0x517: {  	_ =	swait.ge @!p1 [sflag:s19], $0xA000  }
0x518: {  	s0 =	sld [smem:$0x7F2]  }
0x519: {  	[sflag:s19] =	ssyncset.done @!p1 $0x0  }
0x51a: {  	[sflag:s19] =	ssyncadd.s32 @!p1 $0xFFFF6000  }
0x51b: {  	[hbm4b:s0+s20] =	stream.linear.scatter @p4 [tilespmem:s20], [sflag:$0x1], $0xA000, $0x38;
	[tilespmem:$0x1C000] =	vst v63  }
0x51c: {  	_ =	swait.ge @p4 [sflag:s21], $0xA000  }
0x51d: {  	[sflag:s21] =	ssyncset.done @p4 $0x0  }
0x51e: {  	[sflag:s21] =	ssyncadd.s32 @p4 $0xFFFF6000  }
0x51f: {  	_ =	swait.ge [sflag:s3], $0x4000  }
0x520: {  	[sflag:s3] =	ssyncset.done $0x0  }
0x521: {  	[sflag:s3] =	ssyncadd.s32 $0xFFFFC000  }
0x522: {  	_ =	swait.ge [sflag:s3], $0x8000  }
0x523: {  	[sflag:s3] =	ssyncset.done $0x0  }
0x524: {  	[sflag:s3] =	ssyncadd.s32 $0xFFFF8000  }
0x525: {  	_ =	swait.ge [sflag:s3], $0x2000  }
0x526: {  	[sflag:s3] =	ssyncset.done $0x0  }
0x527: {  	[sflag:s3] =	ssyncadd.s32 $0xFFFFE000  }
0x528: {  	_ =	swait.ge [sflag:s3], $0x2000  }
0x529: {  	[sflag:s3] =	ssyncset.done $0x0  }
0x52a: {  	[sflag:s3] =	ssyncadd.s32 $0xFFFFE000  }
0x52b: {  	_ =	swait.ge [sflag:s3], $0x8000  }
0x52c: {  	[sflag:s3] =	ssyncset.done $0x0  }
0x52d: {  	[sflag:s3] =	ssyncadd.s32 $0xFFFF8000  }
0x52e: {  	_ =	swait.ge [sflag:s3], $0x2000  }
0x52f: {  	[sflag:s3] =	ssyncset.done $0x0  }
0x530: {  	[sflag:s3] =	ssyncadd.s32 $0xFFFFE000  }
0x531: {  	_ =	swait.ge [sflag:s3], $0x2000  }
0x532: {  	[sflag:s3] =	ssyncset.done $0x0  }
0x533: {  	[sflag:s3] =	ssyncadd.s32 $0xFFFFE000  }
0x534: {  	_ =	swait.ge [sflag:s3], $0x8000  }
0x535: {  	[sflag:s3] =	ssyncset.done $0x0  }
0x536: {  	[sflag:s3] =	ssyncadd.s32 $0xFFFF8000  }
0x537: {  	_ =	swait.ge [sflag:s3], $0x2000  }
0x538: {  	[sflag:s3] =	ssyncset.done $0x0  }
0x539: {  	[sflag:s3] =	ssyncadd.s32 $0xFFFFE000  }
0x53a: {  	_ =	swait.ge [sflag:s3], $0x2000  }
0x53b: {  	[sflag:s3] =	ssyncset.done $0x0  }
0x53c: {  	[sflag:s3] =	ssyncadd.s32 $0xFFFFE000  }
0x53d: {  	_ =	swait.ge [sflag:s3], $0xA000  }
0x53e: {  	[sflag:s3] =	ssyncset.done $0x0  }
0x53f: {  	[sflag:s3] =	ssyncadd.s32 $0xFFFF6000  }
0x540: {  	_ =	swait.ge [sflag:s3], $0x2000  }
0x541: {  	[sflag:s3] =	ssyncset.done $0x0  }
0x542: {  	[sflag:s3] =	ssyncadd.s32 $0xFFFFE000  }
0x543: {  	_ =	swait.ge [sflag:s3], $0xA000  }
0x544: {  	[sflag:s3] =	ssyncset.done $0x0  }
0x545: {  	[sflag:s3] =	ssyncadd.s32 $0xFFFF6000  }
0x546: {  	_ =	swait.ge [sflag:s3], $0x2000  }
0x547: {  	[sflag:s3] =	ssyncset.done $0x0  }
0x548: {  	[sflag:s3] =	ssyncadd.s32 $0xFFFFE000  }
0x549: {  	_ =	swait.ge [sflag:s3], $0xA000  }
0x54a: {  	[sflag:s3] =	ssyncset.done $0x0  }
0x54b: {  	[sflag:s3] =	ssyncadd.s32 $0xFFFF6000  }
0x54c: {  	_ =	swait.ge [sflag:s3], $0x2000  }
0x54d: {  	[sflag:s3] =	ssyncset.done $0x0  }
0x54e: {  	[sflag:s3] =	ssyncadd.s32 $0xFFFFE000  }
0x54f: {  	_ =	sfence.sel $0x180000  }
0x550: {  	[bflag:$0x0] =	sbarrier.arrive $0xFFFF  }
0x551: {  	p0 =	sne.s32 s24, $0x0;
	_ =	strace $0x90000047  }
0x552: {  	s0 =	sadd.s32 @!p0 $0x100000, s23;
	[bflag:$0x2] =	sbarrier.arrive $0xFFFF  }
0x553: {  	[sflag:s0] =	ssyncadd.tile.s32 @!p0 $0x1;
	_ =	shalt  }
.LBB2_1:
.Ltmp3:
0x554: {  	s0 =	sld [smem:$0x7F9];
	(pc) =	sbr.rel .LBB2_6-.Ltmp3, $2  }
0x555: {  	s31 =	sld [smem:$0x7FA];
	_ =	sdelay $0x2  }
0x556: {  	p1 =	por $0x0, $0x0;
	p0 =	seq.s32 s0, $0x1;
	p2 =	seq.s32 s31, $0x1  }
.LBB2_7:
0x557: {  	s0 =	sld [smem:$0x7F9]  }
.Ltmp4:
0x558: {  	s31 =	sld [smem:$0x7FA];
	(pc) =	sbr.rel .LBB2_6-.Ltmp4, $4  }
0x559: {  	s23 =	rddreg [dreg:$0x2];
	s24 =	stileid.u32;
	s28 =	simm.s32 $0x8000  }
0x55a: {  	s29 =	simm.s32 $0x6000;
	s13 =	simm.s32 $0x4000;
	s4 =	simm.s32 $0x2000  }
0x55b: {  	s7 =	simm.s32 $0x10000;
	s26 =	simm.s32 $0xE000;
	s10 =	simm.s32 $0xC000  }
0x55c: {  	p1 =	por $0x1, $0x1;
	p0 =	seq.s32 s0, $0x1;
	p2 =	seq.s32 s31, $0x1  }
.Lfunc_end2:
_tile_overlayer_lowered:
.L_overlay_start_2:
0x55d: {  	(tag) =	ssettag $0x2  }
0x55e: {  	s0 =	rddreg [dreg:$0x0];
	s2 =	stileid.u32  }
0x55f: {  	s1 =	rddreg [dreg:$0x1];
	p0 =	sne.s32 s2, $0x0  }
0x560: {  	s3 =	rddreg [dreg:$0x2];
	[bflag:$0x3] =	sbarrier.arrive $0xFFFF;
	s2 =	simm.s32 @!p0 $0x1C02  }
0x561: {  	[timem:s3], [sflag:s2] =	dma.local @!p0 [hbm:s0], s1  }
0x562: {  	s0 =	simm.s32 @!p0 $0x2  }
0x563: {  	_ =	swait.ge @!p0 [sflag:s0], s1  }
0x564: {  	s1 =	ssub.s32 @!p0 $0x0, s1;
	[sflag:s0] =	ssyncset.done @!p0 $0x0  }
0x565: {  	[sflag:s0] =	ssyncadd.s32 @!p0 s1  }
0x566: {  	[bflag:$0x3] =	sbarrier.arrive $0xFFFF  }
0x567: {  	_ =	shalt  }

</sc_bundles>
